<compile_context>
chip_gen: v7x
topology: tpu7x:2x2x1
jax: 0.10.2.dev20260603
libtpu: 0.0.44.dev20260713+nightly
codegen_flags: <defaults>
</compile_context>

<pallas_src>
import functools

import jax
import jax.numpy as jnp
from jax import lax
from jax.experimental import pallas as pl
from jax.experimental.pallas import tpu as pltpu
from jax.experimental.pallas import tpu_sc as plsc

N = 10000
R = 4
E = 80000
D = 128
HD = D // 2
K = 128
NS = 16
NC = 2
E2 = 81920
PT = E2 // NS
ITERS = PT // K
BROWS = E2 // K
NROW = R * 2 * BROWS
NTOT = N + 8
DEGW = 16
NB = 3
CH = 40
MAXCH = 16


def _sc_body(x_hbm, ei_hbm, agg_out, deg_out,
             srcbig, dstbig, srcb0, srcb1, srcb2, dstb0, dstb1, dstb2,
             rows0, rows1, rows2, ones, zrow, zdeg,
             aggb, degb, agg_sh, deg_sh,
             sg0, sg1, sg2, sd0, sd1, sd2, sa0, sa1, sa2):
    srcb = [srcb0, srcb1, srcb2]
    dstb = [dstb0, dstb1, dstb2]
    rows = [rows0, rows1, rows2]
    sg = [sg0, sg1, sg2]
    sd = [sd0, sd1, sd2]
    sa = [sa0, sa1, sa2]

    c = lax.axis_index("c")
    s = lax.axis_index("s")

    def fill_ones(i, carry):
        ones[i] = jnp.full((16,), 1.0, jnp.float32)
        return carry
    lax.fori_loop(0, K, fill_ones, 0)

    def fill_zrow(i, carry):
        for jj in range(HD // 16):
            zrow[i, pl.ds(jj * 16, 16)] = jnp.zeros((16,), jnp.float32)
        return carry
    lax.fori_loop(0, CH, fill_zrow, 0)

    def fill_zdeg(i, carry):
        zdeg[i] = jnp.zeros((16,), jnp.float32)
        return carry
    lax.fori_loop(0, CH, fill_zdeg, 0)

    row0 = jnp.where(s < 10, 640 * s, 6400 + 600 * (s - 10))
    nch = jnp.where(s < 10, 16, 15)
    xoff = c * N

    for r in range(R):
        def zero_body(z, carry):
            @pl.when(z < nch)
            def _():
                sl = pl.ds(row0 + z * CH, CH)
                pltpu.sync_copy(zrow, agg_sh.at[sl, :])

                @pl.when(c == 0)
                def _():
                    pltpu.sync_copy(zdeg, deg_sh.at[sl, :])
            return carry
        lax.fori_loop(0, MAXCH, zero_body, 0)

        srow = pl.multiple_of((2 * r) * BROWS + s * ITERS, 8)
        drow = pl.multiple_of((2 * r + 1) * BROWS + s * ITERS, 8)
        pltpu.sync_copy(ei_hbm.at[pl.ds(srow, ITERS), :], srcbig)
        pltpu.sync_copy(ei_hbm.at[pl.ds(drow, ITERS), :], dstbig)
        plsc.subcore_barrier()

        def edge_body(i, carry):
            for b in range(NB):
                @pl.when((i < ITERS) & (i % NB == b))
                def _(b=b):
                    @pl.when(i >= NB)
                    def _():
                        pltpu.make_async_copy(
                            rows[b], agg_sh.at[dstb[b]], sa[b]).wait()

                        @pl.when(c == 0)
                        def _():
                            pltpu.make_async_copy(
                                ones, deg_sh.at[dstb[b]], sd[b]).wait()

                    for jj in range(K // 16):
                        sl = pl.ds(jj * 16, 16)
                        srcb[b][sl] = srcbig[i, sl] + xoff
                        dstb[b][sl] = dstbig[i, sl]
                    pltpu.async_copy(x_hbm.at[srcb[b]], rows[b], sg[b])
            for b in range(NB):
                @pl.when((i >= 2) & (i < ITERS + 2) & ((i - 2) % NB == b))
                def _(b=b):
                    pltpu.make_async_copy(
                        x_hbm.at[srcb[b]], rows[b], sg[b]).wait()
                    pltpu.async_copy(
                        rows[b], agg_sh.at[dstb[b]], sa[b], add=True)

                    @pl.when(c == 0)
                    def _():
                        pltpu.async_copy(
                            ones, deg_sh.at[dstb[b]], sd[b], add=True)
            return carry
        lax.fori_loop(0, ITERS + 2, edge_body, 0)
        for b in range(NB):
            pltpu.make_async_copy(
                rows[b], agg_sh.at[dstb[b]], sa[b]).wait()

            @pl.when(c == 0)
            def _(b=b):
                pltpu.make_async_copy(
                    ones, deg_sh.at[dstb[b]], sd[b]).wait()
        plsc.subcore_barrier()

        def out_body(z, carry):
            @pl.when(z < nch)
            def _():
                sl = pl.ds(row0 + z * CH, CH)
                pltpu.sync_copy(agg_sh.at[sl, :], aggb)
                pltpu.sync_copy(aggb, agg_out.at[c, r, sl, :])

                @pl.when(c == 0)
                def _():
                    pltpu.sync_copy(deg_sh.at[sl, :], degb)
                    pltpu.sync_copy(degb, deg_out.at[r, sl, :])
            return carry
        lax.fori_loop(0, MAXCH, out_body, 0)

        plsc.subcore_barrier()


_sc_aggregate = functools.partial(
    pl.kernel,
    out_type=[
        jax.ShapeDtypeStruct((NC, R, N, HD), jnp.float32),
        jax.ShapeDtypeStruct((R, N, DEGW), jnp.float32),
    ],
    mesh=plsc.VectorSubcoreMesh(core_axis_name="c", subcore_axis_name="s"),
    compiler_params=pltpu.CompilerParams(use_tc_tiling_on_sc=False),
    scratch_types=(
        [
            pltpu.VMEM((ITERS, K), jnp.int32),
            pltpu.VMEM((ITERS, K), jnp.int32),
        ]
        + [pltpu.VMEM((K,), jnp.int32) for _ in range(2 * NB)]
        + [pltpu.VMEM((K, HD), jnp.float32) for _ in range(NB)]
        + [
            pltpu.VMEM((K, DEGW), jnp.float32),
            pltpu.VMEM((CH, HD), jnp.float32),
            pltpu.VMEM((CH, DEGW), jnp.float32),
            pltpu.VMEM((CH, HD), jnp.float32),
            pltpu.VMEM((CH, DEGW), jnp.float32),
            pltpu.VMEM_SHARED((NTOT, HD), jnp.float32),
            pltpu.VMEM_SHARED((NTOT, DEGW), jnp.float32),
        ]
        + [pltpu.SemaphoreType.DMA for _ in range(3 * NB)]
    ),
)(_sc_body)


BN = 1000


def _tc_body(agg_ref, deg_ref, w_ref, b_ref, o_ref):
    acc = jnp.zeros((BN, D), jnp.float32)
    for r in range(R):
        deg = deg_ref[r, :, 0:1]
        norm = 1.0 / jnp.maximum(deg, 1.0)
        a = jnp.concatenate([agg_ref[0, r], agg_ref[1, r]], axis=-1)
        acc = acc + jnp.dot(a * norm, w_ref[r],
                            preferred_element_type=jnp.float32)
    o_ref[...] = acc + b_ref[...]


def _tc_combine(agg, deg, weight, bias):
    return pl.pallas_call(
        _tc_body,
        grid=(N // BN,),
        in_specs=[
            pl.BlockSpec((NC, R, BN, HD), lambda i: (0, 0, i, 0)),
            pl.BlockSpec((R, BN, DEGW), lambda i: (0, i, 0)),
            pl.BlockSpec((R, D, D), lambda i: (0, 0, 0)),
            pl.BlockSpec((1, D), lambda i: (0, 0)),
        ],
        out_specs=pl.BlockSpec((BN, D), lambda i: (i, 0)),
        out_shape=jax.ShapeDtypeStruct((N, D), jnp.float32),
    )(agg, deg, weight, bias)


def kernel(x, edge_index_0, edge_index_1, edge_index_2, edge_index_3,
           weight, h_bias):
    xsplit = jnp.concatenate([x[:, :HD], x[:, HD:]], axis=0)
    pad_s = jnp.zeros((E2 - E,), jnp.int32)
    pad_d = jnp.full((E2 - E,), N, jnp.int32)
    parts = []
    for ei in (edge_index_0, edge_index_1, edge_index_2, edge_index_3):
        parts.append(jnp.concatenate([ei[0], pad_s]))
        parts.append(jnp.concatenate([ei[1], pad_d]))
    eib = jnp.concatenate(parts).reshape(NROW, K)
    agg, deg = _sc_aggregate(xsplit, eib)
    return _tc_combine(agg, deg, weight, h_bias.reshape(1, D))

# --- scband reference (transcript-rebuilt; emitter-appended) ---
"""Pipeline reference for scband-rel-graph-conv-layer-2181843386580 (READ-ONLY COPY).

The authoritative reference and input builder live on the scoring server;
editing this copy changes nothing except your own understanding.
"""

import jax, jax.numpy as jnp
import numpy as np

N = 10000
R = 4
E = 80000
D_IN = 128
D_OUT = 128


def setup_inputs(seed: int = 0) -> dict:
    key = jax.random.key(seed)
    ks = jax.random.split(key, 8)
    x = jax.random.normal(ks[0], (N, D_IN), dtype=jnp.float32)
    inp = {"x": x}
    for r in range(R):
        inp[f"edge_index_{r}"] = jax.random.randint(ks[1 + r], (2, E), 0, N, dtype=jnp.int32)
    # learned parameters: per-relation weight [R, in, out] (xavier-like) and bias (zeros per reset_parameters)
    gain = np.sqrt(2.0)  # calculate_gain('relu')
    bound = gain * np.sqrt(6.0 / (D_IN + D_OUT))
    inp["weight"] = jax.random.uniform(ks[5], (R, D_IN, D_OUT), dtype=jnp.float32, minval=-bound, maxval=bound)
    inp["h_bias"] = jnp.zeros((D_OUT,), dtype=jnp.float32)
    return inp


def reference(x, edge_index_0, edge_index_1, edge_index_2, edge_index_3, weight, h_bias):
    # DGL GraphConv(norm='right', weight=False) per etype with external weight,
    # HeteroGraphConv aggregate='sum' over relation outputs, then + h_bias.
    # in_feat <= out_feat -> DGL aggregates src features first, then applies norm, then matmul.
    eis = [edge_index_0, edge_index_1, edge_index_2, edge_index_3]
    n = x.shape[0]
    out = jnp.zeros((n, weight.shape[2]), dtype=x.dtype)
    for r, ei in enumerate(eis):
        src = ei[0]
        dst = ei[1]
        agg = jax.ops.segment_sum(x[src], dst, num_segments=n)
        deg = jax.ops.segment_sum(jnp.ones((ei.shape[1],), dtype=x.dtype), dst, num_segments=n)
        norm = 1.0 / jnp.clip(deg, 1.0, None)
        agg = agg * norm[:, None]
        out = out + agg @ weight[r]
    out = out + h_bias
    # dropout p=0.0, activation=None -> identity
    return out

if __name__ == "__main__":
    import jax
    _d = setup_inputs()
    print(jax.jit(kernel)(*tuple(_d.values())))

</pallas_src>

<mosaic_0001>
#map = affine_map<(d0, d1) -> (0, 0)>
#map1 = affine_map<(d0, d1) -> (0, 0, 0, 0)>
#map2 = affine_map<(d0, d1) -> (0, 0, 0)>
module attributes {stable_mosaic.version = 14 : i64} {
  func.func @_sc_body(%arg0: i32, %arg1: i32, %arg2: memref<20000x64xf32, #tpu.memory_space<hbm>>, %arg3: memref<5120x128xi32, #tpu.memory_space<hbm>>, %arg4: memref<2x4x10000x64xf32, #tpu.memory_space<hbm>>, %arg5: memref<4x10000x16xf32, #tpu.memory_space<hbm>>, %arg6: memref<40x128xi32, #tpu.memory_space<vmem>>, %arg7: memref<40x128xi32, #tpu.memory_space<vmem>>, %arg8: memref<128xi32, #tpu.memory_space<vmem>>, %arg9: memref<128xi32, #tpu.memory_space<vmem>>, %arg10: memref<128xi32, #tpu.memory_space<vmem>>, %arg11: memref<128xi32, #tpu.memory_space<vmem>>, %arg12: memref<128xi32, #tpu.memory_space<vmem>>, %arg13: memref<128xi32, #tpu.memory_space<vmem>>, %arg14: memref<128x64xf32, #tpu.memory_space<vmem>>, %arg15: memref<128x64xf32, #tpu.memory_space<vmem>>, %arg16: memref<128x64xf32, #tpu.memory_space<vmem>>, %arg17: memref<128x16xf32, #tpu.memory_space<vmem>>, %arg18: memref<40x64xf32, #tpu.memory_space<vmem>>, %arg19: memref<40x16xf32, #tpu.memory_space<vmem>>, %arg20: memref<40x64xf32, #tpu.memory_space<vmem>>, %arg21: memref<40x16xf32, #tpu.memory_space<vmem>>, %arg22: memref<10008x64xf32, #tpu.memory_space<vmem_shared>>, %arg23: memref<10008x16xf32, #tpu.memory_space<vmem_shared>>, %arg24: memref<!tpu.dma_semaphore, #tpu.memory_space<semaphore_mem>>, %arg25: memref<!tpu.dma_semaphore, #tpu.memory_space<semaphore_mem>>, %arg26: memref<!tpu.dma_semaphore, #tpu.memory_space<semaphore_mem>>, %arg27: memref<!tpu.dma_semaphore, #tpu.memory_space<semaphore_mem>>, %arg28: memref<!tpu.dma_semaphore, #tpu.memory_space<semaphore_mem>>, %arg29: memref<!tpu.dma_semaphore, #tpu.memory_space<semaphore_mem>>, %arg30: memref<!tpu.dma_semaphore, #tpu.memory_space<semaphore_mem>>, %arg31: memref<!tpu.dma_semaphore, #tpu.memory_space<semaphore_mem>>, %arg32: memref<!tpu.dma_semaphore, #tpu.memory_space<semaphore_mem>>) attributes {dimension_semantics = [#tpu.dimension_semantics<core_parallel>, #tpu.dimension_semantics<subcore_parallel>], iteration_bounds = array<i64: 2, 16>, scalar_prefetch = 0 : i64, scratch_operands = 27 : i64, tpu.core_type = #tpu.core_type<sc_vector_subcore>, window_params = [{transform_indices = #map}, {transform_indices = #map}, {transform_indices = #map1}, {transform_indices = #map2}]} {
    %scan3A = arith.constant 0 : i32
    %scan3A_0 = arith.constant 0 : i32
    %scan3A_1 = arith.constant 128 : i32
    %scan3A_2 = arith.addi %scan3A_0, %scan3A_1 : i32
    %scan3A_3 = arith.constant 1 : i32
    scf.for %scan3A_243 = %scan3A_0 to %scan3A_2 step %scan3A_3  : i32 {
      %broadcast_in_dim3A = arith.constant 1.000000e+00 : f32
      %broadcast_in_dim3A_244 = vector.broadcast %broadcast_in_dim3A : f32 to vector<16xf32>
      %swap3A = arith.index_cast %scan3A_243 : i32 to index
      %swap3A_245 = arith.constant 0 : index
      %swap3A_246 = tpu.vector_load %arg17[%swap3A, %swap3A_245] {strides = array<i32>} : memref<128x16xf32, #tpu.memory_space<vmem>>, vector<1x16xf32>,
      %swap3A_247 = vector.shape_cast %swap3A_246 : vector<1x16xf32> to vector<16xf32>
      %swap3A_248 = vector.shape_cast %broadcast_in_dim3A_244 : vector<16xf32> to vector<1x16xf32>
      tpu.vector_store %arg17[%swap3A, %swap3A_245], %swap3A_248 {strides = array<i32>} : memref<128x16xf32, #tpu.memory_space<vmem>>, vector<1x16xf32>,
    }
    %scan3A_4 = arith.constant 128 : i32
    %scan3A_5 = arith.constant 0 : i32
    %scan3A_6 = arith.constant 0 : i32
    %scan3A_7 = arith.constant 40 : i32
    %scan3A_8 = arith.addi %scan3A_6, %scan3A_7 : i32
    %scan3A_9 = arith.constant 1 : i32
    scf.for %scan3A_243 = %scan3A_6 to %scan3A_8 step %scan3A_9  : i32 {
      %broadcast_in_dim3A = arith.constant 0.000000e+00 : f32
      %broadcast_in_dim3A_244 = vector.broadcast %broadcast_in_dim3A : f32 to vector<16xf32>
      %swap3A = arith.index_cast %scan3A_243 : i32 to index
      %swap3A_245 = arith.constant 0 : index
      %swap3A_246 = tpu.vector_load %arg18[%swap3A, %swap3A_245] {strides = array<i32>} : memref<40x64xf32, #tpu.memory_space<vmem>>, vector<1x16xf32>,
      %swap3A_247 = vector.shape_cast %swap3A_246 : vector<1x16xf32> to vector<16xf32>
      %swap3A_248 = vector.shape_cast %broadcast_in_dim3A_244 : vector<16xf32> to vector<1x16xf32>
      tpu.vector_store %arg18[%swap3A, %swap3A_245], %swap3A_248 {strides = array<i32>} : memref<40x64xf32, #tpu.memory_space<vmem>>, vector<1x16xf32>,
      %broadcast_in_dim3A_249 = arith.constant 0.000000e+00 : f32
      %broadcast_in_dim3A_250 = vector.broadcast %broadcast_in_dim3A_249 : f32 to vector<16xf32>
      %swap3A_251 = arith.index_cast %scan3A_243 : i32 to index
      %swap3A_252 = arith.constant 16 : index
      %swap3A_253 = tpu.vector_load %arg18[%swap3A_251, %swap3A_252] {strides = array<i32>} : memref<40x64xf32, #tpu.memory_space<vmem>>, vector<1x16xf32>,
      %swap3A_254 = vector.shape_cast %swap3A_253 : vector<1x16xf32> to vector<16xf32>
      %swap3A_255 = vector.shape_cast %broadcast_in_dim3A_250 : vector<16xf32> to vector<1x16xf32>
      tpu.vector_store %arg18[%swap3A_251, %swap3A_252], %swap3A_255 {strides = array<i32>} : memref<40x64xf32, #tpu.memory_space<vmem>>, vector<1x16xf32>,
      %broadcast_in_dim3A_256 = arith.constant 0.000000e+00 : f32
      %broadcast_in_dim3A_257 = vector.broadcast %broadcast_in_dim3A_256 : f32 to vector<16xf32>
      %swap3A_258 = arith.index_cast %scan3A_243 : i32 to index
      %swap3A_259 = arith.constant 32 : index
      %swap3A_260 = tpu.vector_load %arg18[%swap3A_258, %swap3A_259] {strides = array<i32>} : memref<40x64xf32, #tpu.memory_space<vmem>>, vector<1x16xf32>,
      %swap3A_261 = vector.shape_cast %swap3A_260 : vector<1x16xf32> to vector<16xf32>
      %swap3A_262 = vector.shape_cast %broadcast_in_dim3A_257 : vector<16xf32> to vector<1x16xf32>
      tpu.vector_store %arg18[%swap3A_258, %swap3A_259], %swap3A_262 {strides = array<i32>} : memref<40x64xf32, #tpu.memory_space<vmem>>, vector<1x16xf32>,
      %broadcast_in_dim3A_263 = arith.constant 0.000000e+00 : f32
      %broadcast_in_dim3A_264 = vector.broadcast %broadcast_in_dim3A_263 : f32 to vector<16xf32>
      %swap3A_265 = arith.index_cast %scan3A_243 : i32 to index
      %swap3A_266 = arith.constant 48 : index
      %swap3A_267 = tpu.vector_load %arg18[%swap3A_265, %swap3A_266] {strides = array<i32>} : memref<40x64xf32, #tpu.memory_space<vmem>>, vector<1x16xf32>,
      %swap3A_268 = vector.shape_cast %swap3A_267 : vector<1x16xf32> to vector<16xf32>
      %swap3A_269 = vector.shape_cast %broadcast_in_dim3A_264 : vector<16xf32> to vector<1x16xf32>
      tpu.vector_store %arg18[%swap3A_265, %swap3A_266], %swap3A_269 {strides = array<i32>} : memref<40x64xf32, #tpu.memory_space<vmem>>, vector<1x16xf32>,
    }
    %scan3A_10 = arith.constant 40 : i32
    %scan3A_11 = arith.constant 0 : i32
    %scan3A_12 = arith.constant 0 : i32
    %scan3A_13 = arith.constant 40 : i32
    %scan3A_14 = arith.addi %scan3A_12, %scan3A_13 : i32
    %scan3A_15 = arith.constant 1 : i32
    scf.for %scan3A_243 = %scan3A_12 to %scan3A_14 step %scan3A_15  : i32 {
      %broadcast_in_dim3A = arith.constant 0.000000e+00 : f32
      %broadcast_in_dim3A_244 = vector.broadcast %broadcast_in_dim3A : f32 to vector<16xf32>
      %swap3A = arith.index_cast %scan3A_243 : i32 to index
      %swap3A_245 = arith.constant 0 : index
      %swap3A_246 = tpu.vector_load %arg19[%swap3A, %swap3A_245] {strides = array<i32>} : memref<40x16xf32, #tpu.memory_space<vmem>>, vector<1x16xf32>,
      %swap3A_247 = vector.shape_cast %swap3A_246 : vector<1x16xf32> to vector<16xf32>
      %swap3A_248 = vector.shape_cast %broadcast_in_dim3A_244 : vector<16xf32> to vector<1x16xf32>
      tpu.vector_store %arg19[%swap3A, %swap3A_245], %swap3A_248 {strides = array<i32>} : memref<40x16xf32, #tpu.memory_space<vmem>>, vector<1x16xf32>,
    }
    %scan3A_16 = arith.constant 40 : i32
    %lt3A = arith.constant 10 : i32
    %lt3A_17 = arith.cmpi slt, %arg1, %lt3A : i32
    %mul3A = arith.constant 640 : i32
    %mul3A_18 = arith.muli %mul3A, %arg1 : i32
    %sub3A = arith.constant 10 : i32
    %sub3A_19 = arith.subi %arg1, %sub3A : i32
    %mul3A_20 = arith.constant 600 : i32
    %mul3A_21 = arith.muli %mul3A_20, %sub3A_19 : i32
    %add3A = arith.constant 6400 : i32
    %add3A_22 = arith.addi %add3A, %mul3A_21 : i32
    %select_n3A = arith.select %lt3A_17, %mul3A_18, %add3A_22 : i32
    %lt3A_23 = arith.constant 10 : i32
    %lt3A_24 = arith.cmpi slt, %arg1, %lt3A_23 : i32
    %jit3A = arith.constant 16 : i32
    %jit3A_25 = arith.constant 15 : i32
    %select_n3A_26 = arith.select %lt3A_24, %jit3A, %jit3A_25 : i32
    %mul3A_27 = arith.constant 10000 : i32
    %mul3A_28 = arith.muli %arg0, %mul3A_27 : i32
    %scan3A_29 = arith.constant 0 : i32
    %scan3A_30 = arith.constant 0 : i32
    %scan3A_31 = arith.constant 16 : i32
    %scan3A_32 = arith.addi %scan3A_30, %scan3A_31 : i32
    %scan3A_33 = arith.constant 1 : i32
    scf.for %scan3A_243 = %scan3A_30 to %scan3A_32 step %scan3A_33  : i32 {
      %lt3A_244 = arith.cmpi slt, %scan3A_243, %select_n3A_26 : i32
      %convert_element_type3A_245 = arith.extui %lt3A_244 : i1 to i32
      %cond3A_246 = arith.constant 0 : i32
      %cond3A_247 = arith.cmpi ne, %convert_element_type3A_245, %cond3A_246 : i32
      scf.if %cond3A_247 {
        %mul3A_248 = arith.constant 40 : i32
        %mul3A_249 = arith.muli %scan3A_243, %mul3A_248 : i32
        %add3A_250 = arith.addi %select_n3A, %mul3A_249 : i32
        "tpu.region"() ({
          %run_scoped3A = tpu.sem_alloc : memref<!tpu.dma_semaphore, #tpu.memory_space<semaphore_mem>>
          %dma_start3A = arith.constant 0 : i32
          %dma_start3A_256 = tpu.memref_slice %arg22[%add3A_250, %dma_start3A] : memref<10008x64xf32, #tpu.memory_space<vmem_shared>> -> memref<40x64xf32, #tpu.memory_space<vmem_shared>>
          %dma_start3A_257 = arith.constant 0 : i32
          %dma_start3A_258 = tpu.memref_slice %arg22[%add3A_250, %dma_start3A_257] : memref<10008x64xf32, #tpu.memory_space<vmem_shared>> -> memref<40x64xf32, #tpu.memory_space<vmem_shared>>
          tpu.enqueue_dma source(%arg18 : memref<40x64xf32, #tpu.memory_space<vmem>>) target(%dma_start3A_258 : memref<40x64xf32, #tpu.memory_space<vmem_shared>>) target_semaphore(%run_scoped3A : memref<!tpu.dma_semaphore, #tpu.memory_space<semaphore_mem>>)
          %dma_wait3A_259 = arith.constant 0 : i32
          %dma_wait3A_260 = tpu.memref_slice %arg22[%add3A_250, %dma_wait3A_259] : memref<10008x64xf32, #tpu.memory_space<vmem_shared>> -> memref<40x64xf32, #tpu.memory_space<vmem_shared>>
          %dma_wait3A_261 = arith.constant 0 : i32
          %dma_wait3A_262 = tpu.memref_slice %arg22[%add3A_250, %dma_wait3A_261] : memref<10008x64xf32, #tpu.memory_space<vmem_shared>> -> memref<40x64xf32, #tpu.memory_space<vmem_shared>>
          tpu.wait_dma2 semaphore(%run_scoped3A : memref<!tpu.dma_semaphore, #tpu.memory_space<semaphore_mem>>) src(%arg18 : memref<40x64xf32, #tpu.memory_space<vmem>>) dst(%dma_wait3A_262 : memref<40x64xf32, #tpu.memory_space<vmem_shared>>)
          tpu.yield
        }) : () -> ()
        %eq3A_251 = arith.constant 0 : i32
        %eq3A_252 = arith.cmpi eq, %arg0, %eq3A_251 : i32
        %convert_element_type3A_253 = arith.extui %eq3A_252 : i1 to i32
        %cond3A_254 = arith.constant 0 : i32
        %cond3A_255 = arith.cmpi ne, %convert_element_type3A_253, %cond3A_254 : i32
        scf.if %cond3A_255 {
          "tpu.region"() ({
            %run_scoped3A = tpu.sem_alloc : memref<!tpu.dma_semaphore, #tpu.memory_space<semaphore_mem>>
            %dma_start3A = arith.constant 0 : i32
            %dma_start3A_256 = tpu.memref_slice %arg23[%add3A_250, %dma_start3A] : memref<10008x16xf32, #tpu.memory_space<vmem_shared>> -> memref<40x16xf32, #tpu.memory_space<vmem_shared>>
            %dma_start3A_257 = arith.constant 0 : i32
            %dma_start3A_258 = tpu.memref_slice %arg23[%add3A_250, %dma_start3A_257] : memref<10008x16xf32, #tpu.memory_space<vmem_shared>> -> memref<40x16xf32, #tpu.memory_space<vmem_shared>>
            tpu.enqueue_dma source(%arg19 : memref<40x16xf32, #tpu.memory_space<vmem>>) target(%dma_start3A_258 : memref<40x16xf32, #tpu.memory_space<vmem_shared>>) target_semaphore(%run_scoped3A : memref<!tpu.dma_semaphore, #tpu.memory_space<semaphore_mem>>)
            %dma_wait3A_259 = arith.constant 0 : i32
            %dma_wait3A_260 = tpu.memref_slice %arg23[%add3A_250, %dma_wait3A_259] : memref<10008x16xf32, #tpu.memory_space<vmem_shared>> -> memref<40x16xf32, #tpu.memory_space<vmem_shared>>
            %dma_wait3A_261 = arith.constant 0 : i32
            %dma_wait3A_262 = tpu.memref_slice %arg23[%add3A_250, %dma_wait3A_261] : memref<10008x16xf32, #tpu.memory_space<vmem_shared>> -> memref<40x16xf32, #tpu.memory_space<vmem_shared>>
            tpu.wait_dma2 semaphore(%run_scoped3A : memref<!tpu.dma_semaphore, #tpu.memory_space<semaphore_mem>>) src(%arg19 : memref<40x16xf32, #tpu.memory_space<vmem>>) dst(%dma_wait3A_262 : memref<40x16xf32, #tpu.memory_space<vmem_shared>>)
            tpu.yield
          }) : () -> ()
        } else {
        }
      } else {
      }
    }
    %scan3A_34 = arith.constant 16 : i32
    %mul3A_35 = arith.constant 40 : i32
    %mul3A_36 = arith.muli %arg1, %mul3A_35 : i32
    %add3A_37 = arith.constant 0 : i32
    %add3A_38 = arith.addi %add3A_37, %mul3A_36 : i32
    %multiple_of3A = tpu.assume_multiple %add3A_38, 8 : i32
    %mul3A_39 = arith.constant 40 : i32
    %mul3A_40 = arith.muli %arg1, %mul3A_39 : i32
    %add3A_41 = arith.constant 640 : i32
    %add3A_42 = arith.addi %add3A_41, %mul3A_40 : i32
    %multiple_of3A_43 = tpu.assume_multiple %add3A_42, 8 : i32
    "tpu.region"() ({
      %run_scoped3A = tpu.sem_alloc : memref<!tpu.dma_semaphore, #tpu.memory_space<semaphore_mem>>
      %dma_start3A = arith.constant 0 : i32
      %dma_start3A_243 = tpu.memref_slice %arg3[%multiple_of3A, %dma_start3A] : memref<5120x128xi32, #tpu.memory_space<hbm>> -> memref<40x128xi32, #tpu.memory_space<hbm>>
      %dma_start3A_244 = arith.constant 0 : i32
      %dma_start3A_245 = tpu.memref_slice %arg3[%multiple_of3A, %dma_start3A_244] : memref<5120x128xi32, #tpu.memory_space<hbm>> -> memref<40x128xi32, #tpu.memory_space<hbm>>
      tpu.enqueue_dma source(%dma_start3A_245 : memref<40x128xi32, #tpu.memory_space<hbm>>) target(%arg6 : memref<40x128xi32, #tpu.memory_space<vmem>>) target_semaphore(%run_scoped3A : memref<!tpu.dma_semaphore, #tpu.memory_space<semaphore_mem>>)
      %dma_wait3A_246 = arith.constant 0 : i32
      %dma_wait3A_247 = tpu.memref_slice %arg3[%multiple_of3A, %dma_wait3A_246] : memref<5120x128xi32, #tpu.memory_space<hbm>> -> memref<40x128xi32, #tpu.memory_space<hbm>>
      %dma_wait3A_248 = arith.constant 0 : i32
      %dma_wait3A_249 = tpu.memref_slice %arg3[%multiple_of3A, %dma_wait3A_248] : memref<5120x128xi32, #tpu.memory_space<hbm>> -> memref<40x128xi32, #tpu.memory_space<hbm>>
      tpu.wait_dma2 semaphore(%run_scoped3A : memref<!tpu.dma_semaphore, #tpu.memory_space<semaphore_mem>>) src(%dma_wait3A_249 : memref<40x128xi32, #tpu.memory_space<hbm>>) dst(%arg6 : memref<40x128xi32, #tpu.memory_space<vmem>>)
      tpu.yield
    }) : () -> ()
    "tpu.region"() ({
      %run_scoped3A = tpu.sem_alloc : memref<!tpu.dma_semaphore, #tpu.memory_space<semaphore_mem>>
      %dma_start3A = arith.constant 0 : i32
      %dma_start3A_243 = tpu.memref_slice %arg3[%multiple_of3A_43, %dma_start3A] : memref<5120x128xi32, #tpu.memory_space<hbm>> -> memref<40x128xi32, #tpu.memory_space<hbm>>
      %dma_start3A_244 = arith.constant 0 : i32
      %dma_start3A_245 = tpu.memref_slice %arg3[%multiple_of3A_43, %dma_start3A_244] : memref<5120x128xi32, #tpu.memory_space<hbm>> -> memref<40x128xi32, #tpu.memory_space<hbm>>
      tpu.enqueue_dma source(%dma_start3A_245 : memref<40x128xi32, #tpu.memory_space<hbm>>) target(%arg7 : memref<40x128xi32, #tpu.memory_space<vmem>>) target_semaphore(%run_scoped3A : memref<!tpu.dma_semaphore, #tpu.memory_space<semaphore_mem>>)
      %dma_wait3A_246 = arith.constant 0 : i32
      %dma_wait3A_247 = tpu.memref_slice %arg3[%multiple_of3A_43, %dma_wait3A_246] : memref<5120x128xi32, #tpu.memory_space<hbm>> -> memref<40x128xi32, #tpu.memory_space<hbm>>
      %dma_wait3A_248 = arith.constant 0 : i32
      %dma_wait3A_249 = tpu.memref_slice %arg3[%multiple_of3A_43, %dma_wait3A_248] : memref<5120x128xi32, #tpu.memory_space<hbm>> -> memref<40x128xi32, #tpu.memory_space<hbm>>
      tpu.wait_dma2 semaphore(%run_scoped3A : memref<!tpu.dma_semaphore, #tpu.memory_space<semaphore_mem>>) src(%dma_wait3A_249 : memref<40x128xi32, #tpu.memory_space<hbm>>) dst(%arg7 : memref<40x128xi32, #tpu.memory_space<vmem>>)
      tpu.yield
    }) : () -> ()
    %barrier3A = arith.constant 0 : index
    tpu.barrier barrier_id(%barrier3A)
    %scan3A_44 = arith.constant 0 : i32
    %scan3A_45 = arith.constant 0 : i32
    %scan3A_46 = arith.constant 42 : i32
    %scan3A_47 = arith.addi %scan3A_45, %scan3A_46 : i32
    %scan3A_48 = arith.constant 1 : i32
    scf.for %scan3A_243 = %scan3A_45 to %scan3A_47 step %scan3A_48  : i32 {
      %lt3A_244 = arith.constant 40 : i32
      %lt3A_245 = arith.cmpi slt, %scan3A_243, %lt3A_244 : i32
      %jit3A_246 = arith.constant 3 : i32
      %eq3A_247 = arith.constant 0 : i32
      %eq3A_248 = arith.cmpi eq, %jit3A_246, %eq3A_247 : i32
      %jit3A_249 = arith.constant 1 : i32
      %select_n3A_250 = arith.select %eq3A_248, %jit3A_249, %jit3A_246 : i32
      %rem3A = arith.remsi %scan3A_243, %select_n3A_250 : i32
      %ne3A = arith.constant 0 : i32
      %ne3A_251 = arith.cmpi ne, %rem3A, %ne3A : i32
      %lt3A_252 = arith.constant 0 : i32
      %lt3A_253 = arith.cmpi slt, %rem3A, %lt3A_252 : i32
      %lt3A_254 = arith.constant 0 : i32
      %lt3A_255 = arith.cmpi slt, %select_n3A_250, %lt3A_254 : i32
      %ne3A_256 = arith.xori %lt3A_253, %lt3A_255 : i1
      %and3A = arith.andi %ne3A_256, %ne3A_251 : i1
      %add3A_257 = arith.addi %rem3A, %select_n3A_250 : i32
      %select_n3A_258 = arith.select %and3A, %add3A_257, %rem3A : i32
      %eq3A_259 = arith.constant 0 : i32
      %eq3A_260 = arith.cmpi eq, %select_n3A_258, %eq3A_259 : i32
      %and3A_261 = arith.andi %lt3A_245, %eq3A_260 : i1
      %convert_element_type3A_262 = arith.extui %and3A_261 : i1 to i32
      %cond3A_263 = arith.constant 0 : i32
      %cond3A_264 = arith.cmpi ne, %convert_element_type3A_262, %cond3A_263 : i32
      scf.if %cond3A_264 {
        %ge3A_399 = arith.constant 3 : i32
        %ge3A_400 = arith.cmpi sge, %scan3A_243, %ge3A_399 : i32
        %convert_element_type3A_401 = arith.extui %ge3A_400 : i1 to i32
        %cond3A_402 = arith.constant 0 : i32
        %cond3A_403 = arith.cmpi ne, %convert_element_type3A_401, %cond3A_402 : i32
        scf.if %cond3A_403 {
          %dma_wait3A_548 = arith.constant 0 : i32
          %dma_wait3A_549 = arith.constant 0 : i32
          %dma_wait3A_550 = tpu.memref_slice %arg22[%dma_wait3A_548, %dma_wait3A_549] : memref<10008x64xf32, #tpu.memory_space<vmem_shared>> -> memref<10008x64xf32, #tpu.memory_space<vmem_shared>>
          tpu.wait_indirect_dma semaphore(%arg30 : memref<!tpu.dma_semaphore, #tpu.memory_space<semaphore_mem>>) src(%arg14 : memref<128x64xf32, #tpu.memory_space<vmem>>) dst(%dma_wait3A_550 : memref<10008x64xf32, #tpu.memory_space<vmem_shared>>)
          %eq3A_551 = arith.constant 0 : i32
          %eq3A_552 = arith.cmpi eq, %arg0, %eq3A_551 : i32
          %convert_element_type3A_553 = arith.extui %eq3A_552 : i1 to i32
          %cond3A_554 = arith.constant 0 : i32
          %cond3A_555 = arith.cmpi ne, %convert_element_type3A_553, %cond3A_554 : i32
          scf.if %cond3A_555 {
            %dma_wait3A_556 = arith.constant 0 : i32
            %dma_wait3A_557 = arith.constant 0 : i32
            %dma_wait3A_558 = tpu.memref_slice %arg23[%dma_wait3A_556, %dma_wait3A_557] : memref<10008x16xf32, #tpu.memory_space<vmem_shared>> -> memref<10008x16xf32, #tpu.memory_space<vmem_shared>>
            tpu.wait_indirect_dma semaphore(%arg27 : memref<!tpu.dma_semaphore, #tpu.memory_space<semaphore_mem>>) src(%arg17 : memref<128x16xf32, #tpu.memory_space<vmem>>) dst(%dma_wait3A_558 : memref<10008x16xf32, #tpu.memory_space<vmem_shared>>)
          } else {
          }
        } else {
        }
        %get3A = arith.index_cast %scan3A_243 : i32 to index
        %get3A_404 = arith.constant 0 : index
        %get3A_405 = tpu.vector_load %arg6[%get3A, %get3A_404] {strides = array<i32>} : memref<40x128xi32, #tpu.memory_space<vmem>>, vector<1x16xi32>,
        %get3A_406 = vector.shape_cast %get3A_405 : vector<1x16xi32> to vector<16xi32>
        %add3A_407 = vector.broadcast %mul3A_28 : i32 to vector<16xi32>
        %add3A_408 = arith.addi %get3A_406, %add3A_407 : vector<16xi32>
        %swap3A = arith.constant 0 : index
        %swap3A_409 = tpu.vector_load %arg8[%swap3A] {strides = array<i32>} : memref<128xi32, #tpu.memory_space<vmem>>, vector<16xi32>,
        %swap3A_410 = vector.shape_cast %swap3A_409 : vector<16xi32> to vector<16xi32>
        %swap3A_411 = vector.shape_cast %add3A_408 : vector<16xi32> to vector<16xi32>
        tpu.vector_store %arg8[%swap3A], %swap3A_411 {strides = array<i32>} : memref<128xi32, #tpu.memory_space<vmem>>, vector<16xi32>,
        %get3A_412 = arith.index_cast %scan3A_243 : i32 to index
        %get3A_413 = arith.constant 0 : index
        %get3A_414 = tpu.vector_load %arg7[%get3A_412, %get3A_413] {strides = array<i32>} : memref<40x128xi32, #tpu.memory_space<vmem>>, vector<1x16xi32>,
        %get3A_415 = vector.shape_cast %get3A_414 : vector<1x16xi32> to vector<16xi32>
        %swap3A_416 = arith.constant 0 : index
        %swap3A_417 = tpu.vector_load %arg11[%swap3A_416] {strides = array<i32>} : memref<128xi32, #tpu.memory_space<vmem>>, vector<16xi32>,
        %swap3A_418 = vector.shape_cast %swap3A_417 : vector<16xi32> to vector<16xi32>
        %swap3A_419 = vector.shape_cast %get3A_415 : vector<16xi32> to vector<16xi32>
        tpu.vector_store %arg11[%swap3A_416], %swap3A_419 {strides = array<i32>} : memref<128xi32, #tpu.memory_space<vmem>>, vector<16xi32>,
        %get3A_420 = arith.index_cast %scan3A_243 : i32 to index
        %get3A_421 = arith.constant 16 : index
        %get3A_422 = tpu.vector_load %arg6[%get3A_420, %get3A_421] {strides = array<i32>} : memref<40x128xi32, #tpu.memory_space<vmem>>, vector<1x16xi32>,
        %get3A_423 = vector.shape_cast %get3A_422 : vector<1x16xi32> to vector<16xi32>
        %add3A_424 = vector.broadcast %mul3A_28 : i32 to vector<16xi32>
        %add3A_425 = arith.addi %get3A_423, %add3A_424 : vector<16xi32>
        %swap3A_426 = arith.constant 16 : index
        %swap3A_427 = tpu.vector_load %arg8[%swap3A_426] {strides = array<i32>} : memref<128xi32, #tpu.memory_space<vmem>>, vector<16xi32>,
        %swap3A_428 = vector.shape_cast %swap3A_427 : vector<16xi32> to vector<16xi32>
        %swap3A_429 = vector.shape_cast %add3A_425 : vector<16xi32> to vector<16xi32>
        tpu.vector_store %arg8[%swap3A_426], %swap3A_429 {strides = array<i32>} : memref<128xi32, #tpu.memory_space<vmem>>, vector<16xi32>,
        %get3A_430 = arith.index_cast %scan3A_243 : i32 to index
        %get3A_431 = arith.constant 16 : index
        %get3A_432 = tpu.vector_load %arg7[%get3A_430, %get3A_431] {strides = array<i32>} : memref<40x128xi32, #tpu.memory_space<vmem>>, vector<1x16xi32>,
        %get3A_433 = vector.shape_cast %get3A_432 : vector<1x16xi32> to vector<16xi32>
        %swap3A_434 = arith.constant 16 : index
        %swap3A_435 = tpu.vector_load %arg11[%swap3A_434] {strides = array<i32>} : memref<128xi32, #tpu.memory_space<vmem>>, vector<16xi32>,
        %swap3A_436 = vector.shape_cast %swap3A_435 : vector<16xi32> to vector<16xi32>
        %swap3A_437 = vector.shape_cast %get3A_433 : vector<16xi32> to vector<16xi32>
        tpu.vector_store %arg11[%swap3A_434], %swap3A_437 {strides = array<i32>} : memref<128xi32, #tpu.memory_space<vmem>>, vector<16xi32>,
        %get3A_438 = arith.index_cast %scan3A_243 : i32 to index
        %get3A_439 = arith.constant 32 : index
        %get3A_440 = tpu.vector_load %arg6[%get3A_438, %get3A_439] {strides = array<i32>} : memref<40x128xi32, #tpu.memory_space<vmem>>, vector<1x16xi32>,
        %get3A_441 = vector.shape_cast %get3A_440 : vector<1x16xi32> to vector<16xi32>
        %add3A_442 = vector.broadcast %mul3A_28 : i32 to vector<16xi32>
        %add3A_443 = arith.addi %get3A_441, %add3A_442 : vector<16xi32>
        %swap3A_444 = arith.constant 32 : index
        %swap3A_445 = tpu.vector_load %arg8[%swap3A_444] {strides = array<i32>} : memref<128xi32, #tpu.memory_space<vmem>>, vector<16xi32>,
        %swap3A_446 = vector.shape_cast %swap3A_445 : vector<16xi32> to vector<16xi32>
        %swap3A_447 = vector.shape_cast %add3A_443 : vector<16xi32> to vector<16xi32>
        tpu.vector_store %arg8[%swap3A_444], %swap3A_447 {strides = array<i32>} : memref<128xi32, #tpu.memory_space<vmem>>, vector<16xi32>,
        %get3A_448 = arith.index_cast %scan3A_243 : i32 to index
        %get3A_449 = arith.constant 32 : index
        %get3A_450 = tpu.vector_load %arg7[%get3A_448, %get3A_449] {strides = array<i32>} : memref<40x128xi32, #tpu.memory_space<vmem>>, vector<1x16xi32>,
        %get3A_451 = vector.shape_cast %get3A_450 : vector<1x16xi32> to vector<16xi32>
        %swap3A_452 = arith.constant 32 : index
        %swap3A_453 = tpu.vector_load %arg11[%swap3A_452] {strides = array<i32>} : memref<128xi32, #tpu.memory_space<vmem>>, vector<16xi32>,
        %swap3A_454 = vector.shape_cast %swap3A_453 : vector<16xi32> to vector<16xi32>
        %swap3A_455 = vector.shape_cast %get3A_451 : vector<16xi32> to vector<16xi32>
        tpu.vector_store %arg11[%swap3A_452], %swap3A_455 {strides = array<i32>} : memref<128xi32, #tpu.memory_space<vmem>>, vector<16xi32>,
        %get3A_456 = arith.index_cast %scan3A_243 : i32 to index
        %get3A_457 = arith.constant 48 : index
        %get3A_458 = tpu.vector_load %arg6[%get3A_456, %get3A_457] {strides = array<i32>} : memref<40x128xi32, #tpu.memory_space<vmem>>, vector<1x16xi32>,
        %get3A_459 = vector.shape_cast %get3A_458 : vector<1x16xi32> to vector<16xi32>
        %add3A_460 = vector.broadcast %mul3A_28 : i32 to vector<16xi32>
        %add3A_461 = arith.addi %get3A_459, %add3A_460 : vector<16xi32>
        %swap3A_462 = arith.constant 48 : index
        %swap3A_463 = tpu.vector_load %arg8[%swap3A_462] {strides = array<i32>} : memref<128xi32, #tpu.memory_space<vmem>>, vector<16xi32>,
        %swap3A_464 = vector.shape_cast %swap3A_463 : vector<16xi32> to vector<16xi32>
        %swap3A_465 = vector.shape_cast %add3A_461 : vector<16xi32> to vector<16xi32>
        tpu.vector_store %arg8[%swap3A_462], %swap3A_465 {strides = array<i32>} : memref<128xi32, #tpu.memory_space<vmem>>, vector<16xi32>,
        %get3A_466 = arith.index_cast %scan3A_243 : i32 to index
        %get3A_467 = arith.constant 48 : index
        %get3A_468 = tpu.vector_load %arg7[%get3A_466, %get3A_467] {strides = array<i32>} : memref<40x128xi32, #tpu.memory_space<vmem>>, vector<1x16xi32>,
        %get3A_469 = vector.shape_cast %get3A_468 : vector<1x16xi32> to vector<16xi32>
        %swap3A_470 = arith.constant 48 : index
        %swap3A_471 = tpu.vector_load %arg11[%swap3A_470] {strides = array<i32>} : memref<128xi32, #tpu.memory_space<vmem>>, vector<16xi32>,
        %swap3A_472 = vector.shape_cast %swap3A_471 : vector<16xi32> to vector<16xi32>
        %swap3A_473 = vector.shape_cast %get3A_469 : vector<16xi32> to vector<16xi32>
        tpu.vector_store %arg11[%swap3A_470], %swap3A_473 {strides = array<i32>} : memref<128xi32, #tpu.memory_space<vmem>>, vector<16xi32>,
        %get3A_474 = arith.index_cast %scan3A_243 : i32 to index
        %get3A_475 = arith.constant 64 : index
        %get3A_476 = tpu.vector_load %arg6[%get3A_474, %get3A_475] {strides = array<i32>} : memref<40x128xi32, #tpu.memory_space<vmem>>, vector<1x16xi32>,
        %get3A_477 = vector.shape_cast %get3A_476 : vector<1x16xi32> to vector<16xi32>
        %add3A_478 = vector.broadcast %mul3A_28 : i32 to vector<16xi32>
        %add3A_479 = arith.addi %get3A_477, %add3A_478 : vector<16xi32>
        %swap3A_480 = arith.constant 64 : index
        %swap3A_481 = tpu.vector_load %arg8[%swap3A_480] {strides = array<i32>} : memref<128xi32, #tpu.memory_space<vmem>>, vector<16xi32>,
        %swap3A_482 = vector.shape_cast %swap3A_481 : vector<16xi32> to vector<16xi32>
        %swap3A_483 = vector.shape_cast %add3A_479 : vector<16xi32> to vector<16xi32>
        tpu.vector_store %arg8[%swap3A_480], %swap3A_483 {strides = array<i32>} : memref<128xi32, #tpu.memory_space<vmem>>, vector<16xi32>,
        %get3A_484 = arith.index_cast %scan3A_243 : i32 to index
        %get3A_485 = arith.constant 64 : index
        %get3A_486 = tpu.vector_load %arg7[%get3A_484, %get3A_485] {strides = array<i32>} : memref<40x128xi32, #tpu.memory_space<vmem>>, vector<1x16xi32>,
        %get3A_487 = vector.shape_cast %get3A_486 : vector<1x16xi32> to vector<16xi32>
        %swap3A_488 = arith.constant 64 : index
        %swap3A_489 = tpu.vector_load %arg11[%swap3A_488] {strides = array<i32>} : memref<128xi32, #tpu.memory_space<vmem>>, vector<16xi32>,
        %swap3A_490 = vector.shape_cast %swap3A_489 : vector<16xi32> to vector<16xi32>
        %swap3A_491 = vector.shape_cast %get3A_487 : vector<16xi32> to vector<16xi32>
        tpu.vector_store %arg11[%swap3A_488], %swap3A_491 {strides = array<i32>} : memref<128xi32, #tpu.memory_space<vmem>>, vector<16xi32>,
        %get3A_492 = arith.index_cast %scan3A_243 : i32 to index
        %get3A_493 = arith.constant 80 : index
        %get3A_494 = tpu.vector_load %arg6[%get3A_492, %get3A_493] {strides = array<i32>} : memref<40x128xi32, #tpu.memory_space<vmem>>, vector<1x16xi32>,
        %get3A_495 = vector.shape_cast %get3A_494 : vector<1x16xi32> to vector<16xi32>
        %add3A_496 = vector.broadcast %mul3A_28 : i32 to vector<16xi32>
        %add3A_497 = arith.addi %get3A_495, %add3A_496 : vector<16xi32>
        %swap3A_498 = arith.constant 80 : index
        %swap3A_499 = tpu.vector_load %arg8[%swap3A_498] {strides = array<i32>} : memref<128xi32, #tpu.memory_space<vmem>>, vector<16xi32>,
        %swap3A_500 = vector.shape_cast %swap3A_499 : vector<16xi32> to vector<16xi32>
        %swap3A_501 = vector.shape_cast %add3A_497 : vector<16xi32> to vector<16xi32>
        tpu.vector_store %arg8[%swap3A_498], %swap3A_501 {strides = array<i32>} : memref<128xi32, #tpu.memory_space<vmem>>, vector<16xi32>,
        %get3A_502 = arith.index_cast %scan3A_243 : i32 to index
        %get3A_503 = arith.constant 80 : index
        %get3A_504 = tpu.vector_load %arg7[%get3A_502, %get3A_503] {strides = array<i32>} : memref<40x128xi32, #tpu.memory_space<vmem>>, vector<1x16xi32>,
        %get3A_505 = vector.shape_cast %get3A_504 : vector<1x16xi32> to vector<16xi32>
        %swap3A_506 = arith.constant 80 : index
        %swap3A_507 = tpu.vector_load %arg11[%swap3A_506] {strides = array<i32>} : memref<128xi32, #tpu.memory_space<vmem>>, vector<16xi32>,
        %swap3A_508 = vector.shape_cast %swap3A_507 : vector<16xi32> to vector<16xi32>
        %swap3A_509 = vector.shape_cast %get3A_505 : vector<16xi32> to vector<16xi32>
        tpu.vector_store %arg11[%swap3A_506], %swap3A_509 {strides = array<i32>} : memref<128xi32, #tpu.memory_space<vmem>>, vector<16xi32>,
        %get3A_510 = arith.index_cast %scan3A_243 : i32 to index
        %get3A_511 = arith.constant 96 : index
        %get3A_512 = tpu.vector_load %arg6[%get3A_510, %get3A_511] {strides = array<i32>} : memref<40x128xi32, #tpu.memory_space<vmem>>, vector<1x16xi32>,
        %get3A_513 = vector.shape_cast %get3A_512 : vector<1x16xi32> to vector<16xi32>
        %add3A_514 = vector.broadcast %mul3A_28 : i32 to vector<16xi32>
        %add3A_515 = arith.addi %get3A_513, %add3A_514 : vector<16xi32>
        %swap3A_516 = arith.constant 96 : index
        %swap3A_517 = tpu.vector_load %arg8[%swap3A_516] {strides = array<i32>} : memref<128xi32, #tpu.memory_space<vmem>>, vector<16xi32>,
        %swap3A_518 = vector.shape_cast %swap3A_517 : vector<16xi32> to vector<16xi32>
        %swap3A_519 = vector.shape_cast %add3A_515 : vector<16xi32> to vector<16xi32>
        tpu.vector_store %arg8[%swap3A_516], %swap3A_519 {strides = array<i32>} : memref<128xi32, #tpu.memory_space<vmem>>, vector<16xi32>,
        %get3A_520 = arith.index_cast %scan3A_243 : i32 to index
        %get3A_521 = arith.constant 96 : index
        %get3A_522 = tpu.vector_load %arg7[%get3A_520, %get3A_521] {strides = array<i32>} : memref<40x128xi32, #tpu.memory_space<vmem>>, vector<1x16xi32>,
        %get3A_523 = vector.shape_cast %get3A_522 : vector<1x16xi32> to vector<16xi32>
        %swap3A_524 = arith.constant 96 : index
        %swap3A_525 = tpu.vector_load %arg11[%swap3A_524] {strides = array<i32>} : memref<128xi32, #tpu.memory_space<vmem>>, vector<16xi32>,
        %swap3A_526 = vector.shape_cast %swap3A_525 : vector<16xi32> to vector<16xi32>
        %swap3A_527 = vector.shape_cast %get3A_523 : vector<16xi32> to vector<16xi32>
        tpu.vector_store %arg11[%swap3A_524], %swap3A_527 {strides = array<i32>} : memref<128xi32, #tpu.memory_space<vmem>>, vector<16xi32>,
        %get3A_528 = arith.index_cast %scan3A_243 : i32 to index
        %get3A_529 = arith.constant 112 : index
        %get3A_530 = tpu.vector_load %arg6[%get3A_528, %get3A_529] {strides = array<i32>} : memref<40x128xi32, #tpu.memory_space<vmem>>, vector<1x16xi32>,
        %get3A_531 = vector.shape_cast %get3A_530 : vector<1x16xi32> to vector<16xi32>
        %add3A_532 = vector.broadcast %mul3A_28 : i32 to vector<16xi32>
        %add3A_533 = arith.addi %get3A_531, %add3A_532 : vector<16xi32>
        %swap3A_534 = arith.constant 112 : index
        %swap3A_535 = tpu.vector_load %arg8[%swap3A_534] {strides = array<i32>} : memref<128xi32, #tpu.memory_space<vmem>>, vector<16xi32>,
        %swap3A_536 = vector.shape_cast %swap3A_535 : vector<16xi32> to vector<16xi32>
        %swap3A_537 = vector.shape_cast %add3A_533 : vector<16xi32> to vector<16xi32>
        tpu.vector_store %arg8[%swap3A_534], %swap3A_537 {strides = array<i32>} : memref<128xi32, #tpu.memory_space<vmem>>, vector<16xi32>,
        %get3A_538 = arith.index_cast %scan3A_243 : i32 to index
        %get3A_539 = arith.constant 112 : index
        %get3A_540 = tpu.vector_load %arg7[%get3A_538, %get3A_539] {strides = array<i32>} : memref<40x128xi32, #tpu.memory_space<vmem>>, vector<1x16xi32>,
        %get3A_541 = vector.shape_cast %get3A_540 : vector<1x16xi32> to vector<16xi32>
        %swap3A_542 = arith.constant 112 : index
        %swap3A_543 = tpu.vector_load %arg11[%swap3A_542] {strides = array<i32>} : memref<128xi32, #tpu.memory_space<vmem>>, vector<16xi32>,
        %swap3A_544 = vector.shape_cast %swap3A_543 : vector<16xi32> to vector<16xi32>
        %swap3A_545 = vector.shape_cast %get3A_541 : vector<16xi32> to vector<16xi32>
        tpu.vector_store %arg11[%swap3A_542], %swap3A_545 {strides = array<i32>} : memref<128xi32, #tpu.memory_space<vmem>>, vector<16xi32>,
        %dma_start3A = arith.constant 0 : i32
        %dma_start3A_546 = arith.constant 0 : i32
        %dma_start3A_547 = tpu.memref_slice %arg2[%dma_start3A, %dma_start3A_546] : memref<20000x64xf32, #tpu.memory_space<hbm>> -> memref<20000x64xf32, #tpu.memory_space<hbm>>
        tpu.enqueue_indirect_dma source(%dma_start3A_547 : memref<20000x64xf32, #tpu.memory_space<hbm>>) target(%arg14 : memref<128x64xf32, #tpu.memory_space<vmem>>) offsets(%arg8 : memref<128xi32, #tpu.memory_space<vmem>>) semaphore(%arg24 : memref<!tpu.dma_semaphore, #tpu.memory_space<semaphore_mem>>)
      } else {
      }
      %lt3A_265 = arith.constant 40 : i32
      %lt3A_266 = arith.cmpi slt, %scan3A_243, %lt3A_265 : i32
      %jit3A_267 = arith.constant 3 : i32
      %eq3A_268 = arith.constant 0 : i32
      %eq3A_269 = arith.cmpi eq, %jit3A_267, %eq3A_268 : i32
      %jit3A_270 = arith.constant 1 : i32
      %select_n3A_271 = arith.select %eq3A_269, %jit3A_270, %jit3A_267 : i32
      %rem3A_272 = arith.remsi %scan3A_243, %select_n3A_271 : i32
      %ne3A_273 = arith.constant 0 : i32
      %ne3A_274 = arith.cmpi ne, %rem3A_272, %ne3A_273 : i32
      %lt3A_275 = arith.constant 0 : i32
      %lt3A_276 = arith.cmpi slt, %rem3A_272, %lt3A_275 : i32
      %lt3A_277 = arith.constant 0 : i32
      %lt3A_278 = arith.cmpi slt, %select_n3A_271, %lt3A_277 : i32
      %ne3A_279 = arith.xori %lt3A_276, %lt3A_278 : i1
      %and3A_280 = arith.andi %ne3A_279, %ne3A_274 : i1
      %add3A_281 = arith.addi %rem3A_272, %select_n3A_271 : i32
      %select_n3A_282 = arith.select %and3A_280, %add3A_281, %rem3A_272 : i32
      %eq3A_283 = arith.constant 1 : i32
      %eq3A_284 = arith.cmpi eq, %select_n3A_282, %eq3A_283 : i32
      %and3A_285 = arith.andi %lt3A_266, %eq3A_284 : i1
      %convert_element_type3A_286 = arith.extui %and3A_285 : i1 to i32
      %cond3A_287 = arith.constant 0 : i32
      %cond3A_288 = arith.cmpi ne, %convert_element_type3A_286, %cond3A_287 : i32
      scf.if %cond3A_288 {
        %ge3A_399 = arith.constant 3 : i32
        %ge3A_400 = arith.cmpi sge, %scan3A_243, %ge3A_399 : i32
        %convert_element_type3A_401 = arith.extui %ge3A_400 : i1 to i32
        %cond3A_402 = arith.constant 0 : i32
        %cond3A_403 = arith.cmpi ne, %convert_element_type3A_401, %cond3A_402 : i32
        scf.if %cond3A_403 {
          %dma_wait3A_548 = arith.constant 0 : i32
          %dma_wait3A_549 = arith.constant 0 : i32
          %dma_wait3A_550 = tpu.memref_slice %arg22[%dma_wait3A_548, %dma_wait3A_549] : memref<10008x64xf32, #tpu.memory_space<vmem_shared>> -> memref<10008x64xf32, #tpu.memory_space<vmem_shared>>
          tpu.wait_indirect_dma semaphore(%arg31 : memref<!tpu.dma_semaphore, #tpu.memory_space<semaphore_mem>>) src(%arg15 : memref<128x64xf32, #tpu.memory_space<vmem>>) dst(%dma_wait3A_550 : memref<10008x64xf32, #tpu.memory_space<vmem_shared>>)
          %eq3A_551 = arith.constant 0 : i32
          %eq3A_552 = arith.cmpi eq, %arg0, %eq3A_551 : i32
          %convert_element_type3A_553 = arith.extui %eq3A_552 : i1 to i32
          %cond3A_554 = arith.constant 0 : i32
          %cond3A_555 = arith.cmpi ne, %convert_element_type3A_553, %cond3A_554 : i32
          scf.if %cond3A_555 {
            %dma_wait3A_556 = arith.constant 0 : i32
            %dma_wait3A_557 = arith.constant 0 : i32
            %dma_wait3A_558 = tpu.memref_slice %arg23[%dma_wait3A_556, %dma_wait3A_557] : memref<10008x16xf32, #tpu.memory_space<vmem_shared>> -> memref<10008x16xf32, #tpu.memory_space<vmem_shared>>
            tpu.wait_indirect_dma semaphore(%arg28 : memref<!tpu.dma_semaphore, #tpu.memory_space<semaphore_mem>>) src(%arg17 : memref<128x16xf32, #tpu.memory_space<vmem>>) dst(%dma_wait3A_558 : memref<10008x16xf32, #tpu.memory_space<vmem_shared>>)
          } else {
          }
        } else {
        }
        %get3A = arith.index_cast %scan3A_243 : i32 to index
        %get3A_404 = arith.constant 0 : index
        %get3A_405 = tpu.vector_load %arg6[%get3A, %get3A_404] {strides = array<i32>} : memref<40x128xi32, #tpu.memory_space<vmem>>, vector<1x16xi32>,
        %get3A_406 = vector.shape_cast %get3A_405 : vector<1x16xi32> to vector<16xi32>
        %add3A_407 = vector.broadcast %mul3A_28 : i32 to vector<16xi32>
        %add3A_408 = arith.addi %get3A_406, %add3A_407 : vector<16xi32>
        %swap3A = arith.constant 0 : index
        %swap3A_409 = tpu.vector_load %arg9[%swap3A] {strides = array<i32>} : memref<128xi32, #tpu.memory_space<vmem>>, vector<16xi32>,
        %swap3A_410 = vector.shape_cast %swap3A_409 : vector<16xi32> to vector<16xi32>
        %swap3A_411 = vector.shape_cast %add3A_408 : vector<16xi32> to vector<16xi32>
        tpu.vector_store %arg9[%swap3A], %swap3A_411 {strides = array<i32>} : memref<128xi32, #tpu.memory_space<vmem>>, vector<16xi32>,
        %get3A_412 = arith.index_cast %scan3A_243 : i32 to index
        %get3A_413 = arith.constant 0 : index
        %get3A_414 = tpu.vector_load %arg7[%get3A_412, %get3A_413] {strides = array<i32>} : memref<40x128xi32, #tpu.memory_space<vmem>>, vector<1x16xi32>,
        %get3A_415 = vector.shape_cast %get3A_414 : vector<1x16xi32> to vector<16xi32>
        %swap3A_416 = arith.constant 0 : index
        %swap3A_417 = tpu.vector_load %arg12[%swap3A_416] {strides = array<i32>} : memref<128xi32, #tpu.memory_space<vmem>>, vector<16xi32>,
        %swap3A_418 = vector.shape_cast %swap3A_417 : vector<16xi32> to vector<16xi32>
        %swap3A_419 = vector.shape_cast %get3A_415 : vector<16xi32> to vector<16xi32>
        tpu.vector_store %arg12[%swap3A_416], %swap3A_419 {strides = array<i32>} : memref<128xi32, #tpu.memory_space<vmem>>, vector<16xi32>,
        %get3A_420 = arith.index_cast %scan3A_243 : i32 to index
        %get3A_421 = arith.constant 16 : index
        %get3A_422 = tpu.vector_load %arg6[%get3A_420, %get3A_421] {strides = array<i32>} : memref<40x128xi32, #tpu.memory_space<vmem>>, vector<1x16xi32>,
        %get3A_423 = vector.shape_cast %get3A_422 : vector<1x16xi32> to vector<16xi32>
        %add3A_424 = vector.broadcast %mul3A_28 : i32 to vector<16xi32>
        %add3A_425 = arith.addi %get3A_423, %add3A_424 : vector<16xi32>
        %swap3A_426 = arith.constant 16 : index
        %swap3A_427 = tpu.vector_load %arg9[%swap3A_426] {strides = array<i32>} : memref<128xi32, #tpu.memory_space<vmem>>, vector<16xi32>,
        %swap3A_428 = vector.shape_cast %swap3A_427 : vector<16xi32> to vector<16xi32>
        %swap3A_429 = vector.shape_cast %add3A_425 : vector<16xi32> to vector<16xi32>
        tpu.vector_store %arg9[%swap3A_426], %swap3A_429 {strides = array<i32>} : memref<128xi32, #tpu.memory_space<vmem>>, vector<16xi32>,
        %get3A_430 = arith.index_cast %scan3A_243 : i32 to index
        %get3A_431 = arith.constant 16 : index
        %get3A_432 = tpu.vector_load %arg7[%get3A_430, %get3A_431] {strides = array<i32>} : memref<40x128xi32, #tpu.memory_space<vmem>>, vector<1x16xi32>,
        %get3A_433 = vector.shape_cast %get3A_432 : vector<1x16xi32> to vector<16xi32>
        %swap3A_434 = arith.constant 16 : index
        %swap3A_435 = tpu.vector_load %arg12[%swap3A_434] {strides = array<i32>} : memref<128xi32, #tpu.memory_space<vmem>>, vector<16xi32>,
        %swap3A_436 = vector.shape_cast %swap3A_435 : vector<16xi32> to vector<16xi32>
        %swap3A_437 = vector.shape_cast %get3A_433 : vector<16xi32> to vector<16xi32>
        tpu.vector_store %arg12[%swap3A_434], %swap3A_437 {strides = array<i32>} : memref<128xi32, #tpu.memory_space<vmem>>, vector<16xi32>,
        %get3A_438 = arith.index_cast %scan3A_243 : i32 to index
        %get3A_439 = arith.constant 32 : index
        %get3A_440 = tpu.vector_load %arg6[%get3A_438, %get3A_439] {strides = array<i32>} : memref<40x128xi32, #tpu.memory_space<vmem>>, vector<1x16xi32>,
        %get3A_441 = vector.shape_cast %get3A_440 : vector<1x16xi32> to vector<16xi32>
        %add3A_442 = vector.broadcast %mul3A_28 : i32 to vector<16xi32>
        %add3A_443 = arith.addi %get3A_441, %add3A_442 : vector<16xi32>
        %swap3A_444 = arith.constant 32 : index
        %swap3A_445 = tpu.vector_load %arg9[%swap3A_444] {strides = array<i32>} : memref<128xi32, #tpu.memory_space<vmem>>, vector<16xi32>,
        %swap3A_446 = vector.shape_cast %swap3A_445 : vector<16xi32> to vector<16xi32>
        %swap3A_447 = vector.shape_cast %add3A_443 : vector<16xi32> to vector<16xi32>
        tpu.vector_store %arg9[%swap3A_444], %swap3A_447 {strides = array<i32>} : memref<128xi32, #tpu.memory_space<vmem>>, vector<16xi32>,
        %get3A_448 = arith.index_cast %scan3A_243 : i32 to index
        %get3A_449 = arith.constant 32 : index
        %get3A_450 = tpu.vector_load %arg7[%get3A_448, %get3A_449] {strides = array<i32>} : memref<40x128xi32, #tpu.memory_space<vmem>>, vector<1x16xi32>,
        %get3A_451 = vector.shape_cast %get3A_450 : vector<1x16xi32> to vector<16xi32>
        %swap3A_452 = arith.constant 32 : index
        %swap3A_453 = tpu.vector_load %arg12[%swap3A_452] {strides = array<i32>} : memref<128xi32, #tpu.memory_space<vmem>>, vector<16xi32>,
        %swap3A_454 = vector.shape_cast %swap3A_453 : vector<16xi32> to vector<16xi32>
        %swap3A_455 = vector.shape_cast %get3A_451 : vector<16xi32> to vector<16xi32>
        tpu.vector_store %arg12[%swap3A_452], %swap3A_455 {strides = array<i32>} : memref<128xi32, #tpu.memory_space<vmem>>, vector<16xi32>,
        %get3A_456 = arith.index_cast %scan3A_243 : i32 to index
        %get3A_457 = arith.constant 48 : index
        %get3A_458 = tpu.vector_load %arg6[%get3A_456, %get3A_457] {strides = array<i32>} : memref<40x128xi32, #tpu.memory_space<vmem>>, vector<1x16xi32>,
        %get3A_459 = vector.shape_cast %get3A_458 : vector<1x16xi32> to vector<16xi32>
        %add3A_460 = vector.broadcast %mul3A_28 : i32 to vector<16xi32>
        %add3A_461 = arith.addi %get3A_459, %add3A_460 : vector<16xi32>
        %swap3A_462 = arith.constant 48 : index
        %swap3A_463 = tpu.vector_load %arg9[%swap3A_462] {strides = array<i32>} : memref<128xi32, #tpu.memory_space<vmem>>, vector<16xi32>,
        %swap3A_464 = vector.shape_cast %swap3A_463 : vector<16xi32> to vector<16xi32>
        %swap3A_465 = vector.shape_cast %add3A_461 : vector<16xi32> to vector<16xi32>
        tpu.vector_store %arg9[%swap3A_462], %swap3A_465 {strides = array<i32>} : memref<128xi32, #tpu.memory_space<vmem>>, vector<16xi32>,
        %get3A_466 = arith.index_cast %scan3A_243 : i32 to index
        %get3A_467 = arith.constant 48 : index
        %get3A_468 = tpu.vector_load %arg7[%get3A_466, %get3A_467] {strides = array<i32>} : memref<40x128xi32, #tpu.memory_space<vmem>>, vector<1x16xi32>,
        %get3A_469 = vector.shape_cast %get3A_468 : vector<1x16xi32> to vector<16xi32>
        %swap3A_470 = arith.constant 48 : index
        %swap3A_471 = tpu.vector_load %arg12[%swap3A_470] {strides = array<i32>} : memref<128xi32, #tpu.memory_space<vmem>>, vector<16xi32>,
        %swap3A_472 = vector.shape_cast %swap3A_471 : vector<16xi32> to vector<16xi32>
        %swap3A_473 = vector.shape_cast %get3A_469 : vector<16xi32> to vector<16xi32>
        tpu.vector_store %arg12[%swap3A_470], %swap3A_473 {strides = array<i32>} : memref<128xi32, #tpu.memory_space<vmem>>, vector<16xi32>,
        %get3A_474 = arith.index_cast %scan3A_243 : i32 to index
        %get3A_475 = arith.constant 64 : index
        %get3A_476 = tpu.vector_load %arg6[%get3A_474, %get3A_475] {strides = array<i32>} : memref<40x128xi32, #tpu.memory_space<vmem>>, vector<1x16xi32>,
        %get3A_477 = vector.shape_cast %get3A_476 : vector<1x16xi32> to vector<16xi32>
        %add3A_478 = vector.broadcast %mul3A_28 : i32 to vector<16xi32>
        %add3A_479 = arith.addi %get3A_477, %add3A_478 : vector<16xi32>
        %swap3A_480 = arith.constant 64 : index
        %swap3A_481 = tpu.vector_load %arg9[%swap3A_480] {strides = array<i32>} : memref<128xi32, #tpu.memory_space<vmem>>, vector<16xi32>,
        %swap3A_482 = vector.shape_cast %swap3A_481 : vector<16xi32> to vector<16xi32>
        %swap3A_483 = vector.shape_cast %add3A_479 : vector<16xi32> to vector<16xi32>
        tpu.vector_store %arg9[%swap3A_480], %swap3A_483 {strides = array<i32>} : memref<128xi32, #tpu.memory_space<vmem>>, vector<16xi32>,
        %get3A_484 = arith.index_cast %scan3A_243 : i32 to index
        %get3A_485 = arith.constant 64 : index
        %get3A_486 = tpu.vector_load %arg7[%get3A_484, %get3A_485] {strides = array<i32>} : memref<40x128xi32, #tpu.memory_space<vmem>>, vector<1x16xi32>,
        %get3A_487 = vector.shape_cast %get3A_486 : vector<1x16xi32> to vector<16xi32>
        %swap3A_488 = arith.constant 64 : index
        %swap3A_489 = tpu.vector_load %arg12[%swap3A_488] {strides = array<i32>} : memref<128xi32, #tpu.memory_space<vmem>>, vector<16xi32>,
        %swap3A_490 = vector.shape_cast %swap3A_489 : vector<16xi32> to vector<16xi32>
        %swap3A_491 = vector.shape_cast %get3A_487 : vector<16xi32> to vector<16xi32>
        tpu.vector_store %arg12[%swap3A_488], %swap3A_491 {strides = array<i32>} : memref<128xi32, #tpu.memory_space<vmem>>, vector<16xi32>,
        %get3A_492 = arith.index_cast %scan3A_243 : i32 to index
        %get3A_493 = arith.constant 80 : index
        %get3A_494 = tpu.vector_load %arg6[%get3A_492, %get3A_493] {strides = array<i32>} : memref<40x128xi32, #tpu.memory_space<vmem>>, vector<1x16xi32>,
        %get3A_495 = vector.shape_cast %get3A_494 : vector<1x16xi32> to vector<16xi32>
        %add3A_496 = vector.broadcast %mul3A_28 : i32 to vector<16xi32>
        %add3A_497 = arith.addi %get3A_495, %add3A_496 : vector<16xi32>
        %swap3A_498 = arith.constant 80 : index
        %swap3A_499 = tpu.vector_load %arg9[%swap3A_498] {strides = array<i32>} : memref<128xi32, #tpu.memory_space<vmem>>, vector<16xi32>,
        %swap3A_500 = vector.shape_cast %swap3A_499 : vector<16xi32> to vector<16xi32>
        %swap3A_501 = vector.shape_cast %add3A_497 : vector<16xi32> to vector<16xi32>
        tpu.vector_store %arg9[%swap3A_498], %swap3A_501 {strides = array<i32>} : memref<128xi32, #tpu.memory_space<vmem>>, vector<16xi32>,
        %get3A_502 = arith.index_cast %scan3A_243 : i32 to index
        %get3A_503 = arith.constant 80 : index
        %get3A_504 = tpu.vector_load %arg7[%get3A_502, %get3A_503] {strides = array<i32>} : memref<40x128xi32, #tpu.memory_space<vmem>>, vector<1x16xi32>,
        %get3A_505 = vector.shape_cast %get3A_504 : vector<1x16xi32> to vector<16xi32>
        %swap3A_506 = arith.constant 80 : index
        %swap3A_507 = tpu.vector_load %arg12[%swap3A_506] {strides = array<i32>} : memref<128xi32, #tpu.memory_space<vmem>>, vector<16xi32>,
        %swap3A_508 = vector.shape_cast %swap3A_507 : vector<16xi32> to vector<16xi32>
        %swap3A_509 = vector.shape_cast %get3A_505 : vector<16xi32> to vector<16xi32>
        tpu.vector_store %arg12[%swap3A_506], %swap3A_509 {strides = array<i32>} : memref<128xi32, #tpu.memory_space<vmem>>, vector<16xi32>,
        %get3A_510 = arith.index_cast %scan3A_243 : i32 to index
        %get3A_511 = arith.constant 96 : index
        %get3A_512 = tpu.vector_load %arg6[%get3A_510, %get3A_511] {strides = array<i32>} : memref<40x128xi32, #tpu.memory_space<vmem>>, vector<1x16xi32>,
        %get3A_513 = vector.shape_cast %get3A_512 : vector<1x16xi32> to vector<16xi32>
        %add3A_514 = vector.broadcast %mul3A_28 : i32 to vector<16xi32>
        %add3A_515 = arith.addi %get3A_513, %add3A_514 : vector<16xi32>
        %swap3A_516 = arith.constant 96 : index
        %swap3A_517 = tpu.vector_load %arg9[%swap3A_516] {strides = array<i32>} : memref<128xi32, #tpu.memory_space<vmem>>, vector<16xi32>,
        %swap3A_518 = vector.shape_cast %swap3A_517 : vector<16xi32> to vector<16xi32>
        %swap3A_519 = vector.shape_cast %add3A_515 : vector<16xi32> to vector<16xi32>
        tpu.vector_store %arg9[%swap3A_516], %swap3A_519 {strides = array<i32>} : memref<128xi32, #tpu.memory_space<vmem>>, vector<16xi32>,
        %get3A_520 = arith.index_cast %scan3A_243 : i32 to index
        %get3A_521 = arith.constant 96 : index
        %get3A_522 = tpu.vector_load %arg7[%get3A_520, %get3A_521] {strides = array<i32>} : memref<40x128xi32, #tpu.memory_space<vmem>>, vector<1x16xi32>,
        %get3A_523 = vector.shape_cast %get3A_522 : vector<1x16xi32> to vector<16xi32>
        %swap3A_524 = arith.constant 96 : index
        %swap3A_525 = tpu.vector_load %arg12[%swap3A_524] {strides = array<i32>} : memref<128xi32, #tpu.memory_space<vmem>>, vector<16xi32>,
        %swap3A_526 = vector.shape_cast %swap3A_525 : vector<16xi32> to vector<16xi32>
        %swap3A_527 = vector.shape_cast %get3A_523 : vector<16xi32> to vector<16xi32>
        tpu.vector_store %arg12[%swap3A_524], %swap3A_527 {strides = array<i32>} : memref<128xi32, #tpu.memory_space<vmem>>, vector<16xi32>,
        %get3A_528 = arith.index_cast %scan3A_243 : i32 to index
        %get3A_529 = arith.constant 112 : index
        %get3A_530 = tpu.vector_load %arg6[%get3A_528, %get3A_529] {strides = array<i32>} : memref<40x128xi32, #tpu.memory_space<vmem>>, vector<1x16xi32>,
        %get3A_531 = vector.shape_cast %get3A_530 : vector<1x16xi32> to vector<16xi32>
        %add3A_532 = vector.broadcast %mul3A_28 : i32 to vector<16xi32>
        %add3A_533 = arith.addi %get3A_531, %add3A_532 : vector<16xi32>
        %swap3A_534 = arith.constant 112 : index
        %swap3A_535 = tpu.vector_load %arg9[%swap3A_534] {strides = array<i32>} : memref<128xi32, #tpu.memory_space<vmem>>, vector<16xi32>,
        %swap3A_536 = vector.shape_cast %swap3A_535 : vector<16xi32> to vector<16xi32>
        %swap3A_537 = vector.shape_cast %add3A_533 : vector<16xi32> to vector<16xi32>
        tpu.vector_store %arg9[%swap3A_534], %swap3A_537 {strides = array<i32>} : memref<128xi32, #tpu.memory_space<vmem>>, vector<16xi32>,
        %get3A_538 = arith.index_cast %scan3A_243 : i32 to index
        %get3A_539 = arith.constant 112 : index
        %get3A_540 = tpu.vector_load %arg7[%get3A_538, %get3A_539] {strides = array<i32>} : memref<40x128xi32, #tpu.memory_space<vmem>>, vector<1x16xi32>,
        %get3A_541 = vector.shape_cast %get3A_540 : vector<1x16xi32> to vector<16xi32>
        %swap3A_542 = arith.constant 112 : index
        %swap3A_543 = tpu.vector_load %arg12[%swap3A_542] {strides = array<i32>} : memref<128xi32, #tpu.memory_space<vmem>>, vector<16xi32>,
        %swap3A_544 = vector.shape_cast %swap3A_543 : vector<16xi32> to vector<16xi32>
        %swap3A_545 = vector.shape_cast %get3A_541 : vector<16xi32> to vector<16xi32>
        tpu.vector_store %arg12[%swap3A_542], %swap3A_545 {strides = array<i32>} : memref<128xi32, #tpu.memory_space<vmem>>, vector<16xi32>,
        %dma_start3A = arith.constant 0 : i32
        %dma_start3A_546 = arith.constant 0 : i32
        %dma_start3A_547 = tpu.memref_slice %arg2[%dma_start3A, %dma_start3A_546] : memref<20000x64xf32, #tpu.memory_space<hbm>> -> memref<20000x64xf32, #tpu.memory_space<hbm>>
        tpu.enqueue_indirect_dma source(%dma_start3A_547 : memref<20000x64xf32, #tpu.memory_space<hbm>>) target(%arg15 : memref<128x64xf32, #tpu.memory_space<vmem>>) offsets(%arg9 : memref<128xi32, #tpu.memory_space<vmem>>) semaphore(%arg25 : memref<!tpu.dma_semaphore, #tpu.memory_space<semaphore_mem>>)
      } else {
      }
      %lt3A_289 = arith.constant 40 : i32
      %lt3A_290 = arith.cmpi slt, %scan3A_243, %lt3A_289 : i32
      %jit3A_291 = arith.constant 3 : i32
      %eq3A_292 = arith.constant 0 : i32
      %eq3A_293 = arith.cmpi eq, %jit3A_291, %eq3A_292 : i32
      %jit3A_294 = arith.constant 1 : i32
      %select_n3A_295 = arith.select %eq3A_293, %jit3A_294, %jit3A_291 : i32
      %rem3A_296 = arith.remsi %scan3A_243, %select_n3A_295 : i32
      %ne3A_297 = arith.constant 0 : i32
      %ne3A_298 = arith.cmpi ne, %rem3A_296, %ne3A_297 : i32
      %lt3A_299 = arith.constant 0 : i32
      %lt3A_300 = arith.cmpi slt, %rem3A_296, %lt3A_299 : i32
      %lt3A_301 = arith.constant 0 : i32
      %lt3A_302 = arith.cmpi slt, %select_n3A_295, %lt3A_301 : i32
      %ne3A_303 = arith.xori %lt3A_300, %lt3A_302 : i1
      %and3A_304 = arith.andi %ne3A_303, %ne3A_298 : i1
      %add3A_305 = arith.addi %rem3A_296, %select_n3A_295 : i32
      %select_n3A_306 = arith.select %and3A_304, %add3A_305, %rem3A_296 : i32
      %eq3A_307 = arith.constant 2 : i32
      %eq3A_308 = arith.cmpi eq, %select_n3A_306, %eq3A_307 : i32
      %and3A_309 = arith.andi %lt3A_290, %eq3A_308 : i1
      %convert_element_type3A_310 = arith.extui %and3A_309 : i1 to i32
      %cond3A_311 = arith.constant 0 : i32
      %cond3A_312 = arith.cmpi ne, %convert_element_type3A_310, %cond3A_311 : i32
      scf.if %cond3A_312 {
        %ge3A_399 = arith.constant 3 : i32
        %ge3A_400 = arith.cmpi sge, %scan3A_243, %ge3A_399 : i32
        %convert_element_type3A_401 = arith.extui %ge3A_400 : i1 to i32
        %cond3A_402 = arith.constant 0 : i32
        %cond3A_403 = arith.cmpi ne, %convert_element_type3A_401, %cond3A_402 : i32
        scf.if %cond3A_403 {
          %dma_wait3A_548 = arith.constant 0 : i32
          %dma_wait3A_549 = arith.constant 0 : i32
          %dma_wait3A_550 = tpu.memref_slice %arg22[%dma_wait3A_548, %dma_wait3A_549] : memref<10008x64xf32, #tpu.memory_space<vmem_shared>> -> memref<10008x64xf32, #tpu.memory_space<vmem_shared>>
          tpu.wait_indirect_dma semaphore(%arg32 : memref<!tpu.dma_semaphore, #tpu.memory_space<semaphore_mem>>) src(%arg16 : memref<128x64xf32, #tpu.memory_space<vmem>>) dst(%dma_wait3A_550 : memref<10008x64xf32, #tpu.memory_space<vmem_shared>>)
          %eq3A_551 = arith.constant 0 : i32
          %eq3A_552 = arith.cmpi eq, %arg0, %eq3A_551 : i32
          %convert_element_type3A_553 = arith.extui %eq3A_552 : i1 to i32
          %cond3A_554 = arith.constant 0 : i32
          %cond3A_555 = arith.cmpi ne, %convert_element_type3A_553, %cond3A_554 : i32
          scf.if %cond3A_555 {
            %dma_wait3A_556 = arith.constant 0 : i32
            %dma_wait3A_557 = arith.constant 0 : i32
            %dma_wait3A_558 = tpu.memref_slice %arg23[%dma_wait3A_556, %dma_wait3A_557] : memref<10008x16xf32, #tpu.memory_space<vmem_shared>> -> memref<10008x16xf32, #tpu.memory_space<vmem_shared>>
            tpu.wait_indirect_dma semaphore(%arg29 : memref<!tpu.dma_semaphore, #tpu.memory_space<semaphore_mem>>) src(%arg17 : memref<128x16xf32, #tpu.memory_space<vmem>>) dst(%dma_wait3A_558 : memref<10008x16xf32, #tpu.memory_space<vmem_shared>>)
          } else {
          }
        } else {
        }
        %get3A = arith.index_cast %scan3A_243 : i32 to index
        %get3A_404 = arith.constant 0 : index
        %get3A_405 = tpu.vector_load %arg6[%get3A, %get3A_404] {strides = array<i32>} : memref<40x128xi32, #tpu.memory_space<vmem>>, vector<1x16xi32>,
        %get3A_406 = vector.shape_cast %get3A_405 : vector<1x16xi32> to vector<16xi32>
        %add3A_407 = vector.broadcast %mul3A_28 : i32 to vector<16xi32>
        %add3A_408 = arith.addi %get3A_406, %add3A_407 : vector<16xi32>
        %swap3A = arith.constant 0 : index
        %swap3A_409 = tpu.vector_load %arg10[%swap3A] {strides = array<i32>} : memref<128xi32, #tpu.memory_space<vmem>>, vector<16xi32>,
        %swap3A_410 = vector.shape_cast %swap3A_409 : vector<16xi32> to vector<16xi32>
        %swap3A_411 = vector.shape_cast %add3A_408 : vector<16xi32> to vector<16xi32>
        tpu.vector_store %arg10[%swap3A], %swap3A_411 {strides = array<i32>} : memref<128xi32, #tpu.memory_space<vmem>>, vector<16xi32>,
        %get3A_412 = arith.index_cast %scan3A_243 : i32 to index
        %get3A_413 = arith.constant 0 : index
        %get3A_414 = tpu.vector_load %arg7[%get3A_412, %get3A_413] {strides = array<i32>} : memref<40x128xi32, #tpu.memory_space<vmem>>, vector<1x16xi32>,
        %get3A_415 = vector.shape_cast %get3A_414 : vector<1x16xi32> to vector<16xi32>
        %swap3A_416 = arith.constant 0 : index
        %swap3A_417 = tpu.vector_load %arg13[%swap3A_416] {strides = array<i32>} : memref<128xi32, #tpu.memory_space<vmem>>, vector<16xi32>,
        %swap3A_418 = vector.shape_cast %swap3A_417 : vector<16xi32> to vector<16xi32>
        %swap3A_419 = vector.shape_cast %get3A_415 : vector<16xi32> to vector<16xi32>
        tpu.vector_store %arg13[%swap3A_416], %swap3A_419 {strides = array<i32>} : memref<128xi32, #tpu.memory_space<vmem>>, vector<16xi32>,
        %get3A_420 = arith.index_cast %scan3A_243 : i32 to index
        %get3A_421 = arith.constant 16 : index
        %get3A_422 = tpu.vector_load %arg6[%get3A_420, %get3A_421] {strides = array<i32>} : memref<40x128xi32, #tpu.memory_space<vmem>>, vector<1x16xi32>,
        %get3A_423 = vector.shape_cast %get3A_422 : vector<1x16xi32> to vector<16xi32>
        %add3A_424 = vector.broadcast %mul3A_28 : i32 to vector<16xi32>
        %add3A_425 = arith.addi %get3A_423, %add3A_424 : vector<16xi32>
        %swap3A_426 = arith.constant 16 : index
        %swap3A_427 = tpu.vector_load %arg10[%swap3A_426] {strides = array<i32>} : memref<128xi32, #tpu.memory_space<vmem>>, vector<16xi32>,
        %swap3A_428 = vector.shape_cast %swap3A_427 : vector<16xi32> to vector<16xi32>
        %swap3A_429 = vector.shape_cast %add3A_425 : vector<16xi32> to vector<16xi32>
        tpu.vector_store %arg10[%swap3A_426], %swap3A_429 {strides = array<i32>} : memref<128xi32, #tpu.memory_space<vmem>>, vector<16xi32>,
        %get3A_430 = arith.index_cast %scan3A_243 : i32 to index
        %get3A_431 = arith.constant 16 : index
        %get3A_432 = tpu.vector_load %arg7[%get3A_430, %get3A_431] {strides = array<i32>} : memref<40x128xi32, #tpu.memory_space<vmem>>, vector<1x16xi32>,
        %get3A_433 = vector.shape_cast %get3A_432 : vector<1x16xi32> to vector<16xi32>
        %swap3A_434 = arith.constant 16 : index
        %swap3A_435 = tpu.vector_load %arg13[%swap3A_434] {strides = array<i32>} : memref<128xi32, #tpu.memory_space<vmem>>, vector<16xi32>,
        %swap3A_436 = vector.shape_cast %swap3A_435 : vector<16xi32> to vector<16xi32>
        %swap3A_437 = vector.shape_cast %get3A_433 : vector<16xi32> to vector<16xi32>
        tpu.vector_store %arg13[%swap3A_434], %swap3A_437 {strides = array<i32>} : memref<128xi32, #tpu.memory_space<vmem>>, vector<16xi32>,
        %get3A_438 = arith.index_cast %scan3A_243 : i32 to index
        %get3A_439 = arith.constant 32 : index
        %get3A_440 = tpu.vector_load %arg6[%get3A_438, %get3A_439] {strides = array<i32>} : memref<40x128xi32, #tpu.memory_space<vmem>>, vector<1x16xi32>,
        %get3A_441 = vector.shape_cast %get3A_440 : vector<1x16xi32> to vector<16xi32>
        %add3A_442 = vector.broadcast %mul3A_28 : i32 to vector<16xi32>
        %add3A_443 = arith.addi %get3A_441, %add3A_442 : vector<16xi32>
        %swap3A_444 = arith.constant 32 : index
        %swap3A_445 = tpu.vector_load %arg10[%swap3A_444] {strides = array<i32>} : memref<128xi32, #tpu.memory_space<vmem>>, vector<16xi32>,
        %swap3A_446 = vector.shape_cast %swap3A_445 : vector<16xi32> to vector<16xi32>
        %swap3A_447 = vector.shape_cast %add3A_443 : vector<16xi32> to vector<16xi32>
        tpu.vector_store %arg10[%swap3A_444], %swap3A_447 {strides = array<i32>} : memref<128xi32, #tpu.memory_space<vmem>>, vector<16xi32>,
        %get3A_448 = arith.index_cast %scan3A_243 : i32 to index
        %get3A_449 = arith.constant 32 : index
        %get3A_450 = tpu.vector_load %arg7[%get3A_448, %get3A_449] {strides = array<i32>} : memref<40x128xi32, #tpu.memory_space<vmem>>, vector<1x16xi32>,
        %get3A_451 = vector.shape_cast %get3A_450 : vector<1x16xi32> to vector<16xi32>
        %swap3A_452 = arith.constant 32 : index
        %swap3A_453 = tpu.vector_load %arg13[%swap3A_452] {strides = array<i32>} : memref<128xi32, #tpu.memory_space<vmem>>, vector<16xi32>,
        %swap3A_454 = vector.shape_cast %swap3A_453 : vector<16xi32> to vector<16xi32>
        %swap3A_455 = vector.shape_cast %get3A_451 : vector<16xi32> to vector<16xi32>
        tpu.vector_store %arg13[%swap3A_452], %swap3A_455 {strides = array<i32>} : memref<128xi32, #tpu.memory_space<vmem>>, vector<16xi32>,
        %get3A_456 = arith.index_cast %scan3A_243 : i32 to index
        %get3A_457 = arith.constant 48 : index
        %get3A_458 = tpu.vector_load %arg6[%get3A_456, %get3A_457] {strides = array<i32>} : memref<40x128xi32, #tpu.memory_space<vmem>>, vector<1x16xi32>,
        %get3A_459 = vector.shape_cast %get3A_458 : vector<1x16xi32> to vector<16xi32>
        %add3A_460 = vector.broadcast %mul3A_28 : i32 to vector<16xi32>
        %add3A_461 = arith.addi %get3A_459, %add3A_460 : vector<16xi32>
        %swap3A_462 = arith.constant 48 : index
        %swap3A_463 = tpu.vector_load %arg10[%swap3A_462] {strides = array<i32>} : memref<128xi32, #tpu.memory_space<vmem>>, vector<16xi32>,
        %swap3A_464 = vector.shape_cast %swap3A_463 : vector<16xi32> to vector<16xi32>
        %swap3A_465 = vector.shape_cast %add3A_461 : vector<16xi32> to vector<16xi32>
        tpu.vector_store %arg10[%swap3A_462], %swap3A_465 {strides = array<i32>} : memref<128xi32, #tpu.memory_space<vmem>>, vector<16xi32>,
        %get3A_466 = arith.index_cast %scan3A_243 : i32 to index
        %get3A_467 = arith.constant 48 : index
        %get3A_468 = tpu.vector_load %arg7[%get3A_466, %get3A_467] {strides = array<i32>} : memref<40x128xi32, #tpu.memory_space<vmem>>, vector<1x16xi32>,
        %get3A_469 = vector.shape_cast %get3A_468 : vector<1x16xi32> to vector<16xi32>
        %swap3A_470 = arith.constant 48 : index
        %swap3A_471 = tpu.vector_load %arg13[%swap3A_470] {strides = array<i32>} : memref<128xi32, #tpu.memory_space<vmem>>, vector<16xi32>,
        %swap3A_472 = vector.shape_cast %swap3A_471 : vector<16xi32> to vector<16xi32>
        %swap3A_473 = vector.shape_cast %get3A_469 : vector<16xi32> to vector<16xi32>
        tpu.vector_store %arg13[%swap3A_470], %swap3A_473 {strides = array<i32>} : memref<128xi32, #tpu.memory_space<vmem>>, vector<16xi32>,
        %get3A_474 = arith.index_cast %scan3A_243 : i32 to index
        %get3A_475 = arith.constant 64 : index
        %get3A_476 = tpu.vector_load %arg6[%get3A_474, %get3A_475] {strides = array<i32>} : memref<40x128xi32, #tpu.memory_space<vmem>>, vector<1x16xi32>,
        %get3A_477 = vector.shape_cast %get3A_476 : vector<1x16xi32> to vector<16xi32>
        %add3A_478 = vector.broadcast %mul3A_28 : i32 to vector<16xi32>
        %add3A_479 = arith.addi %get3A_477, %add3A_478 : vector<16xi32>
        %swap3A_480 = arith.constant 64 : index
        %swap3A_481 = tpu.vector_load %arg10[%swap3A_480] {strides = array<i32>} : memref<128xi32, #tpu.memory_space<vmem>>, vector<16xi32>,
        %swap3A_482 = vector.shape_cast %swap3A_481 : vector<16xi32> to vector<16xi32>
        %swap3A_483 = vector.shape_cast %add3A_479 : vector<16xi32> to vector<16xi32>
        tpu.vector_store %arg10[%swap3A_480], %swap3A_483 {strides = array<i32>} : memref<128xi32, #tpu.memory_space<vmem>>, vector<16xi32>,
        %get3A_484 = arith.index_cast %scan3A_243 : i32 to index
        %get3A_485 = arith.constant 64 : index
        %get3A_486 = tpu.vector_load %arg7[%get3A_484, %get3A_485] {strides = array<i32>} : memref<40x128xi32, #tpu.memory_space<vmem>>, vector<1x16xi32>,
        %get3A_487 = vector.shape_cast %get3A_486 : vector<1x16xi32> to vector<16xi32>
        %swap3A_488 = arith.constant 64 : index
        %swap3A_489 = tpu.vector_load %arg13[%swap3A_488] {strides = array<i32>} : memref<128xi32, #tpu.memory_space<vmem>>, vector<16xi32>,
        %swap3A_490 = vector.shape_cast %swap3A_489 : vector<16xi32> to vector<16xi32>
        %swap3A_491 = vector.shape_cast %get3A_487 : vector<16xi32> to vector<16xi32>
        tpu.vector_store %arg13[%swap3A_488], %swap3A_491 {strides = array<i32>} : memref<128xi32, #tpu.memory_space<vmem>>, vector<16xi32>,
        %get3A_492 = arith.index_cast %scan3A_243 : i32 to index
        %get3A_493 = arith.constant 80 : index
        %get3A_494 = tpu.vector_load %arg6[%get3A_492, %get3A_493] {strides = array<i32>} : memref<40x128xi32, #tpu.memory_space<vmem>>, vector<1x16xi32>,
        %get3A_495 = vector.shape_cast %get3A_494 : vector<1x16xi32> to vector<16xi32>
        %add3A_496 = vector.broadcast %mul3A_28 : i32 to vector<16xi32>
        %add3A_497 = arith.addi %get3A_495, %add3A_496 : vector<16xi32>
        %swap3A_498 = arith.constant 80 : index
        %swap3A_499 = tpu.vector_load %arg10[%swap3A_498] {strides = array<i32>} : memref<128xi32, #tpu.memory_space<vmem>>, vector<16xi32>,
        %swap3A_500 = vector.shape_cast %swap3A_499 : vector<16xi32> to vector<16xi32>
        %swap3A_501 = vector.shape_cast %add3A_497 : vector<16xi32> to vector<16xi32>
        tpu.vector_store %arg10[%swap3A_498], %swap3A_501 {strides = array<i32>} : memref<128xi32, #tpu.memory_space<vmem>>, vector<16xi32>,
        %get3A_502 = arith.index_cast %scan3A_243 : i32 to index
        %get3A_503 = arith.constant 80 : index
        %get3A_504 = tpu.vector_load %arg7[%get3A_502, %get3A_503] {strides = array<i32>} : memref<40x128xi32, #tpu.memory_space<vmem>>, vector<1x16xi32>,
        %get3A_505 = vector.shape_cast %get3A_504 : vector<1x16xi32> to vector<16xi32>
        %swap3A_506 = arith.constant 80 : index
        %swap3A_507 = tpu.vector_load %arg13[%swap3A_506] {strides = array<i32>} : memref<128xi32, #tpu.memory_space<vmem>>, vector<16xi32>,
        %swap3A_508 = vector.shape_cast %swap3A_507 : vector<16xi32> to vector<16xi32>
        %swap3A_509 = vector.shape_cast %get3A_505 : vector<16xi32> to vector<16xi32>
        tpu.vector_store %arg13[%swap3A_506], %swap3A_509 {strides = array<i32>} : memref<128xi32, #tpu.memory_space<vmem>>, vector<16xi32>,
        %get3A_510 = arith.index_cast %scan3A_243 : i32 to index
        %get3A_511 = arith.constant 96 : index
        %get3A_512 = tpu.vector_load %arg6[%get3A_510, %get3A_511] {strides = array<i32>} : memref<40x128xi32, #tpu.memory_space<vmem>>, vector<1x16xi32>,
        %get3A_513 = vector.shape_cast %get3A_512 : vector<1x16xi32> to vector<16xi32>
        %add3A_514 = vector.broadcast %mul3A_28 : i32 to vector<16xi32>
        %add3A_515 = arith.addi %get3A_513, %add3A_514 : vector<16xi32>
        %swap3A_516 = arith.constant 96 : index
        %swap3A_517 = tpu.vector_load %arg10[%swap3A_516] {strides = array<i32>} : memref<128xi32, #tpu.memory_space<vmem>>, vector<16xi32>,
        %swap3A_518 = vector.shape_cast %swap3A_517 : vector<16xi32> to vector<16xi32>
        %swap3A_519 = vector.shape_cast %add3A_515 : vector<16xi32> to vector<16xi32>
        tpu.vector_store %arg10[%swap3A_516], %swap3A_519 {strides = array<i32>} : memref<128xi32, #tpu.memory_space<vmem>>, vector<16xi32>,
        %get3A_520 = arith.index_cast %scan3A_243 : i32 to index
        %get3A_521 = arith.constant 96 : index
        %get3A_522 = tpu.vector_load %arg7[%get3A_520, %get3A_521] {strides = array<i32>} : memref<40x128xi32, #tpu.memory_space<vmem>>, vector<1x16xi32>,
        %get3A_523 = vector.shape_cast %get3A_522 : vector<1x16xi32> to vector<16xi32>
        %swap3A_524 = arith.constant 96 : index
        %swap3A_525 = tpu.vector_load %arg13[%swap3A_524] {strides = array<i32>} : memref<128xi32, #tpu.memory_space<vmem>>, vector<16xi32>,
        %swap3A_526 = vector.shape_cast %swap3A_525 : vector<16xi32> to vector<16xi32>
        %swap3A_527 = vector.shape_cast %get3A_523 : vector<16xi32> to vector<16xi32>
        tpu.vector_store %arg13[%swap3A_524], %swap3A_527 {strides = array<i32>} : memref<128xi32, #tpu.memory_space<vmem>>, vector<16xi32>,
        %get3A_528 = arith.index_cast %scan3A_243 : i32 to index
        %get3A_529 = arith.constant 112 : index
        %get3A_530 = tpu.vector_load %arg6[%get3A_528, %get3A_529] {strides = array<i32>} : memref<40x128xi32, #tpu.memory_space<vmem>>, vector<1x16xi32>,
        %get3A_531 = vector.shape_cast %get3A_530 : vector<1x16xi32> to vector<16xi32>
        %add3A_532 = vector.broadcast %mul3A_28 : i32 to vector<16xi32>
        %add3A_533 = arith.addi %get3A_531, %add3A_532 : vector<16xi32>
        %swap3A_534 = arith.constant 112 : index
        %swap3A_535 = tpu.vector_load %arg10[%swap3A_534] {strides = array<i32>} : memref<128xi32, #tpu.memory_space<vmem>>, vector<16xi32>,
        %swap3A_536 = vector.shape_cast %swap3A_535 : vector<16xi32> to vector<16xi32>
        %swap3A_537 = vector.shape_cast %add3A_533 : vector<16xi32> to vector<16xi32>
        tpu.vector_store %arg10[%swap3A_534], %swap3A_537 {strides = array<i32>} : memref<128xi32, #tpu.memory_space<vmem>>, vector<16xi32>,
        %get3A_538 = arith.index_cast %scan3A_243 : i32 to index
        %get3A_539 = arith.constant 112 : index
        %get3A_540 = tpu.vector_load %arg7[%get3A_538, %get3A_539] {strides = array<i32>} : memref<40x128xi32, #tpu.memory_space<vmem>>, vector<1x16xi32>,
        %get3A_541 = vector.shape_cast %get3A_540 : vector<1x16xi32> to vector<16xi32>
        %swap3A_542 = arith.constant 112 : index
        %swap3A_543 = tpu.vector_load %arg13[%swap3A_542] {strides = array<i32>} : memref<128xi32, #tpu.memory_space<vmem>>, vector<16xi32>,
        %swap3A_544 = vector.shape_cast %swap3A_543 : vector<16xi32> to vector<16xi32>
        %swap3A_545 = vector.shape_cast %get3A_541 : vector<16xi32> to vector<16xi32>
        tpu.vector_store %arg13[%swap3A_542], %swap3A_545 {strides = array<i32>} : memref<128xi32, #tpu.memory_space<vmem>>, vector<16xi32>,
        %dma_start3A = arith.constant 0 : i32
        %dma_start3A_546 = arith.constant 0 : i32
        %dma_start3A_547 = tpu.memref_slice %arg2[%dma_start3A, %dma_start3A_546] : memref<20000x64xf32, #tpu.memory_space<hbm>> -> memref<20000x64xf32, #tpu.memory_space<hbm>>
        tpu.enqueue_indirect_dma source(%dma_start3A_547 : memref<20000x64xf32, #tpu.memory_space<hbm>>) target(%arg16 : memref<128x64xf32, #tpu.memory_space<vmem>>) offsets(%arg10 : memref<128xi32, #tpu.memory_space<vmem>>) semaphore(%arg26 : memref<!tpu.dma_semaphore, #tpu.memory_space<semaphore_mem>>)
      } else {
      }
      %ge3A = arith.constant 2 : i32
      %ge3A_313 = arith.cmpi sge, %scan3A_243, %ge3A : i32
      %lt3A_314 = arith.constant 42 : i32
      %lt3A_315 = arith.cmpi slt, %scan3A_243, %lt3A_314 : i32
      %and3A_316 = arith.andi %ge3A_313, %lt3A_315 : i1
      %sub3A_317 = arith.constant 2 : i32
      %sub3A_318 = arith.subi %scan3A_243, %sub3A_317 : i32
      %jit3A_319 = arith.constant 3 : i32
      %eq3A_320 = arith.constant 0 : i32
      %eq3A_321 = arith.cmpi eq, %jit3A_319, %eq3A_320 : i32
      %jit3A_322 = arith.constant 1 : i32
      %select_n3A_323 = arith.select %eq3A_321, %jit3A_322, %jit3A_319 : i32
      %rem3A_324 = arith.remsi %sub3A_318, %select_n3A_323 : i32
      %ne3A_325 = arith.constant 0 : i32
      %ne3A_326 = arith.cmpi ne, %rem3A_324, %ne3A_325 : i32
      %lt3A_327 = arith.constant 0 : i32
      %lt3A_328 = arith.cmpi slt, %rem3A_324, %lt3A_327 : i32
      %lt3A_329 = arith.constant 0 : i32
      %lt3A_330 = arith.cmpi slt, %select_n3A_323, %lt3A_329 : i32
      %ne3A_331 = arith.xori %lt3A_328, %lt3A_330 : i1
      %and3A_332 = arith.andi %ne3A_331, %ne3A_326 : i1
      %add3A_333 = arith.addi %rem3A_324, %select_n3A_323 : i32
      %select_n3A_334 = arith.select %and3A_332, %add3A_333, %rem3A_324 : i32
      %eq3A_335 = arith.constant 0 : i32
      %eq3A_336 = arith.cmpi eq, %select_n3A_334, %eq3A_335 : i32
      %and3A_337 = arith.andi %and3A_316, %eq3A_336 : i1
      %convert_element_type3A_338 = arith.extui %and3A_337 : i1 to i32
      %cond3A_339 = arith.constant 0 : i32
      %cond3A_340 = arith.cmpi ne, %convert_element_type3A_338, %cond3A_339 : i32
      scf.if %cond3A_340 {
        %dma_wait3A_399 = arith.constant 0 : i32
        %dma_wait3A_400 = arith.constant 0 : i32
        %dma_wait3A_401 = tpu.memref_slice %arg2[%dma_wait3A_399, %dma_wait3A_400] : memref<20000x64xf32, #tpu.memory_space<hbm>> -> memref<20000x64xf32, #tpu.memory_space<hbm>>
        tpu.wait_indirect_dma semaphore(%arg24 : memref<!tpu.dma_semaphore, #tpu.memory_space<semaphore_mem>>) src(%dma_wait3A_401 : memref<20000x64xf32, #tpu.memory_space<hbm>>) dst(%arg14 : memref<128x64xf32, #tpu.memory_space<vmem>>)
        %dma_start3A = arith.constant 0 : i32
        %dma_start3A_402 = arith.constant 0 : i32
        %dma_start3A_403 = tpu.memref_slice %arg22[%dma_start3A, %dma_start3A_402] : memref<10008x64xf32, #tpu.memory_space<vmem_shared>> -> memref<10008x64xf32, #tpu.memory_space<vmem_shared>>
        tpu.enqueue_indirect_dma source(%arg14 : memref<128x64xf32, #tpu.memory_space<vmem>>) target(%dma_start3A_403 : memref<10008x64xf32, #tpu.memory_space<vmem_shared>>) offsets(%arg11 : memref<128xi32, #tpu.memory_space<vmem>>) semaphore(%arg30 : memref<!tpu.dma_semaphore, #tpu.memory_space<semaphore_mem>>) {add = true}
        %eq3A_404 = arith.constant 0 : i32
        %eq3A_405 = arith.cmpi eq, %arg0, %eq3A_404 : i32
        %convert_element_type3A_406 = arith.extui %eq3A_405 : i1 to i32
        %cond3A_407 = arith.constant 0 : i32
        %cond3A_408 = arith.cmpi ne, %convert_element_type3A_406, %cond3A_407 : i32
        scf.if %cond3A_408 {
          %dma_start3A_409 = arith.constant 0 : i32
          %dma_start3A_410 = arith.constant 0 : i32
          %dma_start3A_411 = tpu.memref_slice %arg23[%dma_start3A_409, %dma_start3A_410] : memref<10008x16xf32, #tpu.memory_space<vmem_shared>> -> memref<10008x16xf32, #tpu.memory_space<vmem_shared>>
          tpu.enqueue_indirect_dma source(%arg17 : memref<128x16xf32, #tpu.memory_space<vmem>>) target(%dma_start3A_411 : memref<10008x16xf32, #tpu.memory_space<vmem_shared>>) offsets(%arg11 : memref<128xi32, #tpu.memory_space<vmem>>) semaphore(%arg27 : memref<!tpu.dma_semaphore, #tpu.memory_space<semaphore_mem>>) {add = true}
        } else {
        }
      } else {
      }
      %ge3A_341 = arith.constant 2 : i32
      %ge3A_342 = arith.cmpi sge, %scan3A_243, %ge3A_341 : i32
      %lt3A_343 = arith.constant 42 : i32
      %lt3A_344 = arith.cmpi slt, %scan3A_243, %lt3A_343 : i32
      %and3A_345 = arith.andi %ge3A_342, %lt3A_344 : i1
      %sub3A_346 = arith.constant 2 : i32
      %sub3A_347 = arith.subi %scan3A_243, %sub3A_346 : i32
      %jit3A_348 = arith.constant 3 : i32
      %eq3A_349 = arith.constant 0 : i32
      %eq3A_350 = arith.cmpi eq, %jit3A_348, %eq3A_349 : i32
      %jit3A_351 = arith.constant 1 : i32
      %select_n3A_352 = arith.select %eq3A_350, %jit3A_351, %jit3A_348 : i32
      %rem3A_353 = arith.remsi %sub3A_347, %select_n3A_352 : i32
      %ne3A_354 = arith.constant 0 : i32
      %ne3A_355 = arith.cmpi ne, %rem3A_353, %ne3A_354 : i32
      %lt3A_356 = arith.constant 0 : i32
      %lt3A_357 = arith.cmpi slt, %rem3A_353, %lt3A_356 : i32
      %lt3A_358 = arith.constant 0 : i32
      %lt3A_359 = arith.cmpi slt, %select_n3A_352, %lt3A_358 : i32
      %ne3A_360 = arith.xori %lt3A_357, %lt3A_359 : i1
      %and3A_361 = arith.andi %ne3A_360, %ne3A_355 : i1
      %add3A_362 = arith.addi %rem3A_353, %select_n3A_352 : i32
      %select_n3A_363 = arith.select %and3A_361, %add3A_362, %rem3A_353 : i32
      %eq3A_364 = arith.constant 1 : i32
      %eq3A_365 = arith.cmpi eq, %select_n3A_363, %eq3A_364 : i32
      %and3A_366 = arith.andi %and3A_345, %eq3A_365 : i1
      %convert_element_type3A_367 = arith.extui %and3A_366 : i1 to i32
      %cond3A_368 = arith.constant 0 : i32
      %cond3A_369 = arith.cmpi ne, %convert_element_type3A_367, %cond3A_368 : i32
      scf.if %cond3A_369 {
        %dma_wait3A_399 = arith.constant 0 : i32
        %dma_wait3A_400 = arith.constant 0 : i32
        %dma_wait3A_401 = tpu.memref_slice %arg2[%dma_wait3A_399, %dma_wait3A_400] : memref<20000x64xf32, #tpu.memory_space<hbm>> -> memref<20000x64xf32, #tpu.memory_space<hbm>>
        tpu.wait_indirect_dma semaphore(%arg25 : memref<!tpu.dma_semaphore, #tpu.memory_space<semaphore_mem>>) src(%dma_wait3A_401 : memref<20000x64xf32, #tpu.memory_space<hbm>>) dst(%arg15 : memref<128x64xf32, #tpu.memory_space<vmem>>)
        %dma_start3A = arith.constant 0 : i32
        %dma_start3A_402 = arith.constant 0 : i32
        %dma_start3A_403 = tpu.memref_slice %arg22[%dma_start3A, %dma_start3A_402] : memref<10008x64xf32, #tpu.memory_space<vmem_shared>> -> memref<10008x64xf32, #tpu.memory_space<vmem_shared>>
        tpu.enqueue_indirect_dma source(%arg15 : memref<128x64xf32, #tpu.memory_space<vmem>>) target(%dma_start3A_403 : memref<10008x64xf32, #tpu.memory_space<vmem_shared>>) offsets(%arg12 : memref<128xi32, #tpu.memory_space<vmem>>) semaphore(%arg31 : memref<!tpu.dma_semaphore, #tpu.memory_space<semaphore_mem>>) {add = true}
        %eq3A_404 = arith.constant 0 : i32
        %eq3A_405 = arith.cmpi eq, %arg0, %eq3A_404 : i32
        %convert_element_type3A_406 = arith.extui %eq3A_405 : i1 to i32
        %cond3A_407 = arith.constant 0 : i32
        %cond3A_408 = arith.cmpi ne, %convert_element_type3A_406, %cond3A_407 : i32
        scf.if %cond3A_408 {
          %dma_start3A_409 = arith.constant 0 : i32
          %dma_start3A_410 = arith.constant 0 : i32
          %dma_start3A_411 = tpu.memref_slice %arg23[%dma_start3A_409, %dma_start3A_410] : memref<10008x16xf32, #tpu.memory_space<vmem_shared>> -> memref<10008x16xf32, #tpu.memory_space<vmem_shared>>
          tpu.enqueue_indirect_dma source(%arg17 : memref<128x16xf32, #tpu.memory_space<vmem>>) target(%dma_start3A_411 : memref<10008x16xf32, #tpu.memory_space<vmem_shared>>) offsets(%arg12 : memref<128xi32, #tpu.memory_space<vmem>>) semaphore(%arg28 : memref<!tpu.dma_semaphore, #tpu.memory_space<semaphore_mem>>) {add = true}
        } else {
        }
      } else {
      }
      %ge3A_370 = arith.constant 2 : i32
      %ge3A_371 = arith.cmpi sge, %scan3A_243, %ge3A_370 : i32
      %lt3A_372 = arith.constant 42 : i32
      %lt3A_373 = arith.cmpi slt, %scan3A_243, %lt3A_372 : i32
      %and3A_374 = arith.andi %ge3A_371, %lt3A_373 : i1
      %sub3A_375 = arith.constant 2 : i32
      %sub3A_376 = arith.subi %scan3A_243, %sub3A_375 : i32
      %jit3A_377 = arith.constant 3 : i32
      %eq3A_378 = arith.constant 0 : i32
      %eq3A_379 = arith.cmpi eq, %jit3A_377, %eq3A_378 : i32
      %jit3A_380 = arith.constant 1 : i32
      %select_n3A_381 = arith.select %eq3A_379, %jit3A_380, %jit3A_377 : i32
      %rem3A_382 = arith.remsi %sub3A_376, %select_n3A_381 : i32
      %ne3A_383 = arith.constant 0 : i32
      %ne3A_384 = arith.cmpi ne, %rem3A_382, %ne3A_383 : i32
      %lt3A_385 = arith.constant 0 : i32
      %lt3A_386 = arith.cmpi slt, %rem3A_382, %lt3A_385 : i32
      %lt3A_387 = arith.constant 0 : i32
      %lt3A_388 = arith.cmpi slt, %select_n3A_381, %lt3A_387 : i32
      %ne3A_389 = arith.xori %lt3A_386, %lt3A_388 : i1
      %and3A_390 = arith.andi %ne3A_389, %ne3A_384 : i1
      %add3A_391 = arith.addi %rem3A_382, %select_n3A_381 : i32
      %select_n3A_392 = arith.select %and3A_390, %add3A_391, %rem3A_382 : i32
      %eq3A_393 = arith.constant 2 : i32
      %eq3A_394 = arith.cmpi eq, %select_n3A_392, %eq3A_393 : i32
      %and3A_395 = arith.andi %and3A_374, %eq3A_394 : i1
      %convert_element_type3A_396 = arith.extui %and3A_395 : i1 to i32
      %cond3A_397 = arith.constant 0 : i32
      %cond3A_398 = arith.cmpi ne, %convert_element_type3A_396, %cond3A_397 : i32
      scf.if %cond3A_398 {
        %dma_wait3A_399 = arith.constant 0 : i32
        %dma_wait3A_400 = arith.constant 0 : i32
        %dma_wait3A_401 = tpu.memref_slice %arg2[%dma_wait3A_399, %dma_wait3A_400] : memref<20000x64xf32, #tpu.memory_space<hbm>> -> memref<20000x64xf32, #tpu.memory_space<hbm>>
        tpu.wait_indirect_dma semaphore(%arg26 : memref<!tpu.dma_semaphore, #tpu.memory_space<semaphore_mem>>) src(%dma_wait3A_401 : memref<20000x64xf32, #tpu.memory_space<hbm>>) dst(%arg16 : memref<128x64xf32, #tpu.memory_space<vmem>>)
        %dma_start3A = arith.constant 0 : i32
        %dma_start3A_402 = arith.constant 0 : i32
        %dma_start3A_403 = tpu.memref_slice %arg22[%dma_start3A, %dma_start3A_402] : memref<10008x64xf32, #tpu.memory_space<vmem_shared>> -> memref<10008x64xf32, #tpu.memory_space<vmem_shared>>
        tpu.enqueue_indirect_dma source(%arg16 : memref<128x64xf32, #tpu.memory_space<vmem>>) target(%dma_start3A_403 : memref<10008x64xf32, #tpu.memory_space<vmem_shared>>) offsets(%arg13 : memref<128xi32, #tpu.memory_space<vmem>>) semaphore(%arg32 : memref<!tpu.dma_semaphore, #tpu.memory_space<semaphore_mem>>) {add = true}
        %eq3A_404 = arith.constant 0 : i32
        %eq3A_405 = arith.cmpi eq, %arg0, %eq3A_404 : i32
        %convert_element_type3A_406 = arith.extui %eq3A_405 : i1 to i32
        %cond3A_407 = arith.constant 0 : i32
        %cond3A_408 = arith.cmpi ne, %convert_element_type3A_406, %cond3A_407 : i32
        scf.if %cond3A_408 {
          %dma_start3A_409 = arith.constant 0 : i32
          %dma_start3A_410 = arith.constant 0 : i32
          %dma_start3A_411 = tpu.memref_slice %arg23[%dma_start3A_409, %dma_start3A_410] : memref<10008x16xf32, #tpu.memory_space<vmem_shared>> -> memref<10008x16xf32, #tpu.memory_space<vmem_shared>>
          tpu.enqueue_indirect_dma source(%arg17 : memref<128x16xf32, #tpu.memory_space<vmem>>) target(%dma_start3A_411 : memref<10008x16xf32, #tpu.memory_space<vmem_shared>>) offsets(%arg13 : memref<128xi32, #tpu.memory_space<vmem>>) semaphore(%arg29 : memref<!tpu.dma_semaphore, #tpu.memory_space<semaphore_mem>>) {add = true}
        } else {
        }
      } else {
      }
    }
    %scan3A_49 = arith.constant 42 : i32
    %dma_wait3A = arith.constant 0 : i32
    %dma_wait3A_50 = arith.constant 0 : i32
    %dma_wait3A_51 = tpu.memref_slice %arg22[%dma_wait3A, %dma_wait3A_50] : memref<10008x64xf32, #tpu.memory_space<vmem_shared>> -> memref<10008x64xf32, #tpu.memory_space<vmem_shared>>
    tpu.wait_indirect_dma semaphore(%arg30 : memref<!tpu.dma_semaphore, #tpu.memory_space<semaphore_mem>>) src(%arg14 : memref<128x64xf32, #tpu.memory_space<vmem>>) dst(%dma_wait3A_51 : memref<10008x64xf32, #tpu.memory_space<vmem_shared>>)
    %eq3A = arith.constant 0 : i32
    %eq3A_52 = arith.cmpi eq, %arg0, %eq3A : i32
    %convert_element_type3A = arith.extui %eq3A_52 : i1 to i32
    %cond3A = arith.constant 0 : i32
    %cond3A_53 = arith.cmpi ne, %convert_element_type3A, %cond3A : i32
    scf.if %cond3A_53 {
      %dma_wait3A_243 = arith.constant 0 : i32
      %dma_wait3A_244 = arith.constant 0 : i32
      %dma_wait3A_245 = tpu.memref_slice %arg23[%dma_wait3A_243, %dma_wait3A_244] : memref<10008x16xf32, #tpu.memory_space<vmem_shared>> -> memref<10008x16xf32, #tpu.memory_space<vmem_shared>>
      tpu.wait_indirect_dma semaphore(%arg27 : memref<!tpu.dma_semaphore, #tpu.memory_space<semaphore_mem>>) src(%arg17 : memref<128x16xf32, #tpu.memory_space<vmem>>) dst(%dma_wait3A_245 : memref<10008x16xf32, #tpu.memory_space<vmem_shared>>)
    } else {
    }
    %dma_wait3A_54 = arith.constant 0 : i32
    %dma_wait3A_55 = arith.constant 0 : i32
    %dma_wait3A_56 = tpu.memref_slice %arg22[%dma_wait3A_54, %dma_wait3A_55] : memref<10008x64xf32, #tpu.memory_space<vmem_shared>> -> memref<10008x64xf32, #tpu.memory_space<vmem_shared>>
    tpu.wait_indirect_dma semaphore(%arg31 : memref<!tpu.dma_semaphore, #tpu.memory_space<semaphore_mem>>) src(%arg15 : memref<128x64xf32, #tpu.memory_space<vmem>>) dst(%dma_wait3A_56 : memref<10008x64xf32, #tpu.memory_space<vmem_shared>>)
    %eq3A_57 = arith.constant 0 : i32
    %eq3A_58 = arith.cmpi eq, %arg0, %eq3A_57 : i32
    %convert_element_type3A_59 = arith.extui %eq3A_58 : i1 to i32
    %cond3A_60 = arith.constant 0 : i32
    %cond3A_61 = arith.cmpi ne, %convert_element_type3A_59, %cond3A_60 : i32
    scf.if %cond3A_61 {
      %dma_wait3A_243 = arith.constant 0 : i32
      %dma_wait3A_244 = arith.constant 0 : i32
      %dma_wait3A_245 = tpu.memref_slice %arg23[%dma_wait3A_243, %dma_wait3A_244] : memref<10008x16xf32, #tpu.memory_space<vmem_shared>> -> memref<10008x16xf32, #tpu.memory_space<vmem_shared>>
      tpu.wait_indirect_dma semaphore(%arg28 : memref<!tpu.dma_semaphore, #tpu.memory_space<semaphore_mem>>) src(%arg17 : memref<128x16xf32, #tpu.memory_space<vmem>>) dst(%dma_wait3A_245 : memref<10008x16xf32, #tpu.memory_space<vmem_shared>>)
    } else {
    }
    %dma_wait3A_62 = arith.constant 0 : i32
    %dma_wait3A_63 = arith.constant 0 : i32
    %dma_wait3A_64 = tpu.memref_slice %arg22[%dma_wait3A_62, %dma_wait3A_63] : memref<10008x64xf32, #tpu.memory_space<vmem_shared>> -> memref<10008x64xf32, #tpu.memory_space<vmem_shared>>
    tpu.wait_indirect_dma semaphore(%arg32 : memref<!tpu.dma_semaphore, #tpu.memory_space<semaphore_mem>>) src(%arg16 : memref<128x64xf32, #tpu.memory_space<vmem>>) dst(%dma_wait3A_64 : memref<10008x64xf32, #tpu.memory_space<vmem_shared>>)
    %eq3A_65 = arith.constant 0 : i32
    %eq3A_66 = arith.cmpi eq, %arg0, %eq3A_65 : i32
    %convert_element_type3A_67 = arith.extui %eq3A_66 : i1 to i32
    %cond3A_68 = arith.constant 0 : i32
    %cond3A_69 = arith.cmpi ne, %convert_element_type3A_67, %cond3A_68 : i32
    scf.if %cond3A_69 {
      %dma_wait3A_243 = arith.constant 0 : i32
      %dma_wait3A_244 = arith.constant 0 : i32
      %dma_wait3A_245 = tpu.memref_slice %arg23[%dma_wait3A_243, %dma_wait3A_244] : memref<10008x16xf32, #tpu.memory_space<vmem_shared>> -> memref<10008x16xf32, #tpu.memory_space<vmem_shared>>
      tpu.wait_indirect_dma semaphore(%arg29 : memref<!tpu.dma_semaphore, #tpu.memory_space<semaphore_mem>>) src(%arg17 : memref<128x16xf32, #tpu.memory_space<vmem>>) dst(%dma_wait3A_245 : memref<10008x16xf32, #tpu.memory_space<vmem_shared>>)
    } else {
    }
    %barrier3A_70 = arith.constant 0 : index
    tpu.barrier barrier_id(%barrier3A_70)
    %scan3A_71 = arith.constant 0 : i32
    %scan3A_72 = arith.constant 0 : i32
    %scan3A_73 = arith.constant 16 : i32
    %scan3A_74 = arith.addi %scan3A_72, %scan3A_73 : i32
    %scan3A_75 = arith.constant 1 : i32
    scf.for %scan3A_243 = %scan3A_72 to %scan3A_74 step %scan3A_75  : i32 {
      %lt3A_244 = arith.cmpi slt, %scan3A_243, %select_n3A_26 : i32
      %convert_element_type3A_245 = arith.extui %lt3A_244 : i1 to i32
      %cond3A_246 = arith.constant 0 : i32
      %cond3A_247 = arith.cmpi ne, %convert_element_type3A_245, %cond3A_246 : i32
      scf.if %cond3A_247 {
        %mul3A_248 = arith.constant 40 : i32
        %mul3A_249 = arith.muli %scan3A_243, %mul3A_248 : i32
        %add3A_250 = arith.addi %select_n3A, %mul3A_249 : i32
        "tpu.region"() ({
          %run_scoped3A_256 = tpu.sem_alloc : memref<!tpu.dma_semaphore, #tpu.memory_space<semaphore_mem>>
          %dma_start3A = arith.constant 0 : i32
          %dma_start3A_257 = tpu.memref_slice %arg22[%add3A_250, %dma_start3A] : memref<10008x64xf32, #tpu.memory_space<vmem_shared>> -> memref<40x64xf32, #tpu.memory_space<vmem_shared>>
          %dma_start3A_258 = arith.constant 0 : i32
          %dma_start3A_259 = tpu.memref_slice %arg22[%add3A_250, %dma_start3A_258] : memref<10008x64xf32, #tpu.memory_space<vmem_shared>> -> memref<40x64xf32, #tpu.memory_space<vmem_shared>>
          tpu.enqueue_dma source(%dma_start3A_259 : memref<40x64xf32, #tpu.memory_space<vmem_shared>>) target(%arg20 : memref<40x64xf32, #tpu.memory_space<vmem>>) target_semaphore(%run_scoped3A_256 : memref<!tpu.dma_semaphore, #tpu.memory_space<semaphore_mem>>)
          %dma_wait3A_260 = arith.constant 0 : i32
          %dma_wait3A_261 = tpu.memref_slice %arg22[%add3A_250, %dma_wait3A_260] : memref<10008x64xf32, #tpu.memory_space<vmem_shared>> -> memref<40x64xf32, #tpu.memory_space<vmem_shared>>
          %dma_wait3A_262 = arith.constant 0 : i32
          %dma_wait3A_263 = tpu.memref_slice %arg22[%add3A_250, %dma_wait3A_262] : memref<10008x64xf32, #tpu.memory_space<vmem_shared>> -> memref<40x64xf32, #tpu.memory_space<vmem_shared>>
          tpu.wait_dma2 semaphore(%run_scoped3A_256 : memref<!tpu.dma_semaphore, #tpu.memory_space<semaphore_mem>>) src(%dma_wait3A_263 : memref<40x64xf32, #tpu.memory_space<vmem_shared>>) dst(%arg20 : memref<40x64xf32, #tpu.memory_space<vmem>>)
          tpu.yield
        }) : () -> ()
        %run_scoped3A = arith.constant 0 : i32
        "tpu.region"() ({
          %run_scoped3A_256 = tpu.sem_alloc : memref<!tpu.dma_semaphore, #tpu.memory_space<semaphore_mem>>
          %dma_start3A = arith.constant 0 : i32
          %dma_start3A_257 = tpu.memref_slice %arg4[%arg0, %run_scoped3A, %add3A_250, %dma_start3A] : memref<2x4x10000x64xf32, #tpu.memory_space<hbm>> -> memref<1x1x40x64xf32, #tpu.memory_space<hbm>>
          %dma_start3A_258 = tpu.memref_squeeze %dma_start3A_257 : memref<1x1x40x64xf32, #tpu.memory_space<hbm>> -> memref<40x64xf32, #tpu.memory_space<hbm>>
          %dma_start3A_259 = arith.constant 0 : i32
          %dma_start3A_260 = tpu.memref_slice %arg4[%arg0, %run_scoped3A, %add3A_250, %dma_start3A_259] : memref<2x4x10000x64xf32, #tpu.memory_space<hbm>> -> memref<1x1x40x64xf32, #tpu.memory_space<hbm>>
          %dma_start3A_261 = tpu.memref_squeeze %dma_start3A_260 : memref<1x1x40x64xf32, #tpu.memory_space<hbm>> -> memref<40x64xf32, #tpu.memory_space<hbm>>
          tpu.enqueue_dma source(%arg20 : memref<40x64xf32, #tpu.memory_space<vmem>>) target(%dma_start3A_261 : memref<40x64xf32, #tpu.memory_space<hbm>>) target_semaphore(%run_scoped3A_256 : memref<!tpu.dma_semaphore, #tpu.memory_space<semaphore_mem>>)
          %dma_wait3A_262 = arith.constant 0 : i32
          %dma_wait3A_263 = tpu.memref_slice %arg4[%arg0, %run_scoped3A, %add3A_250, %dma_wait3A_262] : memref<2x4x10000x64xf32, #tpu.memory_space<hbm>> -> memref<1x1x40x64xf32, #tpu.memory_space<hbm>>
          %dma_wait3A_264 = tpu.memref_squeeze %dma_wait3A_263 : memref<1x1x40x64xf32, #tpu.memory_space<hbm>> -> memref<40x64xf32, #tpu.memory_space<hbm>>
          %dma_wait3A_265 = arith.constant 0 : i32
          %dma_wait3A_266 = tpu.memref_slice %arg4[%arg0, %run_scoped3A, %add3A_250, %dma_wait3A_265] : memref<2x4x10000x64xf32, #tpu.memory_space<hbm>> -> memref<1x1x40x64xf32, #tpu.memory_space<hbm>>
          %dma_wait3A_267 = tpu.memref_squeeze %dma_wait3A_266 : memref<1x1x40x64xf32, #tpu.memory_space<hbm>> -> memref<40x64xf32, #tpu.memory_space<hbm>>
          tpu.wait_dma2 semaphore(%run_scoped3A_256 : memref<!tpu.dma_semaphore, #tpu.memory_space<semaphore_mem>>) src(%arg20 : memref<40x64xf32, #tpu.memory_space<vmem>>) dst(%dma_wait3A_267 : memref<40x64xf32, #tpu.memory_space<hbm>>)
          tpu.yield
        }) : () -> ()
        %eq3A_251 = arith.constant 0 : i32
        %eq3A_252 = arith.cmpi eq, %arg0, %eq3A_251 : i32
        %convert_element_type3A_253 = arith.extui %eq3A_252 : i1 to i32
        %cond3A_254 = arith.constant 0 : i32
        %cond3A_255 = arith.cmpi ne, %convert_element_type3A_253, %cond3A_254 : i32
        scf.if %cond3A_255 {
          "tpu.region"() ({
            %run_scoped3A_257 = tpu.sem_alloc : memref<!tpu.dma_semaphore, #tpu.memory_space<semaphore_mem>>
            %dma_start3A = arith.constant 0 : i32
            %dma_start3A_258 = tpu.memref_slice %arg23[%add3A_250, %dma_start3A] : memref<10008x16xf32, #tpu.memory_space<vmem_shared>> -> memref<40x16xf32, #tpu.memory_space<vmem_shared>>
            %dma_start3A_259 = arith.constant 0 : i32
            %dma_start3A_260 = tpu.memref_slice %arg23[%add3A_250, %dma_start3A_259] : memref<10008x16xf32, #tpu.memory_space<vmem_shared>> -> memref<40x16xf32, #tpu.memory_space<vmem_shared>>
            tpu.enqueue_dma source(%dma_start3A_260 : memref<40x16xf32, #tpu.memory_space<vmem_shared>>) target(%arg21 : memref<40x16xf32, #tpu.memory_space<vmem>>) target_semaphore(%run_scoped3A_257 : memref<!tpu.dma_semaphore, #tpu.memory_space<semaphore_mem>>)
            %dma_wait3A_261 = arith.constant 0 : i32
            %dma_wait3A_262 = tpu.memref_slice %arg23[%add3A_250, %dma_wait3A_261] : memref<10008x16xf32, #tpu.memory_space<vmem_shared>> -> memref<40x16xf32, #tpu.memory_space<vmem_shared>>
            %dma_wait3A_263 = arith.constant 0 : i32
            %dma_wait3A_264 = tpu.memref_slice %arg23[%add3A_250, %dma_wait3A_263] : memref<10008x16xf32, #tpu.memory_space<vmem_shared>> -> memref<40x16xf32, #tpu.memory_space<vmem_shared>>
            tpu.wait_dma2 semaphore(%run_scoped3A_257 : memref<!tpu.dma_semaphore, #tpu.memory_space<semaphore_mem>>) src(%dma_wait3A_264 : memref<40x16xf32, #tpu.memory_space<vmem_shared>>) dst(%arg21 : memref<40x16xf32, #tpu.memory_space<vmem>>)
            tpu.yield
          }) : () -> ()
          %run_scoped3A_256 = arith.constant 0 : i32
          "tpu.region"() ({
            %run_scoped3A_257 = tpu.sem_alloc : memref<!tpu.dma_semaphore, #tpu.memory_space<semaphore_mem>>
            %dma_start3A = arith.constant 0 : i32
            %dma_start3A_258 = tpu.memref_slice %arg5[%run_scoped3A_256, %add3A_250, %dma_start3A] : memref<4x10000x16xf32, #tpu.memory_space<hbm>> -> memref<1x40x16xf32, #tpu.memory_space<hbm>>
            %dma_start3A_259 = tpu.memref_squeeze %dma_start3A_258 : memref<1x40x16xf32, #tpu.memory_space<hbm>> -> memref<40x16xf32, #tpu.memory_space<hbm>>
            %dma_start3A_260 = arith.constant 0 : i32
            %dma_start3A_261 = tpu.memref_slice %arg5[%run_scoped3A_256, %add3A_250, %dma_start3A_260] : memref<4x10000x16xf32, #tpu.memory_space<hbm>> -> memref<1x40x16xf32, #tpu.memory_space<hbm>>
            %dma_start3A_262 = tpu.memref_squeeze %dma_start3A_261 : memref<1x40x16xf32, #tpu.memory_space<hbm>> -> memref<40x16xf32, #tpu.memory_space<hbm>>
            tpu.enqueue_dma source(%arg21 : memref<40x16xf32, #tpu.memory_space<vmem>>) target(%dma_start3A_262 : memref<40x16xf32, #tpu.memory_space<hbm>>) target_semaphore(%run_scoped3A_257 : memref<!tpu.dma_semaphore, #tpu.memory_space<semaphore_mem>>)
            %dma_wait3A_263 = arith.constant 0 : i32
            %dma_wait3A_264 = tpu.memref_slice %arg5[%run_scoped3A_256, %add3A_250, %dma_wait3A_263] : memref<4x10000x16xf32, #tpu.memory_space<hbm>> -> memref<1x40x16xf32, #tpu.memory_space<hbm>>
            %dma_wait3A_265 = tpu.memref_squeeze %dma_wait3A_264 : memref<1x40x16xf32, #tpu.memory_space<hbm>> -> memref<40x16xf32, #tpu.memory_space<hbm>>
            %dma_wait3A_266 = arith.constant 0 : i32
            %dma_wait3A_267 = tpu.memref_slice %arg5[%run_scoped3A_256, %add3A_250, %dma_wait3A_266] : memref<4x10000x16xf32, #tpu.memory_space<hbm>> -> memref<1x40x16xf32, #tpu.memory_space<hbm>>
            %dma_wait3A_268 = tpu.memref_squeeze %dma_wait3A_267 : memref<1x40x16xf32, #tpu.memory_space<hbm>> -> memref<40x16xf32, #tpu.memory_space<hbm>>
            tpu.wait_dma2 semaphore(%run_scoped3A_257 : memref<!tpu.dma_semaphore, #tpu.memory_space<semaphore_mem>>) src(%arg21 : memref<40x16xf32, #tpu.memory_space<vmem>>) dst(%dma_wait3A_268 : memref<40x16xf32, #tpu.memory_space<hbm>>)
            tpu.yield
          }) : () -> ()
        } else {
        }
      } else {
      }
    }
    %scan3A_76 = arith.constant 16 : i32
    %barrier3A_77 = arith.constant 0 : index
    tpu.barrier barrier_id(%barrier3A_77)
    %scan3A_78 = arith.constant 0 : i32
    %scan3A_79 = arith.constant 0 : i32
    %scan3A_80 = arith.constant 16 : i32
    %scan3A_81 = arith.addi %scan3A_79, %scan3A_80 : i32
    %scan3A_82 = arith.constant 1 : i32
    scf.for %scan3A_243 = %scan3A_79 to %scan3A_81 step %scan3A_82  : i32 {
      %lt3A_244 = arith.cmpi slt, %scan3A_243, %select_n3A_26 : i32
      %convert_element_type3A_245 = arith.extui %lt3A_244 : i1 to i32
      %cond3A_246 = arith.constant 0 : i32
      %cond3A_247 = arith.cmpi ne, %convert_element_type3A_245, %cond3A_246 : i32
      scf.if %cond3A_247 {
        %mul3A_248 = arith.constant 40 : i32
        %mul3A_249 = arith.muli %scan3A_243, %mul3A_248 : i32
        %add3A_250 = arith.addi %select_n3A, %mul3A_249 : i32
        "tpu.region"() ({
          %run_scoped3A = tpu.sem_alloc : memref<!tpu.dma_semaphore, #tpu.memory_space<semaphore_mem>>
          %dma_start3A = arith.constant 0 : i32
          %dma_start3A_256 = tpu.memref_slice %arg22[%add3A_250, %dma_start3A] : memref<10008x64xf32, #tpu.memory_space<vmem_shared>> -> memref<40x64xf32, #tpu.memory_space<vmem_shared>>
          %dma_start3A_257 = arith.constant 0 : i32
          %dma_start3A_258 = tpu.memref_slice %arg22[%add3A_250, %dma_start3A_257] : memref<10008x64xf32, #tpu.memory_space<vmem_shared>> -> memref<40x64xf32, #tpu.memory_space<vmem_shared>>
          tpu.enqueue_dma source(%arg18 : memref<40x64xf32, #tpu.memory_space<vmem>>) target(%dma_start3A_258 : memref<40x64xf32, #tpu.memory_space<vmem_shared>>) target_semaphore(%run_scoped3A : memref<!tpu.dma_semaphore, #tpu.memory_space<semaphore_mem>>)
          %dma_wait3A_259 = arith.constant 0 : i32
          %dma_wait3A_260 = tpu.memref_slice %arg22[%add3A_250, %dma_wait3A_259] : memref<10008x64xf32, #tpu.memory_space<vmem_shared>> -> memref<40x64xf32, #tpu.memory_space<vmem_shared>>
          %dma_wait3A_261 = arith.constant 0 : i32
          %dma_wait3A_262 = tpu.memref_slice %arg22[%add3A_250, %dma_wait3A_261] : memref<10008x64xf32, #tpu.memory_space<vmem_shared>> -> memref<40x64xf32, #tpu.memory_space<vmem_shared>>
          tpu.wait_dma2 semaphore(%run_scoped3A : memref<!tpu.dma_semaphore, #tpu.memory_space<semaphore_mem>>) src(%arg18 : memref<40x64xf32, #tpu.memory_space<vmem>>) dst(%dma_wait3A_262 : memref<40x64xf32, #tpu.memory_space<vmem_shared>>)
          tpu.yield
        }) : () -> ()
        %eq3A_251 = arith.constant 0 : i32
        %eq3A_252 = arith.cmpi eq, %arg0, %eq3A_251 : i32
        %convert_element_type3A_253 = arith.extui %eq3A_252 : i1 to i32
        %cond3A_254 = arith.constant 0 : i32
        %cond3A_255 = arith.cmpi ne, %convert_element_type3A_253, %cond3A_254 : i32
        scf.if %cond3A_255 {
          "tpu.region"() ({
            %run_scoped3A = tpu.sem_alloc : memref<!tpu.dma_semaphore, #tpu.memory_space<semaphore_mem>>
            %dma_start3A = arith.constant 0 : i32
            %dma_start3A_256 = tpu.memref_slice %arg23[%add3A_250, %dma_start3A] : memref<10008x16xf32, #tpu.memory_space<vmem_shared>> -> memref<40x16xf32, #tpu.memory_space<vmem_shared>>
            %dma_start3A_257 = arith.constant 0 : i32
            %dma_start3A_258 = tpu.memref_slice %arg23[%add3A_250, %dma_start3A_257] : memref<10008x16xf32, #tpu.memory_space<vmem_shared>> -> memref<40x16xf32, #tpu.memory_space<vmem_shared>>
            tpu.enqueue_dma source(%arg19 : memref<40x16xf32, #tpu.memory_space<vmem>>) target(%dma_start3A_258 : memref<40x16xf32, #tpu.memory_space<vmem_shared>>) target_semaphore(%run_scoped3A : memref<!tpu.dma_semaphore, #tpu.memory_space<semaphore_mem>>)
            %dma_wait3A_259 = arith.constant 0 : i32
            %dma_wait3A_260 = tpu.memref_slice %arg23[%add3A_250, %dma_wait3A_259] : memref<10008x16xf32, #tpu.memory_space<vmem_shared>> -> memref<40x16xf32, #tpu.memory_space<vmem_shared>>
            %dma_wait3A_261 = arith.constant 0 : i32
            %dma_wait3A_262 = tpu.memref_slice %arg23[%add3A_250, %dma_wait3A_261] : memref<10008x16xf32, #tpu.memory_space<vmem_shared>> -> memref<40x16xf32, #tpu.memory_space<vmem_shared>>
            tpu.wait_dma2 semaphore(%run_scoped3A : memref<!tpu.dma_semaphore, #tpu.memory_space<semaphore_mem>>) src(%arg19 : memref<40x16xf32, #tpu.memory_space<vmem>>) dst(%dma_wait3A_262 : memref<40x16xf32, #tpu.memory_space<vmem_shared>>)
            tpu.yield
          }) : () -> ()
        } else {
        }
      } else {
      }
    }
    %scan3A_83 = arith.constant 16 : i32
    %mul3A_84 = arith.constant 40 : i32
    %mul3A_85 = arith.muli %arg1, %mul3A_84 : i32
    %add3A_86 = arith.constant 1280 : i32
    %add3A_87 = arith.addi %add3A_86, %mul3A_85 : i32
    %multiple_of3A_88 = tpu.assume_multiple %add3A_87, 8 : i32
    %mul3A_89 = arith.constant 40 : i32
    %mul3A_90 = arith.muli %arg1, %mul3A_89 : i32
    %add3A_91 = arith.constant 1920 : i32
    %add3A_92 = arith.addi %add3A_91, %mul3A_90 : i32
    %multiple_of3A_93 = tpu.assume_multiple %add3A_92, 8 : i32
    "tpu.region"() ({
      %run_scoped3A = tpu.sem_alloc : memref<!tpu.dma_semaphore, #tpu.memory_space<semaphore_mem>>
      %dma_start3A = arith.constant 0 : i32
      %dma_start3A_243 = tpu.memref_slice %arg3[%multiple_of3A_88, %dma_start3A] : memref<5120x128xi32, #tpu.memory_space<hbm>> -> memref<40x128xi32, #tpu.memory_space<hbm>>
      %dma_start3A_244 = arith.constant 0 : i32
      %dma_start3A_245 = tpu.memref_slice %arg3[%multiple_of3A_88, %dma_start3A_244] : memref<5120x128xi32, #tpu.memory_space<hbm>> -> memref<40x128xi32, #tpu.memory_space<hbm>>
      tpu.enqueue_dma source(%dma_start3A_245 : memref<40x128xi32, #tpu.memory_space<hbm>>) target(%arg6 : memref<40x128xi32, #tpu.memory_space<vmem>>) target_semaphore(%run_scoped3A : memref<!tpu.dma_semaphore, #tpu.memory_space<semaphore_mem>>)
      %dma_wait3A_246 = arith.constant 0 : i32
      %dma_wait3A_247 = tpu.memref_slice %arg3[%multiple_of3A_88, %dma_wait3A_246] : memref<5120x128xi32, #tpu.memory_space<hbm>> -> memref<40x128xi32, #tpu.memory_space<hbm>>
      %dma_wait3A_248 = arith.constant 0 : i32
      %dma_wait3A_249 = tpu.memref_slice %arg3[%multiple_of3A_88, %dma_wait3A_248] : memref<5120x128xi32, #tpu.memory_space<hbm>> -> memref<40x128xi32, #tpu.memory_space<hbm>>
      tpu.wait_dma2 semaphore(%run_scoped3A : memref<!tpu.dma_semaphore, #tpu.memory_space<semaphore_mem>>) src(%dma_wait3A_249 : memref<40x128xi32, #tpu.memory_space<hbm>>) dst(%arg6 : memref<40x128xi32, #tpu.memory_space<vmem>>)
      tpu.yield
    }) : () -> ()
    "tpu.region"() ({
      %run_scoped3A = tpu.sem_alloc : memref<!tpu.dma_semaphore, #tpu.memory_space<semaphore_mem>>
      %dma_start3A = arith.constant 0 : i32
      %dma_start3A_243 = tpu.memref_slice %arg3[%multiple_of3A_93, %dma_start3A] : memref<5120x128xi32, #tpu.memory_space<hbm>> -> memref<40x128xi32, #tpu.memory_space<hbm>>
      %dma_start3A_244 = arith.constant 0 : i32
      %dma_start3A_245 = tpu.memref_slice %arg3[%multiple_of3A_93, %dma_start3A_244] : memref<5120x128xi32, #tpu.memory_space<hbm>> -> memref<40x128xi32, #tpu.memory_space<hbm>>
      tpu.enqueue_dma source(%dma_start3A_245 : memref<40x128xi32, #tpu.memory_space<hbm>>) target(%arg7 : memref<40x128xi32, #tpu.memory_space<vmem>>) target_semaphore(%run_scoped3A : memref<!tpu.dma_semaphore, #tpu.memory_space<semaphore_mem>>)
      %dma_wait3A_246 = arith.constant 0 : i32
      %dma_wait3A_247 = tpu.memref_slice %arg3[%multiple_of3A_93, %dma_wait3A_246] : memref<5120x128xi32, #tpu.memory_space<hbm>> -> memref<40x128xi32, #tpu.memory_space<hbm>>
      %dma_wait3A_248 = arith.constant 0 : i32
      %dma_wait3A_249 = tpu.memref_slice %arg3[%multiple_of3A_93, %dma_wait3A_248] : memref<5120x128xi32, #tpu.memory_space<hbm>> -> memref<40x128xi32, #tpu.memory_space<hbm>>
      tpu.wait_dma2 semaphore(%run_scoped3A : memref<!tpu.dma_semaphore, #tpu.memory_space<semaphore_mem>>) src(%dma_wait3A_249 : memref<40x128xi32, #tpu.memory_space<hbm>>) dst(%arg7 : memref<40x128xi32, #tpu.memory_space<vmem>>)
      tpu.yield
    }) : () -> ()
    %barrier3A_94 = arith.constant 0 : index
    tpu.barrier barrier_id(%barrier3A_94)
    %scan3A_95 = arith.constant 0 : i32
    %scan3A_96 = arith.constant 0 : i32
    %scan3A_97 = arith.constant 42 : i32
    %scan3A_98 = arith.addi %scan3A_96, %scan3A_97 : i32
    %scan3A_99 = arith.constant 1 : i32
    scf.for %scan3A_243 = %scan3A_96 to %scan3A_98 step %scan3A_99  : i32 {
      %lt3A_244 = arith.constant 40 : i32
      %lt3A_245 = arith.cmpi slt, %scan3A_243, %lt3A_244 : i32
      %jit3A_246 = arith.constant 3 : i32
      %eq3A_247 = arith.constant 0 : i32
      %eq3A_248 = arith.cmpi eq, %jit3A_246, %eq3A_247 : i32
      %jit3A_249 = arith.constant 1 : i32
      %select_n3A_250 = arith.select %eq3A_248, %jit3A_249, %jit3A_246 : i32
      %rem3A = arith.remsi %scan3A_243, %select_n3A_250 : i32
      %ne3A = arith.constant 0 : i32
      %ne3A_251 = arith.cmpi ne, %rem3A, %ne3A : i32
      %lt3A_252 = arith.constant 0 : i32
      %lt3A_253 = arith.cmpi slt, %rem3A, %lt3A_252 : i32
      %lt3A_254 = arith.constant 0 : i32
      %lt3A_255 = arith.cmpi slt, %select_n3A_250, %lt3A_254 : i32
      %ne3A_256 = arith.xori %lt3A_253, %lt3A_255 : i1
      %and3A = arith.andi %ne3A_256, %ne3A_251 : i1
      %add3A_257 = arith.addi %rem3A, %select_n3A_250 : i32
      %select_n3A_258 = arith.select %and3A, %add3A_257, %rem3A : i32
      %eq3A_259 = arith.constant 0 : i32
      %eq3A_260 = arith.cmpi eq, %select_n3A_258, %eq3A_259 : i32
      %and3A_261 = arith.andi %lt3A_245, %eq3A_260 : i1
      %convert_element_type3A_262 = arith.extui %and3A_261 : i1 to i32
      %cond3A_263 = arith.constant 0 : i32
      %cond3A_264 = arith.cmpi ne, %convert_element_type3A_262, %cond3A_263 : i32
      scf.if %cond3A_264 {
        %ge3A_399 = arith.constant 3 : i32
        %ge3A_400 = arith.cmpi sge, %scan3A_243, %ge3A_399 : i32
        %convert_element_type3A_401 = arith.extui %ge3A_400 : i1 to i32
        %cond3A_402 = arith.constant 0 : i32
        %cond3A_403 = arith.cmpi ne, %convert_element_type3A_401, %cond3A_402 : i32
        scf.if %cond3A_403 {
          %dma_wait3A_548 = arith.constant 0 : i32
          %dma_wait3A_549 = arith.constant 0 : i32
          %dma_wait3A_550 = tpu.memref_slice %arg22[%dma_wait3A_548, %dma_wait3A_549] : memref<10008x64xf32, #tpu.memory_space<vmem_shared>> -> memref<10008x64xf32, #tpu.memory_space<vmem_shared>>
          tpu.wait_indirect_dma semaphore(%arg30 : memref<!tpu.dma_semaphore, #tpu.memory_space<semaphore_mem>>) src(%arg14 : memref<128x64xf32, #tpu.memory_space<vmem>>) dst(%dma_wait3A_550 : memref<10008x64xf32, #tpu.memory_space<vmem_shared>>)
          %eq3A_551 = arith.constant 0 : i32
          %eq3A_552 = arith.cmpi eq, %arg0, %eq3A_551 : i32
          %convert_element_type3A_553 = arith.extui %eq3A_552 : i1 to i32
          %cond3A_554 = arith.constant 0 : i32
          %cond3A_555 = arith.cmpi ne, %convert_element_type3A_553, %cond3A_554 : i32
          scf.if %cond3A_555 {
            %dma_wait3A_556 = arith.constant 0 : i32
            %dma_wait3A_557 = arith.constant 0 : i32
            %dma_wait3A_558 = tpu.memref_slice %arg23[%dma_wait3A_556, %dma_wait3A_557] : memref<10008x16xf32, #tpu.memory_space<vmem_shared>> -> memref<10008x16xf32, #tpu.memory_space<vmem_shared>>
            tpu.wait_indirect_dma semaphore(%arg27 : memref<!tpu.dma_semaphore, #tpu.memory_space<semaphore_mem>>) src(%arg17 : memref<128x16xf32, #tpu.memory_space<vmem>>) dst(%dma_wait3A_558 : memref<10008x16xf32, #tpu.memory_space<vmem_shared>>)
          } else {
          }
        } else {
        }
        %get3A = arith.index_cast %scan3A_243 : i32 to index
        %get3A_404 = arith.constant 0 : index
        %get3A_405 = tpu.vector_load %arg6[%get3A, %get3A_404] {strides = array<i32>} : memref<40x128xi32, #tpu.memory_space<vmem>>, vector<1x16xi32>,
        %get3A_406 = vector.shape_cast %get3A_405 : vector<1x16xi32> to vector<16xi32>
        %add3A_407 = vector.broadcast %mul3A_28 : i32 to vector<16xi32>
        %add3A_408 = arith.addi %get3A_406, %add3A_407 : vector<16xi32>
        %swap3A = arith.constant 0 : index
        %swap3A_409 = tpu.vector_load %arg8[%swap3A] {strides = array<i32>} : memref<128xi32, #tpu.memory_space<vmem>>, vector<16xi32>,
        %swap3A_410 = vector.shape_cast %swap3A_409 : vector<16xi32> to vector<16xi32>
        %swap3A_411 = vector.shape_cast %add3A_408 : vector<16xi32> to vector<16xi32>
        tpu.vector_store %arg8[%swap3A], %swap3A_411 {strides = array<i32>} : memref<128xi32, #tpu.memory_space<vmem>>, vector<16xi32>,
        %get3A_412 = arith.index_cast %scan3A_243 : i32 to index
        %get3A_413 = arith.constant 0 : index
        %get3A_414 = tpu.vector_load %arg7[%get3A_412, %get3A_413] {strides = array<i32>} : memref<40x128xi32, #tpu.memory_space<vmem>>, vector<1x16xi32>,
        %get3A_415 = vector.shape_cast %get3A_414 : vector<1x16xi32> to vector<16xi32>
        %swap3A_416 = arith.constant 0 : index
        %swap3A_417 = tpu.vector_load %arg11[%swap3A_416] {strides = array<i32>} : memref<128xi32, #tpu.memory_space<vmem>>, vector<16xi32>,
        %swap3A_418 = vector.shape_cast %swap3A_417 : vector<16xi32> to vector<16xi32>
        %swap3A_419 = vector.shape_cast %get3A_415 : vector<16xi32> to vector<16xi32>
        tpu.vector_store %arg11[%swap3A_416], %swap3A_419 {strides = array<i32>} : memref<128xi32, #tpu.memory_space<vmem>>, vector<16xi32>,
        %get3A_420 = arith.index_cast %scan3A_243 : i32 to index
        %get3A_421 = arith.constant 16 : index
        %get3A_422 = tpu.vector_load %arg6[%get3A_420, %get3A_421] {strides = array<i32>} : memref<40x128xi32, #tpu.memory_space<vmem>>, vector<1x16xi32>,
        %get3A_423 = vector.shape_cast %get3A_422 : vector<1x16xi32> to vector<16xi32>
        %add3A_424 = vector.broadcast %mul3A_28 : i32 to vector<16xi32>
        %add3A_425 = arith.addi %get3A_423, %add3A_424 : vector<16xi32>
        %swap3A_426 = arith.constant 16 : index
        %swap3A_427 = tpu.vector_load %arg8[%swap3A_426] {strides = array<i32>} : memref<128xi32, #tpu.memory_space<vmem>>, vector<16xi32>,
        %swap3A_428 = vector.shape_cast %swap3A_427 : vector<16xi32> to vector<16xi32>
        %swap3A_429 = vector.shape_cast %add3A_425 : vector<16xi32> to vector<16xi32>
        tpu.vector_store %arg8[%swap3A_426], %swap3A_429 {strides = array<i32>} : memref<128xi32, #tpu.memory_space<vmem>>, vector<16xi32>,
        %get3A_430 = arith.index_cast %scan3A_243 : i32 to index
        %get3A_431 = arith.constant 16 : index
        %get3A_432 = tpu.vector_load %arg7[%get3A_430, %get3A_431] {strides = array<i32>} : memref<40x128xi32, #tpu.memory_space<vmem>>, vector<1x16xi32>,
        %get3A_433 = vector.shape_cast %get3A_432 : vector<1x16xi32> to vector<16xi32>
        %swap3A_434 = arith.constant 16 : index
        %swap3A_435 = tpu.vector_load %arg11[%swap3A_434] {strides = array<i32>} : memref<128xi32, #tpu.memory_space<vmem>>, vector<16xi32>,
        %swap3A_436 = vector.shape_cast %swap3A_435 : vector<16xi32> to vector<16xi32>
        %swap3A_437 = vector.shape_cast %get3A_433 : vector<16xi32> to vector<16xi32>
        tpu.vector_store %arg11[%swap3A_434], %swap3A_437 {strides = array<i32>} : memref<128xi32, #tpu.memory_space<vmem>>, vector<16xi32>,
        %get3A_438 = arith.index_cast %scan3A_243 : i32 to index
        %get3A_439 = arith.constant 32 : index
        %get3A_440 = tpu.vector_load %arg6[%get3A_438, %get3A_439] {strides = array<i32>} : memref<40x128xi32, #tpu.memory_space<vmem>>, vector<1x16xi32>,
        %get3A_441 = vector.shape_cast %get3A_440 : vector<1x16xi32> to vector<16xi32>
        %add3A_442 = vector.broadcast %mul3A_28 : i32 to vector<16xi32>
        %add3A_443 = arith.addi %get3A_441, %add3A_442 : vector<16xi32>
        %swap3A_444 = arith.constant 32 : index
        %swap3A_445 = tpu.vector_load %arg8[%swap3A_444] {strides = array<i32>} : memref<128xi32, #tpu.memory_space<vmem>>, vector<16xi32>,
        %swap3A_446 = vector.shape_cast %swap3A_445 : vector<16xi32> to vector<16xi32>
        %swap3A_447 = vector.shape_cast %add3A_443 : vector<16xi32> to vector<16xi32>
        tpu.vector_store %arg8[%swap3A_444], %swap3A_447 {strides = array<i32>} : memref<128xi32, #tpu.memory_space<vmem>>, vector<16xi32>,
        %get3A_448 = arith.index_cast %scan3A_243 : i32 to index
        %get3A_449 = arith.constant 32 : index
        %get3A_450 = tpu.vector_load %arg7[%get3A_448, %get3A_449] {strides = array<i32>} : memref<40x128xi32, #tpu.memory_space<vmem>>, vector<1x16xi32>,
        %get3A_451 = vector.shape_cast %get3A_450 : vector<1x16xi32> to vector<16xi32>
        %swap3A_452 = arith.constant 32 : index
        %swap3A_453 = tpu.vector_load %arg11[%swap3A_452] {strides = array<i32>} : memref<128xi32, #tpu.memory_space<vmem>>, vector<16xi32>,
        %swap3A_454 = vector.shape_cast %swap3A_453 : vector<16xi32> to vector<16xi32>
        %swap3A_455 = vector.shape_cast %get3A_451 : vector<16xi32> to vector<16xi32>
        tpu.vector_store %arg11[%swap3A_452], %swap3A_455 {strides = array<i32>} : memref<128xi32, #tpu.memory_space<vmem>>, vector<16xi32>,
        %get3A_456 = arith.index_cast %scan3A_243 : i32 to index
        %get3A_457 = arith.constant 48 : index
        %get3A_458 = tpu.vector_load %arg6[%get3A_456, %get3A_457] {strides = array<i32>} : memref<40x128xi32, #tpu.memory_space<vmem>>, vector<1x16xi32>,
        %get3A_459 = vector.shape_cast %get3A_458 : vector<1x16xi32> to vector<16xi32>
        %add3A_460 = vector.broadcast %mul3A_28 : i32 to vector<16xi32>
        %add3A_461 = arith.addi %get3A_459, %add3A_460 : vector<16xi32>
        %swap3A_462 = arith.constant 48 : index
        %swap3A_463 = tpu.vector_load %arg8[%swap3A_462] {strides = array<i32>} : memref<128xi32, #tpu.memory_space<vmem>>, vector<16xi32>,
        %swap3A_464 = vector.shape_cast %swap3A_463 : vector<16xi32> to vector<16xi32>
        %swap3A_465 = vector.shape_cast %add3A_461 : vector<16xi32> to vector<16xi32>
        tpu.vector_store %arg8[%swap3A_462], %swap3A_465 {strides = array<i32>} : memref<128xi32, #tpu.memory_space<vmem>>, vector<16xi32>,
        %get3A_466 = arith.index_cast %scan3A_243 : i32 to index
        %get3A_467 = arith.constant 48 : index
        %get3A_468 = tpu.vector_load %arg7[%get3A_466, %get3A_467] {strides = array<i32>} : memref<40x128xi32, #tpu.memory_space<vmem>>, vector<1x16xi32>,
        %get3A_469 = vector.shape_cast %get3A_468 : vector<1x16xi32> to vector<16xi32>
        %swap3A_470 = arith.constant 48 : index
        %swap3A_471 = tpu.vector_load %arg11[%swap3A_470] {strides = array<i32>} : memref<128xi32, #tpu.memory_space<vmem>>, vector<16xi32>,
        %swap3A_472 = vector.shape_cast %swap3A_471 : vector<16xi32> to vector<16xi32>
        %swap3A_473 = vector.shape_cast %get3A_469 : vector<16xi32> to vector<16xi32>
        tpu.vector_store %arg11[%swap3A_470], %swap3A_473 {strides = array<i32>} : memref<128xi32, #tpu.memory_space<vmem>>, vector<16xi32>,
        %get3A_474 = arith.index_cast %scan3A_243 : i32 to index
        %get3A_475 = arith.constant 64 : index
        %get3A_476 = tpu.vector_load %arg6[%get3A_474, %get3A_475] {strides = array<i32>} : memref<40x128xi32, #tpu.memory_space<vmem>>, vector<1x16xi32>,
        %get3A_477 = vector.shape_cast %get3A_476 : vector<1x16xi32> to vector<16xi32>
        %add3A_478 = vector.broadcast %mul3A_28 : i32 to vector<16xi32>
        %add3A_479 = arith.addi %get3A_477, %add3A_478 : vector<16xi32>
        %swap3A_480 = arith.constant 64 : index
        %swap3A_481 = tpu.vector_load %arg8[%swap3A_480] {strides = array<i32>} : memref<128xi32, #tpu.memory_space<vmem>>, vector<16xi32>,
        %swap3A_482 = vector.shape_cast %swap3A_481 : vector<16xi32> to vector<16xi32>
        %swap3A_483 = vector.shape_cast %add3A_479 : vector<16xi32> to vector<16xi32>
        tpu.vector_store %arg8[%swap3A_480], %swap3A_483 {strides = array<i32>} : memref<128xi32, #tpu.memory_space<vmem>>, vector<16xi32>,
        %get3A_484 = arith.index_cast %scan3A_243 : i32 to index
        %get3A_485 = arith.constant 64 : index
        %get3A_486 = tpu.vector_load %arg7[%get3A_484, %get3A_485] {strides = array<i32>} : memref<40x128xi32, #tpu.memory_space<vmem>>, vector<1x16xi32>,
        %get3A_487 = vector.shape_cast %get3A_486 : vector<1x16xi32> to vector<16xi32>
        %swap3A_488 = arith.constant 64 : index
        %swap3A_489 = tpu.vector_load %arg11[%swap3A_488] {strides = array<i32>} : memref<128xi32, #tpu.memory_space<vmem>>, vector<16xi32>,
        %swap3A_490 = vector.shape_cast %swap3A_489 : vector<16xi32> to vector<16xi32>
        %swap3A_491 = vector.shape_cast %get3A_487 : vector<16xi32> to vector<16xi32>
        tpu.vector_store %arg11[%swap3A_488], %swap3A_491 {strides = array<i32>} : memref<128xi32, #tpu.memory_space<vmem>>, vector<16xi32>,
        %get3A_492 = arith.index_cast %scan3A_243 : i32 to index
        %get3A_493 = arith.constant 80 : index
        %get3A_494 = tpu.vector_load %arg6[%get3A_492, %get3A_493] {strides = array<i32>} : memref<40x128xi32, #tpu.memory_space<vmem>>, vector<1x16xi32>,
        %get3A_495 = vector.shape_cast %get3A_494 : vector<1x16xi32> to vector<16xi32>
        %add3A_496 = vector.broadcast %mul3A_28 : i32 to vector<16xi32>
        %add3A_497 = arith.addi %get3A_495, %add3A_496 : vector<16xi32>
        %swap3A_498 = arith.constant 80 : index
        %swap3A_499 = tpu.vector_load %arg8[%swap3A_498] {strides = array<i32>} : memref<128xi32, #tpu.memory_space<vmem>>, vector<16xi32>,
        %swap3A_500 = vector.shape_cast %swap3A_499 : vector<16xi32> to vector<16xi32>
        %swap3A_501 = vector.shape_cast %add3A_497 : vector<16xi32> to vector<16xi32>
        tpu.vector_store %arg8[%swap3A_498], %swap3A_501 {strides = array<i32>} : memref<128xi32, #tpu.memory_space<vmem>>, vector<16xi32>,
        %get3A_502 = arith.index_cast %scan3A_243 : i32 to index
        %get3A_503 = arith.constant 80 : index
        %get3A_504 = tpu.vector_load %arg7[%get3A_502, %get3A_503] {strides = array<i32>} : memref<40x128xi32, #tpu.memory_space<vmem>>, vector<1x16xi32>,
        %get3A_505 = vector.shape_cast %get3A_504 : vector<1x16xi32> to vector<16xi32>
        %swap3A_506 = arith.constant 80 : index
        %swap3A_507 = tpu.vector_load %arg11[%swap3A_506] {strides = array<i32>} : memref<128xi32, #tpu.memory_space<vmem>>, vector<16xi32>,
        %swap3A_508 = vector.shape_cast %swap3A_507 : vector<16xi32> to vector<16xi32>
        %swap3A_509 = vector.shape_cast %get3A_505 : vector<16xi32> to vector<16xi32>
        tpu.vector_store %arg11[%swap3A_506], %swap3A_509 {strides = array<i32>} : memref<128xi32, #tpu.memory_space<vmem>>, vector<16xi32>,
        %get3A_510 = arith.index_cast %scan3A_243 : i32 to index
        %get3A_511 = arith.constant 96 : index
        %get3A_512 = tpu.vector_load %arg6[%get3A_510, %get3A_511] {strides = array<i32>} : memref<40x128xi32, #tpu.memory_space<vmem>>, vector<1x16xi32>,
        %get3A_513 = vector.shape_cast %get3A_512 : vector<1x16xi32> to vector<16xi32>
        %add3A_514 = vector.broadcast %mul3A_28 : i32 to vector<16xi32>
        %add3A_515 = arith.addi %get3A_513, %add3A_514 : vector<16xi32>
        %swap3A_516 = arith.constant 96 : index
        %swap3A_517 = tpu.vector_load %arg8[%swap3A_516] {strides = array<i32>} : memref<128xi32, #tpu.memory_space<vmem>>, vector<16xi32>,
        %swap3A_518 = vector.shape_cast %swap3A_517 : vector<16xi32> to vector<16xi32>
        %swap3A_519 = vector.shape_cast %add3A_515 : vector<16xi32> to vector<16xi32>
        tpu.vector_store %arg8[%swap3A_516], %swap3A_519 {strides = array<i32>} : memref<128xi32, #tpu.memory_space<vmem>>, vector<16xi32>,
        %get3A_520 = arith.index_cast %scan3A_243 : i32 to index
        %get3A_521 = arith.constant 96 : index
        %get3A_522 = tpu.vector_load %arg7[%get3A_520, %get3A_521] {strides = array<i32>} : memref<40x128xi32, #tpu.memory_space<vmem>>, vector<1x16xi32>,
        %get3A_523 = vector.shape_cast %get3A_522 : vector<1x16xi32> to vector<16xi32>
        %swap3A_524 = arith.constant 96 : index
        %swap3A_525 = tpu.vector_load %arg11[%swap3A_524] {strides = array<i32>} : memref<128xi32, #tpu.memory_space<vmem>>, vector<16xi32>,
        %swap3A_526 = vector.shape_cast %swap3A_525 : vector<16xi32> to vector<16xi32>
        %swap3A_527 = vector.shape_cast %get3A_523 : vector<16xi32> to vector<16xi32>
        tpu.vector_store %arg11[%swap3A_524], %swap3A_527 {strides = array<i32>} : memref<128xi32, #tpu.memory_space<vmem>>, vector<16xi32>,
        %get3A_528 = arith.index_cast %scan3A_243 : i32 to index
        %get3A_529 = arith.constant 112 : index
        %get3A_530 = tpu.vector_load %arg6[%get3A_528, %get3A_529] {strides = array<i32>} : memref<40x128xi32, #tpu.memory_space<vmem>>, vector<1x16xi32>,
        %get3A_531 = vector.shape_cast %get3A_530 : vector<1x16xi32> to vector<16xi32>
        %add3A_532 = vector.broadcast %mul3A_28 : i32 to vector<16xi32>
        %add3A_533 = arith.addi %get3A_531, %add3A_532 : vector<16xi32>
        %swap3A_534 = arith.constant 112 : index
        %swap3A_535 = tpu.vector_load %arg8[%swap3A_534] {strides = array<i32>} : memref<128xi32, #tpu.memory_space<vmem>>, vector<16xi32>,
        %swap3A_536 = vector.shape_cast %swap3A_535 : vector<16xi32> to vector<16xi32>
        %swap3A_537 = vector.shape_cast %add3A_533 : vector<16xi32> to vector<16xi32>
        tpu.vector_store %arg8[%swap3A_534], %swap3A_537 {strides = array<i32>} : memref<128xi32, #tpu.memory_space<vmem>>, vector<16xi32>,
        %get3A_538 = arith.index_cast %scan3A_243 : i32 to index
        %get3A_539 = arith.constant 112 : index
        %get3A_540 = tpu.vector_load %arg7[%get3A_538, %get3A_539] {strides = array<i32>} : memref<40x128xi32, #tpu.memory_space<vmem>>, vector<1x16xi32>,
        %get3A_541 = vector.shape_cast %get3A_540 : vector<1x16xi32> to vector<16xi32>
        %swap3A_542 = arith.constant 112 : index
        %swap3A_543 = tpu.vector_load %arg11[%swap3A_542] {strides = array<i32>} : memref<128xi32, #tpu.memory_space<vmem>>, vector<16xi32>,
        %swap3A_544 = vector.shape_cast %swap3A_543 : vector<16xi32> to vector<16xi32>
        %swap3A_545 = vector.shape_cast %get3A_541 : vector<16xi32> to vector<16xi32>
        tpu.vector_store %arg11[%swap3A_542], %swap3A_545 {strides = array<i32>} : memref<128xi32, #tpu.memory_space<vmem>>, vector<16xi32>,
        %dma_start3A = arith.constant 0 : i32
        %dma_start3A_546 = arith.constant 0 : i32
        %dma_start3A_547 = tpu.memref_slice %arg2[%dma_start3A, %dma_start3A_546] : memref<20000x64xf32, #tpu.memory_space<hbm>> -> memref<20000x64xf32, #tpu.memory_space<hbm>>
        tpu.enqueue_indirect_dma source(%dma_start3A_547 : memref<20000x64xf32, #tpu.memory_space<hbm>>) target(%arg14 : memref<128x64xf32, #tpu.memory_space<vmem>>) offsets(%arg8 : memref<128xi32, #tpu.memory_space<vmem>>) semaphore(%arg24 : memref<!tpu.dma_semaphore, #tpu.memory_space<semaphore_mem>>)
      } else {
      }
      %lt3A_265 = arith.constant 40 : i32
      %lt3A_266 = arith.cmpi slt, %scan3A_243, %lt3A_265 : i32
      %jit3A_267 = arith.constant 3 : i32
      %eq3A_268 = arith.constant 0 : i32
      %eq3A_269 = arith.cmpi eq, %jit3A_267, %eq3A_268 : i32
      %jit3A_270 = arith.constant 1 : i32
      %select_n3A_271 = arith.select %eq3A_269, %jit3A_270, %jit3A_267 : i32
      %rem3A_272 = arith.remsi %scan3A_243, %select_n3A_271 : i32
      %ne3A_273 = arith.constant 0 : i32
      %ne3A_274 = arith.cmpi ne, %rem3A_272, %ne3A_273 : i32
      %lt3A_275 = arith.constant 0 : i32
      %lt3A_276 = arith.cmpi slt, %rem3A_272, %lt3A_275 : i32
      %lt3A_277 = arith.constant 0 : i32
      %lt3A_278 = arith.cmpi slt, %select_n3A_271, %lt3A_277 : i32
      %ne3A_279 = arith.xori %lt3A_276, %lt3A_278 : i1
      %and3A_280 = arith.andi %ne3A_279, %ne3A_274 : i1
      %add3A_281 = arith.addi %rem3A_272, %select_n3A_271 : i32
      %select_n3A_282 = arith.select %and3A_280, %add3A_281, %rem3A_272 : i32
      %eq3A_283 = arith.constant 1 : i32
      %eq3A_284 = arith.cmpi eq, %select_n3A_282, %eq3A_283 : i32
      %and3A_285 = arith.andi %lt3A_266, %eq3A_284 : i1
      %convert_element_type3A_286 = arith.extui %and3A_285 : i1 to i32
      %cond3A_287 = arith.constant 0 : i32
      %cond3A_288 = arith.cmpi ne, %convert_element_type3A_286, %cond3A_287 : i32
      scf.if %cond3A_288 {
        %ge3A_399 = arith.constant 3 : i32
        %ge3A_400 = arith.cmpi sge, %scan3A_243, %ge3A_399 : i32
        %convert_element_type3A_401 = arith.extui %ge3A_400 : i1 to i32
        %cond3A_402 = arith.constant 0 : i32
        %cond3A_403 = arith.cmpi ne, %convert_element_type3A_401, %cond3A_402 : i32
        scf.if %cond3A_403 {
          %dma_wait3A_548 = arith.constant 0 : i32
          %dma_wait3A_549 = arith.constant 0 : i32
          %dma_wait3A_550 = tpu.memref_slice %arg22[%dma_wait3A_548, %dma_wait3A_549] : memref<10008x64xf32, #tpu.memory_space<vmem_shared>> -> memref<10008x64xf32, #tpu.memory_space<vmem_shared>>
          tpu.wait_indirect_dma semaphore(%arg31 : memref<!tpu.dma_semaphore, #tpu.memory_space<semaphore_mem>>) src(%arg15 : memref<128x64xf32, #tpu.memory_space<vmem>>) dst(%dma_wait3A_550 : memref<10008x64xf32, #tpu.memory_space<vmem_shared>>)
          %eq3A_551 = arith.constant 0 : i32
          %eq3A_552 = arith.cmpi eq, %arg0, %eq3A_551 : i32
          %convert_element_type3A_553 = arith.extui %eq3A_552 : i1 to i32
          %cond3A_554 = arith.constant 0 : i32
          %cond3A_555 = arith.cmpi ne, %convert_element_type3A_553, %cond3A_554 : i32
          scf.if %cond3A_555 {
            %dma_wait3A_556 = arith.constant 0 : i32
            %dma_wait3A_557 = arith.constant 0 : i32
            %dma_wait3A_558 = tpu.memref_slice %arg23[%dma_wait3A_556, %dma_wait3A_557] : memref<10008x16xf32, #tpu.memory_space<vmem_shared>> -> memref<10008x16xf32, #tpu.memory_space<vmem_shared>>
            tpu.wait_indirect_dma semaphore(%arg28 : memref<!tpu.dma_semaphore, #tpu.memory_space<semaphore_mem>>) src(%arg17 : memref<128x16xf32, #tpu.memory_space<vmem>>) dst(%dma_wait3A_558 : memref<10008x16xf32, #tpu.memory_space<vmem_shared>>)
          } else {
          }
        } else {
        }
        %get3A = arith.index_cast %scan3A_243 : i32 to index
        %get3A_404 = arith.constant 0 : index
        %get3A_405 = tpu.vector_load %arg6[%get3A, %get3A_404] {strides = array<i32>} : memref<40x128xi32, #tpu.memory_space<vmem>>, vector<1x16xi32>,
        %get3A_406 = vector.shape_cast %get3A_405 : vector<1x16xi32> to vector<16xi32>
        %add3A_407 = vector.broadcast %mul3A_28 : i32 to vector<16xi32>
        %add3A_408 = arith.addi %get3A_406, %add3A_407 : vector<16xi32>
        %swap3A = arith.constant 0 : index
        %swap3A_409 = tpu.vector_load %arg9[%swap3A] {strides = array<i32>} : memref<128xi32, #tpu.memory_space<vmem>>, vector<16xi32>,
        %swap3A_410 = vector.shape_cast %swap3A_409 : vector<16xi32> to vector<16xi32>
        %swap3A_411 = vector.shape_cast %add3A_408 : vector<16xi32> to vector<16xi32>
        tpu.vector_store %arg9[%swap3A], %swap3A_411 {strides = array<i32>} : memref<128xi32, #tpu.memory_space<vmem>>, vector<16xi32>,
        %get3A_412 = arith.index_cast %scan3A_243 : i32 to index
        %get3A_413 = arith.constant 0 : index
        %get3A_414 = tpu.vector_load %arg7[%get3A_412, %get3A_413] {strides = array<i32>} : memref<40x128xi32, #tpu.memory_space<vmem>>, vector<1x16xi32>,
        %get3A_415 = vector.shape_cast %get3A_414 : vector<1x16xi32> to vector<16xi32>
        %swap3A_416 = arith.constant 0 : index
        %swap3A_417 = tpu.vector_load %arg12[%swap3A_416] {strides = array<i32>} : memref<128xi32, #tpu.memory_space<vmem>>, vector<16xi32>,
        %swap3A_418 = vector.shape_cast %swap3A_417 : vector<16xi32> to vector<16xi32>
        %swap3A_419 = vector.shape_cast %get3A_415 : vector<16xi32> to vector<16xi32>
        tpu.vector_store %arg12[%swap3A_416], %swap3A_419 {strides = array<i32>} : memref<128xi32, #tpu.memory_space<vmem>>, vector<16xi32>,
        %get3A_420 = arith.index_cast %scan3A_243 : i32 to index
        %get3A_421 = arith.constant 16 : index
        %get3A_422 = tpu.vector_load %arg6[%get3A_420, %get3A_421] {strides = array<i32>} : memref<40x128xi32, #tpu.memory_space<vmem>>, vector<1x16xi32>,
        %get3A_423 = vector.shape_cast %get3A_422 : vector<1x16xi32> to vector<16xi32>
        %add3A_424 = vector.broadcast %mul3A_28 : i32 to vector<16xi32>
        %add3A_425 = arith.addi %get3A_423, %add3A_424 : vector<16xi32>
        %swap3A_426 = arith.constant 16 : index
        %swap3A_427 = tpu.vector_load %arg9[%swap3A_426] {strides = array<i32>} : memref<128xi32, #tpu.memory_space<vmem>>, vector<16xi32>,
        %swap3A_428 = vector.shape_cast %swap3A_427 : vector<16xi32> to vector<16xi32>
        %swap3A_429 = vector.shape_cast %add3A_425 : vector<16xi32> to vector<16xi32>
        tpu.vector_store %arg9[%swap3A_426], %swap3A_429 {strides = array<i32>} : memref<128xi32, #tpu.memory_space<vmem>>, vector<16xi32>,
        %get3A_430 = arith.index_cast %scan3A_243 : i32 to index
        %get3A_431 = arith.constant 16 : index
        %get3A_432 = tpu.vector_load %arg7[%get3A_430, %get3A_431] {strides = array<i32>} : memref<40x128xi32, #tpu.memory_space<vmem>>, vector<1x16xi32>,
        %get3A_433 = vector.shape_cast %get3A_432 : vector<1x16xi32> to vector<16xi32>
        %swap3A_434 = arith.constant 16 : index
        %swap3A_435 = tpu.vector_load %arg12[%swap3A_434] {strides = array<i32>} : memref<128xi32, #tpu.memory_space<vmem>>, vector<16xi32>,
        %swap3A_436 = vector.shape_cast %swap3A_435 : vector<16xi32> to vector<16xi32>
        %swap3A_437 = vector.shape_cast %get3A_433 : vector<16xi32> to vector<16xi32>
        tpu.vector_store %arg12[%swap3A_434], %swap3A_437 {strides = array<i32>} : memref<128xi32, #tpu.memory_space<vmem>>, vector<16xi32>,
        %get3A_438 = arith.index_cast %scan3A_243 : i32 to index
        %get3A_439 = arith.constant 32 : index
        %get3A_440 = tpu.vector_load %arg6[%get3A_438, %get3A_439] {strides = array<i32>} : memref<40x128xi32, #tpu.memory_space<vmem>>, vector<1x16xi32>,
        %get3A_441 = vector.shape_cast %get3A_440 : vector<1x16xi32> to vector<16xi32>
        %add3A_442 = vector.broadcast %mul3A_28 : i32 to vector<16xi32>
        %add3A_443 = arith.addi %get3A_441, %add3A_442 : vector<16xi32>
        %swap3A_444 = arith.constant 32 : index
        %swap3A_445 = tpu.vector_load %arg9[%swap3A_444] {strides = array<i32>} : memref<128xi32, #tpu.memory_space<vmem>>, vector<16xi32>,
        %swap3A_446 = vector.shape_cast %swap3A_445 : vector<16xi32> to vector<16xi32>
        %swap3A_447 = vector.shape_cast %add3A_443 : vector<16xi32> to vector<16xi32>
        tpu.vector_store %arg9[%swap3A_444], %swap3A_447 {strides = array<i32>} : memref<128xi32, #tpu.memory_space<vmem>>, vector<16xi32>,
        %get3A_448 = arith.index_cast %scan3A_243 : i32 to index
        %get3A_449 = arith.constant 32 : index
        %get3A_450 = tpu.vector_load %arg7[%get3A_448, %get3A_449] {strides = array<i32>} : memref<40x128xi32, #tpu.memory_space<vmem>>, vector<1x16xi32>,
        %get3A_451 = vector.shape_cast %get3A_450 : vector<1x16xi32> to vector<16xi32>
        %swap3A_452 = arith.constant 32 : index
        %swap3A_453 = tpu.vector_load %arg12[%swap3A_452] {strides = array<i32>} : memref<128xi32, #tpu.memory_space<vmem>>, vector<16xi32>,
        %swap3A_454 = vector.shape_cast %swap3A_453 : vector<16xi32> to vector<16xi32>
        %swap3A_455 = vector.shape_cast %get3A_451 : vector<16xi32> to vector<16xi32>
        tpu.vector_store %arg12[%swap3A_452], %swap3A_455 {strides = array<i32>} : memref<128xi32, #tpu.memory_space<vmem>>, vector<16xi32>,
        %get3A_456 = arith.index_cast %scan3A_243 : i32 to index
        %get3A_457 = arith.constant 48 : index
        %get3A_458 = tpu.vector_load %arg6[%get3A_456, %get3A_457] {strides = array<i32>} : memref<40x128xi32, #tpu.memory_space<vmem>>, vector<1x16xi32>,
        %get3A_459 = vector.shape_cast %get3A_458 : vector<1x16xi32> to vector<16xi32>
        %add3A_460 = vector.broadcast %mul3A_28 : i32 to vector<16xi32>
        %add3A_461 = arith.addi %get3A_459, %add3A_460 : vector<16xi32>
        %swap3A_462 = arith.constant 48 : index
        %swap3A_463 = tpu.vector_load %arg9[%swap3A_462] {strides = array<i32>} : memref<128xi32, #tpu.memory_space<vmem>>, vector<16xi32>,
        %swap3A_464 = vector.shape_cast %swap3A_463 : vector<16xi32> to vector<16xi32>
        %swap3A_465 = vector.shape_cast %add3A_461 : vector<16xi32> to vector<16xi32>
        tpu.vector_store %arg9[%swap3A_462], %swap3A_465 {strides = array<i32>} : memref<128xi32, #tpu.memory_space<vmem>>, vector<16xi32>,
        %get3A_466 = arith.index_cast %scan3A_243 : i32 to index
        %get3A_467 = arith.constant 48 : index
        %get3A_468 = tpu.vector_load %arg7[%get3A_466, %get3A_467] {strides = array<i32>} : memref<40x128xi32, #tpu.memory_space<vmem>>, vector<1x16xi32>,
        %get3A_469 = vector.shape_cast %get3A_468 : vector<1x16xi32> to vector<16xi32>
        %swap3A_470 = arith.constant 48 : index
        %swap3A_471 = tpu.vector_load %arg12[%swap3A_470] {strides = array<i32>} : memref<128xi32, #tpu.memory_space<vmem>>, vector<16xi32>,
        %swap3A_472 = vector.shape_cast %swap3A_471 : vector<16xi32> to vector<16xi32>
        %swap3A_473 = vector.shape_cast %get3A_469 : vector<16xi32> to vector<16xi32>
        tpu.vector_store %arg12[%swap3A_470], %swap3A_473 {strides = array<i32>} : memref<128xi32, #tpu.memory_space<vmem>>, vector<16xi32>,
        %get3A_474 = arith.index_cast %scan3A_243 : i32 to index
        %get3A_475 = arith.constant 64 : index
        %get3A_476 = tpu.vector_load %arg6[%get3A_474, %get3A_475] {strides = array<i32>} : memref<40x128xi32, #tpu.memory_space<vmem>>, vector<1x16xi32>,
        %get3A_477 = vector.shape_cast %get3A_476 : vector<1x16xi32> to vector<16xi32>
        %add3A_478 = vector.broadcast %mul3A_28 : i32 to vector<16xi32>
        %add3A_479 = arith.addi %get3A_477, %add3A_478 : vector<16xi32>
        %swap3A_480 = arith.constant 64 : index
        %swap3A_481 = tpu.vector_load %arg9[%swap3A_480] {strides = array<i32>} : memref<128xi32, #tpu.memory_space<vmem>>, vector<16xi32>,
        %swap3A_482 = vector.shape_cast %swap3A_481 : vector<16xi32> to vector<16xi32>
        %swap3A_483 = vector.shape_cast %add3A_479 : vector<16xi32> to vector<16xi32>
        tpu.vector_store %arg9[%swap3A_480], %swap3A_483 {strides = array<i32>} : memref<128xi32, #tpu.memory_space<vmem>>, vector<16xi32>,
        %get3A_484 = arith.index_cast %scan3A_243 : i32 to index
        %get3A_485 = arith.constant 64 : index
        %get3A_486 = tpu.vector_load %arg7[%get3A_484, %get3A_485] {strides = array<i32>} : memref<40x128xi32, #tpu.memory_space<vmem>>, vector<1x16xi32>,
        %get3A_487 = vector.shape_cast %get3A_486 : vector<1x16xi32> to vector<16xi32>
        %swap3A_488 = arith.constant 64 : index
        %swap3A_489 = tpu.vector_load %arg12[%swap3A_488] {strides = array<i32>} : memref<128xi32, #tpu.memory_space<vmem>>, vector<16xi32>,
        %swap3A_490 = vector.shape_cast %swap3A_489 : vector<16xi32> to vector<16xi32>
        %swap3A_491 = vector.shape_cast %get3A_487 : vector<16xi32> to vector<16xi32>
        tpu.vector_store %arg12[%swap3A_488], %swap3A_491 {strides = array<i32>} : memref<128xi32, #tpu.memory_space<vmem>>, vector<16xi32>,
        %get3A_492 = arith.index_cast %scan3A_243 : i32 to index
        %get3A_493 = arith.constant 80 : index
        %get3A_494 = tpu.vector_load %arg6[%get3A_492, %get3A_493] {strides = array<i32>} : memref<40x128xi32, #tpu.memory_space<vmem>>, vector<1x16xi32>,
        %get3A_495 = vector.shape_cast %get3A_494 : vector<1x16xi32> to vector<16xi32>
        %add3A_496 = vector.broadcast %mul3A_28 : i32 to vector<16xi32>
        %add3A_497 = arith.addi %get3A_495, %add3A_496 : vector<16xi32>
        %swap3A_498 = arith.constant 80 : index
        %swap3A_499 = tpu.vector_load %arg9[%swap3A_498] {strides = array<i32>} : memref<128xi32, #tpu.memory_space<vmem>>, vector<16xi32>,
        %swap3A_500 = vector.shape_cast %swap3A_499 : vector<16xi32> to vector<16xi32>
        %swap3A_501 = vector.shape_cast %add3A_497 : vector<16xi32> to vector<16xi32>
        tpu.vector_store %arg9[%swap3A_498], %swap3A_501 {strides = array<i32>} : memref<128xi32, #tpu.memory_space<vmem>>, vector<16xi32>,
        %get3A_502 = arith.index_cast %scan3A_243 : i32 to index
        %get3A_503 = arith.constant 80 : index
        %get3A_504 = tpu.vector_load %arg7[%get3A_502, %get3A_503] {strides = array<i32>} : memref<40x128xi32, #tpu.memory_space<vmem>>, vector<1x16xi32>,
        %get3A_505 = vector.shape_cast %get3A_504 : vector<1x16xi32> to vector<16xi32>
        %swap3A_506 = arith.constant 80 : index
        %swap3A_507 = tpu.vector_load %arg12[%swap3A_506] {strides = array<i32>} : memref<128xi32, #tpu.memory_space<vmem>>, vector<16xi32>,
        %swap3A_508 = vector.shape_cast %swap3A_507 : vector<16xi32> to vector<16xi32>
        %swap3A_509 = vector.shape_cast %get3A_505 : vector<16xi32> to vector<16xi32>
        tpu.vector_store %arg12[%swap3A_506], %swap3A_509 {strides = array<i32>} : memref<128xi32, #tpu.memory_space<vmem>>, vector<16xi32>,
        %get3A_510 = arith.index_cast %scan3A_243 : i32 to index
        %get3A_511 = arith.constant 96 : index
        %get3A_512 = tpu.vector_load %arg6[%get3A_510, %get3A_511] {strides = array<i32>} : memref<40x128xi32, #tpu.memory_space<vmem>>, vector<1x16xi32>,
        %get3A_513 = vector.shape_cast %get3A_512 : vector<1x16xi32> to vector<16xi32>
        %add3A_514 = vector.broadcast %mul3A_28 : i32 to vector<16xi32>
        %add3A_515 = arith.addi %get3A_513, %add3A_514 : vector<16xi32>
        %swap3A_516 = arith.constant 96 : index
        %swap3A_517 = tpu.vector_load %arg9[%swap3A_516] {strides = array<i32>} : memref<128xi32, #tpu.memory_space<vmem>>, vector<16xi32>,
        %swap3A_518 = vector.shape_cast %swap3A_517 : vector<16xi32> to vector<16xi32>
        %swap3A_519 = vector.shape_cast %add3A_515 : vector<16xi32> to vector<16xi32>
        tpu.vector_store %arg9[%swap3A_516], %swap3A_519 {strides = array<i32>} : memref<128xi32, #tpu.memory_space<vmem>>, vector<16xi32>,
        %get3A_520 = arith.index_cast %scan3A_243 : i32 to index
        %get3A_521 = arith.constant 96 : index
        %get3A_522 = tpu.vector_load %arg7[%get3A_520, %get3A_521] {strides = array<i32>} : memref<40x128xi32, #tpu.memory_space<vmem>>, vector<1x16xi32>,
        %get3A_523 = vector.shape_cast %get3A_522 : vector<1x16xi32> to vector<16xi32>
        %swap3A_524 = arith.constant 96 : index
        %swap3A_525 = tpu.vector_load %arg12[%swap3A_524] {strides = array<i32>} : memref<128xi32, #tpu.memory_space<vmem>>, vector<16xi32>,
        %swap3A_526 = vector.shape_cast %swap3A_525 : vector<16xi32> to vector<16xi32>
        %swap3A_527 = vector.shape_cast %get3A_523 : vector<16xi32> to vector<16xi32>
        tpu.vector_store %arg12[%swap3A_524], %swap3A_527 {strides = array<i32>} : memref<128xi32, #tpu.memory_space<vmem>>, vector<16xi32>,
        %get3A_528 = arith.index_cast %scan3A_243 : i32 to index
        %get3A_529 = arith.constant 112 : index
        %get3A_530 = tpu.vector_load %arg6[%get3A_528, %get3A_529] {strides = array<i32>} : memref<40x128xi32, #tpu.memory_space<vmem>>, vector<1x16xi32>,
        %get3A_531 = vector.shape_cast %get3A_530 : vector<1x16xi32> to vector<16xi32>
        %add3A_532 = vector.broadcast %mul3A_28 : i32 to vector<16xi32>
        %add3A_533 = arith.addi %get3A_531, %add3A_532 : vector<16xi32>
        %swap3A_534 = arith.constant 112 : index
        %swap3A_535 = tpu.vector_load %arg9[%swap3A_534] {strides = array<i32>} : memref<128xi32, #tpu.memory_space<vmem>>, vector<16xi32>,
        %swap3A_536 = vector.shape_cast %swap3A_535 : vector<16xi32> to vector<16xi32>
        %swap3A_537 = vector.shape_cast %add3A_533 : vector<16xi32> to vector<16xi32>
        tpu.vector_store %arg9[%swap3A_534], %swap3A_537 {strides = array<i32>} : memref<128xi32, #tpu.memory_space<vmem>>, vector<16xi32>,
        %get3A_538 = arith.index_cast %scan3A_243 : i32 to index
        %get3A_539 = arith.constant 112 : index
        %get3A_540 = tpu.vector_load %arg7[%get3A_538, %get3A_539] {strides = array<i32>} : memref<40x128xi32, #tpu.memory_space<vmem>>, vector<1x16xi32>,
        %get3A_541 = vector.shape_cast %get3A_540 : vector<1x16xi32> to vector<16xi32>
        %swap3A_542 = arith.constant 112 : index
        %swap3A_543 = tpu.vector_load %arg12[%swap3A_542] {strides = array<i32>} : memref<128xi32, #tpu.memory_space<vmem>>, vector<16xi32>,
        %swap3A_544 = vector.shape_cast %swap3A_543 : vector<16xi32> to vector<16xi32>
        %swap3A_545 = vector.shape_cast %get3A_541 : vector<16xi32> to vector<16xi32>
        tpu.vector_store %arg12[%swap3A_542], %swap3A_545 {strides = array<i32>} : memref<128xi32, #tpu.memory_space<vmem>>, vector<16xi32>,
        %dma_start3A = arith.constant 0 : i32
        %dma_start3A_546 = arith.constant 0 : i32
        %dma_start3A_547 = tpu.memref_slice %arg2[%dma_start3A, %dma_start3A_546] : memref<20000x64xf32, #tpu.memory_space<hbm>> -> memref<20000x64xf32, #tpu.memory_space<hbm>>
        tpu.enqueue_indirect_dma source(%dma_start3A_547 : memref<20000x64xf32, #tpu.memory_space<hbm>>) target(%arg15 : memref<128x64xf32, #tpu.memory_space<vmem>>) offsets(%arg9 : memref<128xi32, #tpu.memory_space<vmem>>) semaphore(%arg25 : memref<!tpu.dma_semaphore, #tpu.memory_space<semaphore_mem>>)
      } else {
      }
      %lt3A_289 = arith.constant 40 : i32
      %lt3A_290 = arith.cmpi slt, %scan3A_243, %lt3A_289 : i32
      %jit3A_291 = arith.constant 3 : i32
      %eq3A_292 = arith.constant 0 : i32
      %eq3A_293 = arith.cmpi eq, %jit3A_291, %eq3A_292 : i32
      %jit3A_294 = arith.constant 1 : i32
      %select_n3A_295 = arith.select %eq3A_293, %jit3A_294, %jit3A_291 : i32
      %rem3A_296 = arith.remsi %scan3A_243, %select_n3A_295 : i32
      %ne3A_297 = arith.constant 0 : i32
      %ne3A_298 = arith.cmpi ne, %rem3A_296, %ne3A_297 : i32
      %lt3A_299 = arith.constant 0 : i32
      %lt3A_300 = arith.cmpi slt, %rem3A_296, %lt3A_299 : i32
      %lt3A_301 = arith.constant 0 : i32
      %lt3A_302 = arith.cmpi slt, %select_n3A_295, %lt3A_301 : i32
      %ne3A_303 = arith.xori %lt3A_300, %lt3A_302 : i1
      %and3A_304 = arith.andi %ne3A_303, %ne3A_298 : i1
      %add3A_305 = arith.addi %rem3A_296, %select_n3A_295 : i32
      %select_n3A_306 = arith.select %and3A_304, %add3A_305, %rem3A_296 : i32
      %eq3A_307 = arith.constant 2 : i32
      %eq3A_308 = arith.cmpi eq, %select_n3A_306, %eq3A_307 : i32
      %and3A_309 = arith.andi %lt3A_290, %eq3A_308 : i1
      %convert_element_type3A_310 = arith.extui %and3A_309 : i1 to i32
      %cond3A_311 = arith.constant 0 : i32
      %cond3A_312 = arith.cmpi ne, %convert_element_type3A_310, %cond3A_311 : i32
      scf.if %cond3A_312 {
        %ge3A_399 = arith.constant 3 : i32
        %ge3A_400 = arith.cmpi sge, %scan3A_243, %ge3A_399 : i32
        %convert_element_type3A_401 = arith.extui %ge3A_400 : i1 to i32
        %cond3A_402 = arith.constant 0 : i32
        %cond3A_403 = arith.cmpi ne, %convert_element_type3A_401, %cond3A_402 : i32
        scf.if %cond3A_403 {
          %dma_wait3A_548 = arith.constant 0 : i32
          %dma_wait3A_549 = arith.constant 0 : i32
          %dma_wait3A_550 = tpu.memref_slice %arg22[%dma_wait3A_548, %dma_wait3A_549] : memref<10008x64xf32, #tpu.memory_space<vmem_shared>> -> memref<10008x64xf32, #tpu.memory_space<vmem_shared>>
          tpu.wait_indirect_dma semaphore(%arg32 : memref<!tpu.dma_semaphore, #tpu.memory_space<semaphore_mem>>) src(%arg16 : memref<128x64xf32, #tpu.memory_space<vmem>>) dst(%dma_wait3A_550 : memref<10008x64xf32, #tpu.memory_space<vmem_shared>>)
          %eq3A_551 = arith.constant 0 : i32
          %eq3A_552 = arith.cmpi eq, %arg0, %eq3A_551 : i32
          %convert_element_type3A_553 = arith.extui %eq3A_552 : i1 to i32
          %cond3A_554 = arith.constant 0 : i32
          %cond3A_555 = arith.cmpi ne, %convert_element_type3A_553, %cond3A_554 : i32
          scf.if %cond3A_555 {
            %dma_wait3A_556 = arith.constant 0 : i32
            %dma_wait3A_557 = arith.constant 0 : i32
            %dma_wait3A_558 = tpu.memref_slice %arg23[%dma_wait3A_556, %dma_wait3A_557] : memref<10008x16xf32, #tpu.memory_space<vmem_shared>> -> memref<10008x16xf32, #tpu.memory_space<vmem_shared>>
            tpu.wait_indirect_dma semaphore(%arg29 : memref<!tpu.dma_semaphore, #tpu.memory_space<semaphore_mem>>) src(%arg17 : memref<128x16xf32, #tpu.memory_space<vmem>>) dst(%dma_wait3A_558 : memref<10008x16xf32, #tpu.memory_space<vmem_shared>>)
          } else {
          }
        } else {
        }
        %get3A = arith.index_cast %scan3A_243 : i32 to index
        %get3A_404 = arith.constant 0 : index
        %get3A_405 = tpu.vector_load %arg6[%get3A, %get3A_404] {strides = array<i32>} : memref<40x128xi32, #tpu.memory_space<vmem>>, vector<1x16xi32>,
        %get3A_406 = vector.shape_cast %get3A_405 : vector<1x16xi32> to vector<16xi32>
        %add3A_407 = vector.broadcast %mul3A_28 : i32 to vector<16xi32>
        %add3A_408 = arith.addi %get3A_406, %add3A_407 : vector<16xi32>
        %swap3A = arith.constant 0 : index
        %swap3A_409 = tpu.vector_load %arg10[%swap3A] {strides = array<i32>} : memref<128xi32, #tpu.memory_space<vmem>>, vector<16xi32>,
        %swap3A_410 = vector.shape_cast %swap3A_409 : vector<16xi32> to vector<16xi32>
        %swap3A_411 = vector.shape_cast %add3A_408 : vector<16xi32> to vector<16xi32>
        tpu.vector_store %arg10[%swap3A], %swap3A_411 {strides = array<i32>} : memref<128xi32, #tpu.memory_space<vmem>>, vector<16xi32>,
        %get3A_412 = arith.index_cast %scan3A_243 : i32 to index
        %get3A_413 = arith.constant 0 : index
        %get3A_414 = tpu.vector_load %arg7[%get3A_412, %get3A_413] {strides = array<i32>} : memref<40x128xi32, #tpu.memory_space<vmem>>, vector<1x16xi32>,
        %get3A_415 = vector.shape_cast %get3A_414 : vector<1x16xi32> to vector<16xi32>
        %swap3A_416 = arith.constant 0 : index
        %swap3A_417 = tpu.vector_load %arg13[%swap3A_416] {strides = array<i32>} : memref<128xi32, #tpu.memory_space<vmem>>, vector<16xi32>,
        %swap3A_418 = vector.shape_cast %swap3A_417 : vector<16xi32> to vector<16xi32>
        %swap3A_419 = vector.shape_cast %get3A_415 : vector<16xi32> to vector<16xi32>
        tpu.vector_store %arg13[%swap3A_416], %swap3A_419 {strides = array<i32>} : memref<128xi32, #tpu.memory_space<vmem>>, vector<16xi32>,
        %get3A_420 = arith.index_cast %scan3A_243 : i32 to index
        %get3A_421 = arith.constant 16 : index
        %get3A_422 = tpu.vector_load %arg6[%get3A_420, %get3A_421] {strides = array<i32>} : memref<40x128xi32, #tpu.memory_space<vmem>>, vector<1x16xi32>,
        %get3A_423 = vector.shape_cast %get3A_422 : vector<1x16xi32> to vector<16xi32>
        %add3A_424 = vector.broadcast %mul3A_28 : i32 to vector<16xi32>
        %add3A_425 = arith.addi %get3A_423, %add3A_424 : vector<16xi32>
        %swap3A_426 = arith.constant 16 : index
        %swap3A_427 = tpu.vector_load %arg10[%swap3A_426] {strides = array<i32>} : memref<128xi32, #tpu.memory_space<vmem>>, vector<16xi32>,
        %swap3A_428 = vector.shape_cast %swap3A_427 : vector<16xi32> to vector<16xi32>
        %swap3A_429 = vector.shape_cast %add3A_425 : vector<16xi32> to vector<16xi32>
        tpu.vector_store %arg10[%swap3A_426], %swap3A_429 {strides = array<i32>} : memref<128xi32, #tpu.memory_space<vmem>>, vector<16xi32>,
        %get3A_430 = arith.index_cast %scan3A_243 : i32 to index
        %get3A_431 = arith.constant 16 : index
        %get3A_432 = tpu.vector_load %arg7[%get3A_430, %get3A_431] {strides = array<i32>} : memref<40x128xi32, #tpu.memory_space<vmem>>, vector<1x16xi32>,
        %get3A_433 = vector.shape_cast %get3A_432 : vector<1x16xi32> to vector<16xi32>
        %swap3A_434 = arith.constant 16 : index
        %swap3A_435 = tpu.vector_load %arg13[%swap3A_434] {strides = array<i32>} : memref<128xi32, #tpu.memory_space<vmem>>, vector<16xi32>,
        %swap3A_436 = vector.shape_cast %swap3A_435 : vector<16xi32> to vector<16xi32>
        %swap3A_437 = vector.shape_cast %get3A_433 : vector<16xi32> to vector<16xi32>
        tpu.vector_store %arg13[%swap3A_434], %swap3A_437 {strides = array<i32>} : memref<128xi32, #tpu.memory_space<vmem>>, vector<16xi32>,
        %get3A_438 = arith.index_cast %scan3A_243 : i32 to index
        %get3A_439 = arith.constant 32 : index
        %get3A_440 = tpu.vector_load %arg6[%get3A_438, %get3A_439] {strides = array<i32>} : memref<40x128xi32, #tpu.memory_space<vmem>>, vector<1x16xi32>,
        %get3A_441 = vector.shape_cast %get3A_440 : vector<1x16xi32> to vector<16xi32>
        %add3A_442 = vector.broadcast %mul3A_28 : i32 to vector<16xi32>
        %add3A_443 = arith.addi %get3A_441, %add3A_442 : vector<16xi32>
        %swap3A_444 = arith.constant 32 : index
        %swap3A_445 = tpu.vector_load %arg10[%swap3A_444] {strides = array<i32>} : memref<128xi32, #tpu.memory_space<vmem>>, vector<16xi32>,
        %swap3A_446 = vector.shape_cast %swap3A_445 : vector<16xi32> to vector<16xi32>
        %swap3A_447 = vector.shape_cast %add3A_443 : vector<16xi32> to vector<16xi32>
        tpu.vector_store %arg10[%swap3A_444], %swap3A_447 {strides = array<i32>} : memref<128xi32, #tpu.memory_space<vmem>>, vector<16xi32>,
        %get3A_448 = arith.index_cast %scan3A_243 : i32 to index
        %get3A_449 = arith.constant 32 : index
        %get3A_450 = tpu.vector_load %arg7[%get3A_448, %get3A_449] {strides = array<i32>} : memref<40x128xi32, #tpu.memory_space<vmem>>, vector<1x16xi32>,
        %get3A_451 = vector.shape_cast %get3A_450 : vector<1x16xi32> to vector<16xi32>
        %swap3A_452 = arith.constant 32 : index
        %swap3A_453 = tpu.vector_load %arg13[%swap3A_452] {strides = array<i32>} : memref<128xi32, #tpu.memory_space<vmem>>, vector<16xi32>,
        %swap3A_454 = vector.shape_cast %swap3A_453 : vector<16xi32> to vector<16xi32>
        %swap3A_455 = vector.shape_cast %get3A_451 : vector<16xi32> to vector<16xi32>
        tpu.vector_store %arg13[%swap3A_452], %swap3A_455 {strides = array<i32>} : memref<128xi32, #tpu.memory_space<vmem>>, vector<16xi32>,
        %get3A_456 = arith.index_cast %scan3A_243 : i32 to index
        %get3A_457 = arith.constant 48 : index
        %get3A_458 = tpu.vector_load %arg6[%get3A_456, %get3A_457] {strides = array<i32>} : memref<40x128xi32, #tpu.memory_space<vmem>>, vector<1x16xi32>,
        %get3A_459 = vector.shape_cast %get3A_458 : vector<1x16xi32> to vector<16xi32>
        %add3A_460 = vector.broadcast %mul3A_28 : i32 to vector<16xi32>
        %add3A_461 = arith.addi %get3A_459, %add3A_460 : vector<16xi32>
        %swap3A_462 = arith.constant 48 : index
        %swap3A_463 = tpu.vector_load %arg10[%swap3A_462] {strides = array<i32>} : memref<128xi32, #tpu.memory_space<vmem>>, vector<16xi32>,
        %swap3A_464 = vector.shape_cast %swap3A_463 : vector<16xi32> to vector<16xi32>
        %swap3A_465 = vector.shape_cast %add3A_461 : vector<16xi32> to vector<16xi32>
        tpu.vector_store %arg10[%swap3A_462], %swap3A_465 {strides = array<i32>} : memref<128xi32, #tpu.memory_space<vmem>>, vector<16xi32>,
        %get3A_466 = arith.index_cast %scan3A_243 : i32 to index
        %get3A_467 = arith.constant 48 : index
        %get3A_468 = tpu.vector_load %arg7[%get3A_466, %get3A_467] {strides = array<i32>} : memref<40x128xi32, #tpu.memory_space<vmem>>, vector<1x16xi32>,
        %get3A_469 = vector.shape_cast %get3A_468 : vector<1x16xi32> to vector<16xi32>
        %swap3A_470 = arith.constant 48 : index
        %swap3A_471 = tpu.vector_load %arg13[%swap3A_470] {strides = array<i32>} : memref<128xi32, #tpu.memory_space<vmem>>, vector<16xi32>,
        %swap3A_472 = vector.shape_cast %swap3A_471 : vector<16xi32> to vector<16xi32>
        %swap3A_473 = vector.shape_cast %get3A_469 : vector<16xi32> to vector<16xi32>
        tpu.vector_store %arg13[%swap3A_470], %swap3A_473 {strides = array<i32>} : memref<128xi32, #tpu.memory_space<vmem>>, vector<16xi32>,
        %get3A_474 = arith.index_cast %scan3A_243 : i32 to index
        %get3A_475 = arith.constant 64 : index
        %get3A_476 = tpu.vector_load %arg6[%get3A_474, %get3A_475] {strides = array<i32>} : memref<40x128xi32, #tpu.memory_space<vmem>>, vector<1x16xi32>,
        %get3A_477 = vector.shape_cast %get3A_476 : vector<1x16xi32> to vector<16xi32>
        %add3A_478 = vector.broadcast %mul3A_28 : i32 to vector<16xi32>
        %add3A_479 = arith.addi %get3A_477, %add3A_478 : vector<16xi32>
        %swap3A_480 = arith.constant 64 : index
        %swap3A_481 = tpu.vector_load %arg10[%swap3A_480] {strides = array<i32>} : memref<128xi32, #tpu.memory_space<vmem>>, vector<16xi32>,
        %swap3A_482 = vector.shape_cast %swap3A_481 : vector<16xi32> to vector<16xi32>
        %swap3A_483 = vector.shape_cast %add3A_479 : vector<16xi32> to vector<16xi32>
        tpu.vector_store %arg10[%swap3A_480], %swap3A_483 {strides = array<i32>} : memref<128xi32, #tpu.memory_space<vmem>>, vector<16xi32>,
        %get3A_484 = arith.index_cast %scan3A_243 : i32 to index
        %get3A_485 = arith.constant 64 : index
        %get3A_486 = tpu.vector_load %arg7[%get3A_484, %get3A_485] {strides = array<i32>} : memref<40x128xi32, #tpu.memory_space<vmem>>, vector<1x16xi32>,
        %get3A_487 = vector.shape_cast %get3A_486 : vector<1x16xi32> to vector<16xi32>
        %swap3A_488 = arith.constant 64 : index
        %swap3A_489 = tpu.vector_load %arg13[%swap3A_488] {strides = array<i32>} : memref<128xi32, #tpu.memory_space<vmem>>, vector<16xi32>,
        %swap3A_490 = vector.shape_cast %swap3A_489 : vector<16xi32> to vector<16xi32>
        %swap3A_491 = vector.shape_cast %get3A_487 : vector<16xi32> to vector<16xi32>
        tpu.vector_store %arg13[%swap3A_488], %swap3A_491 {strides = array<i32>} : memref<128xi32, #tpu.memory_space<vmem>>, vector<16xi32>,
        %get3A_492 = arith.index_cast %scan3A_243 : i32 to index
        %get3A_493 = arith.constant 80 : index
        %get3A_494 = tpu.vector_load %arg6[%get3A_492, %get3A_493] {strides = array<i32>} : memref<40x128xi32, #tpu.memory_space<vmem>>, vector<1x16xi32>,
        %get3A_495 = vector.shape_cast %get3A_494 : vector<1x16xi32> to vector<16xi32>
        %add3A_496 = vector.broadcast %mul3A_28 : i32 to vector<16xi32>
        %add3A_497 = arith.addi %get3A_495, %add3A_496 : vector<16xi32>
        %swap3A_498 = arith.constant 80 : index
        %swap3A_499 = tpu.vector_load %arg10[%swap3A_498] {strides = array<i32>} : memref<128xi32, #tpu.memory_space<vmem>>, vector<16xi32>,
        %swap3A_500 = vector.shape_cast %swap3A_499 : vector<16xi32> to vector<16xi32>
        %swap3A_501 = vector.shape_cast %add3A_497 : vector<16xi32> to vector<16xi32>
        tpu.vector_store %arg10[%swap3A_498], %swap3A_501 {strides = array<i32>} : memref<128xi32, #tpu.memory_space<vmem>>, vector<16xi32>,
        %get3A_502 = arith.index_cast %scan3A_243 : i32 to index
        %get3A_503 = arith.constant 80 : index
        %get3A_504 = tpu.vector_load %arg7[%get3A_502, %get3A_503] {strides = array<i32>} : memref<40x128xi32, #tpu.memory_space<vmem>>, vector<1x16xi32>,
        %get3A_505 = vector.shape_cast %get3A_504 : vector<1x16xi32> to vector<16xi32>
        %swap3A_506 = arith.constant 80 : index
        %swap3A_507 = tpu.vector_load %arg13[%swap3A_506] {strides = array<i32>} : memref<128xi32, #tpu.memory_space<vmem>>, vector<16xi32>,
        %swap3A_508 = vector.shape_cast %swap3A_507 : vector<16xi32> to vector<16xi32>
        %swap3A_509 = vector.shape_cast %get3A_505 : vector<16xi32> to vector<16xi32>
        tpu.vector_store %arg13[%swap3A_506], %swap3A_509 {strides = array<i32>} : memref<128xi32, #tpu.memory_space<vmem>>, vector<16xi32>,
        %get3A_510 = arith.index_cast %scan3A_243 : i32 to index
        %get3A_511 = arith.constant 96 : index
        %get3A_512 = tpu.vector_load %arg6[%get3A_510, %get3A_511] {strides = array<i32>} : memref<40x128xi32, #tpu.memory_space<vmem>>, vector<1x16xi32>,
        %get3A_513 = vector.shape_cast %get3A_512 : vector<1x16xi32> to vector<16xi32>
        %add3A_514 = vector.broadcast %mul3A_28 : i32 to vector<16xi32>
        %add3A_515 = arith.addi %get3A_513, %add3A_514 : vector<16xi32>
        %swap3A_516 = arith.constant 96 : index
        %swap3A_517 = tpu.vector_load %arg10[%swap3A_516] {strides = array<i32>} : memref<128xi32, #tpu.memory_space<vmem>>, vector<16xi32>,
        %swap3A_518 = vector.shape_cast %swap3A_517 : vector<16xi32> to vector<16xi32>
        %swap3A_519 = vector.shape_cast %add3A_515 : vector<16xi32> to vector<16xi32>
        tpu.vector_store %arg10[%swap3A_516], %swap3A_519 {strides = array<i32>} : memref<128xi32, #tpu.memory_space<vmem>>, vector<16xi32>,
        %get3A_520 = arith.index_cast %scan3A_243 : i32 to index
        %get3A_521 = arith.constant 96 : index
        %get3A_522 = tpu.vector_load %arg7[%get3A_520, %get3A_521] {strides = array<i32>} : memref<40x128xi32, #tpu.memory_space<vmem>>, vector<1x16xi32>,
        %get3A_523 = vector.shape_cast %get3A_522 : vector<1x16xi32> to vector<16xi32>
        %swap3A_524 = arith.constant 96 : index
        %swap3A_525 = tpu.vector_load %arg13[%swap3A_524] {strides = array<i32>} : memref<128xi32, #tpu.memory_space<vmem>>, vector<16xi32>,
        %swap3A_526 = vector.shape_cast %swap3A_525 : vector<16xi32> to vector<16xi32>
        %swap3A_527 = vector.shape_cast %get3A_523 : vector<16xi32> to vector<16xi32>
        tpu.vector_store %arg13[%swap3A_524], %swap3A_527 {strides = array<i32>} : memref<128xi32, #tpu.memory_space<vmem>>, vector<16xi32>,
        %get3A_528 = arith.index_cast %scan3A_243 : i32 to index
        %get3A_529 = arith.constant 112 : index
        %get3A_530 = tpu.vector_load %arg6[%get3A_528, %get3A_529] {strides = array<i32>} : memref<40x128xi32, #tpu.memory_space<vmem>>, vector<1x16xi32>,
        %get3A_531 = vector.shape_cast %get3A_530 : vector<1x16xi32> to vector<16xi32>
        %add3A_532 = vector.broadcast %mul3A_28 : i32 to vector<16xi32>
        %add3A_533 = arith.addi %get3A_531, %add3A_532 : vector<16xi32>
        %swap3A_534 = arith.constant 112 : index
        %swap3A_535 = tpu.vector_load %arg10[%swap3A_534] {strides = array<i32>} : memref<128xi32, #tpu.memory_space<vmem>>, vector<16xi32>,
        %swap3A_536 = vector.shape_cast %swap3A_535 : vector<16xi32> to vector<16xi32>
        %swap3A_537 = vector.shape_cast %add3A_533 : vector<16xi32> to vector<16xi32>
        tpu.vector_store %arg10[%swap3A_534], %swap3A_537 {strides = array<i32>} : memref<128xi32, #tpu.memory_space<vmem>>, vector<16xi32>,
        %get3A_538 = arith.index_cast %scan3A_243 : i32 to index
        %get3A_539 = arith.constant 112 : index
        %get3A_540 = tpu.vector_load %arg7[%get3A_538, %get3A_539] {strides = array<i32>} : memref<40x128xi32, #tpu.memory_space<vmem>>, vector<1x16xi32>,
        %get3A_541 = vector.shape_cast %get3A_540 : vector<1x16xi32> to vector<16xi32>
        %swap3A_542 = arith.constant 112 : index
        %swap3A_543 = tpu.vector_load %arg13[%swap3A_542] {strides = array<i32>} : memref<128xi32, #tpu.memory_space<vmem>>, vector<16xi32>,
        %swap3A_544 = vector.shape_cast %swap3A_543 : vector<16xi32> to vector<16xi32>
        %swap3A_545 = vector.shape_cast %get3A_541 : vector<16xi32> to vector<16xi32>
        tpu.vector_store %arg13[%swap3A_542], %swap3A_545 {strides = array<i32>} : memref<128xi32, #tpu.memory_space<vmem>>, vector<16xi32>,
        %dma_start3A = arith.constant 0 : i32
        %dma_start3A_546 = arith.constant 0 : i32
        %dma_start3A_547 = tpu.memref_slice %arg2[%dma_start3A, %dma_start3A_546] : memref<20000x64xf32, #tpu.memory_space<hbm>> -> memref<20000x64xf32, #tpu.memory_space<hbm>>
        tpu.enqueue_indirect_dma source(%dma_start3A_547 : memref<20000x64xf32, #tpu.memory_space<hbm>>) target(%arg16 : memref<128x64xf32, #tpu.memory_space<vmem>>) offsets(%arg10 : memref<128xi32, #tpu.memory_space<vmem>>) semaphore(%arg26 : memref<!tpu.dma_semaphore, #tpu.memory_space<semaphore_mem>>)
      } else {
      }
      %ge3A = arith.constant 2 : i32
      %ge3A_313 = arith.cmpi sge, %scan3A_243, %ge3A : i32
      %lt3A_314 = arith.constant 42 : i32
      %lt3A_315 = arith.cmpi slt, %scan3A_243, %lt3A_314 : i32
      %and3A_316 = arith.andi %ge3A_313, %lt3A_315 : i1
      %sub3A_317 = arith.constant 2 : i32
      %sub3A_318 = arith.subi %scan3A_243, %sub3A_317 : i32
      %jit3A_319 = arith.constant 3 : i32
      %eq3A_320 = arith.constant 0 : i32
      %eq3A_321 = arith.cmpi eq, %jit3A_319, %eq3A_320 : i32
      %jit3A_322 = arith.constant 1 : i32
      %select_n3A_323 = arith.select %eq3A_321, %jit3A_322, %jit3A_319 : i32
      %rem3A_324 = arith.remsi %sub3A_318, %select_n3A_323 : i32
      %ne3A_325 = arith.constant 0 : i32
      %ne3A_326 = arith.cmpi ne, %rem3A_324, %ne3A_325 : i32
      %lt3A_327 = arith.constant 0 : i32
      %lt3A_328 = arith.cmpi slt, %rem3A_324, %lt3A_327 : i32
      %lt3A_329 = arith.constant 0 : i32
      %lt3A_330 = arith.cmpi slt, %select_n3A_323, %lt3A_329 : i32
      %ne3A_331 = arith.xori %lt3A_328, %lt3A_330 : i1
      %and3A_332 = arith.andi %ne3A_331, %ne3A_326 : i1
      %add3A_333 = arith.addi %rem3A_324, %select_n3A_323 : i32
      %select_n3A_334 = arith.select %and3A_332, %add3A_333, %rem3A_324 : i32
      %eq3A_335 = arith.constant 0 : i32
      %eq3A_336 = arith.cmpi eq, %select_n3A_334, %eq3A_335 : i32
      %and3A_337 = arith.andi %and3A_316, %eq3A_336 : i1
      %convert_element_type3A_338 = arith.extui %and3A_337 : i1 to i32
      %cond3A_339 = arith.constant 0 : i32
      %cond3A_340 = arith.cmpi ne, %convert_element_type3A_338, %cond3A_339 : i32
      scf.if %cond3A_340 {
        %dma_wait3A_399 = arith.constant 0 : i32
        %dma_wait3A_400 = arith.constant 0 : i32
        %dma_wait3A_401 = tpu.memref_slice %arg2[%dma_wait3A_399, %dma_wait3A_400] : memref<20000x64xf32, #tpu.memory_space<hbm>> -> memref<20000x64xf32, #tpu.memory_space<hbm>>
        tpu.wait_indirect_dma semaphore(%arg24 : memref<!tpu.dma_semaphore, #tpu.memory_space<semaphore_mem>>) src(%dma_wait3A_401 : memref<20000x64xf32, #tpu.memory_space<hbm>>) dst(%arg14 : memref<128x64xf32, #tpu.memory_space<vmem>>)
        %dma_start3A = arith.constant 0 : i32
        %dma_start3A_402 = arith.constant 0 : i32
        %dma_start3A_403 = tpu.memref_slice %arg22[%dma_start3A, %dma_start3A_402] : memref<10008x64xf32, #tpu.memory_space<vmem_shared>> -> memref<10008x64xf32, #tpu.memory_space<vmem_shared>>
        tpu.enqueue_indirect_dma source(%arg14 : memref<128x64xf32, #tpu.memory_space<vmem>>) target(%dma_start3A_403 : memref<10008x64xf32, #tpu.memory_space<vmem_shared>>) offsets(%arg11 : memref<128xi32, #tpu.memory_space<vmem>>) semaphore(%arg30 : memref<!tpu.dma_semaphore, #tpu.memory_space<semaphore_mem>>) {add = true}
        %eq3A_404 = arith.constant 0 : i32
        %eq3A_405 = arith.cmpi eq, %arg0, %eq3A_404 : i32
        %convert_element_type3A_406 = arith.extui %eq3A_405 : i1 to i32
        %cond3A_407 = arith.constant 0 : i32
        %cond3A_408 = arith.cmpi ne, %convert_element_type3A_406, %cond3A_407 : i32
        scf.if %cond3A_408 {
          %dma_start3A_409 = arith.constant 0 : i32
          %dma_start3A_410 = arith.constant 0 : i32
          %dma_start3A_411 = tpu.memref_slice %arg23[%dma_start3A_409, %dma_start3A_410] : memref<10008x16xf32, #tpu.memory_space<vmem_shared>> -> memref<10008x16xf32, #tpu.memory_space<vmem_shared>>
          tpu.enqueue_indirect_dma source(%arg17 : memref<128x16xf32, #tpu.memory_space<vmem>>) target(%dma_start3A_411 : memref<10008x16xf32, #tpu.memory_space<vmem_shared>>) offsets(%arg11 : memref<128xi32, #tpu.memory_space<vmem>>) semaphore(%arg27 : memref<!tpu.dma_semaphore, #tpu.memory_space<semaphore_mem>>) {add = true}
        } else {
        }
      } else {
      }
      %ge3A_341 = arith.constant 2 : i32
      %ge3A_342 = arith.cmpi sge, %scan3A_243, %ge3A_341 : i32
      %lt3A_343 = arith.constant 42 : i32
      %lt3A_344 = arith.cmpi slt, %scan3A_243, %lt3A_343 : i32
      %and3A_345 = arith.andi %ge3A_342, %lt3A_344 : i1
      %sub3A_346 = arith.constant 2 : i32
      %sub3A_347 = arith.subi %scan3A_243, %sub3A_346 : i32
      %jit3A_348 = arith.constant 3 : i32
      %eq3A_349 = arith.constant 0 : i32
      %eq3A_350 = arith.cmpi eq, %jit3A_348, %eq3A_349 : i32
      %jit3A_351 = arith.constant 1 : i32
      %select_n3A_352 = arith.select %eq3A_350, %jit3A_351, %jit3A_348 : i32
      %rem3A_353 = arith.remsi %sub3A_347, %select_n3A_352 : i32
      %ne3A_354 = arith.constant 0 : i32
      %ne3A_355 = arith.cmpi ne, %rem3A_353, %ne3A_354 : i32
      %lt3A_356 = arith.constant 0 : i32
      %lt3A_357 = arith.cmpi slt, %rem3A_353, %lt3A_356 : i32
      %lt3A_358 = arith.constant 0 : i32
      %lt3A_359 = arith.cmpi slt, %select_n3A_352, %lt3A_358 : i32
      %ne3A_360 = arith.xori %lt3A_357, %lt3A_359 : i1
      %and3A_361 = arith.andi %ne3A_360, %ne3A_355 : i1
      %add3A_362 = arith.addi %rem3A_353, %select_n3A_352 : i32
      %select_n3A_363 = arith.select %and3A_361, %add3A_362, %rem3A_353 : i32
      %eq3A_364 = arith.constant 1 : i32
      %eq3A_365 = arith.cmpi eq, %select_n3A_363, %eq3A_364 : i32
      %and3A_366 = arith.andi %and3A_345, %eq3A_365 : i1
      %convert_element_type3A_367 = arith.extui %and3A_366 : i1 to i32
      %cond3A_368 = arith.constant 0 : i32
      %cond3A_369 = arith.cmpi ne, %convert_element_type3A_367, %cond3A_368 : i32
      scf.if %cond3A_369 {
        %dma_wait3A_399 = arith.constant 0 : i32
        %dma_wait3A_400 = arith.constant 0 : i32
        %dma_wait3A_401 = tpu.memref_slice %arg2[%dma_wait3A_399, %dma_wait3A_400] : memref<20000x64xf32, #tpu.memory_space<hbm>> -> memref<20000x64xf32, #tpu.memory_space<hbm>>
        tpu.wait_indirect_dma semaphore(%arg25 : memref<!tpu.dma_semaphore, #tpu.memory_space<semaphore_mem>>) src(%dma_wait3A_401 : memref<20000x64xf32, #tpu.memory_space<hbm>>) dst(%arg15 : memref<128x64xf32, #tpu.memory_space<vmem>>)
        %dma_start3A = arith.constant 0 : i32
        %dma_start3A_402 = arith.constant 0 : i32
        %dma_start3A_403 = tpu.memref_slice %arg22[%dma_start3A, %dma_start3A_402] : memref<10008x64xf32, #tpu.memory_space<vmem_shared>> -> memref<10008x64xf32, #tpu.memory_space<vmem_shared>>
        tpu.enqueue_indirect_dma source(%arg15 : memref<128x64xf32, #tpu.memory_space<vmem>>) target(%dma_start3A_403 : memref<10008x64xf32, #tpu.memory_space<vmem_shared>>) offsets(%arg12 : memref<128xi32, #tpu.memory_space<vmem>>) semaphore(%arg31 : memref<!tpu.dma_semaphore, #tpu.memory_space<semaphore_mem>>) {add = true}
        %eq3A_404 = arith.constant 0 : i32
        %eq3A_405 = arith.cmpi eq, %arg0, %eq3A_404 : i32
        %convert_element_type3A_406 = arith.extui %eq3A_405 : i1 to i32
        %cond3A_407 = arith.constant 0 : i32
        %cond3A_408 = arith.cmpi ne, %convert_element_type3A_406, %cond3A_407 : i32
        scf.if %cond3A_408 {
          %dma_start3A_409 = arith.constant 0 : i32
          %dma_start3A_410 = arith.constant 0 : i32
          %dma_start3A_411 = tpu.memref_slice %arg23[%dma_start3A_409, %dma_start3A_410] : memref<10008x16xf32, #tpu.memory_space<vmem_shared>> -> memref<10008x16xf32, #tpu.memory_space<vmem_shared>>
          tpu.enqueue_indirect_dma source(%arg17 : memref<128x16xf32, #tpu.memory_space<vmem>>) target(%dma_start3A_411 : memref<10008x16xf32, #tpu.memory_space<vmem_shared>>) offsets(%arg12 : memref<128xi32, #tpu.memory_space<vmem>>) semaphore(%arg28 : memref<!tpu.dma_semaphore, #tpu.memory_space<semaphore_mem>>) {add = true}
        } else {
        }
      } else {
      }
      %ge3A_370 = arith.constant 2 : i32
      %ge3A_371 = arith.cmpi sge, %scan3A_243, %ge3A_370 : i32
      %lt3A_372 = arith.constant 42 : i32
      %lt3A_373 = arith.cmpi slt, %scan3A_243, %lt3A_372 : i32
      %and3A_374 = arith.andi %ge3A_371, %lt3A_373 : i1
      %sub3A_375 = arith.constant 2 : i32
      %sub3A_376 = arith.subi %scan3A_243, %sub3A_375 : i32
      %jit3A_377 = arith.constant 3 : i32
      %eq3A_378 = arith.constant 0 : i32
      %eq3A_379 = arith.cmpi eq, %jit3A_377, %eq3A_378 : i32
      %jit3A_380 = arith.constant 1 : i32
      %select_n3A_381 = arith.select %eq3A_379, %jit3A_380, %jit3A_377 : i32
      %rem3A_382 = arith.remsi %sub3A_376, %select_n3A_381 : i32
      %ne3A_383 = arith.constant 0 : i32
      %ne3A_384 = arith.cmpi ne, %rem3A_382, %ne3A_383 : i32
      %lt3A_385 = arith.constant 0 : i32
      %lt3A_386 = arith.cmpi slt, %rem3A_382, %lt3A_385 : i32
      %lt3A_387 = arith.constant 0 : i32
      %lt3A_388 = arith.cmpi slt, %select_n3A_381, %lt3A_387 : i32
      %ne3A_389 = arith.xori %lt3A_386, %lt3A_388 : i1
      %and3A_390 = arith.andi %ne3A_389, %ne3A_384 : i1
      %add3A_391 = arith.addi %rem3A_382, %select_n3A_381 : i32
      %select_n3A_392 = arith.select %and3A_390, %add3A_391, %rem3A_382 : i32
      %eq3A_393 = arith.constant 2 : i32
      %eq3A_394 = arith.cmpi eq, %select_n3A_392, %eq3A_393 : i32
      %and3A_395 = arith.andi %and3A_374, %eq3A_394 : i1
      %convert_element_type3A_396 = arith.extui %and3A_395 : i1 to i32
      %cond3A_397 = arith.constant 0 : i32
      %cond3A_398 = arith.cmpi ne, %convert_element_type3A_396, %cond3A_397 : i32
      scf.if %cond3A_398 {
        %dma_wait3A_399 = arith.constant 0 : i32
        %dma_wait3A_400 = arith.constant 0 : i32
        %dma_wait3A_401 = tpu.memref_slice %arg2[%dma_wait3A_399, %dma_wait3A_400] : memref<20000x64xf32, #tpu.memory_space<hbm>> -> memref<20000x64xf32, #tpu.memory_space<hbm>>
        tpu.wait_indirect_dma semaphore(%arg26 : memref<!tpu.dma_semaphore, #tpu.memory_space<semaphore_mem>>) src(%dma_wait3A_401 : memref<20000x64xf32, #tpu.memory_space<hbm>>) dst(%arg16 : memref<128x64xf32, #tpu.memory_space<vmem>>)
        %dma_start3A = arith.constant 0 : i32
        %dma_start3A_402 = arith.constant 0 : i32
        %dma_start3A_403 = tpu.memref_slice %arg22[%dma_start3A, %dma_start3A_402] : memref<10008x64xf32, #tpu.memory_space<vmem_shared>> -> memref<10008x64xf32, #tpu.memory_space<vmem_shared>>
        tpu.enqueue_indirect_dma source(%arg16 : memref<128x64xf32, #tpu.memory_space<vmem>>) target(%dma_start3A_403 : memref<10008x64xf32, #tpu.memory_space<vmem_shared>>) offsets(%arg13 : memref<128xi32, #tpu.memory_space<vmem>>) semaphore(%arg32 : memref<!tpu.dma_semaphore, #tpu.memory_space<semaphore_mem>>) {add = true}
        %eq3A_404 = arith.constant 0 : i32
        %eq3A_405 = arith.cmpi eq, %arg0, %eq3A_404 : i32
        %convert_element_type3A_406 = arith.extui %eq3A_405 : i1 to i32
        %cond3A_407 = arith.constant 0 : i32
        %cond3A_408 = arith.cmpi ne, %convert_element_type3A_406, %cond3A_407 : i32
        scf.if %cond3A_408 {
          %dma_start3A_409 = arith.constant 0 : i32
          %dma_start3A_410 = arith.constant 0 : i32
          %dma_start3A_411 = tpu.memref_slice %arg23[%dma_start3A_409, %dma_start3A_410] : memref<10008x16xf32, #tpu.memory_space<vmem_shared>> -> memref<10008x16xf32, #tpu.memory_space<vmem_shared>>
          tpu.enqueue_indirect_dma source(%arg17 : memref<128x16xf32, #tpu.memory_space<vmem>>) target(%dma_start3A_411 : memref<10008x16xf32, #tpu.memory_space<vmem_shared>>) offsets(%arg13 : memref<128xi32, #tpu.memory_space<vmem>>) semaphore(%arg29 : memref<!tpu.dma_semaphore, #tpu.memory_space<semaphore_mem>>) {add = true}
        } else {
        }
      } else {
      }
    }
    %scan3A_100 = arith.constant 42 : i32
    %dma_wait3A_101 = arith.constant 0 : i32
    %dma_wait3A_102 = arith.constant 0 : i32
    %dma_wait3A_103 = tpu.memref_slice %arg22[%dma_wait3A_101, %dma_wait3A_102] : memref<10008x64xf32, #tpu.memory_space<vmem_shared>> -> memref<10008x64xf32, #tpu.memory_space<vmem_shared>>
    tpu.wait_indirect_dma semaphore(%arg30 : memref<!tpu.dma_semaphore, #tpu.memory_space<semaphore_mem>>) src(%arg14 : memref<128x64xf32, #tpu.memory_space<vmem>>) dst(%dma_wait3A_103 : memref<10008x64xf32, #tpu.memory_space<vmem_shared>>)
    %eq3A_104 = arith.constant 0 : i32
    %eq3A_105 = arith.cmpi eq, %arg0, %eq3A_104 : i32
    %convert_element_type3A_106 = arith.extui %eq3A_105 : i1 to i32
    %cond3A_107 = arith.constant 0 : i32
    %cond3A_108 = arith.cmpi ne, %convert_element_type3A_106, %cond3A_107 : i32
    scf.if %cond3A_108 {
      %dma_wait3A_243 = arith.constant 0 : i32
      %dma_wait3A_244 = arith.constant 0 : i32
      %dma_wait3A_245 = tpu.memref_slice %arg23[%dma_wait3A_243, %dma_wait3A_244] : memref<10008x16xf32, #tpu.memory_space<vmem_shared>> -> memref<10008x16xf32, #tpu.memory_space<vmem_shared>>
      tpu.wait_indirect_dma semaphore(%arg27 : memref<!tpu.dma_semaphore, #tpu.memory_space<semaphore_mem>>) src(%arg17 : memref<128x16xf32, #tpu.memory_space<vmem>>) dst(%dma_wait3A_245 : memref<10008x16xf32, #tpu.memory_space<vmem_shared>>)
    } else {
    }
    %dma_wait3A_109 = arith.constant 0 : i32
    %dma_wait3A_110 = arith.constant 0 : i32
    %dma_wait3A_111 = tpu.memref_slice %arg22[%dma_wait3A_109, %dma_wait3A_110] : memref<10008x64xf32, #tpu.memory_space<vmem_shared>> -> memref<10008x64xf32, #tpu.memory_space<vmem_shared>>
    tpu.wait_indirect_dma semaphore(%arg31 : memref<!tpu.dma_semaphore, #tpu.memory_space<semaphore_mem>>) src(%arg15 : memref<128x64xf32, #tpu.memory_space<vmem>>) dst(%dma_wait3A_111 : memref<10008x64xf32, #tpu.memory_space<vmem_shared>>)
    %eq3A_112 = arith.constant 0 : i32
    %eq3A_113 = arith.cmpi eq, %arg0, %eq3A_112 : i32
    %convert_element_type3A_114 = arith.extui %eq3A_113 : i1 to i32
    %cond3A_115 = arith.constant 0 : i32
    %cond3A_116 = arith.cmpi ne, %convert_element_type3A_114, %cond3A_115 : i32
    scf.if %cond3A_116 {
      %dma_wait3A_243 = arith.constant 0 : i32
      %dma_wait3A_244 = arith.constant 0 : i32
      %dma_wait3A_245 = tpu.memref_slice %arg23[%dma_wait3A_243, %dma_wait3A_244] : memref<10008x16xf32, #tpu.memory_space<vmem_shared>> -> memref<10008x16xf32, #tpu.memory_space<vmem_shared>>
      tpu.wait_indirect_dma semaphore(%arg28 : memref<!tpu.dma_semaphore, #tpu.memory_space<semaphore_mem>>) src(%arg17 : memref<128x16xf32, #tpu.memory_space<vmem>>) dst(%dma_wait3A_245 : memref<10008x16xf32, #tpu.memory_space<vmem_shared>>)
    } else {
    }
    %dma_wait3A_117 = arith.constant 0 : i32
    %dma_wait3A_118 = arith.constant 0 : i32
    %dma_wait3A_119 = tpu.memref_slice %arg22[%dma_wait3A_117, %dma_wait3A_118] : memref<10008x64xf32, #tpu.memory_space<vmem_shared>> -> memref<10008x64xf32, #tpu.memory_space<vmem_shared>>
    tpu.wait_indirect_dma semaphore(%arg32 : memref<!tpu.dma_semaphore, #tpu.memory_space<semaphore_mem>>) src(%arg16 : memref<128x64xf32, #tpu.memory_space<vmem>>) dst(%dma_wait3A_119 : memref<10008x64xf32, #tpu.memory_space<vmem_shared>>)
    %eq3A_120 = arith.constant 0 : i32
    %eq3A_121 = arith.cmpi eq, %arg0, %eq3A_120 : i32
    %convert_element_type3A_122 = arith.extui %eq3A_121 : i1 to i32
    %cond3A_123 = arith.constant 0 : i32
    %cond3A_124 = arith.cmpi ne, %convert_element_type3A_122, %cond3A_123 : i32
    scf.if %cond3A_124 {
      %dma_wait3A_243 = arith.constant 0 : i32
      %dma_wait3A_244 = arith.constant 0 : i32
      %dma_wait3A_245 = tpu.memref_slice %arg23[%dma_wait3A_243, %dma_wait3A_244] : memref<10008x16xf32, #tpu.memory_space<vmem_shared>> -> memref<10008x16xf32, #tpu.memory_space<vmem_shared>>
      tpu.wait_indirect_dma semaphore(%arg29 : memref<!tpu.dma_semaphore, #tpu.memory_space<semaphore_mem>>) src(%arg17 : memref<128x16xf32, #tpu.memory_space<vmem>>) dst(%dma_wait3A_245 : memref<10008x16xf32, #tpu.memory_space<vmem_shared>>)
    } else {
    }
    %barrier3A_125 = arith.constant 0 : index
    tpu.barrier barrier_id(%barrier3A_125)
    %scan3A_126 = arith.constant 0 : i32
    %scan3A_127 = arith.constant 0 : i32
    %scan3A_128 = arith.constant 16 : i32
    %scan3A_129 = arith.addi %scan3A_127, %scan3A_128 : i32
    %scan3A_130 = arith.constant 1 : i32
    scf.for %scan3A_243 = %scan3A_127 to %scan3A_129 step %scan3A_130  : i32 {
      %lt3A_244 = arith.cmpi slt, %scan3A_243, %select_n3A_26 : i32
      %convert_element_type3A_245 = arith.extui %lt3A_244 : i1 to i32
      %cond3A_246 = arith.constant 0 : i32
      %cond3A_247 = arith.cmpi ne, %convert_element_type3A_245, %cond3A_246 : i32
      scf.if %cond3A_247 {
        %mul3A_248 = arith.constant 40 : i32
        %mul3A_249 = arith.muli %scan3A_243, %mul3A_248 : i32
        %add3A_250 = arith.addi %select_n3A, %mul3A_249 : i32
        "tpu.region"() ({
          %run_scoped3A_256 = tpu.sem_alloc : memref<!tpu.dma_semaphore, #tpu.memory_space<semaphore_mem>>
          %dma_start3A = arith.constant 0 : i32
          %dma_start3A_257 = tpu.memref_slice %arg22[%add3A_250, %dma_start3A] : memref<10008x64xf32, #tpu.memory_space<vmem_shared>> -> memref<40x64xf32, #tpu.memory_space<vmem_shared>>
          %dma_start3A_258 = arith.constant 0 : i32
          %dma_start3A_259 = tpu.memref_slice %arg22[%add3A_250, %dma_start3A_258] : memref<10008x64xf32, #tpu.memory_space<vmem_shared>> -> memref<40x64xf32, #tpu.memory_space<vmem_shared>>
          tpu.enqueue_dma source(%dma_start3A_259 : memref<40x64xf32, #tpu.memory_space<vmem_shared>>) target(%arg20 : memref<40x64xf32, #tpu.memory_space<vmem>>) target_semaphore(%run_scoped3A_256 : memref<!tpu.dma_semaphore, #tpu.memory_space<semaphore_mem>>)
          %dma_wait3A_260 = arith.constant 0 : i32
          %dma_wait3A_261 = tpu.memref_slice %arg22[%add3A_250, %dma_wait3A_260] : memref<10008x64xf32, #tpu.memory_space<vmem_shared>> -> memref<40x64xf32, #tpu.memory_space<vmem_shared>>
          %dma_wait3A_262 = arith.constant 0 : i32
          %dma_wait3A_263 = tpu.memref_slice %arg22[%add3A_250, %dma_wait3A_262] : memref<10008x64xf32, #tpu.memory_space<vmem_shared>> -> memref<40x64xf32, #tpu.memory_space<vmem_shared>>
          tpu.wait_dma2 semaphore(%run_scoped3A_256 : memref<!tpu.dma_semaphore, #tpu.memory_space<semaphore_mem>>) src(%dma_wait3A_263 : memref<40x64xf32, #tpu.memory_space<vmem_shared>>) dst(%arg20 : memref<40x64xf32, #tpu.memory_space<vmem>>)
          tpu.yield
        }) : () -> ()
        %run_scoped3A = arith.constant 1 : i32
        "tpu.region"() ({
          %run_scoped3A_256 = tpu.sem_alloc : memref<!tpu.dma_semaphore, #tpu.memory_space<semaphore_mem>>
          %dma_start3A = arith.constant 0 : i32
          %dma_start3A_257 = tpu.memref_slice %arg4[%arg0, %run_scoped3A, %add3A_250, %dma_start3A] : memref<2x4x10000x64xf32, #tpu.memory_space<hbm>> -> memref<1x1x40x64xf32, #tpu.memory_space<hbm>>
          %dma_start3A_258 = tpu.memref_squeeze %dma_start3A_257 : memref<1x1x40x64xf32, #tpu.memory_space<hbm>> -> memref<40x64xf32, #tpu.memory_space<hbm>>
          %dma_start3A_259 = arith.constant 0 : i32
          %dma_start3A_260 = tpu.memref_slice %arg4[%arg0, %run_scoped3A, %add3A_250, %dma_start3A_259] : memref<2x4x10000x64xf32, #tpu.memory_space<hbm>> -> memref<1x1x40x64xf32, #tpu.memory_space<hbm>>
          %dma_start3A_261 = tpu.memref_squeeze %dma_start3A_260 : memref<1x1x40x64xf32, #tpu.memory_space<hbm>> -> memref<40x64xf32, #tpu.memory_space<hbm>>
          tpu.enqueue_dma source(%arg20 : memref<40x64xf32, #tpu.memory_space<vmem>>) target(%dma_start3A_261 : memref<40x64xf32, #tpu.memory_space<hbm>>) target_semaphore(%run_scoped3A_256 : memref<!tpu.dma_semaphore, #tpu.memory_space<semaphore_mem>>)
          %dma_wait3A_262 = arith.constant 0 : i32
          %dma_wait3A_263 = tpu.memref_slice %arg4[%arg0, %run_scoped3A, %add3A_250, %dma_wait3A_262] : memref<2x4x10000x64xf32, #tpu.memory_space<hbm>> -> memref<1x1x40x64xf32, #tpu.memory_space<hbm>>
          %dma_wait3A_264 = tpu.memref_squeeze %dma_wait3A_263 : memref<1x1x40x64xf32, #tpu.memory_space<hbm>> -> memref<40x64xf32, #tpu.memory_space<hbm>>
          %dma_wait3A_265 = arith.constant 0 : i32
          %dma_wait3A_266 = tpu.memref_slice %arg4[%arg0, %run_scoped3A, %add3A_250, %dma_wait3A_265] : memref<2x4x10000x64xf32, #tpu.memory_space<hbm>> -> memref<1x1x40x64xf32, #tpu.memory_space<hbm>>
          %dma_wait3A_267 = tpu.memref_squeeze %dma_wait3A_266 : memref<1x1x40x64xf32, #tpu.memory_space<hbm>> -> memref<40x64xf32, #tpu.memory_space<hbm>>
          tpu.wait_dma2 semaphore(%run_scoped3A_256 : memref<!tpu.dma_semaphore, #tpu.memory_space<semaphore_mem>>) src(%arg20 : memref<40x64xf32, #tpu.memory_space<vmem>>) dst(%dma_wait3A_267 : memref<40x64xf32, #tpu.memory_space<hbm>>)
          tpu.yield
        }) : () -> ()
        %eq3A_251 = arith.constant 0 : i32
        %eq3A_252 = arith.cmpi eq, %arg0, %eq3A_251 : i32
        %convert_element_type3A_253 = arith.extui %eq3A_252 : i1 to i32
        %cond3A_254 = arith.constant 0 : i32
        %cond3A_255 = arith.cmpi ne, %convert_element_type3A_253, %cond3A_254 : i32
        scf.if %cond3A_255 {
          "tpu.region"() ({
            %run_scoped3A_257 = tpu.sem_alloc : memref<!tpu.dma_semaphore, #tpu.memory_space<semaphore_mem>>
            %dma_start3A = arith.constant 0 : i32
            %dma_start3A_258 = tpu.memref_slice %arg23[%add3A_250, %dma_start3A] : memref<10008x16xf32, #tpu.memory_space<vmem_shared>> -> memref<40x16xf32, #tpu.memory_space<vmem_shared>>
            %dma_start3A_259 = arith.constant 0 : i32
            %dma_start3A_260 = tpu.memref_slice %arg23[%add3A_250, %dma_start3A_259] : memref<10008x16xf32, #tpu.memory_space<vmem_shared>> -> memref<40x16xf32, #tpu.memory_space<vmem_shared>>
            tpu.enqueue_dma source(%dma_start3A_260 : memref<40x16xf32, #tpu.memory_space<vmem_shared>>) target(%arg21 : memref<40x16xf32, #tpu.memory_space<vmem>>) target_semaphore(%run_scoped3A_257 : memref<!tpu.dma_semaphore, #tpu.memory_space<semaphore_mem>>)
            %dma_wait3A_261 = arith.constant 0 : i32
            %dma_wait3A_262 = tpu.memref_slice %arg23[%add3A_250, %dma_wait3A_261] : memref<10008x16xf32, #tpu.memory_space<vmem_shared>> -> memref<40x16xf32, #tpu.memory_space<vmem_shared>>
            %dma_wait3A_263 = arith.constant 0 : i32
            %dma_wait3A_264 = tpu.memref_slice %arg23[%add3A_250, %dma_wait3A_263] : memref<10008x16xf32, #tpu.memory_space<vmem_shared>> -> memref<40x16xf32, #tpu.memory_space<vmem_shared>>
            tpu.wait_dma2 semaphore(%run_scoped3A_257 : memref<!tpu.dma_semaphore, #tpu.memory_space<semaphore_mem>>) src(%dma_wait3A_264 : memref<40x16xf32, #tpu.memory_space<vmem_shared>>) dst(%arg21 : memref<40x16xf32, #tpu.memory_space<vmem>>)
            tpu.yield
          }) : () -> ()
          %run_scoped3A_256 = arith.constant 1 : i32
          "tpu.region"() ({
            %run_scoped3A_257 = tpu.sem_alloc : memref<!tpu.dma_semaphore, #tpu.memory_space<semaphore_mem>>
            %dma_start3A = arith.constant 0 : i32
            %dma_start3A_258 = tpu.memref_slice %arg5[%run_scoped3A_256, %add3A_250, %dma_start3A] : memref<4x10000x16xf32, #tpu.memory_space<hbm>> -> memref<1x40x16xf32, #tpu.memory_space<hbm>>
            %dma_start3A_259 = tpu.memref_squeeze %dma_start3A_258 : memref<1x40x16xf32, #tpu.memory_space<hbm>> -> memref<40x16xf32, #tpu.memory_space<hbm>>
            %dma_start3A_260 = arith.constant 0 : i32
            %dma_start3A_261 = tpu.memref_slice %arg5[%run_scoped3A_256, %add3A_250, %dma_start3A_260] : memref<4x10000x16xf32, #tpu.memory_space<hbm>> -> memref<1x40x16xf32, #tpu.memory_space<hbm>>
            %dma_start3A_262 = tpu.memref_squeeze %dma_start3A_261 : memref<1x40x16xf32, #tpu.memory_space<hbm>> -> memref<40x16xf32, #tpu.memory_space<hbm>>
            tpu.enqueue_dma source(%arg21 : memref<40x16xf32, #tpu.memory_space<vmem>>) target(%dma_start3A_262 : memref<40x16xf32, #tpu.memory_space<hbm>>) target_semaphore(%run_scoped3A_257 : memref<!tpu.dma_semaphore, #tpu.memory_space<semaphore_mem>>)
            %dma_wait3A_263 = arith.constant 0 : i32
            %dma_wait3A_264 = tpu.memref_slice %arg5[%run_scoped3A_256, %add3A_250, %dma_wait3A_263] : memref<4x10000x16xf32, #tpu.memory_space<hbm>> -> memref<1x40x16xf32, #tpu.memory_space<hbm>>
            %dma_wait3A_265 = tpu.memref_squeeze %dma_wait3A_264 : memref<1x40x16xf32, #tpu.memory_space<hbm>> -> memref<40x16xf32, #tpu.memory_space<hbm>>
            %dma_wait3A_266 = arith.constant 0 : i32
            %dma_wait3A_267 = tpu.memref_slice %arg5[%run_scoped3A_256, %add3A_250, %dma_wait3A_266] : memref<4x10000x16xf32, #tpu.memory_space<hbm>> -> memref<1x40x16xf32, #tpu.memory_space<hbm>>
            %dma_wait3A_268 = tpu.memref_squeeze %dma_wait3A_267 : memref<1x40x16xf32, #tpu.memory_space<hbm>> -> memref<40x16xf32, #tpu.memory_space<hbm>>
            tpu.wait_dma2 semaphore(%run_scoped3A_257 : memref<!tpu.dma_semaphore, #tpu.memory_space<semaphore_mem>>) src(%arg21 : memref<40x16xf32, #tpu.memory_space<vmem>>) dst(%dma_wait3A_268 : memref<40x16xf32, #tpu.memory_space<hbm>>)
            tpu.yield
          }) : () -> ()
        } else {
        }
      } else {
      }
    }
    %scan3A_131 = arith.constant 16 : i32
    %barrier3A_132 = arith.constant 0 : index
    tpu.barrier barrier_id(%barrier3A_132)
    %scan3A_133 = arith.constant 0 : i32
    %scan3A_134 = arith.constant 0 : i32
    %scan3A_135 = arith.constant 16 : i32
    %scan3A_136 = arith.addi %scan3A_134, %scan3A_135 : i32
    %scan3A_137 = arith.constant 1 : i32
    scf.for %scan3A_243 = %scan3A_134 to %scan3A_136 step %scan3A_137  : i32 {
      %lt3A_244 = arith.cmpi slt, %scan3A_243, %select_n3A_26 : i32
      %convert_element_type3A_245 = arith.extui %lt3A_244 : i1 to i32
      %cond3A_246 = arith.constant 0 : i32
      %cond3A_247 = arith.cmpi ne, %convert_element_type3A_245, %cond3A_246 : i32
      scf.if %cond3A_247 {
        %mul3A_248 = arith.constant 40 : i32
        %mul3A_249 = arith.muli %scan3A_243, %mul3A_248 : i32
        %add3A_250 = arith.addi %select_n3A, %mul3A_249 : i32
        "tpu.region"() ({
          %run_scoped3A = tpu.sem_alloc : memref<!tpu.dma_semaphore, #tpu.memory_space<semaphore_mem>>
          %dma_start3A = arith.constant 0 : i32
          %dma_start3A_256 = tpu.memref_slice %arg22[%add3A_250, %dma_start3A] : memref<10008x64xf32, #tpu.memory_space<vmem_shared>> -> memref<40x64xf32, #tpu.memory_space<vmem_shared>>
          %dma_start3A_257 = arith.constant 0 : i32
          %dma_start3A_258 = tpu.memref_slice %arg22[%add3A_250, %dma_start3A_257] : memref<10008x64xf32, #tpu.memory_space<vmem_shared>> -> memref<40x64xf32, #tpu.memory_space<vmem_shared>>
          tpu.enqueue_dma source(%arg18 : memref<40x64xf32, #tpu.memory_space<vmem>>) target(%dma_start3A_258 : memref<40x64xf32, #tpu.memory_space<vmem_shared>>) target_semaphore(%run_scoped3A : memref<!tpu.dma_semaphore, #tpu.memory_space<semaphore_mem>>)
          %dma_wait3A_259 = arith.constant 0 : i32
          %dma_wait3A_260 = tpu.memref_slice %arg22[%add3A_250, %dma_wait3A_259] : memref<10008x64xf32, #tpu.memory_space<vmem_shared>> -> memref<40x64xf32, #tpu.memory_space<vmem_shared>>
          %dma_wait3A_261 = arith.constant 0 : i32
          %dma_wait3A_262 = tpu.memref_slice %arg22[%add3A_250, %dma_wait3A_261] : memref<10008x64xf32, #tpu.memory_space<vmem_shared>> -> memref<40x64xf32, #tpu.memory_space<vmem_shared>>
          tpu.wait_dma2 semaphore(%run_scoped3A : memref<!tpu.dma_semaphore, #tpu.memory_space<semaphore_mem>>) src(%arg18 : memref<40x64xf32, #tpu.memory_space<vmem>>) dst(%dma_wait3A_262 : memref<40x64xf32, #tpu.memory_space<vmem_shared>>)
          tpu.yield
        }) : () -> ()
        %eq3A_251 = arith.constant 0 : i32
        %eq3A_252 = arith.cmpi eq, %arg0, %eq3A_251 : i32
        %convert_element_type3A_253 = arith.extui %eq3A_252 : i1 to i32
        %cond3A_254 = arith.constant 0 : i32
        %cond3A_255 = arith.cmpi ne, %convert_element_type3A_253, %cond3A_254 : i32
        scf.if %cond3A_255 {
          "tpu.region"() ({
            %run_scoped3A = tpu.sem_alloc : memref<!tpu.dma_semaphore, #tpu.memory_space<semaphore_mem>>
            %dma_start3A = arith.constant 0 : i32
            %dma_start3A_256 = tpu.memref_slice %arg23[%add3A_250, %dma_start3A] : memref<10008x16xf32, #tpu.memory_space<vmem_shared>> -> memref<40x16xf32, #tpu.memory_space<vmem_shared>>
            %dma_start3A_257 = arith.constant 0 : i32
            %dma_start3A_258 = tpu.memref_slice %arg23[%add3A_250, %dma_start3A_257] : memref<10008x16xf32, #tpu.memory_space<vmem_shared>> -> memref<40x16xf32, #tpu.memory_space<vmem_shared>>
            tpu.enqueue_dma source(%arg19 : memref<40x16xf32, #tpu.memory_space<vmem>>) target(%dma_start3A_258 : memref<40x16xf32, #tpu.memory_space<vmem_shared>>) target_semaphore(%run_scoped3A : memref<!tpu.dma_semaphore, #tpu.memory_space<semaphore_mem>>)
            %dma_wait3A_259 = arith.constant 0 : i32
            %dma_wait3A_260 = tpu.memref_slice %arg23[%add3A_250, %dma_wait3A_259] : memref<10008x16xf32, #tpu.memory_space<vmem_shared>> -> memref<40x16xf32, #tpu.memory_space<vmem_shared>>
            %dma_wait3A_261 = arith.constant 0 : i32
            %dma_wait3A_262 = tpu.memref_slice %arg23[%add3A_250, %dma_wait3A_261] : memref<10008x16xf32, #tpu.memory_space<vmem_shared>> -> memref<40x16xf32, #tpu.memory_space<vmem_shared>>
            tpu.wait_dma2 semaphore(%run_scoped3A : memref<!tpu.dma_semaphore, #tpu.memory_space<semaphore_mem>>) src(%arg19 : memref<40x16xf32, #tpu.memory_space<vmem>>) dst(%dma_wait3A_262 : memref<40x16xf32, #tpu.memory_space<vmem_shared>>)
            tpu.yield
          }) : () -> ()
        } else {
        }
      } else {
      }
    }
    %scan3A_138 = arith.constant 16 : i32
    %mul3A_139 = arith.constant 40 : i32
    %mul3A_140 = arith.muli %arg1, %mul3A_139 : i32
    %add3A_141 = arith.constant 2560 : i32
    %add3A_142 = arith.addi %add3A_141, %mul3A_140 : i32
    %multiple_of3A_143 = tpu.assume_multiple %add3A_142, 8 : i32
    %mul3A_144 = arith.constant 40 : i32
    %mul3A_145 = arith.muli %arg1, %mul3A_144 : i32
    %add3A_146 = arith.constant 3200 : i32
    %add3A_147 = arith.addi %add3A_146, %mul3A_145 : i32
    %multiple_of3A_148 = tpu.assume_multiple %add3A_147, 8 : i32
    "tpu.region"() ({
      %run_scoped3A = tpu.sem_alloc : memref<!tpu.dma_semaphore, #tpu.memory_space<semaphore_mem>>
      %dma_start3A = arith.constant 0 : i32
      %dma_start3A_243 = tpu.memref_slice %arg3[%multiple_of3A_143, %dma_start3A] : memref<5120x128xi32, #tpu.memory_space<hbm>> -> memref<40x128xi32, #tpu.memory_space<hbm>>
      %dma_start3A_244 = arith.constant 0 : i32
      %dma_start3A_245 = tpu.memref_slice %arg3[%multiple_of3A_143, %dma_start3A_244] : memref<5120x128xi32, #tpu.memory_space<hbm>> -> memref<40x128xi32, #tpu.memory_space<hbm>>
      tpu.enqueue_dma source(%dma_start3A_245 : memref<40x128xi32, #tpu.memory_space<hbm>>) target(%arg6 : memref<40x128xi32, #tpu.memory_space<vmem>>) target_semaphore(%run_scoped3A : memref<!tpu.dma_semaphore, #tpu.memory_space<semaphore_mem>>)
      %dma_wait3A_246 = arith.constant 0 : i32
      %dma_wait3A_247 = tpu.memref_slice %arg3[%multiple_of3A_143, %dma_wait3A_246] : memref<5120x128xi32, #tpu.memory_space<hbm>> -> memref<40x128xi32, #tpu.memory_space<hbm>>
      %dma_wait3A_248 = arith.constant 0 : i32
      %dma_wait3A_249 = tpu.memref_slice %arg3[%multiple_of3A_143, %dma_wait3A_248] : memref<5120x128xi32, #tpu.memory_space<hbm>> -> memref<40x128xi32, #tpu.memory_space<hbm>>
      tpu.wait_dma2 semaphore(%run_scoped3A : memref<!tpu.dma_semaphore, #tpu.memory_space<semaphore_mem>>) src(%dma_wait3A_249 : memref<40x128xi32, #tpu.memory_space<hbm>>) dst(%arg6 : memref<40x128xi32, #tpu.memory_space<vmem>>)
      tpu.yield
    }) : () -> ()
    "tpu.region"() ({
      %run_scoped3A = tpu.sem_alloc : memref<!tpu.dma_semaphore, #tpu.memory_space<semaphore_mem>>
      %dma_start3A = arith.constant 0 : i32
      %dma_start3A_243 = tpu.memref_slice %arg3[%multiple_of3A_148, %dma_start3A] : memref<5120x128xi32, #tpu.memory_space<hbm>> -> memref<40x128xi32, #tpu.memory_space<hbm>>
      %dma_start3A_244 = arith.constant 0 : i32
      %dma_start3A_245 = tpu.memref_slice %arg3[%multiple_of3A_148, %dma_start3A_244] : memref<5120x128xi32, #tpu.memory_space<hbm>> -> memref<40x128xi32, #tpu.memory_space<hbm>>
      tpu.enqueue_dma source(%dma_start3A_245 : memref<40x128xi32, #tpu.memory_space<hbm>>) target(%arg7 : memref<40x128xi32, #tpu.memory_space<vmem>>) target_semaphore(%run_scoped3A : memref<!tpu.dma_semaphore, #tpu.memory_space<semaphore_mem>>)
      %dma_wait3A_246 = arith.constant 0 : i32
      %dma_wait3A_247 = tpu.memref_slice %arg3[%multiple_of3A_148, %dma_wait3A_246] : memref<5120x128xi32, #tpu.memory_space<hbm>> -> memref<40x128xi32, #tpu.memory_space<hbm>>
      %dma_wait3A_248 = arith.constant 0 : i32
      %dma_wait3A_249 = tpu.memref_slice %arg3[%multiple_of3A_148, %dma_wait3A_248] : memref<5120x128xi32, #tpu.memory_space<hbm>> -> memref<40x128xi32, #tpu.memory_space<hbm>>
      tpu.wait_dma2 semaphore(%run_scoped3A : memref<!tpu.dma_semaphore, #tpu.memory_space<semaphore_mem>>) src(%dma_wait3A_249 : memref<40x128xi32, #tpu.memory_space<hbm>>) dst(%arg7 : memref<40x128xi32, #tpu.memory_space<vmem>>)
      tpu.yield
    }) : () -> ()
    %barrier3A_149 = arith.constant 0 : index
    tpu.barrier barrier_id(%barrier3A_149)
    %scan3A_150 = arith.constant 0 : i32
    %scan3A_151 = arith.constant 0 : i32
    %scan3A_152 = arith.constant 42 : i32
    %scan3A_153 = arith.addi %scan3A_151, %scan3A_152 : i32
    %scan3A_154 = arith.constant 1 : i32
    scf.for %scan3A_243 = %scan3A_151 to %scan3A_153 step %scan3A_154  : i32 {
      %lt3A_244 = arith.constant 40 : i32
      %lt3A_245 = arith.cmpi slt, %scan3A_243, %lt3A_244 : i32
      %jit3A_246 = arith.constant 3 : i32
      %eq3A_247 = arith.constant 0 : i32
      %eq3A_248 = arith.cmpi eq, %jit3A_246, %eq3A_247 : i32
      %jit3A_249 = arith.constant 1 : i32
      %select_n3A_250 = arith.select %eq3A_248, %jit3A_249, %jit3A_246 : i32
      %rem3A = arith.remsi %scan3A_243, %select_n3A_250 : i32
      %ne3A = arith.constant 0 : i32
      %ne3A_251 = arith.cmpi ne, %rem3A, %ne3A : i32
      %lt3A_252 = arith.constant 0 : i32
      %lt3A_253 = arith.cmpi slt, %rem3A, %lt3A_252 : i32
      %lt3A_254 = arith.constant 0 : i32
      %lt3A_255 = arith.cmpi slt, %select_n3A_250, %lt3A_254 : i32
      %ne3A_256 = arith.xori %lt3A_253, %lt3A_255 : i1
      %and3A = arith.andi %ne3A_256, %ne3A_251 : i1
      %add3A_257 = arith.addi %rem3A, %select_n3A_250 : i32
      %select_n3A_258 = arith.select %and3A, %add3A_257, %rem3A : i32
      %eq3A_259 = arith.constant 0 : i32
      %eq3A_260 = arith.cmpi eq, %select_n3A_258, %eq3A_259 : i32
      %and3A_261 = arith.andi %lt3A_245, %eq3A_260 : i1
      %convert_element_type3A_262 = arith.extui %and3A_261 : i1 to i32
      %cond3A_263 = arith.constant 0 : i32
      %cond3A_264 = arith.cmpi ne, %convert_element_type3A_262, %cond3A_263 : i32
      scf.if %cond3A_264 {
        %ge3A_399 = arith.constant 3 : i32
        %ge3A_400 = arith.cmpi sge, %scan3A_243, %ge3A_399 : i32
        %convert_element_type3A_401 = arith.extui %ge3A_400 : i1 to i32
        %cond3A_402 = arith.constant 0 : i32
        %cond3A_403 = arith.cmpi ne, %convert_element_type3A_401, %cond3A_402 : i32
        scf.if %cond3A_403 {
          %dma_wait3A_548 = arith.constant 0 : i32
          %dma_wait3A_549 = arith.constant 0 : i32
          %dma_wait3A_550 = tpu.memref_slice %arg22[%dma_wait3A_548, %dma_wait3A_549] : memref<10008x64xf32, #tpu.memory_space<vmem_shared>> -> memref<10008x64xf32, #tpu.memory_space<vmem_shared>>
          tpu.wait_indirect_dma semaphore(%arg30 : memref<!tpu.dma_semaphore, #tpu.memory_space<semaphore_mem>>) src(%arg14 : memref<128x64xf32, #tpu.memory_space<vmem>>) dst(%dma_wait3A_550 : memref<10008x64xf32, #tpu.memory_space<vmem_shared>>)
          %eq3A_551 = arith.constant 0 : i32
          %eq3A_552 = arith.cmpi eq, %arg0, %eq3A_551 : i32
          %convert_element_type3A_553 = arith.extui %eq3A_552 : i1 to i32
          %cond3A_554 = arith.constant 0 : i32
          %cond3A_555 = arith.cmpi ne, %convert_element_type3A_553, %cond3A_554 : i32
          scf.if %cond3A_555 {
            %dma_wait3A_556 = arith.constant 0 : i32
            %dma_wait3A_557 = arith.constant 0 : i32
            %dma_wait3A_558 = tpu.memref_slice %arg23[%dma_wait3A_556, %dma_wait3A_557] : memref<10008x16xf32, #tpu.memory_space<vmem_shared>> -> memref<10008x16xf32, #tpu.memory_space<vmem_shared>>
            tpu.wait_indirect_dma semaphore(%arg27 : memref<!tpu.dma_semaphore, #tpu.memory_space<semaphore_mem>>) src(%arg17 : memref<128x16xf32, #tpu.memory_space<vmem>>) dst(%dma_wait3A_558 : memref<10008x16xf32, #tpu.memory_space<vmem_shared>>)
          } else {
          }
        } else {
        }
        %get3A = arith.index_cast %scan3A_243 : i32 to index
        %get3A_404 = arith.constant 0 : index
        %get3A_405 = tpu.vector_load %arg6[%get3A, %get3A_404] {strides = array<i32>} : memref<40x128xi32, #tpu.memory_space<vmem>>, vector<1x16xi32>,
        %get3A_406 = vector.shape_cast %get3A_405 : vector<1x16xi32> to vector<16xi32>
        %add3A_407 = vector.broadcast %mul3A_28 : i32 to vector<16xi32>
        %add3A_408 = arith.addi %get3A_406, %add3A_407 : vector<16xi32>
        %swap3A = arith.constant 0 : index
        %swap3A_409 = tpu.vector_load %arg8[%swap3A] {strides = array<i32>} : memref<128xi32, #tpu.memory_space<vmem>>, vector<16xi32>,
        %swap3A_410 = vector.shape_cast %swap3A_409 : vector<16xi32> to vector<16xi32>
        %swap3A_411 = vector.shape_cast %add3A_408 : vector<16xi32> to vector<16xi32>
        tpu.vector_store %arg8[%swap3A], %swap3A_411 {strides = array<i32>} : memref<128xi32, #tpu.memory_space<vmem>>, vector<16xi32>,
        %get3A_412 = arith.index_cast %scan3A_243 : i32 to index
        %get3A_413 = arith.constant 0 : index
        %get3A_414 = tpu.vector_load %arg7[%get3A_412, %get3A_413] {strides = array<i32>} : memref<40x128xi32, #tpu.memory_space<vmem>>, vector<1x16xi32>,
        %get3A_415 = vector.shape_cast %get3A_414 : vector<1x16xi32> to vector<16xi32>
        %swap3A_416 = arith.constant 0 : index
        %swap3A_417 = tpu.vector_load %arg11[%swap3A_416] {strides = array<i32>} : memref<128xi32, #tpu.memory_space<vmem>>, vector<16xi32>,
        %swap3A_418 = vector.shape_cast %swap3A_417 : vector<16xi32> to vector<16xi32>
        %swap3A_419 = vector.shape_cast %get3A_415 : vector<16xi32> to vector<16xi32>
        tpu.vector_store %arg11[%swap3A_416], %swap3A_419 {strides = array<i32>} : memref<128xi32, #tpu.memory_space<vmem>>, vector<16xi32>,
        %get3A_420 = arith.index_cast %scan3A_243 : i32 to index
        %get3A_421 = arith.constant 16 : index
        %get3A_422 = tpu.vector_load %arg6[%get3A_420, %get3A_421] {strides = array<i32>} : memref<40x128xi32, #tpu.memory_space<vmem>>, vector<1x16xi32>,
        %get3A_423 = vector.shape_cast %get3A_422 : vector<1x16xi32> to vector<16xi32>
        %add3A_424 = vector.broadcast %mul3A_28 : i32 to vector<16xi32>
        %add3A_425 = arith.addi %get3A_423, %add3A_424 : vector<16xi32>
        %swap3A_426 = arith.constant 16 : index
        %swap3A_427 = tpu.vector_load %arg8[%swap3A_426] {strides = array<i32>} : memref<128xi32, #tpu.memory_space<vmem>>, vector<16xi32>,
        %swap3A_428 = vector.shape_cast %swap3A_427 : vector<16xi32> to vector<16xi32>
        %swap3A_429 = vector.shape_cast %add3A_425 : vector<16xi32> to vector<16xi32>
        tpu.vector_store %arg8[%swap3A_426], %swap3A_429 {strides = array<i32>} : memref<128xi32, #tpu.memory_space<vmem>>, vector<16xi32>,
        %get3A_430 = arith.index_cast %scan3A_243 : i32 to index
        %get3A_431 = arith.constant 16 : index
        %get3A_432 = tpu.vector_load %arg7[%get3A_430, %get3A_431] {strides = array<i32>} : memref<40x128xi32, #tpu.memory_space<vmem>>, vector<1x16xi32>,
        %get3A_433 = vector.shape_cast %get3A_432 : vector<1x16xi32> to vector<16xi32>
        %swap3A_434 = arith.constant 16 : index
        %swap3A_435 = tpu.vector_load %arg11[%swap3A_434] {strides = array<i32>} : memref<128xi32, #tpu.memory_space<vmem>>, vector<16xi32>,
        %swap3A_436 = vector.shape_cast %swap3A_435 : vector<16xi32> to vector<16xi32>
        %swap3A_437 = vector.shape_cast %get3A_433 : vector<16xi32> to vector<16xi32>
        tpu.vector_store %arg11[%swap3A_434], %swap3A_437 {strides = array<i32>} : memref<128xi32, #tpu.memory_space<vmem>>, vector<16xi32>,
        %get3A_438 = arith.index_cast %scan3A_243 : i32 to index
        %get3A_439 = arith.constant 32 : index
        %get3A_440 = tpu.vector_load %arg6[%get3A_438, %get3A_439] {strides = array<i32>} : memref<40x128xi32, #tpu.memory_space<vmem>>, vector<1x16xi32>,
        %get3A_441 = vector.shape_cast %get3A_440 : vector<1x16xi32> to vector<16xi32>
        %add3A_442 = vector.broadcast %mul3A_28 : i32 to vector<16xi32>
        %add3A_443 = arith.addi %get3A_441, %add3A_442 : vector<16xi32>
        %swap3A_444 = arith.constant 32 : index
        %swap3A_445 = tpu.vector_load %arg8[%swap3A_444] {strides = array<i32>} : memref<128xi32, #tpu.memory_space<vmem>>, vector<16xi32>,
        %swap3A_446 = vector.shape_cast %swap3A_445 : vector<16xi32> to vector<16xi32>
        %swap3A_447 = vector.shape_cast %add3A_443 : vector<16xi32> to vector<16xi32>
        tpu.vector_store %arg8[%swap3A_444], %swap3A_447 {strides = array<i32>} : memref<128xi32, #tpu.memory_space<vmem>>, vector<16xi32>,
        %get3A_448 = arith.index_cast %scan3A_243 : i32 to index
        %get3A_449 = arith.constant 32 : index
        %get3A_450 = tpu.vector_load %arg7[%get3A_448, %get3A_449] {strides = array<i32>} : memref<40x128xi32, #tpu.memory_space<vmem>>, vector<1x16xi32>,
        %get3A_451 = vector.shape_cast %get3A_450 : vector<1x16xi32> to vector<16xi32>
        %swap3A_452 = arith.constant 32 : index
        %swap3A_453 = tpu.vector_load %arg11[%swap3A_452] {strides = array<i32>} : memref<128xi32, #tpu.memory_space<vmem>>, vector<16xi32>,
        %swap3A_454 = vector.shape_cast %swap3A_453 : vector<16xi32> to vector<16xi32>
        %swap3A_455 = vector.shape_cast %get3A_451 : vector<16xi32> to vector<16xi32>
        tpu.vector_store %arg11[%swap3A_452], %swap3A_455 {strides = array<i32>} : memref<128xi32, #tpu.memory_space<vmem>>, vector<16xi32>,
        %get3A_456 = arith.index_cast %scan3A_243 : i32 to index
        %get3A_457 = arith.constant 48 : index
        %get3A_458 = tpu.vector_load %arg6[%get3A_456, %get3A_457] {strides = array<i32>} : memref<40x128xi32, #tpu.memory_space<vmem>>, vector<1x16xi32>,
        %get3A_459 = vector.shape_cast %get3A_458 : vector<1x16xi32> to vector<16xi32>
        %add3A_460 = vector.broadcast %mul3A_28 : i32 to vector<16xi32>
        %add3A_461 = arith.addi %get3A_459, %add3A_460 : vector<16xi32>
        %swap3A_462 = arith.constant 48 : index
        %swap3A_463 = tpu.vector_load %arg8[%swap3A_462] {strides = array<i32>} : memref<128xi32, #tpu.memory_space<vmem>>, vector<16xi32>,
        %swap3A_464 = vector.shape_cast %swap3A_463 : vector<16xi32> to vector<16xi32>
        %swap3A_465 = vector.shape_cast %add3A_461 : vector<16xi32> to vector<16xi32>
        tpu.vector_store %arg8[%swap3A_462], %swap3A_465 {strides = array<i32>} : memref<128xi32, #tpu.memory_space<vmem>>, vector<16xi32>,
        %get3A_466 = arith.index_cast %scan3A_243 : i32 to index
        %get3A_467 = arith.constant 48 : index
        %get3A_468 = tpu.vector_load %arg7[%get3A_466, %get3A_467] {strides = array<i32>} : memref<40x128xi32, #tpu.memory_space<vmem>>, vector<1x16xi32>,
        %get3A_469 = vector.shape_cast %get3A_468 : vector<1x16xi32> to vector<16xi32>
        %swap3A_470 = arith.constant 48 : index
        %swap3A_471 = tpu.vector_load %arg11[%swap3A_470] {strides = array<i32>} : memref<128xi32, #tpu.memory_space<vmem>>, vector<16xi32>,
        %swap3A_472 = vector.shape_cast %swap3A_471 : vector<16xi32> to vector<16xi32>
        %swap3A_473 = vector.shape_cast %get3A_469 : vector<16xi32> to vector<16xi32>
        tpu.vector_store %arg11[%swap3A_470], %swap3A_473 {strides = array<i32>} : memref<128xi32, #tpu.memory_space<vmem>>, vector<16xi32>,
        %get3A_474 = arith.index_cast %scan3A_243 : i32 to index
        %get3A_475 = arith.constant 64 : index
        %get3A_476 = tpu.vector_load %arg6[%get3A_474, %get3A_475] {strides = array<i32>} : memref<40x128xi32, #tpu.memory_space<vmem>>, vector<1x16xi32>,
        %get3A_477 = vector.shape_cast %get3A_476 : vector<1x16xi32> to vector<16xi32>
        %add3A_478 = vector.broadcast %mul3A_28 : i32 to vector<16xi32>
        %add3A_479 = arith.addi %get3A_477, %add3A_478 : vector<16xi32>
        %swap3A_480 = arith.constant 64 : index
        %swap3A_481 = tpu.vector_load %arg8[%swap3A_480] {strides = array<i32>} : memref<128xi32, #tpu.memory_space<vmem>>, vector<16xi32>,
        %swap3A_482 = vector.shape_cast %swap3A_481 : vector<16xi32> to vector<16xi32>
        %swap3A_483 = vector.shape_cast %add3A_479 : vector<16xi32> to vector<16xi32>
        tpu.vector_store %arg8[%swap3A_480], %swap3A_483 {strides = array<i32>} : memref<128xi32, #tpu.memory_space<vmem>>, vector<16xi32>,
        %get3A_484 = arith.index_cast %scan3A_243 : i32 to index
        %get3A_485 = arith.constant 64 : index
        %get3A_486 = tpu.vector_load %arg7[%get3A_484, %get3A_485] {strides = array<i32>} : memref<40x128xi32, #tpu.memory_space<vmem>>, vector<1x16xi32>,
        %get3A_487 = vector.shape_cast %get3A_486 : vector<1x16xi32> to vector<16xi32>
        %swap3A_488 = arith.constant 64 : index
        %swap3A_489 = tpu.vector_load %arg11[%swap3A_488] {strides = array<i32>} : memref<128xi32, #tpu.memory_space<vmem>>, vector<16xi32>,
        %swap3A_490 = vector.shape_cast %swap3A_489 : vector<16xi32> to vector<16xi32>
        %swap3A_491 = vector.shape_cast %get3A_487 : vector<16xi32> to vector<16xi32>
        tpu.vector_store %arg11[%swap3A_488], %swap3A_491 {strides = array<i32>} : memref<128xi32, #tpu.memory_space<vmem>>, vector<16xi32>,
        %get3A_492 = arith.index_cast %scan3A_243 : i32 to index
        %get3A_493 = arith.constant 80 : index
        %get3A_494 = tpu.vector_load %arg6[%get3A_492, %get3A_493] {strides = array<i32>} : memref<40x128xi32, #tpu.memory_space<vmem>>, vector<1x16xi32>,
        %get3A_495 = vector.shape_cast %get3A_494 : vector<1x16xi32> to vector<16xi32>
        %add3A_496 = vector.broadcast %mul3A_28 : i32 to vector<16xi32>
        %add3A_497 = arith.addi %get3A_495, %add3A_496 : vector<16xi32>
        %swap3A_498 = arith.constant 80 : index
        %swap3A_499 = tpu.vector_load %arg8[%swap3A_498] {strides = array<i32>} : memref<128xi32, #tpu.memory_space<vmem>>, vector<16xi32>,
        %swap3A_500 = vector.shape_cast %swap3A_499 : vector<16xi32> to vector<16xi32>
        %swap3A_501 = vector.shape_cast %add3A_497 : vector<16xi32> to vector<16xi32>
        tpu.vector_store %arg8[%swap3A_498], %swap3A_501 {strides = array<i32>} : memref<128xi32, #tpu.memory_space<vmem>>, vector<16xi32>,
        %get3A_502 = arith.index_cast %scan3A_243 : i32 to index
        %get3A_503 = arith.constant 80 : index
        %get3A_504 = tpu.vector_load %arg7[%get3A_502, %get3A_503] {strides = array<i32>} : memref<40x128xi32, #tpu.memory_space<vmem>>, vector<1x16xi32>,
        %get3A_505 = vector.shape_cast %get3A_504 : vector<1x16xi32> to vector<16xi32>
        %swap3A_506 = arith.constant 80 : index
        %swap3A_507 = tpu.vector_load %arg11[%swap3A_506] {strides = array<i32>} : memref<128xi32, #tpu.memory_space<vmem>>, vector<16xi32>,
        %swap3A_508 = vector.shape_cast %swap3A_507 : vector<16xi32> to vector<16xi32>
        %swap3A_509 = vector.shape_cast %get3A_505 : vector<16xi32> to vector<16xi32>
        tpu.vector_store %arg11[%swap3A_506], %swap3A_509 {strides = array<i32>} : memref<128xi32, #tpu.memory_space<vmem>>, vector<16xi32>,
        %get3A_510 = arith.index_cast %scan3A_243 : i32 to index
        %get3A_511 = arith.constant 96 : index
        %get3A_512 = tpu.vector_load %arg6[%get3A_510, %get3A_511] {strides = array<i32>} : memref<40x128xi32, #tpu.memory_space<vmem>>, vector<1x16xi32>,
        %get3A_513 = vector.shape_cast %get3A_512 : vector<1x16xi32> to vector<16xi32>
        %add3A_514 = vector.broadcast %mul3A_28 : i32 to vector<16xi32>
        %add3A_515 = arith.addi %get3A_513, %add3A_514 : vector<16xi32>
        %swap3A_516 = arith.constant 96 : index
        %swap3A_517 = tpu.vector_load %arg8[%swap3A_516] {strides = array<i32>} : memref<128xi32, #tpu.memory_space<vmem>>, vector<16xi32>,
        %swap3A_518 = vector.shape_cast %swap3A_517 : vector<16xi32> to vector<16xi32>
        %swap3A_519 = vector.shape_cast %add3A_515 : vector<16xi32> to vector<16xi32>
        tpu.vector_store %arg8[%swap3A_516], %swap3A_519 {strides = array<i32>} : memref<128xi32, #tpu.memory_space<vmem>>, vector<16xi32>,
        %get3A_520 = arith.index_cast %scan3A_243 : i32 to index
        %get3A_521 = arith.constant 96 : index
        %get3A_522 = tpu.vector_load %arg7[%get3A_520, %get3A_521] {strides = array<i32>} : memref<40x128xi32, #tpu.memory_space<vmem>>, vector<1x16xi32>,
        %get3A_523 = vector.shape_cast %get3A_522 : vector<1x16xi32> to vector<16xi32>
        %swap3A_524 = arith.constant 96 : index
        %swap3A_525 = tpu.vector_load %arg11[%swap3A_524] {strides = array<i32>} : memref<128xi32, #tpu.memory_space<vmem>>, vector<16xi32>,
        %swap3A_526 = vector.shape_cast %swap3A_525 : vector<16xi32> to vector<16xi32>
        %swap3A_527 = vector.shape_cast %get3A_523 : vector<16xi32> to vector<16xi32>
        tpu.vector_store %arg11[%swap3A_524], %swap3A_527 {strides = array<i32>} : memref<128xi32, #tpu.memory_space<vmem>>, vector<16xi32>,
        %get3A_528 = arith.index_cast %scan3A_243 : i32 to index
        %get3A_529 = arith.constant 112 : index
        %get3A_530 = tpu.vector_load %arg6[%get3A_528, %get3A_529] {strides = array<i32>} : memref<40x128xi32, #tpu.memory_space<vmem>>, vector<1x16xi32>,
        %get3A_531 = vector.shape_cast %get3A_530 : vector<1x16xi32> to vector<16xi32>
        %add3A_532 = vector.broadcast %mul3A_28 : i32 to vector<16xi32>
        %add3A_533 = arith.addi %get3A_531, %add3A_532 : vector<16xi32>
        %swap3A_534 = arith.constant 112 : index
        %swap3A_535 = tpu.vector_load %arg8[%swap3A_534] {strides = array<i32>} : memref<128xi32, #tpu.memory_space<vmem>>, vector<16xi32>,
        %swap3A_536 = vector.shape_cast %swap3A_535 : vector<16xi32> to vector<16xi32>
        %swap3A_537 = vector.shape_cast %add3A_533 : vector<16xi32> to vector<16xi32>
        tpu.vector_store %arg8[%swap3A_534], %swap3A_537 {strides = array<i32>} : memref<128xi32, #tpu.memory_space<vmem>>, vector<16xi32>,
        %get3A_538 = arith.index_cast %scan3A_243 : i32 to index
        %get3A_539 = arith.constant 112 : index
        %get3A_540 = tpu.vector_load %arg7[%get3A_538, %get3A_539] {strides = array<i32>} : memref<40x128xi32, #tpu.memory_space<vmem>>, vector<1x16xi32>,
        %get3A_541 = vector.shape_cast %get3A_540 : vector<1x16xi32> to vector<16xi32>
        %swap3A_542 = arith.constant 112 : index
        %swap3A_543 = tpu.vector_load %arg11[%swap3A_542] {strides = array<i32>} : memref<128xi32, #tpu.memory_space<vmem>>, vector<16xi32>,
        %swap3A_544 = vector.shape_cast %swap3A_543 : vector<16xi32> to vector<16xi32>
        %swap3A_545 = vector.shape_cast %get3A_541 : vector<16xi32> to vector<16xi32>
        tpu.vector_store %arg11[%swap3A_542], %swap3A_545 {strides = array<i32>} : memref<128xi32, #tpu.memory_space<vmem>>, vector<16xi32>,
        %dma_start3A = arith.constant 0 : i32
        %dma_start3A_546 = arith.constant 0 : i32
        %dma_start3A_547 = tpu.memref_slice %arg2[%dma_start3A, %dma_start3A_546] : memref<20000x64xf32, #tpu.memory_space<hbm>> -> memref<20000x64xf32, #tpu.memory_space<hbm>>
        tpu.enqueue_indirect_dma source(%dma_start3A_547 : memref<20000x64xf32, #tpu.memory_space<hbm>>) target(%arg14 : memref<128x64xf32, #tpu.memory_space<vmem>>) offsets(%arg8 : memref<128xi32, #tpu.memory_space<vmem>>) semaphore(%arg24 : memref<!tpu.dma_semaphore, #tpu.memory_space<semaphore_mem>>)
      } else {
      }
      %lt3A_265 = arith.constant 40 : i32
      %lt3A_266 = arith.cmpi slt, %scan3A_243, %lt3A_265 : i32
      %jit3A_267 = arith.constant 3 : i32
      %eq3A_268 = arith.constant 0 : i32
      %eq3A_269 = arith.cmpi eq, %jit3A_267, %eq3A_268 : i32
      %jit3A_270 = arith.constant 1 : i32
      %select_n3A_271 = arith.select %eq3A_269, %jit3A_270, %jit3A_267 : i32
      %rem3A_272 = arith.remsi %scan3A_243, %select_n3A_271 : i32
      %ne3A_273 = arith.constant 0 : i32
      %ne3A_274 = arith.cmpi ne, %rem3A_272, %ne3A_273 : i32
      %lt3A_275 = arith.constant 0 : i32
      %lt3A_276 = arith.cmpi slt, %rem3A_272, %lt3A_275 : i32
      %lt3A_277 = arith.constant 0 : i32
      %lt3A_278 = arith.cmpi slt, %select_n3A_271, %lt3A_277 : i32
      %ne3A_279 = arith.xori %lt3A_276, %lt3A_278 : i1
      %and3A_280 = arith.andi %ne3A_279, %ne3A_274 : i1
      %add3A_281 = arith.addi %rem3A_272, %select_n3A_271 : i32
      %select_n3A_282 = arith.select %and3A_280, %add3A_281, %rem3A_272 : i32
      %eq3A_283 = arith.constant 1 : i32
      %eq3A_284 = arith.cmpi eq, %select_n3A_282, %eq3A_283 : i32
      %and3A_285 = arith.andi %lt3A_266, %eq3A_284 : i1
      %convert_element_type3A_286 = arith.extui %and3A_285 : i1 to i32
      %cond3A_287 = arith.constant 0 : i32
      %cond3A_288 = arith.cmpi ne, %convert_element_type3A_286, %cond3A_287 : i32
      scf.if %cond3A_288 {
        %ge3A_399 = arith.constant 3 : i32
        %ge3A_400 = arith.cmpi sge, %scan3A_243, %ge3A_399 : i32
        %convert_element_type3A_401 = arith.extui %ge3A_400 : i1 to i32
        %cond3A_402 = arith.constant 0 : i32
        %cond3A_403 = arith.cmpi ne, %convert_element_type3A_401, %cond3A_402 : i32
        scf.if %cond3A_403 {
          %dma_wait3A_548 = arith.constant 0 : i32
          %dma_wait3A_549 = arith.constant 0 : i32
          %dma_wait3A_550 = tpu.memref_slice %arg22[%dma_wait3A_548, %dma_wait3A_549] : memref<10008x64xf32, #tpu.memory_space<vmem_shared>> -> memref<10008x64xf32, #tpu.memory_space<vmem_shared>>
          tpu.wait_indirect_dma semaphore(%arg31 : memref<!tpu.dma_semaphore, #tpu.memory_space<semaphore_mem>>) src(%arg15 : memref<128x64xf32, #tpu.memory_space<vmem>>) dst(%dma_wait3A_550 : memref<10008x64xf32, #tpu.memory_space<vmem_shared>>)
          %eq3A_551 = arith.constant 0 : i32
          %eq3A_552 = arith.cmpi eq, %arg0, %eq3A_551 : i32
          %convert_element_type3A_553 = arith.extui %eq3A_552 : i1 to i32
          %cond3A_554 = arith.constant 0 : i32
          %cond3A_555 = arith.cmpi ne, %convert_element_type3A_553, %cond3A_554 : i32
          scf.if %cond3A_555 {
            %dma_wait3A_556 = arith.constant 0 : i32
            %dma_wait3A_557 = arith.constant 0 : i32
            %dma_wait3A_558 = tpu.memref_slice %arg23[%dma_wait3A_556, %dma_wait3A_557] : memref<10008x16xf32, #tpu.memory_space<vmem_shared>> -> memref<10008x16xf32, #tpu.memory_space<vmem_shared>>
            tpu.wait_indirect_dma semaphore(%arg28 : memref<!tpu.dma_semaphore, #tpu.memory_space<semaphore_mem>>) src(%arg17 : memref<128x16xf32, #tpu.memory_space<vmem>>) dst(%dma_wait3A_558 : memref<10008x16xf32, #tpu.memory_space<vmem_shared>>)
          } else {
          }
        } else {
        }
        %get3A = arith.index_cast %scan3A_243 : i32 to index
        %get3A_404 = arith.constant 0 : index
        %get3A_405 = tpu.vector_load %arg6[%get3A, %get3A_404] {strides = array<i32>} : memref<40x128xi32, #tpu.memory_space<vmem>>, vector<1x16xi32>,
        %get3A_406 = vector.shape_cast %get3A_405 : vector<1x16xi32> to vector<16xi32>
        %add3A_407 = vector.broadcast %mul3A_28 : i32 to vector<16xi32>
        %add3A_408 = arith.addi %get3A_406, %add3A_407 : vector<16xi32>
        %swap3A = arith.constant 0 : index
        %swap3A_409 = tpu.vector_load %arg9[%swap3A] {strides = array<i32>} : memref<128xi32, #tpu.memory_space<vmem>>, vector<16xi32>,
        %swap3A_410 = vector.shape_cast %swap3A_409 : vector<16xi32> to vector<16xi32>
        %swap3A_411 = vector.shape_cast %add3A_408 : vector<16xi32> to vector<16xi32>
        tpu.vector_store %arg9[%swap3A], %swap3A_411 {strides = array<i32>} : memref<128xi32, #tpu.memory_space<vmem>>, vector<16xi32>,
        %get3A_412 = arith.index_cast %scan3A_243 : i32 to index
        %get3A_413 = arith.constant 0 : index
        %get3A_414 = tpu.vector_load %arg7[%get3A_412, %get3A_413] {strides = array<i32>} : memref<40x128xi32, #tpu.memory_space<vmem>>, vector<1x16xi32>,
        %get3A_415 = vector.shape_cast %get3A_414 : vector<1x16xi32> to vector<16xi32>
        %swap3A_416 = arith.constant 0 : index
        %swap3A_417 = tpu.vector_load %arg12[%swap3A_416] {strides = array<i32>} : memref<128xi32, #tpu.memory_space<vmem>>, vector<16xi32>,
        %swap3A_418 = vector.shape_cast %swap3A_417 : vector<16xi32> to vector<16xi32>
        %swap3A_419 = vector.shape_cast %get3A_415 : vector<16xi32> to vector<16xi32>
        tpu.vector_store %arg12[%swap3A_416], %swap3A_419 {strides = array<i32>} : memref<128xi32, #tpu.memory_space<vmem>>, vector<16xi32>,
        %get3A_420 = arith.index_cast %scan3A_243 : i32 to index
        %get3A_421 = arith.constant 16 : index
        %get3A_422 = tpu.vector_load %arg6[%get3A_420, %get3A_421] {strides = array<i32>} : memref<40x128xi32, #tpu.memory_space<vmem>>, vector<1x16xi32>,
        %get3A_423 = vector.shape_cast %get3A_422 : vector<1x16xi32> to vector<16xi32>
        %add3A_424 = vector.broadcast %mul3A_28 : i32 to vector<16xi32>
        %add3A_425 = arith.addi %get3A_423, %add3A_424 : vector<16xi32>
        %swap3A_426 = arith.constant 16 : index
        %swap3A_427 = tpu.vector_load %arg9[%swap3A_426] {strides = array<i32>} : memref<128xi32, #tpu.memory_space<vmem>>, vector<16xi32>,
        %swap3A_428 = vector.shape_cast %swap3A_427 : vector<16xi32> to vector<16xi32>
        %swap3A_429 = vector.shape_cast %add3A_425 : vector<16xi32> to vector<16xi32>
        tpu.vector_store %arg9[%swap3A_426], %swap3A_429 {strides = array<i32>} : memref<128xi32, #tpu.memory_space<vmem>>, vector<16xi32>,
        %get3A_430 = arith.index_cast %scan3A_243 : i32 to index
        %get3A_431 = arith.constant 16 : index
        %get3A_432 = tpu.vector_load %arg7[%get3A_430, %get3A_431] {strides = array<i32>} : memref<40x128xi32, #tpu.memory_space<vmem>>, vector<1x16xi32>,
        %get3A_433 = vector.shape_cast %get3A_432 : vector<1x16xi32> to vector<16xi32>
        %swap3A_434 = arith.constant 16 : index
        %swap3A_435 = tpu.vector_load %arg12[%swap3A_434] {strides = array<i32>} : memref<128xi32, #tpu.memory_space<vmem>>, vector<16xi32>,
        %swap3A_436 = vector.shape_cast %swap3A_435 : vector<16xi32> to vector<16xi32>
        %swap3A_437 = vector.shape_cast %get3A_433 : vector<16xi32> to vector<16xi32>
        tpu.vector_store %arg12[%swap3A_434], %swap3A_437 {strides = array<i32>} : memref<128xi32, #tpu.memory_space<vmem>>, vector<16xi32>,
        %get3A_438 = arith.index_cast %scan3A_243 : i32 to index
        %get3A_439 = arith.constant 32 : index
        %get3A_440 = tpu.vector_load %arg6[%get3A_438, %get3A_439] {strides = array<i32>} : memref<40x128xi32, #tpu.memory_space<vmem>>, vector<1x16xi32>,
        %get3A_441 = vector.shape_cast %get3A_440 : vector<1x16xi32> to vector<16xi32>
        %add3A_442 = vector.broadcast %mul3A_28 : i32 to vector<16xi32>
        %add3A_443 = arith.addi %get3A_441, %add3A_442 : vector<16xi32>
        %swap3A_444 = arith.constant 32 : index
        %swap3A_445 = tpu.vector_load %arg9[%swap3A_444] {strides = array<i32>} : memref<128xi32, #tpu.memory_space<vmem>>, vector<16xi32>,
        %swap3A_446 = vector.shape_cast %swap3A_445 : vector<16xi32> to vector<16xi32>
        %swap3A_447 = vector.shape_cast %add3A_443 : vector<16xi32> to vector<16xi32>
        tpu.vector_store %arg9[%swap3A_444], %swap3A_447 {strides = array<i32>} : memref<128xi32, #tpu.memory_space<vmem>>, vector<16xi32>,
        %get3A_448 = arith.index_cast %scan3A_243 : i32 to index
        %get3A_449 = arith.constant 32 : index
        %get3A_450 = tpu.vector_load %arg7[%get3A_448, %get3A_449] {strides = array<i32>} : memref<40x128xi32, #tpu.memory_space<vmem>>, vector<1x16xi32>,
        %get3A_451 = vector.shape_cast %get3A_450 : vector<1x16xi32> to vector<16xi32>
        %swap3A_452 = arith.constant 32 : index
        %swap3A_453 = tpu.vector_load %arg12[%swap3A_452] {strides = array<i32>} : memref<128xi32, #tpu.memory_space<vmem>>, vector<16xi32>,
        %swap3A_454 = vector.shape_cast %swap3A_453 : vector<16xi32> to vector<16xi32>
        %swap3A_455 = vector.shape_cast %get3A_451 : vector<16xi32> to vector<16xi32>
        tpu.vector_store %arg12[%swap3A_452], %swap3A_455 {strides = array<i32>} : memref<128xi32, #tpu.memory_space<vmem>>, vector<16xi32>,
        %get3A_456 = arith.index_cast %scan3A_243 : i32 to index
        %get3A_457 = arith.constant 48 : index
        %get3A_458 = tpu.vector_load %arg6[%get3A_456, %get3A_457] {strides = array<i32>} : memref<40x128xi32, #tpu.memory_space<vmem>>, vector<1x16xi32>,
        %get3A_459 = vector.shape_cast %get3A_458 : vector<1x16xi32> to vector<16xi32>
        %add3A_460 = vector.broadcast %mul3A_28 : i32 to vector<16xi32>
        %add3A_461 = arith.addi %get3A_459, %add3A_460 : vector<16xi32>
        %swap3A_462 = arith.constant 48 : index
        %swap3A_463 = tpu.vector_load %arg9[%swap3A_462] {strides = array<i32>} : memref<128xi32, #tpu.memory_space<vmem>>, vector<16xi32>,
        %swap3A_464 = vector.shape_cast %swap3A_463 : vector<16xi32> to vector<16xi32>
        %swap3A_465 = vector.shape_cast %add3A_461 : vector<16xi32> to vector<16xi32>
        tpu.vector_store %arg9[%swap3A_462], %swap3A_465 {strides = array<i32>} : memref<128xi32, #tpu.memory_space<vmem>>, vector<16xi32>,
        %get3A_466 = arith.index_cast %scan3A_243 : i32 to index
        %get3A_467 = arith.constant 48 : index
        %get3A_468 = tpu.vector_load %arg7[%get3A_466, %get3A_467] {strides = array<i32>} : memref<40x128xi32, #tpu.memory_space<vmem>>, vector<1x16xi32>,
        %get3A_469 = vector.shape_cast %get3A_468 : vector<1x16xi32> to vector<16xi32>
        %swap3A_470 = arith.constant 48 : index
        %swap3A_471 = tpu.vector_load %arg12[%swap3A_470] {strides = array<i32>} : memref<128xi32, #tpu.memory_space<vmem>>, vector<16xi32>,
        %swap3A_472 = vector.shape_cast %swap3A_471 : vector<16xi32> to vector<16xi32>
        %swap3A_473 = vector.shape_cast %get3A_469 : vector<16xi32> to vector<16xi32>
        tpu.vector_store %arg12[%swap3A_470], %swap3A_473 {strides = array<i32>} : memref<128xi32, #tpu.memory_space<vmem>>, vector<16xi32>,
        %get3A_474 = arith.index_cast %scan3A_243 : i32 to index
        %get3A_475 = arith.constant 64 : index
        %get3A_476 = tpu.vector_load %arg6[%get3A_474, %get3A_475] {strides = array<i32>} : memref<40x128xi32, #tpu.memory_space<vmem>>, vector<1x16xi32>,
        %get3A_477 = vector.shape_cast %get3A_476 : vector<1x16xi32> to vector<16xi32>
        %add3A_478 = vector.broadcast %mul3A_28 : i32 to vector<16xi32>
        %add3A_479 = arith.addi %get3A_477, %add3A_478 : vector<16xi32>
        %swap3A_480 = arith.constant 64 : index
        %swap3A_481 = tpu.vector_load %arg9[%swap3A_480] {strides = array<i32>} : memref<128xi32, #tpu.memory_space<vmem>>, vector<16xi32>,
        %swap3A_482 = vector.shape_cast %swap3A_481 : vector<16xi32> to vector<16xi32>
        %swap3A_483 = vector.shape_cast %add3A_479 : vector<16xi32> to vector<16xi32>
        tpu.vector_store %arg9[%swap3A_480], %swap3A_483 {strides = array<i32>} : memref<128xi32, #tpu.memory_space<vmem>>, vector<16xi32>,
        %get3A_484 = arith.index_cast %scan3A_243 : i32 to index
        %get3A_485 = arith.constant 64 : index
        %get3A_486 = tpu.vector_load %arg7[%get3A_484, %get3A_485] {strides = array<i32>} : memref<40x128xi32, #tpu.memory_space<vmem>>, vector<1x16xi32>,
        %get3A_487 = vector.shape_cast %get3A_486 : vector<1x16xi32> to vector<16xi32>
        %swap3A_488 = arith.constant 64 : index
        %swap3A_489 = tpu.vector_load %arg12[%swap3A_488] {strides = array<i32>} : memref<128xi32, #tpu.memory_space<vmem>>, vector<16xi32>,
        %swap3A_490 = vector.shape_cast %swap3A_489 : vector<16xi32> to vector<16xi32>
        %swap3A_491 = vector.shape_cast %get3A_487 : vector<16xi32> to vector<16xi32>
        tpu.vector_store %arg12[%swap3A_488], %swap3A_491 {strides = array<i32>} : memref<128xi32, #tpu.memory_space<vmem>>, vector<16xi32>,
        %get3A_492 = arith.index_cast %scan3A_243 : i32 to index
        %get3A_493 = arith.constant 80 : index
        %get3A_494 = tpu.vector_load %arg6[%get3A_492, %get3A_493] {strides = array<i32>} : memref<40x128xi32, #tpu.memory_space<vmem>>, vector<1x16xi32>,
        %get3A_495 = vector.shape_cast %get3A_494 : vector<1x16xi32> to vector<16xi32>
        %add3A_496 = vector.broadcast %mul3A_28 : i32 to vector<16xi32>
        %add3A_497 = arith.addi %get3A_495, %add3A_496 : vector<16xi32>
        %swap3A_498 = arith.constant 80 : index
        %swap3A_499 = tpu.vector_load %arg9[%swap3A_498] {strides = array<i32>} : memref<128xi32, #tpu.memory_space<vmem>>, vector<16xi32>,
        %swap3A_500 = vector.shape_cast %swap3A_499 : vector<16xi32> to vector<16xi32>
        %swap3A_501 = vector.shape_cast %add3A_497 : vector<16xi32> to vector<16xi32>
        tpu.vector_store %arg9[%swap3A_498], %swap3A_501 {strides = array<i32>} : memref<128xi32, #tpu.memory_space<vmem>>, vector<16xi32>,
        %get3A_502 = arith.index_cast %scan3A_243 : i32 to index
        %get3A_503 = arith.constant 80 : index
        %get3A_504 = tpu.vector_load %arg7[%get3A_502, %get3A_503] {strides = array<i32>} : memref<40x128xi32, #tpu.memory_space<vmem>>, vector<1x16xi32>,
        %get3A_505 = vector.shape_cast %get3A_504 : vector<1x16xi32> to vector<16xi32>
        %swap3A_506 = arith.constant 80 : index
        %swap3A_507 = tpu.vector_load %arg12[%swap3A_506] {strides = array<i32>} : memref<128xi32, #tpu.memory_space<vmem>>, vector<16xi32>,
        %swap3A_508 = vector.shape_cast %swap3A_507 : vector<16xi32> to vector<16xi32>
        %swap3A_509 = vector.shape_cast %get3A_505 : vector<16xi32> to vector<16xi32>
        tpu.vector_store %arg12[%swap3A_506], %swap3A_509 {strides = array<i32>} : memref<128xi32, #tpu.memory_space<vmem>>, vector<16xi32>,
        %get3A_510 = arith.index_cast %scan3A_243 : i32 to index
        %get3A_511 = arith.constant 96 : index
        %get3A_512 = tpu.vector_load %arg6[%get3A_510, %get3A_511] {strides = array<i32>} : memref<40x128xi32, #tpu.memory_space<vmem>>, vector<1x16xi32>,
        %get3A_513 = vector.shape_cast %get3A_512 : vector<1x16xi32> to vector<16xi32>
        %add3A_514 = vector.broadcast %mul3A_28 : i32 to vector<16xi32>
        %add3A_515 = arith.addi %get3A_513, %add3A_514 : vector<16xi32>
        %swap3A_516 = arith.constant 96 : index
        %swap3A_517 = tpu.vector_load %arg9[%swap3A_516] {strides = array<i32>} : memref<128xi32, #tpu.memory_space<vmem>>, vector<16xi32>,
        %swap3A_518 = vector.shape_cast %swap3A_517 : vector<16xi32> to vector<16xi32>
        %swap3A_519 = vector.shape_cast %add3A_515 : vector<16xi32> to vector<16xi32>
        tpu.vector_store %arg9[%swap3A_516], %swap3A_519 {strides = array<i32>} : memref<128xi32, #tpu.memory_space<vmem>>, vector<16xi32>,
        %get3A_520 = arith.index_cast %scan3A_243 : i32 to index
        %get3A_521 = arith.constant 96 : index
        %get3A_522 = tpu.vector_load %arg7[%get3A_520, %get3A_521] {strides = array<i32>} : memref<40x128xi32, #tpu.memory_space<vmem>>, vector<1x16xi32>,
        %get3A_523 = vector.shape_cast %get3A_522 : vector<1x16xi32> to vector<16xi32>
        %swap3A_524 = arith.constant 96 : index
        %swap3A_525 = tpu.vector_load %arg12[%swap3A_524] {strides = array<i32>} : memref<128xi32, #tpu.memory_space<vmem>>, vector<16xi32>,
        %swap3A_526 = vector.shape_cast %swap3A_525 : vector<16xi32> to vector<16xi32>
        %swap3A_527 = vector.shape_cast %get3A_523 : vector<16xi32> to vector<16xi32>
        tpu.vector_store %arg12[%swap3A_524], %swap3A_527 {strides = array<i32>} : memref<128xi32, #tpu.memory_space<vmem>>, vector<16xi32>,
        %get3A_528 = arith.index_cast %scan3A_243 : i32 to index
        %get3A_529 = arith.constant 112 : index
        %get3A_530 = tpu.vector_load %arg6[%get3A_528, %get3A_529] {strides = array<i32>} : memref<40x128xi32, #tpu.memory_space<vmem>>, vector<1x16xi32>,
        %get3A_531 = vector.shape_cast %get3A_530 : vector<1x16xi32> to vector<16xi32>
        %add3A_532 = vector.broadcast %mul3A_28 : i32 to vector<16xi32>
        %add3A_533 = arith.addi %get3A_531, %add3A_532 : vector<16xi32>
        %swap3A_534 = arith.constant 112 : index
        %swap3A_535 = tpu.vector_load %arg9[%swap3A_534] {strides = array<i32>} : memref<128xi32, #tpu.memory_space<vmem>>, vector<16xi32>,
        %swap3A_536 = vector.shape_cast %swap3A_535 : vector<16xi32> to vector<16xi32>
        %swap3A_537 = vector.shape_cast %add3A_533 : vector<16xi32> to vector<16xi32>
        tpu.vector_store %arg9[%swap3A_534], %swap3A_537 {strides = array<i32>} : memref<128xi32, #tpu.memory_space<vmem>>, vector<16xi32>,
        %get3A_538 = arith.index_cast %scan3A_243 : i32 to index
        %get3A_539 = arith.constant 112 : index
        %get3A_540 = tpu.vector_load %arg7[%get3A_538, %get3A_539] {strides = array<i32>} : memref<40x128xi32, #tpu.memory_space<vmem>>, vector<1x16xi32>,
        %get3A_541 = vector.shape_cast %get3A_540 : vector<1x16xi32> to vector<16xi32>
        %swap3A_542 = arith.constant 112 : index
        %swap3A_543 = tpu.vector_load %arg12[%swap3A_542] {strides = array<i32>} : memref<128xi32, #tpu.memory_space<vmem>>, vector<16xi32>,
        %swap3A_544 = vector.shape_cast %swap3A_543 : vector<16xi32> to vector<16xi32>
        %swap3A_545 = vector.shape_cast %get3A_541 : vector<16xi32> to vector<16xi32>
        tpu.vector_store %arg12[%swap3A_542], %swap3A_545 {strides = array<i32>} : memref<128xi32, #tpu.memory_space<vmem>>, vector<16xi32>,
        %dma_start3A = arith.constant 0 : i32
        %dma_start3A_546 = arith.constant 0 : i32
        %dma_start3A_547 = tpu.memref_slice %arg2[%dma_start3A, %dma_start3A_546] : memref<20000x64xf32, #tpu.memory_space<hbm>> -> memref<20000x64xf32, #tpu.memory_space<hbm>>
        tpu.enqueue_indirect_dma source(%dma_start3A_547 : memref<20000x64xf32, #tpu.memory_space<hbm>>) target(%arg15 : memref<128x64xf32, #tpu.memory_space<vmem>>) offsets(%arg9 : memref<128xi32, #tpu.memory_space<vmem>>) semaphore(%arg25 : memref<!tpu.dma_semaphore, #tpu.memory_space<semaphore_mem>>)
      } else {
      }
      %lt3A_289 = arith.constant 40 : i32
      %lt3A_290 = arith.cmpi slt, %scan3A_243, %lt3A_289 : i32
      %jit3A_291 = arith.constant 3 : i32
      %eq3A_292 = arith.constant 0 : i32
      %eq3A_293 = arith.cmpi eq, %jit3A_291, %eq3A_292 : i32
      %jit3A_294 = arith.constant 1 : i32
      %select_n3A_295 = arith.select %eq3A_293, %jit3A_294, %jit3A_291 : i32
      %rem3A_296 = arith.remsi %scan3A_243, %select_n3A_295 : i32
      %ne3A_297 = arith.constant 0 : i32
      %ne3A_298 = arith.cmpi ne, %rem3A_296, %ne3A_297 : i32
      %lt3A_299 = arith.constant 0 : i32
      %lt3A_300 = arith.cmpi slt, %rem3A_296, %lt3A_299 : i32
      %lt3A_301 = arith.constant 0 : i32
      %lt3A_302 = arith.cmpi slt, %select_n3A_295, %lt3A_301 : i32
      %ne3A_303 = arith.xori %lt3A_300, %lt3A_302 : i1
      %and3A_304 = arith.andi %ne3A_303, %ne3A_298 : i1
      %add3A_305 = arith.addi %rem3A_296, %select_n3A_295 : i32
      %select_n3A_306 = arith.select %and3A_304, %add3A_305, %rem3A_296 : i32
      %eq3A_307 = arith.constant 2 : i32
      %eq3A_308 = arith.cmpi eq, %select_n3A_306, %eq3A_307 : i32
      %and3A_309 = arith.andi %lt3A_290, %eq3A_308 : i1
      %convert_element_type3A_310 = arith.extui %and3A_309 : i1 to i32
      %cond3A_311 = arith.constant 0 : i32
      %cond3A_312 = arith.cmpi ne, %convert_element_type3A_310, %cond3A_311 : i32
      scf.if %cond3A_312 {
        %ge3A_399 = arith.constant 3 : i32
        %ge3A_400 = arith.cmpi sge, %scan3A_243, %ge3A_399 : i32
        %convert_element_type3A_401 = arith.extui %ge3A_400 : i1 to i32
        %cond3A_402 = arith.constant 0 : i32
        %cond3A_403 = arith.cmpi ne, %convert_element_type3A_401, %cond3A_402 : i32
        scf.if %cond3A_403 {
          %dma_wait3A_548 = arith.constant 0 : i32
          %dma_wait3A_549 = arith.constant 0 : i32
          %dma_wait3A_550 = tpu.memref_slice %arg22[%dma_wait3A_548, %dma_wait3A_549] : memref<10008x64xf32, #tpu.memory_space<vmem_shared>> -> memref<10008x64xf32, #tpu.memory_space<vmem_shared>>
          tpu.wait_indirect_dma semaphore(%arg32 : memref<!tpu.dma_semaphore, #tpu.memory_space<semaphore_mem>>) src(%arg16 : memref<128x64xf32, #tpu.memory_space<vmem>>) dst(%dma_wait3A_550 : memref<10008x64xf32, #tpu.memory_space<vmem_shared>>)
          %eq3A_551 = arith.constant 0 : i32
          %eq3A_552 = arith.cmpi eq, %arg0, %eq3A_551 : i32
          %convert_element_type3A_553 = arith.extui %eq3A_552 : i1 to i32
          %cond3A_554 = arith.constant 0 : i32
          %cond3A_555 = arith.cmpi ne, %convert_element_type3A_553, %cond3A_554 : i32
          scf.if %cond3A_555 {
            %dma_wait3A_556 = arith.constant 0 : i32
            %dma_wait3A_557 = arith.constant 0 : i32
            %dma_wait3A_558 = tpu.memref_slice %arg23[%dma_wait3A_556, %dma_wait3A_557] : memref<10008x16xf32, #tpu.memory_space<vmem_shared>> -> memref<10008x16xf32, #tpu.memory_space<vmem_shared>>
            tpu.wait_indirect_dma semaphore(%arg29 : memref<!tpu.dma_semaphore, #tpu.memory_space<semaphore_mem>>) src(%arg17 : memref<128x16xf32, #tpu.memory_space<vmem>>) dst(%dma_wait3A_558 : memref<10008x16xf32, #tpu.memory_space<vmem_shared>>)
          } else {
          }
        } else {
        }
        %get3A = arith.index_cast %scan3A_243 : i32 to index
        %get3A_404 = arith.constant 0 : index
        %get3A_405 = tpu.vector_load %arg6[%get3A, %get3A_404] {strides = array<i32>} : memref<40x128xi32, #tpu.memory_space<vmem>>, vector<1x16xi32>,
        %get3A_406 = vector.shape_cast %get3A_405 : vector<1x16xi32> to vector<16xi32>
        %add3A_407 = vector.broadcast %mul3A_28 : i32 to vector<16xi32>
        %add3A_408 = arith.addi %get3A_406, %add3A_407 : vector<16xi32>
        %swap3A = arith.constant 0 : index
        %swap3A_409 = tpu.vector_load %arg10[%swap3A] {strides = array<i32>} : memref<128xi32, #tpu.memory_space<vmem>>, vector<16xi32>,
        %swap3A_410 = vector.shape_cast %swap3A_409 : vector<16xi32> to vector<16xi32>
        %swap3A_411 = vector.shape_cast %add3A_408 : vector<16xi32> to vector<16xi32>
        tpu.vector_store %arg10[%swap3A], %swap3A_411 {strides = array<i32>} : memref<128xi32, #tpu.memory_space<vmem>>, vector<16xi32>,
        %get3A_412 = arith.index_cast %scan3A_243 : i32 to index
        %get3A_413 = arith.constant 0 : index
        %get3A_414 = tpu.vector_load %arg7[%get3A_412, %get3A_413] {strides = array<i32>} : memref<40x128xi32, #tpu.memory_space<vmem>>, vector<1x16xi32>,
        %get3A_415 = vector.shape_cast %get3A_414 : vector<1x16xi32> to vector<16xi32>
        %swap3A_416 = arith.constant 0 : index
        %swap3A_417 = tpu.vector_load %arg13[%swap3A_416] {strides = array<i32>} : memref<128xi32, #tpu.memory_space<vmem>>, vector<16xi32>,
        %swap3A_418 = vector.shape_cast %swap3A_417 : vector<16xi32> to vector<16xi32>
        %swap3A_419 = vector.shape_cast %get3A_415 : vector<16xi32> to vector<16xi32>
        tpu.vector_store %arg13[%swap3A_416], %swap3A_419 {strides = array<i32>} : memref<128xi32, #tpu.memory_space<vmem>>, vector<16xi32>,
        %get3A_420 = arith.index_cast %scan3A_243 : i32 to index
        %get3A_421 = arith.constant 16 : index
        %get3A_422 = tpu.vector_load %arg6[%get3A_420, %get3A_421] {strides = array<i32>} : memref<40x128xi32, #tpu.memory_space<vmem>>, vector<1x16xi32>,
        %get3A_423 = vector.shape_cast %get3A_422 : vector<1x16xi32> to vector<16xi32>
        %add3A_424 = vector.broadcast %mul3A_28 : i32 to vector<16xi32>
        %add3A_425 = arith.addi %get3A_423, %add3A_424 : vector<16xi32>
        %swap3A_426 = arith.constant 16 : index
        %swap3A_427 = tpu.vector_load %arg10[%swap3A_426] {strides = array<i32>} : memref<128xi32, #tpu.memory_space<vmem>>, vector<16xi32>,
        %swap3A_428 = vector.shape_cast %swap3A_427 : vector<16xi32> to vector<16xi32>
        %swap3A_429 = vector.shape_cast %add3A_425 : vector<16xi32> to vector<16xi32>
        tpu.vector_store %arg10[%swap3A_426], %swap3A_429 {strides = array<i32>} : memref<128xi32, #tpu.memory_space<vmem>>, vector<16xi32>,
        %get3A_430 = arith.index_cast %scan3A_243 : i32 to index
        %get3A_431 = arith.constant 16 : index
        %get3A_432 = tpu.vector_load %arg7[%get3A_430, %get3A_431] {strides = array<i32>} : memref<40x128xi32, #tpu.memory_space<vmem>>, vector<1x16xi32>,
        %get3A_433 = vector.shape_cast %get3A_432 : vector<1x16xi32> to vector<16xi32>
        %swap3A_434 = arith.constant 16 : index
        %swap3A_435 = tpu.vector_load %arg13[%swap3A_434] {strides = array<i32>} : memref<128xi32, #tpu.memory_space<vmem>>, vector<16xi32>,
        %swap3A_436 = vector.shape_cast %swap3A_435 : vector<16xi32> to vector<16xi32>
        %swap3A_437 = vector.shape_cast %get3A_433 : vector<16xi32> to vector<16xi32>
        tpu.vector_store %arg13[%swap3A_434], %swap3A_437 {strides = array<i32>} : memref<128xi32, #tpu.memory_space<vmem>>, vector<16xi32>,
        %get3A_438 = arith.index_cast %scan3A_243 : i32 to index
        %get3A_439 = arith.constant 32 : index
        %get3A_440 = tpu.vector_load %arg6[%get3A_438, %get3A_439] {strides = array<i32>} : memref<40x128xi32, #tpu.memory_space<vmem>>, vector<1x16xi32>,
        %get3A_441 = vector.shape_cast %get3A_440 : vector<1x16xi32> to vector<16xi32>
        %add3A_442 = vector.broadcast %mul3A_28 : i32 to vector<16xi32>
        %add3A_443 = arith.addi %get3A_441, %add3A_442 : vector<16xi32>
        %swap3A_444 = arith.constant 32 : index
        %swap3A_445 = tpu.vector_load %arg10[%swap3A_444] {strides = array<i32>} : memref<128xi32, #tpu.memory_space<vmem>>, vector<16xi32>,
        %swap3A_446 = vector.shape_cast %swap3A_445 : vector<16xi32> to vector<16xi32>
        %swap3A_447 = vector.shape_cast %add3A_443 : vector<16xi32> to vector<16xi32>
        tpu.vector_store %arg10[%swap3A_444], %swap3A_447 {strides = array<i32>} : memref<128xi32, #tpu.memory_space<vmem>>, vector<16xi32>,
        %get3A_448 = arith.index_cast %scan3A_243 : i32 to index
        %get3A_449 = arith.constant 32 : index
        %get3A_450 = tpu.vector_load %arg7[%get3A_448, %get3A_449] {strides = array<i32>} : memref<40x128xi32, #tpu.memory_space<vmem>>, vector<1x16xi32>,
        %get3A_451 = vector.shape_cast %get3A_450 : vector<1x16xi32> to vector<16xi32>
        %swap3A_452 = arith.constant 32 : index
        %swap3A_453 = tpu.vector_load %arg13[%swap3A_452] {strides = array<i32>} : memref<128xi32, #tpu.memory_space<vmem>>, vector<16xi32>,
        %swap3A_454 = vector.shape_cast %swap3A_453 : vector<16xi32> to vector<16xi32>
        %swap3A_455 = vector.shape_cast %get3A_451 : vector<16xi32> to vector<16xi32>
        tpu.vector_store %arg13[%swap3A_452], %swap3A_455 {strides = array<i32>} : memref<128xi32, #tpu.memory_space<vmem>>, vector<16xi32>,
        %get3A_456 = arith.index_cast %scan3A_243 : i32 to index
        %get3A_457 = arith.constant 48 : index
        %get3A_458 = tpu.vector_load %arg6[%get3A_456, %get3A_457] {strides = array<i32>} : memref<40x128xi32, #tpu.memory_space<vmem>>, vector<1x16xi32>,
        %get3A_459 = vector.shape_cast %get3A_458 : vector<1x16xi32> to vector<16xi32>
        %add3A_460 = vector.broadcast %mul3A_28 : i32 to vector<16xi32>
        %add3A_461 = arith.addi %get3A_459, %add3A_460 : vector<16xi32>
        %swap3A_462 = arith.constant 48 : index
        %swap3A_463 = tpu.vector_load %arg10[%swap3A_462] {strides = array<i32>} : memref<128xi32, #tpu.memory_space<vmem>>, vector<16xi32>,
        %swap3A_464 = vector.shape_cast %swap3A_463 : vector<16xi32> to vector<16xi32>
        %swap3A_465 = vector.shape_cast %add3A_461 : vector<16xi32> to vector<16xi32>
        tpu.vector_store %arg10[%swap3A_462], %swap3A_465 {strides = array<i32>} : memref<128xi32, #tpu.memory_space<vmem>>, vector<16xi32>,
        %get3A_466 = arith.index_cast %scan3A_243 : i32 to index
        %get3A_467 = arith.constant 48 : index
        %get3A_468 = tpu.vector_load %arg7[%get3A_466, %get3A_467] {strides = array<i32>} : memref<40x128xi32, #tpu.memory_space<vmem>>, vector<1x16xi32>,
        %get3A_469 = vector.shape_cast %get3A_468 : vector<1x16xi32> to vector<16xi32>
        %swap3A_470 = arith.constant 48 : index
        %swap3A_471 = tpu.vector_load %arg13[%swap3A_470] {strides = array<i32>} : memref<128xi32, #tpu.memory_space<vmem>>, vector<16xi32>,
        %swap3A_472 = vector.shape_cast %swap3A_471 : vector<16xi32> to vector<16xi32>
        %swap3A_473 = vector.shape_cast %get3A_469 : vector<16xi32> to vector<16xi32>
        tpu.vector_store %arg13[%swap3A_470], %swap3A_473 {strides = array<i32>} : memref<128xi32, #tpu.memory_space<vmem>>, vector<16xi32>,
        %get3A_474 = arith.index_cast %scan3A_243 : i32 to index
        %get3A_475 = arith.constant 64 : index
        %get3A_476 = tpu.vector_load %arg6[%get3A_474, %get3A_475] {strides = array<i32>} : memref<40x128xi32, #tpu.memory_space<vmem>>, vector<1x16xi32>,
        %get3A_477 = vector.shape_cast %get3A_476 : vector<1x16xi32> to vector<16xi32>
        %add3A_478 = vector.broadcast %mul3A_28 : i32 to vector<16xi32>
        %add3A_479 = arith.addi %get3A_477, %add3A_478 : vector<16xi32>
        %swap3A_480 = arith.constant 64 : index
        %swap3A_481 = tpu.vector_load %arg10[%swap3A_480] {strides = array<i32>} : memref<128xi32, #tpu.memory_space<vmem>>, vector<16xi32>,
        %swap3A_482 = vector.shape_cast %swap3A_481 : vector<16xi32> to vector<16xi32>
        %swap3A_483 = vector.shape_cast %add3A_479 : vector<16xi32> to vector<16xi32>
        tpu.vector_store %arg10[%swap3A_480], %swap3A_483 {strides = array<i32>} : memref<128xi32, #tpu.memory_space<vmem>>, vector<16xi32>,
        %get3A_484 = arith.index_cast %scan3A_243 : i32 to index
        %get3A_485 = arith.constant 64 : index
        %get3A_486 = tpu.vector_load %arg7[%get3A_484, %get3A_485] {strides = array<i32>} : memref<40x128xi32, #tpu.memory_space<vmem>>, vector<1x16xi32>,
        %get3A_487 = vector.shape_cast %get3A_486 : vector<1x16xi32> to vector<16xi32>
        %swap3A_488 = arith.constant 64 : index
        %swap3A_489 = tpu.vector_load %arg13[%swap3A_488] {strides = array<i32>} : memref<128xi32, #tpu.memory_space<vmem>>, vector<16xi32>,
        %swap3A_490 = vector.shape_cast %swap3A_489 : vector<16xi32> to vector<16xi32>
        %swap3A_491 = vector.shape_cast %get3A_487 : vector<16xi32> to vector<16xi32>
        tpu.vector_store %arg13[%swap3A_488], %swap3A_491 {strides = array<i32>} : memref<128xi32, #tpu.memory_space<vmem>>, vector<16xi32>,
        %get3A_492 = arith.index_cast %scan3A_243 : i32 to index
        %get3A_493 = arith.constant 80 : index
        %get3A_494 = tpu.vector_load %arg6[%get3A_492, %get3A_493] {strides = array<i32>} : memref<40x128xi32, #tpu.memory_space<vmem>>, vector<1x16xi32>,
        %get3A_495 = vector.shape_cast %get3A_494 : vector<1x16xi32> to vector<16xi32>
        %add3A_496 = vector.broadcast %mul3A_28 : i32 to vector<16xi32>
        %add3A_497 = arith.addi %get3A_495, %add3A_496 : vector<16xi32>
        %swap3A_498 = arith.constant 80 : index
        %swap3A_499 = tpu.vector_load %arg10[%swap3A_498] {strides = array<i32>} : memref<128xi32, #tpu.memory_space<vmem>>, vector<16xi32>,
        %swap3A_500 = vector.shape_cast %swap3A_499 : vector<16xi32> to vector<16xi32>
        %swap3A_501 = vector.shape_cast %add3A_497 : vector<16xi32> to vector<16xi32>
        tpu.vector_store %arg10[%swap3A_498], %swap3A_501 {strides = array<i32>} : memref<128xi32, #tpu.memory_space<vmem>>, vector<16xi32>,
        %get3A_502 = arith.index_cast %scan3A_243 : i32 to index
        %get3A_503 = arith.constant 80 : index
        %get3A_504 = tpu.vector_load %arg7[%get3A_502, %get3A_503] {strides = array<i32>} : memref<40x128xi32, #tpu.memory_space<vmem>>, vector<1x16xi32>,
        %get3A_505 = vector.shape_cast %get3A_504 : vector<1x16xi32> to vector<16xi32>
        %swap3A_506 = arith.constant 80 : index
        %swap3A_507 = tpu.vector_load %arg13[%swap3A_506] {strides = array<i32>} : memref<128xi32, #tpu.memory_space<vmem>>, vector<16xi32>,
        %swap3A_508 = vector.shape_cast %swap3A_507 : vector<16xi32> to vector<16xi32>
        %swap3A_509 = vector.shape_cast %get3A_505 : vector<16xi32> to vector<16xi32>
        tpu.vector_store %arg13[%swap3A_506], %swap3A_509 {strides = array<i32>} : memref<128xi32, #tpu.memory_space<vmem>>, vector<16xi32>,
        %get3A_510 = arith.index_cast %scan3A_243 : i32 to index
        %get3A_511 = arith.constant 96 : index
        %get3A_512 = tpu.vector_load %arg6[%get3A_510, %get3A_511] {strides = array<i32>} : memref<40x128xi32, #tpu.memory_space<vmem>>, vector<1x16xi32>,
        %get3A_513 = vector.shape_cast %get3A_512 : vector<1x16xi32> to vector<16xi32>
        %add3A_514 = vector.broadcast %mul3A_28 : i32 to vector<16xi32>
        %add3A_515 = arith.addi %get3A_513, %add3A_514 : vector<16xi32>
        %swap3A_516 = arith.constant 96 : index
        %swap3A_517 = tpu.vector_load %arg10[%swap3A_516] {strides = array<i32>} : memref<128xi32, #tpu.memory_space<vmem>>, vector<16xi32>,
        %swap3A_518 = vector.shape_cast %swap3A_517 : vector<16xi32> to vector<16xi32>
        %swap3A_519 = vector.shape_cast %add3A_515 : vector<16xi32> to vector<16xi32>
        tpu.vector_store %arg10[%swap3A_516], %swap3A_519 {strides = array<i32>} : memref<128xi32, #tpu.memory_space<vmem>>, vector<16xi32>,
        %get3A_520 = arith.index_cast %scan3A_243 : i32 to index
        %get3A_521 = arith.constant 96 : index
        %get3A_522 = tpu.vector_load %arg7[%get3A_520, %get3A_521] {strides = array<i32>} : memref<40x128xi32, #tpu.memory_space<vmem>>, vector<1x16xi32>,
        %get3A_523 = vector.shape_cast %get3A_522 : vector<1x16xi32> to vector<16xi32>
        %swap3A_524 = arith.constant 96 : index
        %swap3A_525 = tpu.vector_load %arg13[%swap3A_524] {strides = array<i32>} : memref<128xi32, #tpu.memory_space<vmem>>, vector<16xi32>,
        %swap3A_526 = vector.shape_cast %swap3A_525 : vector<16xi32> to vector<16xi32>
        %swap3A_527 = vector.shape_cast %get3A_523 : vector<16xi32> to vector<16xi32>
        tpu.vector_store %arg13[%swap3A_524], %swap3A_527 {strides = array<i32>} : memref<128xi32, #tpu.memory_space<vmem>>, vector<16xi32>,
        %get3A_528 = arith.index_cast %scan3A_243 : i32 to index
        %get3A_529 = arith.constant 112 : index
        %get3A_530 = tpu.vector_load %arg6[%get3A_528, %get3A_529] {strides = array<i32>} : memref<40x128xi32, #tpu.memory_space<vmem>>, vector<1x16xi32>,
        %get3A_531 = vector.shape_cast %get3A_530 : vector<1x16xi32> to vector<16xi32>
        %add3A_532 = vector.broadcast %mul3A_28 : i32 to vector<16xi32>
        %add3A_533 = arith.addi %get3A_531, %add3A_532 : vector<16xi32>
        %swap3A_534 = arith.constant 112 : index
        %swap3A_535 = tpu.vector_load %arg10[%swap3A_534] {strides = array<i32>} : memref<128xi32, #tpu.memory_space<vmem>>, vector<16xi32>,
        %swap3A_536 = vector.shape_cast %swap3A_535 : vector<16xi32> to vector<16xi32>
        %swap3A_537 = vector.shape_cast %add3A_533 : vector<16xi32> to vector<16xi32>
        tpu.vector_store %arg10[%swap3A_534], %swap3A_537 {strides = array<i32>} : memref<128xi32, #tpu.memory_space<vmem>>, vector<16xi32>,
        %get3A_538 = arith.index_cast %scan3A_243 : i32 to index
        %get3A_539 = arith.constant 112 : index
        %get3A_540 = tpu.vector_load %arg7[%get3A_538, %get3A_539] {strides = array<i32>} : memref<40x128xi32, #tpu.memory_space<vmem>>, vector<1x16xi32>,
        %get3A_541 = vector.shape_cast %get3A_540 : vector<1x16xi32> to vector<16xi32>
        %swap3A_542 = arith.constant 112 : index
        %swap3A_543 = tpu.vector_load %arg13[%swap3A_542] {strides = array<i32>} : memref<128xi32, #tpu.memory_space<vmem>>, vector<16xi32>,
        %swap3A_544 = vector.shape_cast %swap3A_543 : vector<16xi32> to vector<16xi32>
        %swap3A_545 = vector.shape_cast %get3A_541 : vector<16xi32> to vector<16xi32>
        tpu.vector_store %arg13[%swap3A_542], %swap3A_545 {strides = array<i32>} : memref<128xi32, #tpu.memory_space<vmem>>, vector<16xi32>,
        %dma_start3A = arith.constant 0 : i32
        %dma_start3A_546 = arith.constant 0 : i32
        %dma_start3A_547 = tpu.memref_slice %arg2[%dma_start3A, %dma_start3A_546] : memref<20000x64xf32, #tpu.memory_space<hbm>> -> memref<20000x64xf32, #tpu.memory_space<hbm>>
        tpu.enqueue_indirect_dma source(%dma_start3A_547 : memref<20000x64xf32, #tpu.memory_space<hbm>>) target(%arg16 : memref<128x64xf32, #tpu.memory_space<vmem>>) offsets(%arg10 : memref<128xi32, #tpu.memory_space<vmem>>) semaphore(%arg26 : memref<!tpu.dma_semaphore, #tpu.memory_space<semaphore_mem>>)
      } else {
      }
      %ge3A = arith.constant 2 : i32
      %ge3A_313 = arith.cmpi sge, %scan3A_243, %ge3A : i32
      %lt3A_314 = arith.constant 42 : i32
      %lt3A_315 = arith.cmpi slt, %scan3A_243, %lt3A_314 : i32
      %and3A_316 = arith.andi %ge3A_313, %lt3A_315 : i1
      %sub3A_317 = arith.constant 2 : i32
      %sub3A_318 = arith.subi %scan3A_243, %sub3A_317 : i32
      %jit3A_319 = arith.constant 3 : i32
      %eq3A_320 = arith.constant 0 : i32
      %eq3A_321 = arith.cmpi eq, %jit3A_319, %eq3A_320 : i32
      %jit3A_322 = arith.constant 1 : i32
      %select_n3A_323 = arith.select %eq3A_321, %jit3A_322, %jit3A_319 : i32
      %rem3A_324 = arith.remsi %sub3A_318, %select_n3A_323 : i32
      %ne3A_325 = arith.constant 0 : i32
      %ne3A_326 = arith.cmpi ne, %rem3A_324, %ne3A_325 : i32
      %lt3A_327 = arith.constant 0 : i32
      %lt3A_328 = arith.cmpi slt, %rem3A_324, %lt3A_327 : i32
      %lt3A_329 = arith.constant 0 : i32
      %lt3A_330 = arith.cmpi slt, %select_n3A_323, %lt3A_329 : i32
      %ne3A_331 = arith.xori %lt3A_328, %lt3A_330 : i1
      %and3A_332 = arith.andi %ne3A_331, %ne3A_326 : i1
      %add3A_333 = arith.addi %rem3A_324, %select_n3A_323 : i32
      %select_n3A_334 = arith.select %and3A_332, %add3A_333, %rem3A_324 : i32
      %eq3A_335 = arith.constant 0 : i32
      %eq3A_336 = arith.cmpi eq, %select_n3A_334, %eq3A_335 : i32
      %and3A_337 = arith.andi %and3A_316, %eq3A_336 : i1
      %convert_element_type3A_338 = arith.extui %and3A_337 : i1 to i32
      %cond3A_339 = arith.constant 0 : i32
      %cond3A_340 = arith.cmpi ne, %convert_element_type3A_338, %cond3A_339 : i32
      scf.if %cond3A_340 {
        %dma_wait3A_399 = arith.constant 0 : i32
        %dma_wait3A_400 = arith.constant 0 : i32
        %dma_wait3A_401 = tpu.memref_slice %arg2[%dma_wait3A_399, %dma_wait3A_400] : memref<20000x64xf32, #tpu.memory_space<hbm>> -> memref<20000x64xf32, #tpu.memory_space<hbm>>
        tpu.wait_indirect_dma semaphore(%arg24 : memref<!tpu.dma_semaphore, #tpu.memory_space<semaphore_mem>>) src(%dma_wait3A_401 : memref<20000x64xf32, #tpu.memory_space<hbm>>) dst(%arg14 : memref<128x64xf32, #tpu.memory_space<vmem>>)
        %dma_start3A = arith.constant 0 : i32
        %dma_start3A_402 = arith.constant 0 : i32
        %dma_start3A_403 = tpu.memref_slice %arg22[%dma_start3A, %dma_start3A_402] : memref<10008x64xf32, #tpu.memory_space<vmem_shared>> -> memref<10008x64xf32, #tpu.memory_space<vmem_shared>>
        tpu.enqueue_indirect_dma source(%arg14 : memref<128x64xf32, #tpu.memory_space<vmem>>) target(%dma_start3A_403 : memref<10008x64xf32, #tpu.memory_space<vmem_shared>>) offsets(%arg11 : memref<128xi32, #tpu.memory_space<vmem>>) semaphore(%arg30 : memref<!tpu.dma_semaphore, #tpu.memory_space<semaphore_mem>>) {add = true}
        %eq3A_404 = arith.constant 0 : i32
        %eq3A_405 = arith.cmpi eq, %arg0, %eq3A_404 : i32
        %convert_element_type3A_406 = arith.extui %eq3A_405 : i1 to i32
        %cond3A_407 = arith.constant 0 : i32
        %cond3A_408 = arith.cmpi ne, %convert_element_type3A_406, %cond3A_407 : i32
        scf.if %cond3A_408 {
          %dma_start3A_409 = arith.constant 0 : i32
          %dma_start3A_410 = arith.constant 0 : i32
          %dma_start3A_411 = tpu.memref_slice %arg23[%dma_start3A_409, %dma_start3A_410] : memref<10008x16xf32, #tpu.memory_space<vmem_shared>> -> memref<10008x16xf32, #tpu.memory_space<vmem_shared>>
          tpu.enqueue_indirect_dma source(%arg17 : memref<128x16xf32, #tpu.memory_space<vmem>>) target(%dma_start3A_411 : memref<10008x16xf32, #tpu.memory_space<vmem_shared>>) offsets(%arg11 : memref<128xi32, #tpu.memory_space<vmem>>) semaphore(%arg27 : memref<!tpu.dma_semaphore, #tpu.memory_space<semaphore_mem>>) {add = true}
        } else {
        }
      } else {
      }
      %ge3A_341 = arith.constant 2 : i32
      %ge3A_342 = arith.cmpi sge, %scan3A_243, %ge3A_341 : i32
      %lt3A_343 = arith.constant 42 : i32
      %lt3A_344 = arith.cmpi slt, %scan3A_243, %lt3A_343 : i32
      %and3A_345 = arith.andi %ge3A_342, %lt3A_344 : i1
      %sub3A_346 = arith.constant 2 : i32
      %sub3A_347 = arith.subi %scan3A_243, %sub3A_346 : i32
      %jit3A_348 = arith.constant 3 : i32
      %eq3A_349 = arith.constant 0 : i32
      %eq3A_350 = arith.cmpi eq, %jit3A_348, %eq3A_349 : i32
      %jit3A_351 = arith.constant 1 : i32
      %select_n3A_352 = arith.select %eq3A_350, %jit3A_351, %jit3A_348 : i32
      %rem3A_353 = arith.remsi %sub3A_347, %select_n3A_352 : i32
      %ne3A_354 = arith.constant 0 : i32
      %ne3A_355 = arith.cmpi ne, %rem3A_353, %ne3A_354 : i32
      %lt3A_356 = arith.constant 0 : i32
      %lt3A_357 = arith.cmpi slt, %rem3A_353, %lt3A_356 : i32
      %lt3A_358 = arith.constant 0 : i32
      %lt3A_359 = arith.cmpi slt, %select_n3A_352, %lt3A_358 : i32
      %ne3A_360 = arith.xori %lt3A_357, %lt3A_359 : i1
      %and3A_361 = arith.andi %ne3A_360, %ne3A_355 : i1
      %add3A_362 = arith.addi %rem3A_353, %select_n3A_352 : i32
      %select_n3A_363 = arith.select %and3A_361, %add3A_362, %rem3A_353 : i32
      %eq3A_364 = arith.constant 1 : i32
      %eq3A_365 = arith.cmpi eq, %select_n3A_363, %eq3A_364 : i32
      %and3A_366 = arith.andi %and3A_345, %eq3A_365 : i1
      %convert_element_type3A_367 = arith.extui %and3A_366 : i1 to i32
      %cond3A_368 = arith.constant 0 : i32
      %cond3A_369 = arith.cmpi ne, %convert_element_type3A_367, %cond3A_368 : i32
      scf.if %cond3A_369 {
        %dma_wait3A_399 = arith.constant 0 : i32
        %dma_wait3A_400 = arith.constant 0 : i32
        %dma_wait3A_401 = tpu.memref_slice %arg2[%dma_wait3A_399, %dma_wait3A_400] : memref<20000x64xf32, #tpu.memory_space<hbm>> -> memref<20000x64xf32, #tpu.memory_space<hbm>>
        tpu.wait_indirect_dma semaphore(%arg25 : memref<!tpu.dma_semaphore, #tpu.memory_space<semaphore_mem>>) src(%dma_wait3A_401 : memref<20000x64xf32, #tpu.memory_space<hbm>>) dst(%arg15 : memref<128x64xf32, #tpu.memory_space<vmem>>)
        %dma_start3A = arith.constant 0 : i32
        %dma_start3A_402 = arith.constant 0 : i32
        %dma_start3A_403 = tpu.memref_slice %arg22[%dma_start3A, %dma_start3A_402] : memref<10008x64xf32, #tpu.memory_space<vmem_shared>> -> memref<10008x64xf32, #tpu.memory_space<vmem_shared>>
        tpu.enqueue_indirect_dma source(%arg15 : memref<128x64xf32, #tpu.memory_space<vmem>>) target(%dma_start3A_403 : memref<10008x64xf32, #tpu.memory_space<vmem_shared>>) offsets(%arg12 : memref<128xi32, #tpu.memory_space<vmem>>) semaphore(%arg31 : memref<!tpu.dma_semaphore, #tpu.memory_space<semaphore_mem>>) {add = true}
        %eq3A_404 = arith.constant 0 : i32
        %eq3A_405 = arith.cmpi eq, %arg0, %eq3A_404 : i32
        %convert_element_type3A_406 = arith.extui %eq3A_405 : i1 to i32
        %cond3A_407 = arith.constant 0 : i32
        %cond3A_408 = arith.cmpi ne, %convert_element_type3A_406, %cond3A_407 : i32
        scf.if %cond3A_408 {
          %dma_start3A_409 = arith.constant 0 : i32
          %dma_start3A_410 = arith.constant 0 : i32
          %dma_start3A_411 = tpu.memref_slice %arg23[%dma_start3A_409, %dma_start3A_410] : memref<10008x16xf32, #tpu.memory_space<vmem_shared>> -> memref<10008x16xf32, #tpu.memory_space<vmem_shared>>
          tpu.enqueue_indirect_dma source(%arg17 : memref<128x16xf32, #tpu.memory_space<vmem>>) target(%dma_start3A_411 : memref<10008x16xf32, #tpu.memory_space<vmem_shared>>) offsets(%arg12 : memref<128xi32, #tpu.memory_space<vmem>>) semaphore(%arg28 : memref<!tpu.dma_semaphore, #tpu.memory_space<semaphore_mem>>) {add = true}
        } else {
        }
      } else {
      }
      %ge3A_370 = arith.constant 2 : i32
      %ge3A_371 = arith.cmpi sge, %scan3A_243, %ge3A_370 : i32
      %lt3A_372 = arith.constant 42 : i32
      %lt3A_373 = arith.cmpi slt, %scan3A_243, %lt3A_372 : i32
      %and3A_374 = arith.andi %ge3A_371, %lt3A_373 : i1
      %sub3A_375 = arith.constant 2 : i32
      %sub3A_376 = arith.subi %scan3A_243, %sub3A_375 : i32
      %jit3A_377 = arith.constant 3 : i32
      %eq3A_378 = arith.constant 0 : i32
      %eq3A_379 = arith.cmpi eq, %jit3A_377, %eq3A_378 : i32
      %jit3A_380 = arith.constant 1 : i32
      %select_n3A_381 = arith.select %eq3A_379, %jit3A_380, %jit3A_377 : i32
      %rem3A_382 = arith.remsi %sub3A_376, %select_n3A_381 : i32
      %ne3A_383 = arith.constant 0 : i32
      %ne3A_384 = arith.cmpi ne, %rem3A_382, %ne3A_383 : i32
      %lt3A_385 = arith.constant 0 : i32
      %lt3A_386 = arith.cmpi slt, %rem3A_382, %lt3A_385 : i32
      %lt3A_387 = arith.constant 0 : i32
      %lt3A_388 = arith.cmpi slt, %select_n3A_381, %lt3A_387 : i32
      %ne3A_389 = arith.xori %lt3A_386, %lt3A_388 : i1
      %and3A_390 = arith.andi %ne3A_389, %ne3A_384 : i1
      %add3A_391 = arith.addi %rem3A_382, %select_n3A_381 : i32
      %select_n3A_392 = arith.select %and3A_390, %add3A_391, %rem3A_382 : i32
      %eq3A_393 = arith.constant 2 : i32
      %eq3A_394 = arith.cmpi eq, %select_n3A_392, %eq3A_393 : i32
      %and3A_395 = arith.andi %and3A_374, %eq3A_394 : i1
      %convert_element_type3A_396 = arith.extui %and3A_395 : i1 to i32
      %cond3A_397 = arith.constant 0 : i32
      %cond3A_398 = arith.cmpi ne, %convert_element_type3A_396, %cond3A_397 : i32
      scf.if %cond3A_398 {
        %dma_wait3A_399 = arith.constant 0 : i32
        %dma_wait3A_400 = arith.constant 0 : i32
        %dma_wait3A_401 = tpu.memref_slice %arg2[%dma_wait3A_399, %dma_wait3A_400] : memref<20000x64xf32, #tpu.memory_space<hbm>> -> memref<20000x64xf32, #tpu.memory_space<hbm>>
        tpu.wait_indirect_dma semaphore(%arg26 : memref<!tpu.dma_semaphore, #tpu.memory_space<semaphore_mem>>) src(%dma_wait3A_401 : memref<20000x64xf32, #tpu.memory_space<hbm>>) dst(%arg16 : memref<128x64xf32, #tpu.memory_space<vmem>>)
        %dma_start3A = arith.constant 0 : i32
        %dma_start3A_402 = arith.constant 0 : i32
        %dma_start3A_403 = tpu.memref_slice %arg22[%dma_start3A, %dma_start3A_402] : memref<10008x64xf32, #tpu.memory_space<vmem_shared>> -> memref<10008x64xf32, #tpu.memory_space<vmem_shared>>
        tpu.enqueue_indirect_dma source(%arg16 : memref<128x64xf32, #tpu.memory_space<vmem>>) target(%dma_start3A_403 : memref<10008x64xf32, #tpu.memory_space<vmem_shared>>) offsets(%arg13 : memref<128xi32, #tpu.memory_space<vmem>>) semaphore(%arg32 : memref<!tpu.dma_semaphore, #tpu.memory_space<semaphore_mem>>) {add = true}
        %eq3A_404 = arith.constant 0 : i32
        %eq3A_405 = arith.cmpi eq, %arg0, %eq3A_404 : i32
        %convert_element_type3A_406 = arith.extui %eq3A_405 : i1 to i32
        %cond3A_407 = arith.constant 0 : i32
        %cond3A_408 = arith.cmpi ne, %convert_element_type3A_406, %cond3A_407 : i32
        scf.if %cond3A_408 {
          %dma_start3A_409 = arith.constant 0 : i32
          %dma_start3A_410 = arith.constant 0 : i32
          %dma_start3A_411 = tpu.memref_slice %arg23[%dma_start3A_409, %dma_start3A_410] : memref<10008x16xf32, #tpu.memory_space<vmem_shared>> -> memref<10008x16xf32, #tpu.memory_space<vmem_shared>>
          tpu.enqueue_indirect_dma source(%arg17 : memref<128x16xf32, #tpu.memory_space<vmem>>) target(%dma_start3A_411 : memref<10008x16xf32, #tpu.memory_space<vmem_shared>>) offsets(%arg13 : memref<128xi32, #tpu.memory_space<vmem>>) semaphore(%arg29 : memref<!tpu.dma_semaphore, #tpu.memory_space<semaphore_mem>>) {add = true}
        } else {
        }
      } else {
      }
    }
    %scan3A_155 = arith.constant 42 : i32
    %dma_wait3A_156 = arith.constant 0 : i32
    %dma_wait3A_157 = arith.constant 0 : i32
    %dma_wait3A_158 = tpu.memref_slice %arg22[%dma_wait3A_156, %dma_wait3A_157] : memref<10008x64xf32, #tpu.memory_space<vmem_shared>> -> memref<10008x64xf32, #tpu.memory_space<vmem_shared>>
    tpu.wait_indirect_dma semaphore(%arg30 : memref<!tpu.dma_semaphore, #tpu.memory_space<semaphore_mem>>) src(%arg14 : memref<128x64xf32, #tpu.memory_space<vmem>>) dst(%dma_wait3A_158 : memref<10008x64xf32, #tpu.memory_space<vmem_shared>>)
    %eq3A_159 = arith.constant 0 : i32
    %eq3A_160 = arith.cmpi eq, %arg0, %eq3A_159 : i32
    %convert_element_type3A_161 = arith.extui %eq3A_160 : i1 to i32
    %cond3A_162 = arith.constant 0 : i32
    %cond3A_163 = arith.cmpi ne, %convert_element_type3A_161, %cond3A_162 : i32
    scf.if %cond3A_163 {
      %dma_wait3A_243 = arith.constant 0 : i32
      %dma_wait3A_244 = arith.constant 0 : i32
      %dma_wait3A_245 = tpu.memref_slice %arg23[%dma_wait3A_243, %dma_wait3A_244] : memref<10008x16xf32, #tpu.memory_space<vmem_shared>> -> memref<10008x16xf32, #tpu.memory_space<vmem_shared>>
      tpu.wait_indirect_dma semaphore(%arg27 : memref<!tpu.dma_semaphore, #tpu.memory_space<semaphore_mem>>) src(%arg17 : memref<128x16xf32, #tpu.memory_space<vmem>>) dst(%dma_wait3A_245 : memref<10008x16xf32, #tpu.memory_space<vmem_shared>>)
    } else {
    }
    %dma_wait3A_164 = arith.constant 0 : i32
    %dma_wait3A_165 = arith.constant 0 : i32
    %dma_wait3A_166 = tpu.memref_slice %arg22[%dma_wait3A_164, %dma_wait3A_165] : memref<10008x64xf32, #tpu.memory_space<vmem_shared>> -> memref<10008x64xf32, #tpu.memory_space<vmem_shared>>
    tpu.wait_indirect_dma semaphore(%arg31 : memref<!tpu.dma_semaphore, #tpu.memory_space<semaphore_mem>>) src(%arg15 : memref<128x64xf32, #tpu.memory_space<vmem>>) dst(%dma_wait3A_166 : memref<10008x64xf32, #tpu.memory_space<vmem_shared>>)
    %eq3A_167 = arith.constant 0 : i32
    %eq3A_168 = arith.cmpi eq, %arg0, %eq3A_167 : i32
    %convert_element_type3A_169 = arith.extui %eq3A_168 : i1 to i32
    %cond3A_170 = arith.constant 0 : i32
    %cond3A_171 = arith.cmpi ne, %convert_element_type3A_169, %cond3A_170 : i32
    scf.if %cond3A_171 {
      %dma_wait3A_243 = arith.constant 0 : i32
      %dma_wait3A_244 = arith.constant 0 : i32
      %dma_wait3A_245 = tpu.memref_slice %arg23[%dma_wait3A_243, %dma_wait3A_244] : memref<10008x16xf32, #tpu.memory_space<vmem_shared>> -> memref<10008x16xf32, #tpu.memory_space<vmem_shared>>
      tpu.wait_indirect_dma semaphore(%arg28 : memref<!tpu.dma_semaphore, #tpu.memory_space<semaphore_mem>>) src(%arg17 : memref<128x16xf32, #tpu.memory_space<vmem>>) dst(%dma_wait3A_245 : memref<10008x16xf32, #tpu.memory_space<vmem_shared>>)
    } else {
    }
    %dma_wait3A_172 = arith.constant 0 : i32
    %dma_wait3A_173 = arith.constant 0 : i32
    %dma_wait3A_174 = tpu.memref_slice %arg22[%dma_wait3A_172, %dma_wait3A_173] : memref<10008x64xf32, #tpu.memory_space<vmem_shared>> -> memref<10008x64xf32, #tpu.memory_space<vmem_shared>>
    tpu.wait_indirect_dma semaphore(%arg32 : memref<!tpu.dma_semaphore, #tpu.memory_space<semaphore_mem>>) src(%arg16 : memref<128x64xf32, #tpu.memory_space<vmem>>) dst(%dma_wait3A_174 : memref<10008x64xf32, #tpu.memory_space<vmem_shared>>)
    %eq3A_175 = arith.constant 0 : i32
    %eq3A_176 = arith.cmpi eq, %arg0, %eq3A_175 : i32
    %convert_element_type3A_177 = arith.extui %eq3A_176 : i1 to i32
    %cond3A_178 = arith.constant 0 : i32
    %cond3A_179 = arith.cmpi ne, %convert_element_type3A_177, %cond3A_178 : i32
    scf.if %cond3A_179 {
      %dma_wait3A_243 = arith.constant 0 : i32
      %dma_wait3A_244 = arith.constant 0 : i32
      %dma_wait3A_245 = tpu.memref_slice %arg23[%dma_wait3A_243, %dma_wait3A_244] : memref<10008x16xf32, #tpu.memory_space<vmem_shared>> -> memref<10008x16xf32, #tpu.memory_space<vmem_shared>>
      tpu.wait_indirect_dma semaphore(%arg29 : memref<!tpu.dma_semaphore, #tpu.memory_space<semaphore_mem>>) src(%arg17 : memref<128x16xf32, #tpu.memory_space<vmem>>) dst(%dma_wait3A_245 : memref<10008x16xf32, #tpu.memory_space<vmem_shared>>)
    } else {
    }
    %barrier3A_180 = arith.constant 0 : index
    tpu.barrier barrier_id(%barrier3A_180)
    %scan3A_181 = arith.constant 0 : i32
    %scan3A_182 = arith.constant 0 : i32
    %scan3A_183 = arith.constant 16 : i32
    %scan3A_184 = arith.addi %scan3A_182, %scan3A_183 : i32
    %scan3A_185 = arith.constant 1 : i32
    scf.for %scan3A_243 = %scan3A_182 to %scan3A_184 step %scan3A_185  : i32 {
      %lt3A_244 = arith.cmpi slt, %scan3A_243, %select_n3A_26 : i32
      %convert_element_type3A_245 = arith.extui %lt3A_244 : i1 to i32
      %cond3A_246 = arith.constant 0 : i32
      %cond3A_247 = arith.cmpi ne, %convert_element_type3A_245, %cond3A_246 : i32
      scf.if %cond3A_247 {
        %mul3A_248 = arith.constant 40 : i32
        %mul3A_249 = arith.muli %scan3A_243, %mul3A_248 : i32
        %add3A_250 = arith.addi %select_n3A, %mul3A_249 : i32
        "tpu.region"() ({
          %run_scoped3A_256 = tpu.sem_alloc : memref<!tpu.dma_semaphore, #tpu.memory_space<semaphore_mem>>
          %dma_start3A = arith.constant 0 : i32
          %dma_start3A_257 = tpu.memref_slice %arg22[%add3A_250, %dma_start3A] : memref<10008x64xf32, #tpu.memory_space<vmem_shared>> -> memref<40x64xf32, #tpu.memory_space<vmem_shared>>
          %dma_start3A_258 = arith.constant 0 : i32
          %dma_start3A_259 = tpu.memref_slice %arg22[%add3A_250, %dma_start3A_258] : memref<10008x64xf32, #tpu.memory_space<vmem_shared>> -> memref<40x64xf32, #tpu.memory_space<vmem_shared>>
          tpu.enqueue_dma source(%dma_start3A_259 : memref<40x64xf32, #tpu.memory_space<vmem_shared>>) target(%arg20 : memref<40x64xf32, #tpu.memory_space<vmem>>) target_semaphore(%run_scoped3A_256 : memref<!tpu.dma_semaphore, #tpu.memory_space<semaphore_mem>>)
          %dma_wait3A_260 = arith.constant 0 : i32
          %dma_wait3A_261 = tpu.memref_slice %arg22[%add3A_250, %dma_wait3A_260] : memref<10008x64xf32, #tpu.memory_space<vmem_shared>> -> memref<40x64xf32, #tpu.memory_space<vmem_shared>>
          %dma_wait3A_262 = arith.constant 0 : i32
          %dma_wait3A_263 = tpu.memref_slice %arg22[%add3A_250, %dma_wait3A_262] : memref<10008x64xf32, #tpu.memory_space<vmem_shared>> -> memref<40x64xf32, #tpu.memory_space<vmem_shared>>
          tpu.wait_dma2 semaphore(%run_scoped3A_256 : memref<!tpu.dma_semaphore, #tpu.memory_space<semaphore_mem>>) src(%dma_wait3A_263 : memref<40x64xf32, #tpu.memory_space<vmem_shared>>) dst(%arg20 : memref<40x64xf32, #tpu.memory_space<vmem>>)
          tpu.yield
        }) : () -> ()
        %run_scoped3A = arith.constant 2 : i32
        "tpu.region"() ({
          %run_scoped3A_256 = tpu.sem_alloc : memref<!tpu.dma_semaphore, #tpu.memory_space<semaphore_mem>>
          %dma_start3A = arith.constant 0 : i32
          %dma_start3A_257 = tpu.memref_slice %arg4[%arg0, %run_scoped3A, %add3A_250, %dma_start3A] : memref<2x4x10000x64xf32, #tpu.memory_space<hbm>> -> memref<1x1x40x64xf32, #tpu.memory_space<hbm>>
          %dma_start3A_258 = tpu.memref_squeeze %dma_start3A_257 : memref<1x1x40x64xf32, #tpu.memory_space<hbm>> -> memref<40x64xf32, #tpu.memory_space<hbm>>
          %dma_start3A_259 = arith.constant 0 : i32
          %dma_start3A_260 = tpu.memref_slice %arg4[%arg0, %run_scoped3A, %add3A_250, %dma_start3A_259] : memref<2x4x10000x64xf32, #tpu.memory_space<hbm>> -> memref<1x1x40x64xf32, #tpu.memory_space<hbm>>
          %dma_start3A_261 = tpu.memref_squeeze %dma_start3A_260 : memref<1x1x40x64xf32, #tpu.memory_space<hbm>> -> memref<40x64xf32, #tpu.memory_space<hbm>>
          tpu.enqueue_dma source(%arg20 : memref<40x64xf32, #tpu.memory_space<vmem>>) target(%dma_start3A_261 : memref<40x64xf32, #tpu.memory_space<hbm>>) target_semaphore(%run_scoped3A_256 : memref<!tpu.dma_semaphore, #tpu.memory_space<semaphore_mem>>)
          %dma_wait3A_262 = arith.constant 0 : i32
          %dma_wait3A_263 = tpu.memref_slice %arg4[%arg0, %run_scoped3A, %add3A_250, %dma_wait3A_262] : memref<2x4x10000x64xf32, #tpu.memory_space<hbm>> -> memref<1x1x40x64xf32, #tpu.memory_space<hbm>>
          %dma_wait3A_264 = tpu.memref_squeeze %dma_wait3A_263 : memref<1x1x40x64xf32, #tpu.memory_space<hbm>> -> memref<40x64xf32, #tpu.memory_space<hbm>>
          %dma_wait3A_265 = arith.constant 0 : i32
          %dma_wait3A_266 = tpu.memref_slice %arg4[%arg0, %run_scoped3A, %add3A_250, %dma_wait3A_265] : memref<2x4x10000x64xf32, #tpu.memory_space<hbm>> -> memref<1x1x40x64xf32, #tpu.memory_space<hbm>>
          %dma_wait3A_267 = tpu.memref_squeeze %dma_wait3A_266 : memref<1x1x40x64xf32, #tpu.memory_space<hbm>> -> memref<40x64xf32, #tpu.memory_space<hbm>>
          tpu.wait_dma2 semaphore(%run_scoped3A_256 : memref<!tpu.dma_semaphore, #tpu.memory_space<semaphore_mem>>) src(%arg20 : memref<40x64xf32, #tpu.memory_space<vmem>>) dst(%dma_wait3A_267 : memref<40x64xf32, #tpu.memory_space<hbm>>)
          tpu.yield
        }) : () -> ()
        %eq3A_251 = arith.constant 0 : i32
        %eq3A_252 = arith.cmpi eq, %arg0, %eq3A_251 : i32
        %convert_element_type3A_253 = arith.extui %eq3A_252 : i1 to i32
        %cond3A_254 = arith.constant 0 : i32
        %cond3A_255 = arith.cmpi ne, %convert_element_type3A_253, %cond3A_254 : i32
        scf.if %cond3A_255 {
          "tpu.region"() ({
            %run_scoped3A_257 = tpu.sem_alloc : memref<!tpu.dma_semaphore, #tpu.memory_space<semaphore_mem>>
            %dma_start3A = arith.constant 0 : i32
            %dma_start3A_258 = tpu.memref_slice %arg23[%add3A_250, %dma_start3A] : memref<10008x16xf32, #tpu.memory_space<vmem_shared>> -> memref<40x16xf32, #tpu.memory_space<vmem_shared>>
            %dma_start3A_259 = arith.constant 0 : i32
            %dma_start3A_260 = tpu.memref_slice %arg23[%add3A_250, %dma_start3A_259] : memref<10008x16xf32, #tpu.memory_space<vmem_shared>> -> memref<40x16xf32, #tpu.memory_space<vmem_shared>>
            tpu.enqueue_dma source(%dma_start3A_260 : memref<40x16xf32, #tpu.memory_space<vmem_shared>>) target(%arg21 : memref<40x16xf32, #tpu.memory_space<vmem>>) target_semaphore(%run_scoped3A_257 : memref<!tpu.dma_semaphore, #tpu.memory_space<semaphore_mem>>)
            %dma_wait3A_261 = arith.constant 0 : i32
            %dma_wait3A_262 = tpu.memref_slice %arg23[%add3A_250, %dma_wait3A_261] : memref<10008x16xf32, #tpu.memory_space<vmem_shared>> -> memref<40x16xf32, #tpu.memory_space<vmem_shared>>
            %dma_wait3A_263 = arith.constant 0 : i32
            %dma_wait3A_264 = tpu.memref_slice %arg23[%add3A_250, %dma_wait3A_263] : memref<10008x16xf32, #tpu.memory_space<vmem_shared>> -> memref<40x16xf32, #tpu.memory_space<vmem_shared>>
            tpu.wait_dma2 semaphore(%run_scoped3A_257 : memref<!tpu.dma_semaphore, #tpu.memory_space<semaphore_mem>>) src(%dma_wait3A_264 : memref<40x16xf32, #tpu.memory_space<vmem_shared>>) dst(%arg21 : memref<40x16xf32, #tpu.memory_space<vmem>>)
            tpu.yield
          }) : () -> ()
          %run_scoped3A_256 = arith.constant 2 : i32
          "tpu.region"() ({
            %run_scoped3A_257 = tpu.sem_alloc : memref<!tpu.dma_semaphore, #tpu.memory_space<semaphore_mem>>
            %dma_start3A = arith.constant 0 : i32
            %dma_start3A_258 = tpu.memref_slice %arg5[%run_scoped3A_256, %add3A_250, %dma_start3A] : memref<4x10000x16xf32, #tpu.memory_space<hbm>> -> memref<1x40x16xf32, #tpu.memory_space<hbm>>
            %dma_start3A_259 = tpu.memref_squeeze %dma_start3A_258 : memref<1x40x16xf32, #tpu.memory_space<hbm>> -> memref<40x16xf32, #tpu.memory_space<hbm>>
            %dma_start3A_260 = arith.constant 0 : i32
            %dma_start3A_261 = tpu.memref_slice %arg5[%run_scoped3A_256, %add3A_250, %dma_start3A_260] : memref<4x10000x16xf32, #tpu.memory_space<hbm>> -> memref<1x40x16xf32, #tpu.memory_space<hbm>>
            %dma_start3A_262 = tpu.memref_squeeze %dma_start3A_261 : memref<1x40x16xf32, #tpu.memory_space<hbm>> -> memref<40x16xf32, #tpu.memory_space<hbm>>
            tpu.enqueue_dma source(%arg21 : memref<40x16xf32, #tpu.memory_space<vmem>>) target(%dma_start3A_262 : memref<40x16xf32, #tpu.memory_space<hbm>>) target_semaphore(%run_scoped3A_257 : memref<!tpu.dma_semaphore, #tpu.memory_space<semaphore_mem>>)
            %dma_wait3A_263 = arith.constant 0 : i32
            %dma_wait3A_264 = tpu.memref_slice %arg5[%run_scoped3A_256, %add3A_250, %dma_wait3A_263] : memref<4x10000x16xf32, #tpu.memory_space<hbm>> -> memref<1x40x16xf32, #tpu.memory_space<hbm>>
            %dma_wait3A_265 = tpu.memref_squeeze %dma_wait3A_264 : memref<1x40x16xf32, #tpu.memory_space<hbm>> -> memref<40x16xf32, #tpu.memory_space<hbm>>
            %dma_wait3A_266 = arith.constant 0 : i32
            %dma_wait3A_267 = tpu.memref_slice %arg5[%run_scoped3A_256, %add3A_250, %dma_wait3A_266] : memref<4x10000x16xf32, #tpu.memory_space<hbm>> -> memref<1x40x16xf32, #tpu.memory_space<hbm>>
            %dma_wait3A_268 = tpu.memref_squeeze %dma_wait3A_267 : memref<1x40x16xf32, #tpu.memory_space<hbm>> -> memref<40x16xf32, #tpu.memory_space<hbm>>
            tpu.wait_dma2 semaphore(%run_scoped3A_257 : memref<!tpu.dma_semaphore, #tpu.memory_space<semaphore_mem>>) src(%arg21 : memref<40x16xf32, #tpu.memory_space<vmem>>) dst(%dma_wait3A_268 : memref<40x16xf32, #tpu.memory_space<hbm>>)
            tpu.yield
          }) : () -> ()
        } else {
        }
      } else {
      }
    }
    %scan3A_186 = arith.constant 16 : i32
    %barrier3A_187 = arith.constant 0 : index
    tpu.barrier barrier_id(%barrier3A_187)
    %scan3A_188 = arith.constant 0 : i32
    %scan3A_189 = arith.constant 0 : i32
    %scan3A_190 = arith.constant 16 : i32
    %scan3A_191 = arith.addi %scan3A_189, %scan3A_190 : i32
    %scan3A_192 = arith.constant 1 : i32
    scf.for %scan3A_243 = %scan3A_189 to %scan3A_191 step %scan3A_192  : i32 {
      %lt3A_244 = arith.cmpi slt, %scan3A_243, %select_n3A_26 : i32
      %convert_element_type3A_245 = arith.extui %lt3A_244 : i1 to i32
      %cond3A_246 = arith.constant 0 : i32
      %cond3A_247 = arith.cmpi ne, %convert_element_type3A_245, %cond3A_246 : i32
      scf.if %cond3A_247 {
        %mul3A_248 = arith.constant 40 : i32
        %mul3A_249 = arith.muli %scan3A_243, %mul3A_248 : i32
        %add3A_250 = arith.addi %select_n3A, %mul3A_249 : i32
        "tpu.region"() ({
          %run_scoped3A = tpu.sem_alloc : memref<!tpu.dma_semaphore, #tpu.memory_space<semaphore_mem>>
          %dma_start3A = arith.constant 0 : i32
          %dma_start3A_256 = tpu.memref_slice %arg22[%add3A_250, %dma_start3A] : memref<10008x64xf32, #tpu.memory_space<vmem_shared>> -> memref<40x64xf32, #tpu.memory_space<vmem_shared>>
          %dma_start3A_257 = arith.constant 0 : i32
          %dma_start3A_258 = tpu.memref_slice %arg22[%add3A_250, %dma_start3A_257] : memref<10008x64xf32, #tpu.memory_space<vmem_shared>> -> memref<40x64xf32, #tpu.memory_space<vmem_shared>>
          tpu.enqueue_dma source(%arg18 : memref<40x64xf32, #tpu.memory_space<vmem>>) target(%dma_start3A_258 : memref<40x64xf32, #tpu.memory_space<vmem_shared>>) target_semaphore(%run_scoped3A : memref<!tpu.dma_semaphore, #tpu.memory_space<semaphore_mem>>)
          %dma_wait3A_259 = arith.constant 0 : i32
          %dma_wait3A_260 = tpu.memref_slice %arg22[%add3A_250, %dma_wait3A_259] : memref<10008x64xf32, #tpu.memory_space<vmem_shared>> -> memref<40x64xf32, #tpu.memory_space<vmem_shared>>
          %dma_wait3A_261 = arith.constant 0 : i32
          %dma_wait3A_262 = tpu.memref_slice %arg22[%add3A_250, %dma_wait3A_261] : memref<10008x64xf32, #tpu.memory_space<vmem_shared>> -> memref<40x64xf32, #tpu.memory_space<vmem_shared>>
          tpu.wait_dma2 semaphore(%run_scoped3A : memref<!tpu.dma_semaphore, #tpu.memory_space<semaphore_mem>>) src(%arg18 : memref<40x64xf32, #tpu.memory_space<vmem>>) dst(%dma_wait3A_262 : memref<40x64xf32, #tpu.memory_space<vmem_shared>>)
          tpu.yield
        }) : () -> ()
        %eq3A_251 = arith.constant 0 : i32
        %eq3A_252 = arith.cmpi eq, %arg0, %eq3A_251 : i32
        %convert_element_type3A_253 = arith.extui %eq3A_252 : i1 to i32
        %cond3A_254 = arith.constant 0 : i32
        %cond3A_255 = arith.cmpi ne, %convert_element_type3A_253, %cond3A_254 : i32
        scf.if %cond3A_255 {
          "tpu.region"() ({
            %run_scoped3A = tpu.sem_alloc : memref<!tpu.dma_semaphore, #tpu.memory_space<semaphore_mem>>
            %dma_start3A = arith.constant 0 : i32
            %dma_start3A_256 = tpu.memref_slice %arg23[%add3A_250, %dma_start3A] : memref<10008x16xf32, #tpu.memory_space<vmem_shared>> -> memref<40x16xf32, #tpu.memory_space<vmem_shared>>
            %dma_start3A_257 = arith.constant 0 : i32
            %dma_start3A_258 = tpu.memref_slice %arg23[%add3A_250, %dma_start3A_257] : memref<10008x16xf32, #tpu.memory_space<vmem_shared>> -> memref<40x16xf32, #tpu.memory_space<vmem_shared>>
            tpu.enqueue_dma source(%arg19 : memref<40x16xf32, #tpu.memory_space<vmem>>) target(%dma_start3A_258 : memref<40x16xf32, #tpu.memory_space<vmem_shared>>) target_semaphore(%run_scoped3A : memref<!tpu.dma_semaphore, #tpu.memory_space<semaphore_mem>>)
            %dma_wait3A_259 = arith.constant 0 : i32
            %dma_wait3A_260 = tpu.memref_slice %arg23[%add3A_250, %dma_wait3A_259] : memref<10008x16xf32, #tpu.memory_space<vmem_shared>> -> memref<40x16xf32, #tpu.memory_space<vmem_shared>>
            %dma_wait3A_261 = arith.constant 0 : i32
            %dma_wait3A_262 = tpu.memref_slice %arg23[%add3A_250, %dma_wait3A_261] : memref<10008x16xf32, #tpu.memory_space<vmem_shared>> -> memref<40x16xf32, #tpu.memory_space<vmem_shared>>
            tpu.wait_dma2 semaphore(%run_scoped3A : memref<!tpu.dma_semaphore, #tpu.memory_space<semaphore_mem>>) src(%arg19 : memref<40x16xf32, #tpu.memory_space<vmem>>) dst(%dma_wait3A_262 : memref<40x16xf32, #tpu.memory_space<vmem_shared>>)
            tpu.yield
          }) : () -> ()
        } else {
        }
      } else {
      }
    }
    %scan3A_193 = arith.constant 16 : i32
    %mul3A_194 = arith.constant 40 : i32
    %mul3A_195 = arith.muli %arg1, %mul3A_194 : i32
    %add3A_196 = arith.constant 3840 : i32
    %add3A_197 = arith.addi %add3A_196, %mul3A_195 : i32
    %multiple_of3A_198 = tpu.assume_multiple %add3A_197, 8 : i32
    %mul3A_199 = arith.constant 40 : i32
    %mul3A_200 = arith.muli %arg1, %mul3A_199 : i32
    %add3A_201 = arith.constant 4480 : i32
    %add3A_202 = arith.addi %add3A_201, %mul3A_200 : i32
    %multiple_of3A_203 = tpu.assume_multiple %add3A_202, 8 : i32
    "tpu.region"() ({
      %run_scoped3A = tpu.sem_alloc : memref<!tpu.dma_semaphore, #tpu.memory_space<semaphore_mem>>
      %dma_start3A = arith.constant 0 : i32
      %dma_start3A_243 = tpu.memref_slice %arg3[%multiple_of3A_198, %dma_start3A] : memref<5120x128xi32, #tpu.memory_space<hbm>> -> memref<40x128xi32, #tpu.memory_space<hbm>>
      %dma_start3A_244 = arith.constant 0 : i32
      %dma_start3A_245 = tpu.memref_slice %arg3[%multiple_of3A_198, %dma_start3A_244] : memref<5120x128xi32, #tpu.memory_space<hbm>> -> memref<40x128xi32, #tpu.memory_space<hbm>>
      tpu.enqueue_dma source(%dma_start3A_245 : memref<40x128xi32, #tpu.memory_space<hbm>>) target(%arg6 : memref<40x128xi32, #tpu.memory_space<vmem>>) target_semaphore(%run_scoped3A : memref<!tpu.dma_semaphore, #tpu.memory_space<semaphore_mem>>)
      %dma_wait3A_246 = arith.constant 0 : i32
      %dma_wait3A_247 = tpu.memref_slice %arg3[%multiple_of3A_198, %dma_wait3A_246] : memref<5120x128xi32, #tpu.memory_space<hbm>> -> memref<40x128xi32, #tpu.memory_space<hbm>>
      %dma_wait3A_248 = arith.constant 0 : i32
      %dma_wait3A_249 = tpu.memref_slice %arg3[%multiple_of3A_198, %dma_wait3A_248] : memref<5120x128xi32, #tpu.memory_space<hbm>> -> memref<40x128xi32, #tpu.memory_space<hbm>>
      tpu.wait_dma2 semaphore(%run_scoped3A : memref<!tpu.dma_semaphore, #tpu.memory_space<semaphore_mem>>) src(%dma_wait3A_249 : memref<40x128xi32, #tpu.memory_space<hbm>>) dst(%arg6 : memref<40x128xi32, #tpu.memory_space<vmem>>)
      tpu.yield
    }) : () -> ()
    "tpu.region"() ({
      %run_scoped3A = tpu.sem_alloc : memref<!tpu.dma_semaphore, #tpu.memory_space<semaphore_mem>>
      %dma_start3A = arith.constant 0 : i32
      %dma_start3A_243 = tpu.memref_slice %arg3[%multiple_of3A_203, %dma_start3A] : memref<5120x128xi32, #tpu.memory_space<hbm>> -> memref<40x128xi32, #tpu.memory_space<hbm>>
      %dma_start3A_244 = arith.constant 0 : i32
      %dma_start3A_245 = tpu.memref_slice %arg3[%multiple_of3A_203, %dma_start3A_244] : memref<5120x128xi32, #tpu.memory_space<hbm>> -> memref<40x128xi32, #tpu.memory_space<hbm>>
      tpu.enqueue_dma source(%dma_start3A_245 : memref<40x128xi32, #tpu.memory_space<hbm>>) target(%arg7 : memref<40x128xi32, #tpu.memory_space<vmem>>) target_semaphore(%run_scoped3A : memref<!tpu.dma_semaphore, #tpu.memory_space<semaphore_mem>>)
      %dma_wait3A_246 = arith.constant 0 : i32
      %dma_wait3A_247 = tpu.memref_slice %arg3[%multiple_of3A_203, %dma_wait3A_246] : memref<5120x128xi32, #tpu.memory_space<hbm>> -> memref<40x128xi32, #tpu.memory_space<hbm>>
      %dma_wait3A_248 = arith.constant 0 : i32
      %dma_wait3A_249 = tpu.memref_slice %arg3[%multiple_of3A_203, %dma_wait3A_248] : memref<5120x128xi32, #tpu.memory_space<hbm>> -> memref<40x128xi32, #tpu.memory_space<hbm>>
      tpu.wait_dma2 semaphore(%run_scoped3A : memref<!tpu.dma_semaphore, #tpu.memory_space<semaphore_mem>>) src(%dma_wait3A_249 : memref<40x128xi32, #tpu.memory_space<hbm>>) dst(%arg7 : memref<40x128xi32, #tpu.memory_space<vmem>>)
      tpu.yield
    }) : () -> ()
    %barrier3A_204 = arith.constant 0 : index
    tpu.barrier barrier_id(%barrier3A_204)
    %scan3A_205 = arith.constant 0 : i32
    %scan3A_206 = arith.constant 0 : i32
    %scan3A_207 = arith.constant 42 : i32
    %scan3A_208 = arith.addi %scan3A_206, %scan3A_207 : i32
    %scan3A_209 = arith.constant 1 : i32
    scf.for %scan3A_243 = %scan3A_206 to %scan3A_208 step %scan3A_209  : i32 {
      %lt3A_244 = arith.constant 40 : i32
      %lt3A_245 = arith.cmpi slt, %scan3A_243, %lt3A_244 : i32
      %jit3A_246 = arith.constant 3 : i32
      %eq3A_247 = arith.constant 0 : i32
      %eq3A_248 = arith.cmpi eq, %jit3A_246, %eq3A_247 : i32
      %jit3A_249 = arith.constant 1 : i32
      %select_n3A_250 = arith.select %eq3A_248, %jit3A_249, %jit3A_246 : i32
      %rem3A = arith.remsi %scan3A_243, %select_n3A_250 : i32
      %ne3A = arith.constant 0 : i32
      %ne3A_251 = arith.cmpi ne, %rem3A, %ne3A : i32
      %lt3A_252 = arith.constant 0 : i32
      %lt3A_253 = arith.cmpi slt, %rem3A, %lt3A_252 : i32
      %lt3A_254 = arith.constant 0 : i32
      %lt3A_255 = arith.cmpi slt, %select_n3A_250, %lt3A_254 : i32
      %ne3A_256 = arith.xori %lt3A_253, %lt3A_255 : i1
      %and3A = arith.andi %ne3A_256, %ne3A_251 : i1
      %add3A_257 = arith.addi %rem3A, %select_n3A_250 : i32
      %select_n3A_258 = arith.select %and3A, %add3A_257, %rem3A : i32
      %eq3A_259 = arith.constant 0 : i32
      %eq3A_260 = arith.cmpi eq, %select_n3A_258, %eq3A_259 : i32
      %and3A_261 = arith.andi %lt3A_245, %eq3A_260 : i1
      %convert_element_type3A_262 = arith.extui %and3A_261 : i1 to i32
      %cond3A_263 = arith.constant 0 : i32
      %cond3A_264 = arith.cmpi ne, %convert_element_type3A_262, %cond3A_263 : i32
      scf.if %cond3A_264 {
        %ge3A_399 = arith.constant 3 : i32
        %ge3A_400 = arith.cmpi sge, %scan3A_243, %ge3A_399 : i32
        %convert_element_type3A_401 = arith.extui %ge3A_400 : i1 to i32
        %cond3A_402 = arith.constant 0 : i32
        %cond3A_403 = arith.cmpi ne, %convert_element_type3A_401, %cond3A_402 : i32
        scf.if %cond3A_403 {
          %dma_wait3A_548 = arith.constant 0 : i32
          %dma_wait3A_549 = arith.constant 0 : i32
          %dma_wait3A_550 = tpu.memref_slice %arg22[%dma_wait3A_548, %dma_wait3A_549] : memref<10008x64xf32, #tpu.memory_space<vmem_shared>> -> memref<10008x64xf32, #tpu.memory_space<vmem_shared>>
          tpu.wait_indirect_dma semaphore(%arg30 : memref<!tpu.dma_semaphore, #tpu.memory_space<semaphore_mem>>) src(%arg14 : memref<128x64xf32, #tpu.memory_space<vmem>>) dst(%dma_wait3A_550 : memref<10008x64xf32, #tpu.memory_space<vmem_shared>>)
          %eq3A_551 = arith.constant 0 : i32
          %eq3A_552 = arith.cmpi eq, %arg0, %eq3A_551 : i32
          %convert_element_type3A_553 = arith.extui %eq3A_552 : i1 to i32
          %cond3A_554 = arith.constant 0 : i32
          %cond3A_555 = arith.cmpi ne, %convert_element_type3A_553, %cond3A_554 : i32
          scf.if %cond3A_555 {
            %dma_wait3A_556 = arith.constant 0 : i32
            %dma_wait3A_557 = arith.constant 0 : i32
            %dma_wait3A_558 = tpu.memref_slice %arg23[%dma_wait3A_556, %dma_wait3A_557] : memref<10008x16xf32, #tpu.memory_space<vmem_shared>> -> memref<10008x16xf32, #tpu.memory_space<vmem_shared>>
            tpu.wait_indirect_dma semaphore(%arg27 : memref<!tpu.dma_semaphore, #tpu.memory_space<semaphore_mem>>) src(%arg17 : memref<128x16xf32, #tpu.memory_space<vmem>>) dst(%dma_wait3A_558 : memref<10008x16xf32, #tpu.memory_space<vmem_shared>>)
          } else {
          }
        } else {
        }
        %get3A = arith.index_cast %scan3A_243 : i32 to index
        %get3A_404 = arith.constant 0 : index
        %get3A_405 = tpu.vector_load %arg6[%get3A, %get3A_404] {strides = array<i32>} : memref<40x128xi32, #tpu.memory_space<vmem>>, vector<1x16xi32>,
        %get3A_406 = vector.shape_cast %get3A_405 : vector<1x16xi32> to vector<16xi32>
        %add3A_407 = vector.broadcast %mul3A_28 : i32 to vector<16xi32>
        %add3A_408 = arith.addi %get3A_406, %add3A_407 : vector<16xi32>
        %swap3A = arith.constant 0 : index
        %swap3A_409 = tpu.vector_load %arg8[%swap3A] {strides = array<i32>} : memref<128xi32, #tpu.memory_space<vmem>>, vector<16xi32>,
        %swap3A_410 = vector.shape_cast %swap3A_409 : vector<16xi32> to vector<16xi32>
        %swap3A_411 = vector.shape_cast %add3A_408 : vector<16xi32> to vector<16xi32>
        tpu.vector_store %arg8[%swap3A], %swap3A_411 {strides = array<i32>} : memref<128xi32, #tpu.memory_space<vmem>>, vector<16xi32>,
        %get3A_412 = arith.index_cast %scan3A_243 : i32 to index
        %get3A_413 = arith.constant 0 : index
        %get3A_414 = tpu.vector_load %arg7[%get3A_412, %get3A_413] {strides = array<i32>} : memref<40x128xi32, #tpu.memory_space<vmem>>, vector<1x16xi32>,
        %get3A_415 = vector.shape_cast %get3A_414 : vector<1x16xi32> to vector<16xi32>
        %swap3A_416 = arith.constant 0 : index
        %swap3A_417 = tpu.vector_load %arg11[%swap3A_416] {strides = array<i32>} : memref<128xi32, #tpu.memory_space<vmem>>, vector<16xi32>,
        %swap3A_418 = vector.shape_cast %swap3A_417 : vector<16xi32> to vector<16xi32>
        %swap3A_419 = vector.shape_cast %get3A_415 : vector<16xi32> to vector<16xi32>
        tpu.vector_store %arg11[%swap3A_416], %swap3A_419 {strides = array<i32>} : memref<128xi32, #tpu.memory_space<vmem>>, vector<16xi32>,
        %get3A_420 = arith.index_cast %scan3A_243 : i32 to index
        %get3A_421 = arith.constant 16 : index
        %get3A_422 = tpu.vector_load %arg6[%get3A_420, %get3A_421] {strides = array<i32>} : memref<40x128xi32, #tpu.memory_space<vmem>>, vector<1x16xi32>,
        %get3A_423 = vector.shape_cast %get3A_422 : vector<1x16xi32> to vector<16xi32>
        %add3A_424 = vector.broadcast %mul3A_28 : i32 to vector<16xi32>
        %add3A_425 = arith.addi %get3A_423, %add3A_424 : vector<16xi32>
        %swap3A_426 = arith.constant 16 : index
        %swap3A_427 = tpu.vector_load %arg8[%swap3A_426] {strides = array<i32>} : memref<128xi32, #tpu.memory_space<vmem>>, vector<16xi32>,
        %swap3A_428 = vector.shape_cast %swap3A_427 : vector<16xi32> to vector<16xi32>
        %swap3A_429 = vector.shape_cast %add3A_425 : vector<16xi32> to vector<16xi32>
        tpu.vector_store %arg8[%swap3A_426], %swap3A_429 {strides = array<i32>} : memref<128xi32, #tpu.memory_space<vmem>>, vector<16xi32>,
        %get3A_430 = arith.index_cast %scan3A_243 : i32 to index
        %get3A_431 = arith.constant 16 : index
        %get3A_432 = tpu.vector_load %arg7[%get3A_430, %get3A_431] {strides = array<i32>} : memref<40x128xi32, #tpu.memory_space<vmem>>, vector<1x16xi32>,
        %get3A_433 = vector.shape_cast %get3A_432 : vector<1x16xi32> to vector<16xi32>
        %swap3A_434 = arith.constant 16 : index
        %swap3A_435 = tpu.vector_load %arg11[%swap3A_434] {strides = array<i32>} : memref<128xi32, #tpu.memory_space<vmem>>, vector<16xi32>,
        %swap3A_436 = vector.shape_cast %swap3A_435 : vector<16xi32> to vector<16xi32>
        %swap3A_437 = vector.shape_cast %get3A_433 : vector<16xi32> to vector<16xi32>
        tpu.vector_store %arg11[%swap3A_434], %swap3A_437 {strides = array<i32>} : memref<128xi32, #tpu.memory_space<vmem>>, vector<16xi32>,
        %get3A_438 = arith.index_cast %scan3A_243 : i32 to index
        %get3A_439 = arith.constant 32 : index
        %get3A_440 = tpu.vector_load %arg6[%get3A_438, %get3A_439] {strides = array<i32>} : memref<40x128xi32, #tpu.memory_space<vmem>>, vector<1x16xi32>,
        %get3A_441 = vector.shape_cast %get3A_440 : vector<1x16xi32> to vector<16xi32>
        %add3A_442 = vector.broadcast %mul3A_28 : i32 to vector<16xi32>
        %add3A_443 = arith.addi %get3A_441, %add3A_442 : vector<16xi32>
        %swap3A_444 = arith.constant 32 : index
        %swap3A_445 = tpu.vector_load %arg8[%swap3A_444] {strides = array<i32>} : memref<128xi32, #tpu.memory_space<vmem>>, vector<16xi32>,
        %swap3A_446 = vector.shape_cast %swap3A_445 : vector<16xi32> to vector<16xi32>
        %swap3A_447 = vector.shape_cast %add3A_443 : vector<16xi32> to vector<16xi32>
        tpu.vector_store %arg8[%swap3A_444], %swap3A_447 {strides = array<i32>} : memref<128xi32, #tpu.memory_space<vmem>>, vector<16xi32>,
        %get3A_448 = arith.index_cast %scan3A_243 : i32 to index
        %get3A_449 = arith.constant 32 : index
        %get3A_450 = tpu.vector_load %arg7[%get3A_448, %get3A_449] {strides = array<i32>} : memref<40x128xi32, #tpu.memory_space<vmem>>, vector<1x16xi32>,
        %get3A_451 = vector.shape_cast %get3A_450 : vector<1x16xi32> to vector<16xi32>
        %swap3A_452 = arith.constant 32 : index
        %swap3A_453 = tpu.vector_load %arg11[%swap3A_452] {strides = array<i32>} : memref<128xi32, #tpu.memory_space<vmem>>, vector<16xi32>,
        %swap3A_454 = vector.shape_cast %swap3A_453 : vector<16xi32> to vector<16xi32>
        %swap3A_455 = vector.shape_cast %get3A_451 : vector<16xi32> to vector<16xi32>
        tpu.vector_store %arg11[%swap3A_452], %swap3A_455 {strides = array<i32>} : memref<128xi32, #tpu.memory_space<vmem>>, vector<16xi32>,
        %get3A_456 = arith.index_cast %scan3A_243 : i32 to index
        %get3A_457 = arith.constant 48 : index
        %get3A_458 = tpu.vector_load %arg6[%get3A_456, %get3A_457] {strides = array<i32>} : memref<40x128xi32, #tpu.memory_space<vmem>>, vector<1x16xi32>,
        %get3A_459 = vector.shape_cast %get3A_458 : vector<1x16xi32> to vector<16xi32>
        %add3A_460 = vector.broadcast %mul3A_28 : i32 to vector<16xi32>
        %add3A_461 = arith.addi %get3A_459, %add3A_460 : vector<16xi32>
        %swap3A_462 = arith.constant 48 : index
        %swap3A_463 = tpu.vector_load %arg8[%swap3A_462] {strides = array<i32>} : memref<128xi32, #tpu.memory_space<vmem>>, vector<16xi32>,
        %swap3A_464 = vector.shape_cast %swap3A_463 : vector<16xi32> to vector<16xi32>
        %swap3A_465 = vector.shape_cast %add3A_461 : vector<16xi32> to vector<16xi32>
        tpu.vector_store %arg8[%swap3A_462], %swap3A_465 {strides = array<i32>} : memref<128xi32, #tpu.memory_space<vmem>>, vector<16xi32>,
        %get3A_466 = arith.index_cast %scan3A_243 : i32 to index
        %get3A_467 = arith.constant 48 : index
        %get3A_468 = tpu.vector_load %arg7[%get3A_466, %get3A_467] {strides = array<i32>} : memref<40x128xi32, #tpu.memory_space<vmem>>, vector<1x16xi32>,
        %get3A_469 = vector.shape_cast %get3A_468 : vector<1x16xi32> to vector<16xi32>
        %swap3A_470 = arith.constant 48 : index
        %swap3A_471 = tpu.vector_load %arg11[%swap3A_470] {strides = array<i32>} : memref<128xi32, #tpu.memory_space<vmem>>, vector<16xi32>,
        %swap3A_472 = vector.shape_cast %swap3A_471 : vector<16xi32> to vector<16xi32>
        %swap3A_473 = vector.shape_cast %get3A_469 : vector<16xi32> to vector<16xi32>
        tpu.vector_store %arg11[%swap3A_470], %swap3A_473 {strides = array<i32>} : memref<128xi32, #tpu.memory_space<vmem>>, vector<16xi32>,
        %get3A_474 = arith.index_cast %scan3A_243 : i32 to index
        %get3A_475 = arith.constant 64 : index
        %get3A_476 = tpu.vector_load %arg6[%get3A_474, %get3A_475] {strides = array<i32>} : memref<40x128xi32, #tpu.memory_space<vmem>>, vector<1x16xi32>,
        %get3A_477 = vector.shape_cast %get3A_476 : vector<1x16xi32> to vector<16xi32>
        %add3A_478 = vector.broadcast %mul3A_28 : i32 to vector<16xi32>
        %add3A_479 = arith.addi %get3A_477, %add3A_478 : vector<16xi32>
        %swap3A_480 = arith.constant 64 : index
        %swap3A_481 = tpu.vector_load %arg8[%swap3A_480] {strides = array<i32>} : memref<128xi32, #tpu.memory_space<vmem>>, vector<16xi32>,
        %swap3A_482 = vector.shape_cast %swap3A_481 : vector<16xi32> to vector<16xi32>
        %swap3A_483 = vector.shape_cast %add3A_479 : vector<16xi32> to vector<16xi32>
        tpu.vector_store %arg8[%swap3A_480], %swap3A_483 {strides = array<i32>} : memref<128xi32, #tpu.memory_space<vmem>>, vector<16xi32>,
        %get3A_484 = arith.index_cast %scan3A_243 : i32 to index
        %get3A_485 = arith.constant 64 : index
        %get3A_486 = tpu.vector_load %arg7[%get3A_484, %get3A_485] {strides = array<i32>} : memref<40x128xi32, #tpu.memory_space<vmem>>, vector<1x16xi32>,
        %get3A_487 = vector.shape_cast %get3A_486 : vector<1x16xi32> to vector<16xi32>
        %swap3A_488 = arith.constant 64 : index
        %swap3A_489 = tpu.vector_load %arg11[%swap3A_488] {strides = array<i32>} : memref<128xi32, #tpu.memory_space<vmem>>, vector<16xi32>,
        %swap3A_490 = vector.shape_cast %swap3A_489 : vector<16xi32> to vector<16xi32>
        %swap3A_491 = vector.shape_cast %get3A_487 : vector<16xi32> to vector<16xi32>
        tpu.vector_store %arg11[%swap3A_488], %swap3A_491 {strides = array<i32>} : memref<128xi32, #tpu.memory_space<vmem>>, vector<16xi32>,
        %get3A_492 = arith.index_cast %scan3A_243 : i32 to index
        %get3A_493 = arith.constant 80 : index
        %get3A_494 = tpu.vector_load %arg6[%get3A_492, %get3A_493] {strides = array<i32>} : memref<40x128xi32, #tpu.memory_space<vmem>>, vector<1x16xi32>,
        %get3A_495 = vector.shape_cast %get3A_494 : vector<1x16xi32> to vector<16xi32>
        %add3A_496 = vector.broadcast %mul3A_28 : i32 to vector<16xi32>
        %add3A_497 = arith.addi %get3A_495, %add3A_496 : vector<16xi32>
        %swap3A_498 = arith.constant 80 : index
        %swap3A_499 = tpu.vector_load %arg8[%swap3A_498] {strides = array<i32>} : memref<128xi32, #tpu.memory_space<vmem>>, vector<16xi32>,
        %swap3A_500 = vector.shape_cast %swap3A_499 : vector<16xi32> to vector<16xi32>
        %swap3A_501 = vector.shape_cast %add3A_497 : vector<16xi32> to vector<16xi32>
        tpu.vector_store %arg8[%swap3A_498], %swap3A_501 {strides = array<i32>} : memref<128xi32, #tpu.memory_space<vmem>>, vector<16xi32>,
        %get3A_502 = arith.index_cast %scan3A_243 : i32 to index
        %get3A_503 = arith.constant 80 : index
        %get3A_504 = tpu.vector_load %arg7[%get3A_502, %get3A_503] {strides = array<i32>} : memref<40x128xi32, #tpu.memory_space<vmem>>, vector<1x16xi32>,
        %get3A_505 = vector.shape_cast %get3A_504 : vector<1x16xi32> to vector<16xi32>
        %swap3A_506 = arith.constant 80 : index
        %swap3A_507 = tpu.vector_load %arg11[%swap3A_506] {strides = array<i32>} : memref<128xi32, #tpu.memory_space<vmem>>, vector<16xi32>,
        %swap3A_508 = vector.shape_cast %swap3A_507 : vector<16xi32> to vector<16xi32>
        %swap3A_509 = vector.shape_cast %get3A_505 : vector<16xi32> to vector<16xi32>
        tpu.vector_store %arg11[%swap3A_506], %swap3A_509 {strides = array<i32>} : memref<128xi32, #tpu.memory_space<vmem>>, vector<16xi32>,
        %get3A_510 = arith.index_cast %scan3A_243 : i32 to index
        %get3A_511 = arith.constant 96 : index
        %get3A_512 = tpu.vector_load %arg6[%get3A_510, %get3A_511] {strides = array<i32>} : memref<40x128xi32, #tpu.memory_space<vmem>>, vector<1x16xi32>,
        %get3A_513 = vector.shape_cast %get3A_512 : vector<1x16xi32> to vector<16xi32>
        %add3A_514 = vector.broadcast %mul3A_28 : i32 to vector<16xi32>
        %add3A_515 = arith.addi %get3A_513, %add3A_514 : vector<16xi32>
        %swap3A_516 = arith.constant 96 : index
        %swap3A_517 = tpu.vector_load %arg8[%swap3A_516] {strides = array<i32>} : memref<128xi32, #tpu.memory_space<vmem>>, vector<16xi32>,
        %swap3A_518 = vector.shape_cast %swap3A_517 : vector<16xi32> to vector<16xi32>
        %swap3A_519 = vector.shape_cast %add3A_515 : vector<16xi32> to vector<16xi32>
        tpu.vector_store %arg8[%swap3A_516], %swap3A_519 {strides = array<i32>} : memref<128xi32, #tpu.memory_space<vmem>>, vector<16xi32>,
        %get3A_520 = arith.index_cast %scan3A_243 : i32 to index
        %get3A_521 = arith.constant 96 : index
        %get3A_522 = tpu.vector_load %arg7[%get3A_520, %get3A_521] {strides = array<i32>} : memref<40x128xi32, #tpu.memory_space<vmem>>, vector<1x16xi32>,
        %get3A_523 = vector.shape_cast %get3A_522 : vector<1x16xi32> to vector<16xi32>
        %swap3A_524 = arith.constant 96 : index
        %swap3A_525 = tpu.vector_load %arg11[%swap3A_524] {strides = array<i32>} : memref<128xi32, #tpu.memory_space<vmem>>, vector<16xi32>,
        %swap3A_526 = vector.shape_cast %swap3A_525 : vector<16xi32> to vector<16xi32>
        %swap3A_527 = vector.shape_cast %get3A_523 : vector<16xi32> to vector<16xi32>
        tpu.vector_store %arg11[%swap3A_524], %swap3A_527 {strides = array<i32>} : memref<128xi32, #tpu.memory_space<vmem>>, vector<16xi32>,
        %get3A_528 = arith.index_cast %scan3A_243 : i32 to index
        %get3A_529 = arith.constant 112 : index
        %get3A_530 = tpu.vector_load %arg6[%get3A_528, %get3A_529] {strides = array<i32>} : memref<40x128xi32, #tpu.memory_space<vmem>>, vector<1x16xi32>,
        %get3A_531 = vector.shape_cast %get3A_530 : vector<1x16xi32> to vector<16xi32>
        %add3A_532 = vector.broadcast %mul3A_28 : i32 to vector<16xi32>
        %add3A_533 = arith.addi %get3A_531, %add3A_532 : vector<16xi32>
        %swap3A_534 = arith.constant 112 : index
        %swap3A_535 = tpu.vector_load %arg8[%swap3A_534] {strides = array<i32>} : memref<128xi32, #tpu.memory_space<vmem>>, vector<16xi32>,
        %swap3A_536 = vector.shape_cast %swap3A_535 : vector<16xi32> to vector<16xi32>
        %swap3A_537 = vector.shape_cast %add3A_533 : vector<16xi32> to vector<16xi32>
        tpu.vector_store %arg8[%swap3A_534], %swap3A_537 {strides = array<i32>} : memref<128xi32, #tpu.memory_space<vmem>>, vector<16xi32>,
        %get3A_538 = arith.index_cast %scan3A_243 : i32 to index
        %get3A_539 = arith.constant 112 : index
        %get3A_540 = tpu.vector_load %arg7[%get3A_538, %get3A_539] {strides = array<i32>} : memref<40x128xi32, #tpu.memory_space<vmem>>, vector<1x16xi32>,
        %get3A_541 = vector.shape_cast %get3A_540 : vector<1x16xi32> to vector<16xi32>
        %swap3A_542 = arith.constant 112 : index
        %swap3A_543 = tpu.vector_load %arg11[%swap3A_542] {strides = array<i32>} : memref<128xi32, #tpu.memory_space<vmem>>, vector<16xi32>,
        %swap3A_544 = vector.shape_cast %swap3A_543 : vector<16xi32> to vector<16xi32>
        %swap3A_545 = vector.shape_cast %get3A_541 : vector<16xi32> to vector<16xi32>
        tpu.vector_store %arg11[%swap3A_542], %swap3A_545 {strides = array<i32>} : memref<128xi32, #tpu.memory_space<vmem>>, vector<16xi32>,
        %dma_start3A = arith.constant 0 : i32
        %dma_start3A_546 = arith.constant 0 : i32
        %dma_start3A_547 = tpu.memref_slice %arg2[%dma_start3A, %dma_start3A_546] : memref<20000x64xf32, #tpu.memory_space<hbm>> -> memref<20000x64xf32, #tpu.memory_space<hbm>>
        tpu.enqueue_indirect_dma source(%dma_start3A_547 : memref<20000x64xf32, #tpu.memory_space<hbm>>) target(%arg14 : memref<128x64xf32, #tpu.memory_space<vmem>>) offsets(%arg8 : memref<128xi32, #tpu.memory_space<vmem>>) semaphore(%arg24 : memref<!tpu.dma_semaphore, #tpu.memory_space<semaphore_mem>>)
      } else {
      }
      %lt3A_265 = arith.constant 40 : i32
      %lt3A_266 = arith.cmpi slt, %scan3A_243, %lt3A_265 : i32
      %jit3A_267 = arith.constant 3 : i32
      %eq3A_268 = arith.constant 0 : i32
      %eq3A_269 = arith.cmpi eq, %jit3A_267, %eq3A_268 : i32
      %jit3A_270 = arith.constant 1 : i32
      %select_n3A_271 = arith.select %eq3A_269, %jit3A_270, %jit3A_267 : i32
      %rem3A_272 = arith.remsi %scan3A_243, %select_n3A_271 : i32
      %ne3A_273 = arith.constant 0 : i32
      %ne3A_274 = arith.cmpi ne, %rem3A_272, %ne3A_273 : i32
      %lt3A_275 = arith.constant 0 : i32
      %lt3A_276 = arith.cmpi slt, %rem3A_272, %lt3A_275 : i32
      %lt3A_277 = arith.constant 0 : i32
      %lt3A_278 = arith.cmpi slt, %select_n3A_271, %lt3A_277 : i32
      %ne3A_279 = arith.xori %lt3A_276, %lt3A_278 : i1
      %and3A_280 = arith.andi %ne3A_279, %ne3A_274 : i1
      %add3A_281 = arith.addi %rem3A_272, %select_n3A_271 : i32
      %select_n3A_282 = arith.select %and3A_280, %add3A_281, %rem3A_272 : i32
      %eq3A_283 = arith.constant 1 : i32
      %eq3A_284 = arith.cmpi eq, %select_n3A_282, %eq3A_283 : i32
      %and3A_285 = arith.andi %lt3A_266, %eq3A_284 : i1
      %convert_element_type3A_286 = arith.extui %and3A_285 : i1 to i32
      %cond3A_287 = arith.constant 0 : i32
      %cond3A_288 = arith.cmpi ne, %convert_element_type3A_286, %cond3A_287 : i32
      scf.if %cond3A_288 {
        %ge3A_399 = arith.constant 3 : i32
        %ge3A_400 = arith.cmpi sge, %scan3A_243, %ge3A_399 : i32
        %convert_element_type3A_401 = arith.extui %ge3A_400 : i1 to i32
        %cond3A_402 = arith.constant 0 : i32
        %cond3A_403 = arith.cmpi ne, %convert_element_type3A_401, %cond3A_402 : i32
        scf.if %cond3A_403 {
          %dma_wait3A_548 = arith.constant 0 : i32
          %dma_wait3A_549 = arith.constant 0 : i32
          %dma_wait3A_550 = tpu.memref_slice %arg22[%dma_wait3A_548, %dma_wait3A_549] : memref<10008x64xf32, #tpu.memory_space<vmem_shared>> -> memref<10008x64xf32, #tpu.memory_space<vmem_shared>>
          tpu.wait_indirect_dma semaphore(%arg31 : memref<!tpu.dma_semaphore, #tpu.memory_space<semaphore_mem>>) src(%arg15 : memref<128x64xf32, #tpu.memory_space<vmem>>) dst(%dma_wait3A_550 : memref<10008x64xf32, #tpu.memory_space<vmem_shared>>)
          %eq3A_551 = arith.constant 0 : i32
          %eq3A_552 = arith.cmpi eq, %arg0, %eq3A_551 : i32
          %convert_element_type3A_553 = arith.extui %eq3A_552 : i1 to i32
          %cond3A_554 = arith.constant 0 : i32
          %cond3A_555 = arith.cmpi ne, %convert_element_type3A_553, %cond3A_554 : i32
          scf.if %cond3A_555 {
            %dma_wait3A_556 = arith.constant 0 : i32
            %dma_wait3A_557 = arith.constant 0 : i32
            %dma_wait3A_558 = tpu.memref_slice %arg23[%dma_wait3A_556, %dma_wait3A_557] : memref<10008x16xf32, #tpu.memory_space<vmem_shared>> -> memref<10008x16xf32, #tpu.memory_space<vmem_shared>>
            tpu.wait_indirect_dma semaphore(%arg28 : memref<!tpu.dma_semaphore, #tpu.memory_space<semaphore_mem>>) src(%arg17 : memref<128x16xf32, #tpu.memory_space<vmem>>) dst(%dma_wait3A_558 : memref<10008x16xf32, #tpu.memory_space<vmem_shared>>)
          } else {
          }
        } else {
        }
        %get3A = arith.index_cast %scan3A_243 : i32 to index
        %get3A_404 = arith.constant 0 : index
        %get3A_405 = tpu.vector_load %arg6[%get3A, %get3A_404] {strides = array<i32>} : memref<40x128xi32, #tpu.memory_space<vmem>>, vector<1x16xi32>,
        %get3A_406 = vector.shape_cast %get3A_405 : vector<1x16xi32> to vector<16xi32>
        %add3A_407 = vector.broadcast %mul3A_28 : i32 to vector<16xi32>
        %add3A_408 = arith.addi %get3A_406, %add3A_407 : vector<16xi32>
        %swap3A = arith.constant 0 : index
        %swap3A_409 = tpu.vector_load %arg9[%swap3A] {strides = array<i32>} : memref<128xi32, #tpu.memory_space<vmem>>, vector<16xi32>,
        %swap3A_410 = vector.shape_cast %swap3A_409 : vector<16xi32> to vector<16xi32>
        %swap3A_411 = vector.shape_cast %add3A_408 : vector<16xi32> to vector<16xi32>
        tpu.vector_store %arg9[%swap3A], %swap3A_411 {strides = array<i32>} : memref<128xi32, #tpu.memory_space<vmem>>, vector<16xi32>,
        %get3A_412 = arith.index_cast %scan3A_243 : i32 to index
        %get3A_413 = arith.constant 0 : index
        %get3A_414 = tpu.vector_load %arg7[%get3A_412, %get3A_413] {strides = array<i32>} : memref<40x128xi32, #tpu.memory_space<vmem>>, vector<1x16xi32>,
        %get3A_415 = vector.shape_cast %get3A_414 : vector<1x16xi32> to vector<16xi32>
        %swap3A_416 = arith.constant 0 : index
        %swap3A_417 = tpu.vector_load %arg12[%swap3A_416] {strides = array<i32>} : memref<128xi32, #tpu.memory_space<vmem>>, vector<16xi32>,
        %swap3A_418 = vector.shape_cast %swap3A_417 : vector<16xi32> to vector<16xi32>
        %swap3A_419 = vector.shape_cast %get3A_415 : vector<16xi32> to vector<16xi32>
        tpu.vector_store %arg12[%swap3A_416], %swap3A_419 {strides = array<i32>} : memref<128xi32, #tpu.memory_space<vmem>>, vector<16xi32>,
        %get3A_420 = arith.index_cast %scan3A_243 : i32 to index
        %get3A_421 = arith.constant 16 : index
        %get3A_422 = tpu.vector_load %arg6[%get3A_420, %get3A_421] {strides = array<i32>} : memref<40x128xi32, #tpu.memory_space<vmem>>, vector<1x16xi32>,
        %get3A_423 = vector.shape_cast %get3A_422 : vector<1x16xi32> to vector<16xi32>
        %add3A_424 = vector.broadcast %mul3A_28 : i32 to vector<16xi32>
        %add3A_425 = arith.addi %get3A_423, %add3A_424 : vector<16xi32>
        %swap3A_426 = arith.constant 16 : index
        %swap3A_427 = tpu.vector_load %arg9[%swap3A_426] {strides = array<i32>} : memref<128xi32, #tpu.memory_space<vmem>>, vector<16xi32>,
        %swap3A_428 = vector.shape_cast %swap3A_427 : vector<16xi32> to vector<16xi32>
        %swap3A_429 = vector.shape_cast %add3A_425 : vector<16xi32> to vector<16xi32>
        tpu.vector_store %arg9[%swap3A_426], %swap3A_429 {strides = array<i32>} : memref<128xi32, #tpu.memory_space<vmem>>, vector<16xi32>,
        %get3A_430 = arith.index_cast %scan3A_243 : i32 to index
        %get3A_431 = arith.constant 16 : index
        %get3A_432 = tpu.vector_load %arg7[%get3A_430, %get3A_431] {strides = array<i32>} : memref<40x128xi32, #tpu.memory_space<vmem>>, vector<1x16xi32>,
        %get3A_433 = vector.shape_cast %get3A_432 : vector<1x16xi32> to vector<16xi32>
        %swap3A_434 = arith.constant 16 : index
        %swap3A_435 = tpu.vector_load %arg12[%swap3A_434] {strides = array<i32>} : memref<128xi32, #tpu.memory_space<vmem>>, vector<16xi32>,
        %swap3A_436 = vector.shape_cast %swap3A_435 : vector<16xi32> to vector<16xi32>
        %swap3A_437 = vector.shape_cast %get3A_433 : vector<16xi32> to vector<16xi32>
        tpu.vector_store %arg12[%swap3A_434], %swap3A_437 {strides = array<i32>} : memref<128xi32, #tpu.memory_space<vmem>>, vector<16xi32>,
        %get3A_438 = arith.index_cast %scan3A_243 : i32 to index
        %get3A_439 = arith.constant 32 : index
        %get3A_440 = tpu.vector_load %arg6[%get3A_438, %get3A_439] {strides = array<i32>} : memref<40x128xi32, #tpu.memory_space<vmem>>, vector<1x16xi32>,
        %get3A_441 = vector.shape_cast %get3A_440 : vector<1x16xi32> to vector<16xi32>
        %add3A_442 = vector.broadcast %mul3A_28 : i32 to vector<16xi32>
        %add3A_443 = arith.addi %get3A_441, %add3A_442 : vector<16xi32>
        %swap3A_444 = arith.constant 32 : index
        %swap3A_445 = tpu.vector_load %arg9[%swap3A_444] {strides = array<i32>} : memref<128xi32, #tpu.memory_space<vmem>>, vector<16xi32>,
        %swap3A_446 = vector.shape_cast %swap3A_445 : vector<16xi32> to vector<16xi32>
        %swap3A_447 = vector.shape_cast %add3A_443 : vector<16xi32> to vector<16xi32>
        tpu.vector_store %arg9[%swap3A_444], %swap3A_447 {strides = array<i32>} : memref<128xi32, #tpu.memory_space<vmem>>, vector<16xi32>,
        %get3A_448 = arith.index_cast %scan3A_243 : i32 to index
        %get3A_449 = arith.constant 32 : index
        %get3A_450 = tpu.vector_load %arg7[%get3A_448, %get3A_449] {strides = array<i32>} : memref<40x128xi32, #tpu.memory_space<vmem>>, vector<1x16xi32>,
        %get3A_451 = vector.shape_cast %get3A_450 : vector<1x16xi32> to vector<16xi32>
        %swap3A_452 = arith.constant 32 : index
        %swap3A_453 = tpu.vector_load %arg12[%swap3A_452] {strides = array<i32>} : memref<128xi32, #tpu.memory_space<vmem>>, vector<16xi32>,
        %swap3A_454 = vector.shape_cast %swap3A_453 : vector<16xi32> to vector<16xi32>
        %swap3A_455 = vector.shape_cast %get3A_451 : vector<16xi32> to vector<16xi32>
        tpu.vector_store %arg12[%swap3A_452], %swap3A_455 {strides = array<i32>} : memref<128xi32, #tpu.memory_space<vmem>>, vector<16xi32>,
        %get3A_456 = arith.index_cast %scan3A_243 : i32 to index
        %get3A_457 = arith.constant 48 : index
        %get3A_458 = tpu.vector_load %arg6[%get3A_456, %get3A_457] {strides = array<i32>} : memref<40x128xi32, #tpu.memory_space<vmem>>, vector<1x16xi32>,
        %get3A_459 = vector.shape_cast %get3A_458 : vector<1x16xi32> to vector<16xi32>
        %add3A_460 = vector.broadcast %mul3A_28 : i32 to vector<16xi32>
        %add3A_461 = arith.addi %get3A_459, %add3A_460 : vector<16xi32>
        %swap3A_462 = arith.constant 48 : index
        %swap3A_463 = tpu.vector_load %arg9[%swap3A_462] {strides = array<i32>} : memref<128xi32, #tpu.memory_space<vmem>>, vector<16xi32>,
        %swap3A_464 = vector.shape_cast %swap3A_463 : vector<16xi32> to vector<16xi32>
        %swap3A_465 = vector.shape_cast %add3A_461 : vector<16xi32> to vector<16xi32>
        tpu.vector_store %arg9[%swap3A_462], %swap3A_465 {strides = array<i32>} : memref<128xi32, #tpu.memory_space<vmem>>, vector<16xi32>,
        %get3A_466 = arith.index_cast %scan3A_243 : i32 to index
        %get3A_467 = arith.constant 48 : index
        %get3A_468 = tpu.vector_load %arg7[%get3A_466, %get3A_467] {strides = array<i32>} : memref<40x128xi32, #tpu.memory_space<vmem>>, vector<1x16xi32>,
        %get3A_469 = vector.shape_cast %get3A_468 : vector<1x16xi32> to vector<16xi32>
        %swap3A_470 = arith.constant 48 : index
        %swap3A_471 = tpu.vector_load %arg12[%swap3A_470] {strides = array<i32>} : memref<128xi32, #tpu.memory_space<vmem>>, vector<16xi32>,
        %swap3A_472 = vector.shape_cast %swap3A_471 : vector<16xi32> to vector<16xi32>
        %swap3A_473 = vector.shape_cast %get3A_469 : vector<16xi32> to vector<16xi32>
        tpu.vector_store %arg12[%swap3A_470], %swap3A_473 {strides = array<i32>} : memref<128xi32, #tpu.memory_space<vmem>>, vector<16xi32>,
        %get3A_474 = arith.index_cast %scan3A_243 : i32 to index
        %get3A_475 = arith.constant 64 : index
        %get3A_476 = tpu.vector_load %arg6[%get3A_474, %get3A_475] {strides = array<i32>} : memref<40x128xi32, #tpu.memory_space<vmem>>, vector<1x16xi32>,
        %get3A_477 = vector.shape_cast %get3A_476 : vector<1x16xi32> to vector<16xi32>
        %add3A_478 = vector.broadcast %mul3A_28 : i32 to vector<16xi32>
        %add3A_479 = arith.addi %get3A_477, %add3A_478 : vector<16xi32>
        %swap3A_480 = arith.constant 64 : index
        %swap3A_481 = tpu.vector_load %arg9[%swap3A_480] {strides = array<i32>} : memref<128xi32, #tpu.memory_space<vmem>>, vector<16xi32>,
        %swap3A_482 = vector.shape_cast %swap3A_481 : vector<16xi32> to vector<16xi32>
        %swap3A_483 = vector.shape_cast %add3A_479 : vector<16xi32> to vector<16xi32>
        tpu.vector_store %arg9[%swap3A_480], %swap3A_483 {strides = array<i32>} : memref<128xi32, #tpu.memory_space<vmem>>, vector<16xi32>,
        %get3A_484 = arith.index_cast %scan3A_243 : i32 to index
        %get3A_485 = arith.constant 64 : index
        %get3A_486 = tpu.vector_load %arg7[%get3A_484, %get3A_485] {strides = array<i32>} : memref<40x128xi32, #tpu.memory_space<vmem>>, vector<1x16xi32>,
        %get3A_487 = vector.shape_cast %get3A_486 : vector<1x16xi32> to vector<16xi32>
        %swap3A_488 = arith.constant 64 : index
        %swap3A_489 = tpu.vector_load %arg12[%swap3A_488] {strides = array<i32>} : memref<128xi32, #tpu.memory_space<vmem>>, vector<16xi32>,
        %swap3A_490 = vector.shape_cast %swap3A_489 : vector<16xi32> to vector<16xi32>
        %swap3A_491 = vector.shape_cast %get3A_487 : vector<16xi32> to vector<16xi32>
        tpu.vector_store %arg12[%swap3A_488], %swap3A_491 {strides = array<i32>} : memref<128xi32, #tpu.memory_space<vmem>>, vector<16xi32>,
        %get3A_492 = arith.index_cast %scan3A_243 : i32 to index
        %get3A_493 = arith.constant 80 : index
        %get3A_494 = tpu.vector_load %arg6[%get3A_492, %get3A_493] {strides = array<i32>} : memref<40x128xi32, #tpu.memory_space<vmem>>, vector<1x16xi32>,
        %get3A_495 = vector.shape_cast %get3A_494 : vector<1x16xi32> to vector<16xi32>
        %add3A_496 = vector.broadcast %mul3A_28 : i32 to vector<16xi32>
        %add3A_497 = arith.addi %get3A_495, %add3A_496 : vector<16xi32>
        %swap3A_498 = arith.constant 80 : index
        %swap3A_499 = tpu.vector_load %arg9[%swap3A_498] {strides = array<i32>} : memref<128xi32, #tpu.memory_space<vmem>>, vector<16xi32>,
        %swap3A_500 = vector.shape_cast %swap3A_499 : vector<16xi32> to vector<16xi32>
        %swap3A_501 = vector.shape_cast %add3A_497 : vector<16xi32> to vector<16xi32>
        tpu.vector_store %arg9[%swap3A_498], %swap3A_501 {strides = array<i32>} : memref<128xi32, #tpu.memory_space<vmem>>, vector<16xi32>,
        %get3A_502 = arith.index_cast %scan3A_243 : i32 to index
        %get3A_503 = arith.constant 80 : index
        %get3A_504 = tpu.vector_load %arg7[%get3A_502, %get3A_503] {strides = array<i32>} : memref<40x128xi32, #tpu.memory_space<vmem>>, vector<1x16xi32>,
        %get3A_505 = vector.shape_cast %get3A_504 : vector<1x16xi32> to vector<16xi32>
        %swap3A_506 = arith.constant 80 : index
        %swap3A_507 = tpu.vector_load %arg12[%swap3A_506] {strides = array<i32>} : memref<128xi32, #tpu.memory_space<vmem>>, vector<16xi32>,
        %swap3A_508 = vector.shape_cast %swap3A_507 : vector<16xi32> to vector<16xi32>
        %swap3A_509 = vector.shape_cast %get3A_505 : vector<16xi32> to vector<16xi32>
        tpu.vector_store %arg12[%swap3A_506], %swap3A_509 {strides = array<i32>} : memref<128xi32, #tpu.memory_space<vmem>>, vector<16xi32>,
        %get3A_510 = arith.index_cast %scan3A_243 : i32 to index
        %get3A_511 = arith.constant 96 : index
        %get3A_512 = tpu.vector_load %arg6[%get3A_510, %get3A_511] {strides = array<i32>} : memref<40x128xi32, #tpu.memory_space<vmem>>, vector<1x16xi32>,
        %get3A_513 = vector.shape_cast %get3A_512 : vector<1x16xi32> to vector<16xi32>
        %add3A_514 = vector.broadcast %mul3A_28 : i32 to vector<16xi32>
        %add3A_515 = arith.addi %get3A_513, %add3A_514 : vector<16xi32>
        %swap3A_516 = arith.constant 96 : index
        %swap3A_517 = tpu.vector_load %arg9[%swap3A_516] {strides = array<i32>} : memref<128xi32, #tpu.memory_space<vmem>>, vector<16xi32>,
        %swap3A_518 = vector.shape_cast %swap3A_517 : vector<16xi32> to vector<16xi32>
        %swap3A_519 = vector.shape_cast %add3A_515 : vector<16xi32> to vector<16xi32>
        tpu.vector_store %arg9[%swap3A_516], %swap3A_519 {strides = array<i32>} : memref<128xi32, #tpu.memory_space<vmem>>, vector<16xi32>,
        %get3A_520 = arith.index_cast %scan3A_243 : i32 to index
        %get3A_521 = arith.constant 96 : index
        %get3A_522 = tpu.vector_load %arg7[%get3A_520, %get3A_521] {strides = array<i32>} : memref<40x128xi32, #tpu.memory_space<vmem>>, vector<1x16xi32>,
        %get3A_523 = vector.shape_cast %get3A_522 : vector<1x16xi32> to vector<16xi32>
        %swap3A_524 = arith.constant 96 : index
        %swap3A_525 = tpu.vector_load %arg12[%swap3A_524] {strides = array<i32>} : memref<128xi32, #tpu.memory_space<vmem>>, vector<16xi32>,
        %swap3A_526 = vector.shape_cast %swap3A_525 : vector<16xi32> to vector<16xi32>
        %swap3A_527 = vector.shape_cast %get3A_523 : vector<16xi32> to vector<16xi32>
        tpu.vector_store %arg12[%swap3A_524], %swap3A_527 {strides = array<i32>} : memref<128xi32, #tpu.memory_space<vmem>>, vector<16xi32>,
        %get3A_528 = arith.index_cast %scan3A_243 : i32 to index
        %get3A_529 = arith.constant 112 : index
        %get3A_530 = tpu.vector_load %arg6[%get3A_528, %get3A_529] {strides = array<i32>} : memref<40x128xi32, #tpu.memory_space<vmem>>, vector<1x16xi32>,
        %get3A_531 = vector.shape_cast %get3A_530 : vector<1x16xi32> to vector<16xi32>
        %add3A_532 = vector.broadcast %mul3A_28 : i32 to vector<16xi32>
        %add3A_533 = arith.addi %get3A_531, %add3A_532 : vector<16xi32>
        %swap3A_534 = arith.constant 112 : index
        %swap3A_535 = tpu.vector_load %arg9[%swap3A_534] {strides = array<i32>} : memref<128xi32, #tpu.memory_space<vmem>>, vector<16xi32>,
        %swap3A_536 = vector.shape_cast %swap3A_535 : vector<16xi32> to vector<16xi32>
        %swap3A_537 = vector.shape_cast %add3A_533 : vector<16xi32> to vector<16xi32>
        tpu.vector_store %arg9[%swap3A_534], %swap3A_537 {strides = array<i32>} : memref<128xi32, #tpu.memory_space<vmem>>, vector<16xi32>,
        %get3A_538 = arith.index_cast %scan3A_243 : i32 to index
        %get3A_539 = arith.constant 112 : index
        %get3A_540 = tpu.vector_load %arg7[%get3A_538, %get3A_539] {strides = array<i32>} : memref<40x128xi32, #tpu.memory_space<vmem>>, vector<1x16xi32>,
        %get3A_541 = vector.shape_cast %get3A_540 : vector<1x16xi32> to vector<16xi32>
        %swap3A_542 = arith.constant 112 : index
        %swap3A_543 = tpu.vector_load %arg12[%swap3A_542] {strides = array<i32>} : memref<128xi32, #tpu.memory_space<vmem>>, vector<16xi32>,
        %swap3A_544 = vector.shape_cast %swap3A_543 : vector<16xi32> to vector<16xi32>
        %swap3A_545 = vector.shape_cast %get3A_541 : vector<16xi32> to vector<16xi32>
        tpu.vector_store %arg12[%swap3A_542], %swap3A_545 {strides = array<i32>} : memref<128xi32, #tpu.memory_space<vmem>>, vector<16xi32>,
        %dma_start3A = arith.constant 0 : i32
        %dma_start3A_546 = arith.constant 0 : i32
        %dma_start3A_547 = tpu.memref_slice %arg2[%dma_start3A, %dma_start3A_546] : memref<20000x64xf32, #tpu.memory_space<hbm>> -> memref<20000x64xf32, #tpu.memory_space<hbm>>
        tpu.enqueue_indirect_dma source(%dma_start3A_547 : memref<20000x64xf32, #tpu.memory_space<hbm>>) target(%arg15 : memref<128x64xf32, #tpu.memory_space<vmem>>) offsets(%arg9 : memref<128xi32, #tpu.memory_space<vmem>>) semaphore(%arg25 : memref<!tpu.dma_semaphore, #tpu.memory_space<semaphore_mem>>)
      } else {
      }
      %lt3A_289 = arith.constant 40 : i32
      %lt3A_290 = arith.cmpi slt, %scan3A_243, %lt3A_289 : i32
      %jit3A_291 = arith.constant 3 : i32
      %eq3A_292 = arith.constant 0 : i32
      %eq3A_293 = arith.cmpi eq, %jit3A_291, %eq3A_292 : i32
      %jit3A_294 = arith.constant 1 : i32
      %select_n3A_295 = arith.select %eq3A_293, %jit3A_294, %jit3A_291 : i32
      %rem3A_296 = arith.remsi %scan3A_243, %select_n3A_295 : i32
      %ne3A_297 = arith.constant 0 : i32
      %ne3A_298 = arith.cmpi ne, %rem3A_296, %ne3A_297 : i32
      %lt3A_299 = arith.constant 0 : i32
      %lt3A_300 = arith.cmpi slt, %rem3A_296, %lt3A_299 : i32
      %lt3A_301 = arith.constant 0 : i32
      %lt3A_302 = arith.cmpi slt, %select_n3A_295, %lt3A_301 : i32
      %ne3A_303 = arith.xori %lt3A_300, %lt3A_302 : i1
      %and3A_304 = arith.andi %ne3A_303, %ne3A_298 : i1
      %add3A_305 = arith.addi %rem3A_296, %select_n3A_295 : i32
      %select_n3A_306 = arith.select %and3A_304, %add3A_305, %rem3A_296 : i32
      %eq3A_307 = arith.constant 2 : i32
      %eq3A_308 = arith.cmpi eq, %select_n3A_306, %eq3A_307 : i32
      %and3A_309 = arith.andi %lt3A_290, %eq3A_308 : i1
      %convert_element_type3A_310 = arith.extui %and3A_309 : i1 to i32
      %cond3A_311 = arith.constant 0 : i32
      %cond3A_312 = arith.cmpi ne, %convert_element_type3A_310, %cond3A_311 : i32
      scf.if %cond3A_312 {
        %ge3A_399 = arith.constant 3 : i32
        %ge3A_400 = arith.cmpi sge, %scan3A_243, %ge3A_399 : i32
        %convert_element_type3A_401 = arith.extui %ge3A_400 : i1 to i32
        %cond3A_402 = arith.constant 0 : i32
        %cond3A_403 = arith.cmpi ne, %convert_element_type3A_401, %cond3A_402 : i32
        scf.if %cond3A_403 {
          %dma_wait3A_548 = arith.constant 0 : i32
          %dma_wait3A_549 = arith.constant 0 : i32
          %dma_wait3A_550 = tpu.memref_slice %arg22[%dma_wait3A_548, %dma_wait3A_549] : memref<10008x64xf32, #tpu.memory_space<vmem_shared>> -> memref<10008x64xf32, #tpu.memory_space<vmem_shared>>
          tpu.wait_indirect_dma semaphore(%arg32 : memref<!tpu.dma_semaphore, #tpu.memory_space<semaphore_mem>>) src(%arg16 : memref<128x64xf32, #tpu.memory_space<vmem>>) dst(%dma_wait3A_550 : memref<10008x64xf32, #tpu.memory_space<vmem_shared>>)
          %eq3A_551 = arith.constant 0 : i32
          %eq3A_552 = arith.cmpi eq, %arg0, %eq3A_551 : i32
          %convert_element_type3A_553 = arith.extui %eq3A_552 : i1 to i32
          %cond3A_554 = arith.constant 0 : i32
          %cond3A_555 = arith.cmpi ne, %convert_element_type3A_553, %cond3A_554 : i32
          scf.if %cond3A_555 {
            %dma_wait3A_556 = arith.constant 0 : i32
            %dma_wait3A_557 = arith.constant 0 : i32
            %dma_wait3A_558 = tpu.memref_slice %arg23[%dma_wait3A_556, %dma_wait3A_557] : memref<10008x16xf32, #tpu.memory_space<vmem_shared>> -> memref<10008x16xf32, #tpu.memory_space<vmem_shared>>
            tpu.wait_indirect_dma semaphore(%arg29 : memref<!tpu.dma_semaphore, #tpu.memory_space<semaphore_mem>>) src(%arg17 : memref<128x16xf32, #tpu.memory_space<vmem>>) dst(%dma_wait3A_558 : memref<10008x16xf32, #tpu.memory_space<vmem_shared>>)
          } else {
          }
        } else {
        }
        %get3A = arith.index_cast %scan3A_243 : i32 to index
        %get3A_404 = arith.constant 0 : index
        %get3A_405 = tpu.vector_load %arg6[%get3A, %get3A_404] {strides = array<i32>} : memref<40x128xi32, #tpu.memory_space<vmem>>, vector<1x16xi32>,
        %get3A_406 = vector.shape_cast %get3A_405 : vector<1x16xi32> to vector<16xi32>
        %add3A_407 = vector.broadcast %mul3A_28 : i32 to vector<16xi32>
        %add3A_408 = arith.addi %get3A_406, %add3A_407 : vector<16xi32>
        %swap3A = arith.constant 0 : index
        %swap3A_409 = tpu.vector_load %arg10[%swap3A] {strides = array<i32>} : memref<128xi32, #tpu.memory_space<vmem>>, vector<16xi32>,
        %swap3A_410 = vector.shape_cast %swap3A_409 : vector<16xi32> to vector<16xi32>
        %swap3A_411 = vector.shape_cast %add3A_408 : vector<16xi32> to vector<16xi32>
        tpu.vector_store %arg10[%swap3A], %swap3A_411 {strides = array<i32>} : memref<128xi32, #tpu.memory_space<vmem>>, vector<16xi32>,
        %get3A_412 = arith.index_cast %scan3A_243 : i32 to index
        %get3A_413 = arith.constant 0 : index
        %get3A_414 = tpu.vector_load %arg7[%get3A_412, %get3A_413] {strides = array<i32>} : memref<40x128xi32, #tpu.memory_space<vmem>>, vector<1x16xi32>,
        %get3A_415 = vector.shape_cast %get3A_414 : vector<1x16xi32> to vector<16xi32>
        %swap3A_416 = arith.constant 0 : index
        %swap3A_417 = tpu.vector_load %arg13[%swap3A_416] {strides = array<i32>} : memref<128xi32, #tpu.memory_space<vmem>>, vector<16xi32>,
        %swap3A_418 = vector.shape_cast %swap3A_417 : vector<16xi32> to vector<16xi32>
        %swap3A_419 = vector.shape_cast %get3A_415 : vector<16xi32> to vector<16xi32>
        tpu.vector_store %arg13[%swap3A_416], %swap3A_419 {strides = array<i32>} : memref<128xi32, #tpu.memory_space<vmem>>, vector<16xi32>,
        %get3A_420 = arith.index_cast %scan3A_243 : i32 to index
        %get3A_421 = arith.constant 16 : index
        %get3A_422 = tpu.vector_load %arg6[%get3A_420, %get3A_421] {strides = array<i32>} : memref<40x128xi32, #tpu.memory_space<vmem>>, vector<1x16xi32>,
        %get3A_423 = vector.shape_cast %get3A_422 : vector<1x16xi32> to vector<16xi32>
        %add3A_424 = vector.broadcast %mul3A_28 : i32 to vector<16xi32>
        %add3A_425 = arith.addi %get3A_423, %add3A_424 : vector<16xi32>
        %swap3A_426 = arith.constant 16 : index
        %swap3A_427 = tpu.vector_load %arg10[%swap3A_426] {strides = array<i32>} : memref<128xi32, #tpu.memory_space<vmem>>, vector<16xi32>,
        %swap3A_428 = vector.shape_cast %swap3A_427 : vector<16xi32> to vector<16xi32>
        %swap3A_429 = vector.shape_cast %add3A_425 : vector<16xi32> to vector<16xi32>
        tpu.vector_store %arg10[%swap3A_426], %swap3A_429 {strides = array<i32>} : memref<128xi32, #tpu.memory_space<vmem>>, vector<16xi32>,
        %get3A_430 = arith.index_cast %scan3A_243 : i32 to index
        %get3A_431 = arith.constant 16 : index
        %get3A_432 = tpu.vector_load %arg7[%get3A_430, %get3A_431] {strides = array<i32>} : memref<40x128xi32, #tpu.memory_space<vmem>>, vector<1x16xi32>,
        %get3A_433 = vector.shape_cast %get3A_432 : vector<1x16xi32> to vector<16xi32>
        %swap3A_434 = arith.constant 16 : index
        %swap3A_435 = tpu.vector_load %arg13[%swap3A_434] {strides = array<i32>} : memref<128xi32, #tpu.memory_space<vmem>>, vector<16xi32>,
        %swap3A_436 = vector.shape_cast %swap3A_435 : vector<16xi32> to vector<16xi32>
        %swap3A_437 = vector.shape_cast %get3A_433 : vector<16xi32> to vector<16xi32>
        tpu.vector_store %arg13[%swap3A_434], %swap3A_437 {strides = array<i32>} : memref<128xi32, #tpu.memory_space<vmem>>, vector<16xi32>,
        %get3A_438 = arith.index_cast %scan3A_243 : i32 to index
        %get3A_439 = arith.constant 32 : index
        %get3A_440 = tpu.vector_load %arg6[%get3A_438, %get3A_439] {strides = array<i32>} : memref<40x128xi32, #tpu.memory_space<vmem>>, vector<1x16xi32>,
        %get3A_441 = vector.shape_cast %get3A_440 : vector<1x16xi32> to vector<16xi32>
        %add3A_442 = vector.broadcast %mul3A_28 : i32 to vector<16xi32>
        %add3A_443 = arith.addi %get3A_441, %add3A_442 : vector<16xi32>
        %swap3A_444 = arith.constant 32 : index
        %swap3A_445 = tpu.vector_load %arg10[%swap3A_444] {strides = array<i32>} : memref<128xi32, #tpu.memory_space<vmem>>, vector<16xi32>,
        %swap3A_446 = vector.shape_cast %swap3A_445 : vector<16xi32> to vector<16xi32>
        %swap3A_447 = vector.shape_cast %add3A_443 : vector<16xi32> to vector<16xi32>
        tpu.vector_store %arg10[%swap3A_444], %swap3A_447 {strides = array<i32>} : memref<128xi32, #tpu.memory_space<vmem>>, vector<16xi32>,
        %get3A_448 = arith.index_cast %scan3A_243 : i32 to index
        %get3A_449 = arith.constant 32 : index
        %get3A_450 = tpu.vector_load %arg7[%get3A_448, %get3A_449] {strides = array<i32>} : memref<40x128xi32, #tpu.memory_space<vmem>>, vector<1x16xi32>,
        %get3A_451 = vector.shape_cast %get3A_450 : vector<1x16xi32> to vector<16xi32>
        %swap3A_452 = arith.constant 32 : index
        %swap3A_453 = tpu.vector_load %arg13[%swap3A_452] {strides = array<i32>} : memref<128xi32, #tpu.memory_space<vmem>>, vector<16xi32>,
        %swap3A_454 = vector.shape_cast %swap3A_453 : vector<16xi32> to vector<16xi32>
        %swap3A_455 = vector.shape_cast %get3A_451 : vector<16xi32> to vector<16xi32>
        tpu.vector_store %arg13[%swap3A_452], %swap3A_455 {strides = array<i32>} : memref<128xi32, #tpu.memory_space<vmem>>, vector<16xi32>,
        %get3A_456 = arith.index_cast %scan3A_243 : i32 to index
        %get3A_457 = arith.constant 48 : index
        %get3A_458 = tpu.vector_load %arg6[%get3A_456, %get3A_457] {strides = array<i32>} : memref<40x128xi32, #tpu.memory_space<vmem>>, vector<1x16xi32>,
        %get3A_459 = vector.shape_cast %get3A_458 : vector<1x16xi32> to vector<16xi32>
        %add3A_460 = vector.broadcast %mul3A_28 : i32 to vector<16xi32>
        %add3A_461 = arith.addi %get3A_459, %add3A_460 : vector<16xi32>
        %swap3A_462 = arith.constant 48 : index
        %swap3A_463 = tpu.vector_load %arg10[%swap3A_462] {strides = array<i32>} : memref<128xi32, #tpu.memory_space<vmem>>, vector<16xi32>,
        %swap3A_464 = vector.shape_cast %swap3A_463 : vector<16xi32> to vector<16xi32>
        %swap3A_465 = vector.shape_cast %add3A_461 : vector<16xi32> to vector<16xi32>
        tpu.vector_store %arg10[%swap3A_462], %swap3A_465 {strides = array<i32>} : memref<128xi32, #tpu.memory_space<vmem>>, vector<16xi32>,
        %get3A_466 = arith.index_cast %scan3A_243 : i32 to index
        %get3A_467 = arith.constant 48 : index
        %get3A_468 = tpu.vector_load %arg7[%get3A_466, %get3A_467] {strides = array<i32>} : memref<40x128xi32, #tpu.memory_space<vmem>>, vector<1x16xi32>,
        %get3A_469 = vector.shape_cast %get3A_468 : vector<1x16xi32> to vector<16xi32>
        %swap3A_470 = arith.constant 48 : index
        %swap3A_471 = tpu.vector_load %arg13[%swap3A_470] {strides = array<i32>} : memref<128xi32, #tpu.memory_space<vmem>>, vector<16xi32>,
        %swap3A_472 = vector.shape_cast %swap3A_471 : vector<16xi32> to vector<16xi32>
        %swap3A_473 = vector.shape_cast %get3A_469 : vector<16xi32> to vector<16xi32>
        tpu.vector_store %arg13[%swap3A_470], %swap3A_473 {strides = array<i32>} : memref<128xi32, #tpu.memory_space<vmem>>, vector<16xi32>,
        %get3A_474 = arith.index_cast %scan3A_243 : i32 to index
        %get3A_475 = arith.constant 64 : index
        %get3A_476 = tpu.vector_load %arg6[%get3A_474, %get3A_475] {strides = array<i32>} : memref<40x128xi32, #tpu.memory_space<vmem>>, vector<1x16xi32>,
        %get3A_477 = vector.shape_cast %get3A_476 : vector<1x16xi32> to vector<16xi32>
        %add3A_478 = vector.broadcast %mul3A_28 : i32 to vector<16xi32>
        %add3A_479 = arith.addi %get3A_477, %add3A_478 : vector<16xi32>
        %swap3A_480 = arith.constant 64 : index
        %swap3A_481 = tpu.vector_load %arg10[%swap3A_480] {strides = array<i32>} : memref<128xi32, #tpu.memory_space<vmem>>, vector<16xi32>,
        %swap3A_482 = vector.shape_cast %swap3A_481 : vector<16xi32> to vector<16xi32>
        %swap3A_483 = vector.shape_cast %add3A_479 : vector<16xi32> to vector<16xi32>
        tpu.vector_store %arg10[%swap3A_480], %swap3A_483 {strides = array<i32>} : memref<128xi32, #tpu.memory_space<vmem>>, vector<16xi32>,
        %get3A_484 = arith.index_cast %scan3A_243 : i32 to index
        %get3A_485 = arith.constant 64 : index
        %get3A_486 = tpu.vector_load %arg7[%get3A_484, %get3A_485] {strides = array<i32>} : memref<40x128xi32, #tpu.memory_space<vmem>>, vector<1x16xi32>,
        %get3A_487 = vector.shape_cast %get3A_486 : vector<1x16xi32> to vector<16xi32>
        %swap3A_488 = arith.constant 64 : index
        %swap3A_489 = tpu.vector_load %arg13[%swap3A_488] {strides = array<i32>} : memref<128xi32, #tpu.memory_space<vmem>>, vector<16xi32>,
        %swap3A_490 = vector.shape_cast %swap3A_489 : vector<16xi32> to vector<16xi32>
        %swap3A_491 = vector.shape_cast %get3A_487 : vector<16xi32> to vector<16xi32>
        tpu.vector_store %arg13[%swap3A_488], %swap3A_491 {strides = array<i32>} : memref<128xi32, #tpu.memory_space<vmem>>, vector<16xi32>,
        %get3A_492 = arith.index_cast %scan3A_243 : i32 to index
        %get3A_493 = arith.constant 80 : index
        %get3A_494 = tpu.vector_load %arg6[%get3A_492, %get3A_493] {strides = array<i32>} : memref<40x128xi32, #tpu.memory_space<vmem>>, vector<1x16xi32>,
        %get3A_495 = vector.shape_cast %get3A_494 : vector<1x16xi32> to vector<16xi32>
        %add3A_496 = vector.broadcast %mul3A_28 : i32 to vector<16xi32>
        %add3A_497 = arith.addi %get3A_495, %add3A_496 : vector<16xi32>
        %swap3A_498 = arith.constant 80 : index
        %swap3A_499 = tpu.vector_load %arg10[%swap3A_498] {strides = array<i32>} : memref<128xi32, #tpu.memory_space<vmem>>, vector<16xi32>,
        %swap3A_500 = vector.shape_cast %swap3A_499 : vector<16xi32> to vector<16xi32>
        %swap3A_501 = vector.shape_cast %add3A_497 : vector<16xi32> to vector<16xi32>
        tpu.vector_store %arg10[%swap3A_498], %swap3A_501 {strides = array<i32>} : memref<128xi32, #tpu.memory_space<vmem>>, vector<16xi32>,
        %get3A_502 = arith.index_cast %scan3A_243 : i32 to index
        %get3A_503 = arith.constant 80 : index
        %get3A_504 = tpu.vector_load %arg7[%get3A_502, %get3A_503] {strides = array<i32>} : memref<40x128xi32, #tpu.memory_space<vmem>>, vector<1x16xi32>,
        %get3A_505 = vector.shape_cast %get3A_504 : vector<1x16xi32> to vector<16xi32>
        %swap3A_506 = arith.constant 80 : index
        %swap3A_507 = tpu.vector_load %arg13[%swap3A_506] {strides = array<i32>} : memref<128xi32, #tpu.memory_space<vmem>>, vector<16xi32>,
        %swap3A_508 = vector.shape_cast %swap3A_507 : vector<16xi32> to vector<16xi32>
        %swap3A_509 = vector.shape_cast %get3A_505 : vector<16xi32> to vector<16xi32>
        tpu.vector_store %arg13[%swap3A_506], %swap3A_509 {strides = array<i32>} : memref<128xi32, #tpu.memory_space<vmem>>, vector<16xi32>,
        %get3A_510 = arith.index_cast %scan3A_243 : i32 to index
        %get3A_511 = arith.constant 96 : index
        %get3A_512 = tpu.vector_load %arg6[%get3A_510, %get3A_511] {strides = array<i32>} : memref<40x128xi32, #tpu.memory_space<vmem>>, vector<1x16xi32>,
        %get3A_513 = vector.shape_cast %get3A_512 : vector<1x16xi32> to vector<16xi32>
        %add3A_514 = vector.broadcast %mul3A_28 : i32 to vector<16xi32>
        %add3A_515 = arith.addi %get3A_513, %add3A_514 : vector<16xi32>
        %swap3A_516 = arith.constant 96 : index
        %swap3A_517 = tpu.vector_load %arg10[%swap3A_516] {strides = array<i32>} : memref<128xi32, #tpu.memory_space<vmem>>, vector<16xi32>,
        %swap3A_518 = vector.shape_cast %swap3A_517 : vector<16xi32> to vector<16xi32>
        %swap3A_519 = vector.shape_cast %add3A_515 : vector<16xi32> to vector<16xi32>
        tpu.vector_store %arg10[%swap3A_516], %swap3A_519 {strides = array<i32>} : memref<128xi32, #tpu.memory_space<vmem>>, vector<16xi32>,
        %get3A_520 = arith.index_cast %scan3A_243 : i32 to index
        %get3A_521 = arith.constant 96 : index
        %get3A_522 = tpu.vector_load %arg7[%get3A_520, %get3A_521] {strides = array<i32>} : memref<40x128xi32, #tpu.memory_space<vmem>>, vector<1x16xi32>,
        %get3A_523 = vector.shape_cast %get3A_522 : vector<1x16xi32> to vector<16xi32>
        %swap3A_524 = arith.constant 96 : index
        %swap3A_525 = tpu.vector_load %arg13[%swap3A_524] {strides = array<i32>} : memref<128xi32, #tpu.memory_space<vmem>>, vector<16xi32>,
        %swap3A_526 = vector.shape_cast %swap3A_525 : vector<16xi32> to vector<16xi32>
        %swap3A_527 = vector.shape_cast %get3A_523 : vector<16xi32> to vector<16xi32>
        tpu.vector_store %arg13[%swap3A_524], %swap3A_527 {strides = array<i32>} : memref<128xi32, #tpu.memory_space<vmem>>, vector<16xi32>,
        %get3A_528 = arith.index_cast %scan3A_243 : i32 to index
        %get3A_529 = arith.constant 112 : index
        %get3A_530 = tpu.vector_load %arg6[%get3A_528, %get3A_529] {strides = array<i32>} : memref<40x128xi32, #tpu.memory_space<vmem>>, vector<1x16xi32>,
        %get3A_531 = vector.shape_cast %get3A_530 : vector<1x16xi32> to vector<16xi32>
        %add3A_532 = vector.broadcast %mul3A_28 : i32 to vector<16xi32>
        %add3A_533 = arith.addi %get3A_531, %add3A_532 : vector<16xi32>
        %swap3A_534 = arith.constant 112 : index
        %swap3A_535 = tpu.vector_load %arg10[%swap3A_534] {strides = array<i32>} : memref<128xi32, #tpu.memory_space<vmem>>, vector<16xi32>,
        %swap3A_536 = vector.shape_cast %swap3A_535 : vector<16xi32> to vector<16xi32>
        %swap3A_537 = vector.shape_cast %add3A_533 : vector<16xi32> to vector<16xi32>
        tpu.vector_store %arg10[%swap3A_534], %swap3A_537 {strides = array<i32>} : memref<128xi32, #tpu.memory_space<vmem>>, vector<16xi32>,
        %get3A_538 = arith.index_cast %scan3A_243 : i32 to index
        %get3A_539 = arith.constant 112 : index
        %get3A_540 = tpu.vector_load %arg7[%get3A_538, %get3A_539] {strides = array<i32>} : memref<40x128xi32, #tpu.memory_space<vmem>>, vector<1x16xi32>,
        %get3A_541 = vector.shape_cast %get3A_540 : vector<1x16xi32> to vector<16xi32>
        %swap3A_542 = arith.constant 112 : index
        %swap3A_543 = tpu.vector_load %arg13[%swap3A_542] {strides = array<i32>} : memref<128xi32, #tpu.memory_space<vmem>>, vector<16xi32>,
        %swap3A_544 = vector.shape_cast %swap3A_543 : vector<16xi32> to vector<16xi32>
        %swap3A_545 = vector.shape_cast %get3A_541 : vector<16xi32> to vector<16xi32>
        tpu.vector_store %arg13[%swap3A_542], %swap3A_545 {strides = array<i32>} : memref<128xi32, #tpu.memory_space<vmem>>, vector<16xi32>,
        %dma_start3A = arith.constant 0 : i32
        %dma_start3A_546 = arith.constant 0 : i32
        %dma_start3A_547 = tpu.memref_slice %arg2[%dma_start3A, %dma_start3A_546] : memref<20000x64xf32, #tpu.memory_space<hbm>> -> memref<20000x64xf32, #tpu.memory_space<hbm>>
        tpu.enqueue_indirect_dma source(%dma_start3A_547 : memref<20000x64xf32, #tpu.memory_space<hbm>>) target(%arg16 : memref<128x64xf32, #tpu.memory_space<vmem>>) offsets(%arg10 : memref<128xi32, #tpu.memory_space<vmem>>) semaphore(%arg26 : memref<!tpu.dma_semaphore, #tpu.memory_space<semaphore_mem>>)
      } else {
      }
      %ge3A = arith.constant 2 : i32
      %ge3A_313 = arith.cmpi sge, %scan3A_243, %ge3A : i32
      %lt3A_314 = arith.constant 42 : i32
      %lt3A_315 = arith.cmpi slt, %scan3A_243, %lt3A_314 : i32
      %and3A_316 = arith.andi %ge3A_313, %lt3A_315 : i1
      %sub3A_317 = arith.constant 2 : i32
      %sub3A_318 = arith.subi %scan3A_243, %sub3A_317 : i32
      %jit3A_319 = arith.constant 3 : i32
      %eq3A_320 = arith.constant 0 : i32
      %eq3A_321 = arith.cmpi eq, %jit3A_319, %eq3A_320 : i32
      %jit3A_322 = arith.constant 1 : i32
      %select_n3A_323 = arith.select %eq3A_321, %jit3A_322, %jit3A_319 : i32
      %rem3A_324 = arith.remsi %sub3A_318, %select_n3A_323 : i32
      %ne3A_325 = arith.constant 0 : i32
      %ne3A_326 = arith.cmpi ne, %rem3A_324, %ne3A_325 : i32
      %lt3A_327 = arith.constant 0 : i32
      %lt3A_328 = arith.cmpi slt, %rem3A_324, %lt3A_327 : i32
      %lt3A_329 = arith.constant 0 : i32
      %lt3A_330 = arith.cmpi slt, %select_n3A_323, %lt3A_329 : i32
      %ne3A_331 = arith.xori %lt3A_328, %lt3A_330 : i1
      %and3A_332 = arith.andi %ne3A_331, %ne3A_326 : i1
      %add3A_333 = arith.addi %rem3A_324, %select_n3A_323 : i32
      %select_n3A_334 = arith.select %and3A_332, %add3A_333, %rem3A_324 : i32
      %eq3A_335 = arith.constant 0 : i32
      %eq3A_336 = arith.cmpi eq, %select_n3A_334, %eq3A_335 : i32
      %and3A_337 = arith.andi %and3A_316, %eq3A_336 : i1
      %convert_element_type3A_338 = arith.extui %and3A_337 : i1 to i32
      %cond3A_339 = arith.constant 0 : i32
      %cond3A_340 = arith.cmpi ne, %convert_element_type3A_338, %cond3A_339 : i32
      scf.if %cond3A_340 {
        %dma_wait3A_399 = arith.constant 0 : i32
        %dma_wait3A_400 = arith.constant 0 : i32
        %dma_wait3A_401 = tpu.memref_slice %arg2[%dma_wait3A_399, %dma_wait3A_400] : memref<20000x64xf32, #tpu.memory_space<hbm>> -> memref<20000x64xf32, #tpu.memory_space<hbm>>
        tpu.wait_indirect_dma semaphore(%arg24 : memref<!tpu.dma_semaphore, #tpu.memory_space<semaphore_mem>>) src(%dma_wait3A_401 : memref<20000x64xf32, #tpu.memory_space<hbm>>) dst(%arg14 : memref<128x64xf32, #tpu.memory_space<vmem>>)
        %dma_start3A = arith.constant 0 : i32
        %dma_start3A_402 = arith.constant 0 : i32
        %dma_start3A_403 = tpu.memref_slice %arg22[%dma_start3A, %dma_start3A_402] : memref<10008x64xf32, #tpu.memory_space<vmem_shared>> -> memref<10008x64xf32, #tpu.memory_space<vmem_shared>>
        tpu.enqueue_indirect_dma source(%arg14 : memref<128x64xf32, #tpu.memory_space<vmem>>) target(%dma_start3A_403 : memref<10008x64xf32, #tpu.memory_space<vmem_shared>>) offsets(%arg11 : memref<128xi32, #tpu.memory_space<vmem>>) semaphore(%arg30 : memref<!tpu.dma_semaphore, #tpu.memory_space<semaphore_mem>>) {add = true}
        %eq3A_404 = arith.constant 0 : i32
        %eq3A_405 = arith.cmpi eq, %arg0, %eq3A_404 : i32
        %convert_element_type3A_406 = arith.extui %eq3A_405 : i1 to i32
        %cond3A_407 = arith.constant 0 : i32
        %cond3A_408 = arith.cmpi ne, %convert_element_type3A_406, %cond3A_407 : i32
        scf.if %cond3A_408 {
          %dma_start3A_409 = arith.constant 0 : i32
          %dma_start3A_410 = arith.constant 0 : i32
          %dma_start3A_411 = tpu.memref_slice %arg23[%dma_start3A_409, %dma_start3A_410] : memref<10008x16xf32, #tpu.memory_space<vmem_shared>> -> memref<10008x16xf32, #tpu.memory_space<vmem_shared>>
          tpu.enqueue_indirect_dma source(%arg17 : memref<128x16xf32, #tpu.memory_space<vmem>>) target(%dma_start3A_411 : memref<10008x16xf32, #tpu.memory_space<vmem_shared>>) offsets(%arg11 : memref<128xi32, #tpu.memory_space<vmem>>) semaphore(%arg27 : memref<!tpu.dma_semaphore, #tpu.memory_space<semaphore_mem>>) {add = true}
        } else {
        }
      } else {
      }
      %ge3A_341 = arith.constant 2 : i32
      %ge3A_342 = arith.cmpi sge, %scan3A_243, %ge3A_341 : i32
      %lt3A_343 = arith.constant 42 : i32
      %lt3A_344 = arith.cmpi slt, %scan3A_243, %lt3A_343 : i32
      %and3A_345 = arith.andi %ge3A_342, %lt3A_344 : i1
      %sub3A_346 = arith.constant 2 : i32
      %sub3A_347 = arith.subi %scan3A_243, %sub3A_346 : i32
      %jit3A_348 = arith.constant 3 : i32
      %eq3A_349 = arith.constant 0 : i32
      %eq3A_350 = arith.cmpi eq, %jit3A_348, %eq3A_349 : i32
      %jit3A_351 = arith.constant 1 : i32
      %select_n3A_352 = arith.select %eq3A_350, %jit3A_351, %jit3A_348 : i32
      %rem3A_353 = arith.remsi %sub3A_347, %select_n3A_352 : i32
      %ne3A_354 = arith.constant 0 : i32
      %ne3A_355 = arith.cmpi ne, %rem3A_353, %ne3A_354 : i32
      %lt3A_356 = arith.constant 0 : i32
      %lt3A_357 = arith.cmpi slt, %rem3A_353, %lt3A_356 : i32
      %lt3A_358 = arith.constant 0 : i32
      %lt3A_359 = arith.cmpi slt, %select_n3A_352, %lt3A_358 : i32
      %ne3A_360 = arith.xori %lt3A_357, %lt3A_359 : i1
      %and3A_361 = arith.andi %ne3A_360, %ne3A_355 : i1
      %add3A_362 = arith.addi %rem3A_353, %select_n3A_352 : i32
      %select_n3A_363 = arith.select %and3A_361, %add3A_362, %rem3A_353 : i32
      %eq3A_364 = arith.constant 1 : i32
      %eq3A_365 = arith.cmpi eq, %select_n3A_363, %eq3A_364 : i32
      %and3A_366 = arith.andi %and3A_345, %eq3A_365 : i1
      %convert_element_type3A_367 = arith.extui %and3A_366 : i1 to i32
      %cond3A_368 = arith.constant 0 : i32
      %cond3A_369 = arith.cmpi ne, %convert_element_type3A_367, %cond3A_368 : i32
      scf.if %cond3A_369 {
        %dma_wait3A_399 = arith.constant 0 : i32
        %dma_wait3A_400 = arith.constant 0 : i32
        %dma_wait3A_401 = tpu.memref_slice %arg2[%dma_wait3A_399, %dma_wait3A_400] : memref<20000x64xf32, #tpu.memory_space<hbm>> -> memref<20000x64xf32, #tpu.memory_space<hbm>>
        tpu.wait_indirect_dma semaphore(%arg25 : memref<!tpu.dma_semaphore, #tpu.memory_space<semaphore_mem>>) src(%dma_wait3A_401 : memref<20000x64xf32, #tpu.memory_space<hbm>>) dst(%arg15 : memref<128x64xf32, #tpu.memory_space<vmem>>)
        %dma_start3A = arith.constant 0 : i32
        %dma_start3A_402 = arith.constant 0 : i32
        %dma_start3A_403 = tpu.memref_slice %arg22[%dma_start3A, %dma_start3A_402] : memref<10008x64xf32, #tpu.memory_space<vmem_shared>> -> memref<10008x64xf32, #tpu.memory_space<vmem_shared>>
        tpu.enqueue_indirect_dma source(%arg15 : memref<128x64xf32, #tpu.memory_space<vmem>>) target(%dma_start3A_403 : memref<10008x64xf32, #tpu.memory_space<vmem_shared>>) offsets(%arg12 : memref<128xi32, #tpu.memory_space<vmem>>) semaphore(%arg31 : memref<!tpu.dma_semaphore, #tpu.memory_space<semaphore_mem>>) {add = true}
        %eq3A_404 = arith.constant 0 : i32
        %eq3A_405 = arith.cmpi eq, %arg0, %eq3A_404 : i32
        %convert_element_type3A_406 = arith.extui %eq3A_405 : i1 to i32
        %cond3A_407 = arith.constant 0 : i32
        %cond3A_408 = arith.cmpi ne, %convert_element_type3A_406, %cond3A_407 : i32
        scf.if %cond3A_408 {
          %dma_start3A_409 = arith.constant 0 : i32
          %dma_start3A_410 = arith.constant 0 : i32
          %dma_start3A_411 = tpu.memref_slice %arg23[%dma_start3A_409, %dma_start3A_410] : memref<10008x16xf32, #tpu.memory_space<vmem_shared>> -> memref<10008x16xf32, #tpu.memory_space<vmem_shared>>
          tpu.enqueue_indirect_dma source(%arg17 : memref<128x16xf32, #tpu.memory_space<vmem>>) target(%dma_start3A_411 : memref<10008x16xf32, #tpu.memory_space<vmem_shared>>) offsets(%arg12 : memref<128xi32, #tpu.memory_space<vmem>>) semaphore(%arg28 : memref<!tpu.dma_semaphore, #tpu.memory_space<semaphore_mem>>) {add = true}
        } else {
        }
      } else {
      }
      %ge3A_370 = arith.constant 2 : i32
      %ge3A_371 = arith.cmpi sge, %scan3A_243, %ge3A_370 : i32
      %lt3A_372 = arith.constant 42 : i32
      %lt3A_373 = arith.cmpi slt, %scan3A_243, %lt3A_372 : i32
      %and3A_374 = arith.andi %ge3A_371, %lt3A_373 : i1
      %sub3A_375 = arith.constant 2 : i32
      %sub3A_376 = arith.subi %scan3A_243, %sub3A_375 : i32
      %jit3A_377 = arith.constant 3 : i32
      %eq3A_378 = arith.constant 0 : i32
      %eq3A_379 = arith.cmpi eq, %jit3A_377, %eq3A_378 : i32
      %jit3A_380 = arith.constant 1 : i32
      %select_n3A_381 = arith.select %eq3A_379, %jit3A_380, %jit3A_377 : i32
      %rem3A_382 = arith.remsi %sub3A_376, %select_n3A_381 : i32
      %ne3A_383 = arith.constant 0 : i32
      %ne3A_384 = arith.cmpi ne, %rem3A_382, %ne3A_383 : i32
      %lt3A_385 = arith.constant 0 : i32
      %lt3A_386 = arith.cmpi slt, %rem3A_382, %lt3A_385 : i32
      %lt3A_387 = arith.constant 0 : i32
      %lt3A_388 = arith.cmpi slt, %select_n3A_381, %lt3A_387 : i32
      %ne3A_389 = arith.xori %lt3A_386, %lt3A_388 : i1
      %and3A_390 = arith.andi %ne3A_389, %ne3A_384 : i1
      %add3A_391 = arith.addi %rem3A_382, %select_n3A_381 : i32
      %select_n3A_392 = arith.select %and3A_390, %add3A_391, %rem3A_382 : i32
      %eq3A_393 = arith.constant 2 : i32
      %eq3A_394 = arith.cmpi eq, %select_n3A_392, %eq3A_393 : i32
      %and3A_395 = arith.andi %and3A_374, %eq3A_394 : i1
      %convert_element_type3A_396 = arith.extui %and3A_395 : i1 to i32
      %cond3A_397 = arith.constant 0 : i32
      %cond3A_398 = arith.cmpi ne, %convert_element_type3A_396, %cond3A_397 : i32
      scf.if %cond3A_398 {
        %dma_wait3A_399 = arith.constant 0 : i32
        %dma_wait3A_400 = arith.constant 0 : i32
        %dma_wait3A_401 = tpu.memref_slice %arg2[%dma_wait3A_399, %dma_wait3A_400] : memref<20000x64xf32, #tpu.memory_space<hbm>> -> memref<20000x64xf32, #tpu.memory_space<hbm>>
        tpu.wait_indirect_dma semaphore(%arg26 : memref<!tpu.dma_semaphore, #tpu.memory_space<semaphore_mem>>) src(%dma_wait3A_401 : memref<20000x64xf32, #tpu.memory_space<hbm>>) dst(%arg16 : memref<128x64xf32, #tpu.memory_space<vmem>>)
        %dma_start3A = arith.constant 0 : i32
        %dma_start3A_402 = arith.constant 0 : i32
        %dma_start3A_403 = tpu.memref_slice %arg22[%dma_start3A, %dma_start3A_402] : memref<10008x64xf32, #tpu.memory_space<vmem_shared>> -> memref<10008x64xf32, #tpu.memory_space<vmem_shared>>
        tpu.enqueue_indirect_dma source(%arg16 : memref<128x64xf32, #tpu.memory_space<vmem>>) target(%dma_start3A_403 : memref<10008x64xf32, #tpu.memory_space<vmem_shared>>) offsets(%arg13 : memref<128xi32, #tpu.memory_space<vmem>>) semaphore(%arg32 : memref<!tpu.dma_semaphore, #tpu.memory_space<semaphore_mem>>) {add = true}
        %eq3A_404 = arith.constant 0 : i32
        %eq3A_405 = arith.cmpi eq, %arg0, %eq3A_404 : i32
        %convert_element_type3A_406 = arith.extui %eq3A_405 : i1 to i32
        %cond3A_407 = arith.constant 0 : i32
        %cond3A_408 = arith.cmpi ne, %convert_element_type3A_406, %cond3A_407 : i32
        scf.if %cond3A_408 {
          %dma_start3A_409 = arith.constant 0 : i32
          %dma_start3A_410 = arith.constant 0 : i32
          %dma_start3A_411 = tpu.memref_slice %arg23[%dma_start3A_409, %dma_start3A_410] : memref<10008x16xf32, #tpu.memory_space<vmem_shared>> -> memref<10008x16xf32, #tpu.memory_space<vmem_shared>>
          tpu.enqueue_indirect_dma source(%arg17 : memref<128x16xf32, #tpu.memory_space<vmem>>) target(%dma_start3A_411 : memref<10008x16xf32, #tpu.memory_space<vmem_shared>>) offsets(%arg13 : memref<128xi32, #tpu.memory_space<vmem>>) semaphore(%arg29 : memref<!tpu.dma_semaphore, #tpu.memory_space<semaphore_mem>>) {add = true}
        } else {
        }
      } else {
      }
    }
    %scan3A_210 = arith.constant 42 : i32
    %dma_wait3A_211 = arith.constant 0 : i32
    %dma_wait3A_212 = arith.constant 0 : i32
    %dma_wait3A_213 = tpu.memref_slice %arg22[%dma_wait3A_211, %dma_wait3A_212] : memref<10008x64xf32, #tpu.memory_space<vmem_shared>> -> memref<10008x64xf32, #tpu.memory_space<vmem_shared>>
    tpu.wait_indirect_dma semaphore(%arg30 : memref<!tpu.dma_semaphore, #tpu.memory_space<semaphore_mem>>) src(%arg14 : memref<128x64xf32, #tpu.memory_space<vmem>>) dst(%dma_wait3A_213 : memref<10008x64xf32, #tpu.memory_space<vmem_shared>>)
    %eq3A_214 = arith.constant 0 : i32
    %eq3A_215 = arith.cmpi eq, %arg0, %eq3A_214 : i32
    %convert_element_type3A_216 = arith.extui %eq3A_215 : i1 to i32
    %cond3A_217 = arith.constant 0 : i32
    %cond3A_218 = arith.cmpi ne, %convert_element_type3A_216, %cond3A_217 : i32
    scf.if %cond3A_218 {
      %dma_wait3A_243 = arith.constant 0 : i32
      %dma_wait3A_244 = arith.constant 0 : i32
      %dma_wait3A_245 = tpu.memref_slice %arg23[%dma_wait3A_243, %dma_wait3A_244] : memref<10008x16xf32, #tpu.memory_space<vmem_shared>> -> memref<10008x16xf32, #tpu.memory_space<vmem_shared>>
      tpu.wait_indirect_dma semaphore(%arg27 : memref<!tpu.dma_semaphore, #tpu.memory_space<semaphore_mem>>) src(%arg17 : memref<128x16xf32, #tpu.memory_space<vmem>>) dst(%dma_wait3A_245 : memref<10008x16xf32, #tpu.memory_space<vmem_shared>>)
    } else {
    }
    %dma_wait3A_219 = arith.constant 0 : i32
    %dma_wait3A_220 = arith.constant 0 : i32
    %dma_wait3A_221 = tpu.memref_slice %arg22[%dma_wait3A_219, %dma_wait3A_220] : memref<10008x64xf32, #tpu.memory_space<vmem_shared>> -> memref<10008x64xf32, #tpu.memory_space<vmem_shared>>
    tpu.wait_indirect_dma semaphore(%arg31 : memref<!tpu.dma_semaphore, #tpu.memory_space<semaphore_mem>>) src(%arg15 : memref<128x64xf32, #tpu.memory_space<vmem>>) dst(%dma_wait3A_221 : memref<10008x64xf32, #tpu.memory_space<vmem_shared>>)
    %eq3A_222 = arith.constant 0 : i32
    %eq3A_223 = arith.cmpi eq, %arg0, %eq3A_222 : i32
    %convert_element_type3A_224 = arith.extui %eq3A_223 : i1 to i32
    %cond3A_225 = arith.constant 0 : i32
    %cond3A_226 = arith.cmpi ne, %convert_element_type3A_224, %cond3A_225 : i32
    scf.if %cond3A_226 {
      %dma_wait3A_243 = arith.constant 0 : i32
      %dma_wait3A_244 = arith.constant 0 : i32
      %dma_wait3A_245 = tpu.memref_slice %arg23[%dma_wait3A_243, %dma_wait3A_244] : memref<10008x16xf32, #tpu.memory_space<vmem_shared>> -> memref<10008x16xf32, #tpu.memory_space<vmem_shared>>
      tpu.wait_indirect_dma semaphore(%arg28 : memref<!tpu.dma_semaphore, #tpu.memory_space<semaphore_mem>>) src(%arg17 : memref<128x16xf32, #tpu.memory_space<vmem>>) dst(%dma_wait3A_245 : memref<10008x16xf32, #tpu.memory_space<vmem_shared>>)
    } else {
    }
    %dma_wait3A_227 = arith.constant 0 : i32
    %dma_wait3A_228 = arith.constant 0 : i32
    %dma_wait3A_229 = tpu.memref_slice %arg22[%dma_wait3A_227, %dma_wait3A_228] : memref<10008x64xf32, #tpu.memory_space<vmem_shared>> -> memref<10008x64xf32, #tpu.memory_space<vmem_shared>>
    tpu.wait_indirect_dma semaphore(%arg32 : memref<!tpu.dma_semaphore, #tpu.memory_space<semaphore_mem>>) src(%arg16 : memref<128x64xf32, #tpu.memory_space<vmem>>) dst(%dma_wait3A_229 : memref<10008x64xf32, #tpu.memory_space<vmem_shared>>)
    %eq3A_230 = arith.constant 0 : i32
    %eq3A_231 = arith.cmpi eq, %arg0, %eq3A_230 : i32
    %convert_element_type3A_232 = arith.extui %eq3A_231 : i1 to i32
    %cond3A_233 = arith.constant 0 : i32
    %cond3A_234 = arith.cmpi ne, %convert_element_type3A_232, %cond3A_233 : i32
    scf.if %cond3A_234 {
      %dma_wait3A_243 = arith.constant 0 : i32
      %dma_wait3A_244 = arith.constant 0 : i32
      %dma_wait3A_245 = tpu.memref_slice %arg23[%dma_wait3A_243, %dma_wait3A_244] : memref<10008x16xf32, #tpu.memory_space<vmem_shared>> -> memref<10008x16xf32, #tpu.memory_space<vmem_shared>>
      tpu.wait_indirect_dma semaphore(%arg29 : memref<!tpu.dma_semaphore, #tpu.memory_space<semaphore_mem>>) src(%arg17 : memref<128x16xf32, #tpu.memory_space<vmem>>) dst(%dma_wait3A_245 : memref<10008x16xf32, #tpu.memory_space<vmem_shared>>)
    } else {
    }
    %barrier3A_235 = arith.constant 0 : index
    tpu.barrier barrier_id(%barrier3A_235)
    %scan3A_236 = arith.constant 0 : i32
    %scan3A_237 = arith.constant 0 : i32
    %scan3A_238 = arith.constant 16 : i32
    %scan3A_239 = arith.addi %scan3A_237, %scan3A_238 : i32
    %scan3A_240 = arith.constant 1 : i32
    scf.for %scan3A_243 = %scan3A_237 to %scan3A_239 step %scan3A_240  : i32 {
      %lt3A_244 = arith.cmpi slt, %scan3A_243, %select_n3A_26 : i32
      %convert_element_type3A_245 = arith.extui %lt3A_244 : i1 to i32
      %cond3A_246 = arith.constant 0 : i32
      %cond3A_247 = arith.cmpi ne, %convert_element_type3A_245, %cond3A_246 : i32
      scf.if %cond3A_247 {
        %mul3A_248 = arith.constant 40 : i32
        %mul3A_249 = arith.muli %scan3A_243, %mul3A_248 : i32
        %add3A_250 = arith.addi %select_n3A, %mul3A_249 : i32
        "tpu.region"() ({
          %run_scoped3A_256 = tpu.sem_alloc : memref<!tpu.dma_semaphore, #tpu.memory_space<semaphore_mem>>
          %dma_start3A = arith.constant 0 : i32
          %dma_start3A_257 = tpu.memref_slice %arg22[%add3A_250, %dma_start3A] : memref<10008x64xf32, #tpu.memory_space<vmem_shared>> -> memref<40x64xf32, #tpu.memory_space<vmem_shared>>
          %dma_start3A_258 = arith.constant 0 : i32
          %dma_start3A_259 = tpu.memref_slice %arg22[%add3A_250, %dma_start3A_258] : memref<10008x64xf32, #tpu.memory_space<vmem_shared>> -> memref<40x64xf32, #tpu.memory_space<vmem_shared>>
          tpu.enqueue_dma source(%dma_start3A_259 : memref<40x64xf32, #tpu.memory_space<vmem_shared>>) target(%arg20 : memref<40x64xf32, #tpu.memory_space<vmem>>) target_semaphore(%run_scoped3A_256 : memref<!tpu.dma_semaphore, #tpu.memory_space<semaphore_mem>>)
          %dma_wait3A_260 = arith.constant 0 : i32
          %dma_wait3A_261 = tpu.memref_slice %arg22[%add3A_250, %dma_wait3A_260] : memref<10008x64xf32, #tpu.memory_space<vmem_shared>> -> memref<40x64xf32, #tpu.memory_space<vmem_shared>>
          %dma_wait3A_262 = arith.constant 0 : i32
          %dma_wait3A_263 = tpu.memref_slice %arg22[%add3A_250, %dma_wait3A_262] : memref<10008x64xf32, #tpu.memory_space<vmem_shared>> -> memref<40x64xf32, #tpu.memory_space<vmem_shared>>
          tpu.wait_dma2 semaphore(%run_scoped3A_256 : memref<!tpu.dma_semaphore, #tpu.memory_space<semaphore_mem>>) src(%dma_wait3A_263 : memref<40x64xf32, #tpu.memory_space<vmem_shared>>) dst(%arg20 : memref<40x64xf32, #tpu.memory_space<vmem>>)
          tpu.yield
        }) : () -> ()
        %run_scoped3A = arith.constant 3 : i32
        "tpu.region"() ({
          %run_scoped3A_256 = tpu.sem_alloc : memref<!tpu.dma_semaphore, #tpu.memory_space<semaphore_mem>>
          %dma_start3A = arith.constant 0 : i32
          %dma_start3A_257 = tpu.memref_slice %arg4[%arg0, %run_scoped3A, %add3A_250, %dma_start3A] : memref<2x4x10000x64xf32, #tpu.memory_space<hbm>> -> memref<1x1x40x64xf32, #tpu.memory_space<hbm>>
          %dma_start3A_258 = tpu.memref_squeeze %dma_start3A_257 : memref<1x1x40x64xf32, #tpu.memory_space<hbm>> -> memref<40x64xf32, #tpu.memory_space<hbm>>
          %dma_start3A_259 = arith.constant 0 : i32
          %dma_start3A_260 = tpu.memref_slice %arg4[%arg0, %run_scoped3A, %add3A_250, %dma_start3A_259] : memref<2x4x10000x64xf32, #tpu.memory_space<hbm>> -> memref<1x1x40x64xf32, #tpu.memory_space<hbm>>
          %dma_start3A_261 = tpu.memref_squeeze %dma_start3A_260 : memref<1x1x40x64xf32, #tpu.memory_space<hbm>> -> memref<40x64xf32, #tpu.memory_space<hbm>>
          tpu.enqueue_dma source(%arg20 : memref<40x64xf32, #tpu.memory_space<vmem>>) target(%dma_start3A_261 : memref<40x64xf32, #tpu.memory_space<hbm>>) target_semaphore(%run_scoped3A_256 : memref<!tpu.dma_semaphore, #tpu.memory_space<semaphore_mem>>)
          %dma_wait3A_262 = arith.constant 0 : i32
          %dma_wait3A_263 = tpu.memref_slice %arg4[%arg0, %run_scoped3A, %add3A_250, %dma_wait3A_262] : memref<2x4x10000x64xf32, #tpu.memory_space<hbm>> -> memref<1x1x40x64xf32, #tpu.memory_space<hbm>>
          %dma_wait3A_264 = tpu.memref_squeeze %dma_wait3A_263 : memref<1x1x40x64xf32, #tpu.memory_space<hbm>> -> memref<40x64xf32, #tpu.memory_space<hbm>>
          %dma_wait3A_265 = arith.constant 0 : i32
          %dma_wait3A_266 = tpu.memref_slice %arg4[%arg0, %run_scoped3A, %add3A_250, %dma_wait3A_265] : memref<2x4x10000x64xf32, #tpu.memory_space<hbm>> -> memref<1x1x40x64xf32, #tpu.memory_space<hbm>>
          %dma_wait3A_267 = tpu.memref_squeeze %dma_wait3A_266 : memref<1x1x40x64xf32, #tpu.memory_space<hbm>> -> memref<40x64xf32, #tpu.memory_space<hbm>>
          tpu.wait_dma2 semaphore(%run_scoped3A_256 : memref<!tpu.dma_semaphore, #tpu.memory_space<semaphore_mem>>) src(%arg20 : memref<40x64xf32, #tpu.memory_space<vmem>>) dst(%dma_wait3A_267 : memref<40x64xf32, #tpu.memory_space<hbm>>)
          tpu.yield
        }) : () -> ()
        %eq3A_251 = arith.constant 0 : i32
        %eq3A_252 = arith.cmpi eq, %arg0, %eq3A_251 : i32
        %convert_element_type3A_253 = arith.extui %eq3A_252 : i1 to i32
        %cond3A_254 = arith.constant 0 : i32
        %cond3A_255 = arith.cmpi ne, %convert_element_type3A_253, %cond3A_254 : i32
        scf.if %cond3A_255 {
          "tpu.region"() ({
            %run_scoped3A_257 = tpu.sem_alloc : memref<!tpu.dma_semaphore, #tpu.memory_space<semaphore_mem>>
            %dma_start3A = arith.constant 0 : i32
            %dma_start3A_258 = tpu.memref_slice %arg23[%add3A_250, %dma_start3A] : memref<10008x16xf32, #tpu.memory_space<vmem_shared>> -> memref<40x16xf32, #tpu.memory_space<vmem_shared>>
            %dma_start3A_259 = arith.constant 0 : i32
            %dma_start3A_260 = tpu.memref_slice %arg23[%add3A_250, %dma_start3A_259] : memref<10008x16xf32, #tpu.memory_space<vmem_shared>> -> memref<40x16xf32, #tpu.memory_space<vmem_shared>>
            tpu.enqueue_dma source(%dma_start3A_260 : memref<40x16xf32, #tpu.memory_space<vmem_shared>>) target(%arg21 : memref<40x16xf32, #tpu.memory_space<vmem>>) target_semaphore(%run_scoped3A_257 : memref<!tpu.dma_semaphore, #tpu.memory_space<semaphore_mem>>)
            %dma_wait3A_261 = arith.constant 0 : i32
            %dma_wait3A_262 = tpu.memref_slice %arg23[%add3A_250, %dma_wait3A_261] : memref<10008x16xf32, #tpu.memory_space<vmem_shared>> -> memref<40x16xf32, #tpu.memory_space<vmem_shared>>
            %dma_wait3A_263 = arith.constant 0 : i32
            %dma_wait3A_264 = tpu.memref_slice %arg23[%add3A_250, %dma_wait3A_263] : memref<10008x16xf32, #tpu.memory_space<vmem_shared>> -> memref<40x16xf32, #tpu.memory_space<vmem_shared>>
            tpu.wait_dma2 semaphore(%run_scoped3A_257 : memref<!tpu.dma_semaphore, #tpu.memory_space<semaphore_mem>>) src(%dma_wait3A_264 : memref<40x16xf32, #tpu.memory_space<vmem_shared>>) dst(%arg21 : memref<40x16xf32, #tpu.memory_space<vmem>>)
            tpu.yield
          }) : () -> ()
          %run_scoped3A_256 = arith.constant 3 : i32
          "tpu.region"() ({
            %run_scoped3A_257 = tpu.sem_alloc : memref<!tpu.dma_semaphore, #tpu.memory_space<semaphore_mem>>
            %dma_start3A = arith.constant 0 : i32
            %dma_start3A_258 = tpu.memref_slice %arg5[%run_scoped3A_256, %add3A_250, %dma_start3A] : memref<4x10000x16xf32, #tpu.memory_space<hbm>> -> memref<1x40x16xf32, #tpu.memory_space<hbm>>
            %dma_start3A_259 = tpu.memref_squeeze %dma_start3A_258 : memref<1x40x16xf32, #tpu.memory_space<hbm>> -> memref<40x16xf32, #tpu.memory_space<hbm>>
            %dma_start3A_260 = arith.constant 0 : i32
            %dma_start3A_261 = tpu.memref_slice %arg5[%run_scoped3A_256, %add3A_250, %dma_start3A_260] : memref<4x10000x16xf32, #tpu.memory_space<hbm>> -> memref<1x40x16xf32, #tpu.memory_space<hbm>>
            %dma_start3A_262 = tpu.memref_squeeze %dma_start3A_261 : memref<1x40x16xf32, #tpu.memory_space<hbm>> -> memref<40x16xf32, #tpu.memory_space<hbm>>
            tpu.enqueue_dma source(%arg21 : memref<40x16xf32, #tpu.memory_space<vmem>>) target(%dma_start3A_262 : memref<40x16xf32, #tpu.memory_space<hbm>>) target_semaphore(%run_scoped3A_257 : memref<!tpu.dma_semaphore, #tpu.memory_space<semaphore_mem>>)
            %dma_wait3A_263 = arith.constant 0 : i32
            %dma_wait3A_264 = tpu.memref_slice %arg5[%run_scoped3A_256, %add3A_250, %dma_wait3A_263] : memref<4x10000x16xf32, #tpu.memory_space<hbm>> -> memref<1x40x16xf32, #tpu.memory_space<hbm>>
            %dma_wait3A_265 = tpu.memref_squeeze %dma_wait3A_264 : memref<1x40x16xf32, #tpu.memory_space<hbm>> -> memref<40x16xf32, #tpu.memory_space<hbm>>
            %dma_wait3A_266 = arith.constant 0 : i32
            %dma_wait3A_267 = tpu.memref_slice %arg5[%run_scoped3A_256, %add3A_250, %dma_wait3A_266] : memref<4x10000x16xf32, #tpu.memory_space<hbm>> -> memref<1x40x16xf32, #tpu.memory_space<hbm>>
            %dma_wait3A_268 = tpu.memref_squeeze %dma_wait3A_267 : memref<1x40x16xf32, #tpu.memory_space<hbm>> -> memref<40x16xf32, #tpu.memory_space<hbm>>
            tpu.wait_dma2 semaphore(%run_scoped3A_257 : memref<!tpu.dma_semaphore, #tpu.memory_space<semaphore_mem>>) src(%arg21 : memref<40x16xf32, #tpu.memory_space<vmem>>) dst(%dma_wait3A_268 : memref<40x16xf32, #tpu.memory_space<hbm>>)
            tpu.yield
          }) : () -> ()
        } else {
        }
      } else {
      }
    }
    %scan3A_241 = arith.constant 16 : i32
    %barrier3A_242 = arith.constant 0 : index
    tpu.barrier barrier_id(%barrier3A_242)
    return
  }
}

module attributes {stable_mosaic.version = 14 : i64} {
  func.func @_tc_body(%arg0: i32, %arg1: memref<2x4x1000x64xf32, #tpu.memory_space<vmem>>, %arg2: memref<4x1000x16xf32, #tpu.memory_space<vmem>>, %arg3: memref<4x128x128xf32, #tpu.memory_space<vmem>>, %arg4: memref<1x128xf32, #tpu.memory_space<vmem>>, %arg5: memref<1000x128xf32, #tpu.memory_space<vmem>>) attributes {dimension_semantics = [#tpu.dimension_semantics<arbitrary>], iteration_bounds = array<i64: 10>, scalar_prefetch = 0 : i64, scratch_operands = 0 : i64, tpu.core_type = #tpu.core_type<tc>, window_params = [{transform_indices = @transform_0, window_bounds = array<i64: 2, 4, 1000, 64>}, {transform_indices = @transform_1, window_bounds = array<i64: 4, 1000, 16>}, {pipeline_mode = #tpu.pipeline_mode<synchronous>, transform_indices = @transform_2, window_bounds = array<i64: 4, 128, 128>}, {pipeline_mode = #tpu.pipeline_mode<synchronous>, transform_indices = @transform_3, window_bounds = array<i64: 1, 128>}, {transform_indices = @transform_4, window_bounds = array<i64: 1000, 128>}]} {
    %broadcast_in_dim3A = arith.constant 0.000000e+00 : f32
    %broadcast_in_dim3A_0 = vector.broadcast %broadcast_in_dim3A : f32 to vector<1000x128xf32>
    %get3A = arith.constant 0 : index
    %get3A_1 = arith.constant 0 : index
    %get3A_2 = arith.constant 0 : index
    %get3A_3 = vector.load %arg2[%get3A, %get3A_1, %get3A_2] : memref<4x1000x16xf32, #tpu.memory_space<vmem>>, vector<1x1000x1xf32>
    %get3A_4 = vector.shape_cast %get3A_3 : vector<1x1000x1xf32> to vector<1000x1xf32>
    %max3A = arith.constant 1.000000e+00 : f32
    %max3A_5 = vector.broadcast %max3A : f32 to vector<1000x1xf32>
    %max3A_6 = arith.maximumf %get3A_4, %max3A_5 : vector<1000x1xf32>
    %div3A = arith.constant 1.000000e+00 : f32
    %div3A_7 = vector.broadcast %div3A : f32 to vector<1000x1xf32>
    %div3A_8 = arith.divf %div3A_7, %max3A_6 : vector<1000x1xf32>
    %get3A_9 = arith.constant 0 : index
    %get3A_10 = arith.constant 0 : index
    %get3A_11 = arith.constant 0 : index
    %get3A_12 = arith.constant 0 : index
    %get3A_13 = vector.load %arg1[%get3A_9, %get3A_10, %get3A_11, %get3A_12] : memref<2x4x1000x64xf32, #tpu.memory_space<vmem>>, vector<1x1x1000x64xf32>
    %get3A_14 = vector.shape_cast %get3A_13 : vector<1x1x1000x64xf32> to vector<1000x64xf32>
    %get3A_15 = arith.constant 1 : index
    %get3A_16 = arith.constant 0 : index
    %get3A_17 = arith.constant 0 : index
    %get3A_18 = arith.constant 0 : index
    %get3A_19 = vector.load %arg1[%get3A_15, %get3A_16, %get3A_17, %get3A_18] : memref<2x4x1000x64xf32, #tpu.memory_space<vmem>>, vector<1x1x1000x64xf32>
    %get3A_20 = vector.shape_cast %get3A_19 : vector<1x1x1000x64xf32> to vector<1000x64xf32>
    %concatenate3A = tpu.concatenate %get3A_14, %get3A_20 in 1 : vector<1000x64xf32>, vector<1000x64xf32> -> vector<1000x128xf32>
    %mul3A = vector.broadcast %div3A_8 : vector<1000x1xf32> to vector<1000x128xf32>
    %mul3A_21 = arith.mulf %concatenate3A, %mul3A : vector<1000x128xf32>
    %get3A_22 = arith.constant 0 : index
    %get3A_23 = arith.constant 0 : index
    %get3A_24 = arith.constant 0 : index
    %get3A_25 = vector.load %arg3[%get3A_22, %get3A_23, %get3A_24] : memref<4x128x128xf32, #tpu.memory_space<vmem>>, vector<1x128x128xf32>
    %get3A_26 = vector.shape_cast %get3A_25 : vector<1x128x128xf32> to vector<128x128xf32>
    %dot_general3A = arith.constant dense<0.000000e+00> : vector<1000x128xf32>
    %dot_general3A_27 = tpu.matmul %mul3A_21, %get3A_26, %dot_general3A {dimension_numbers = #tpu.dot_dimension_numbers<[1], [0], [0], [1], [0, 0, 1, 1], [], []>, transpose_lhs_hint = false} : vector<1000x128xf32>, vector<128x128xf32>, vector<1000x128xf32> -> vector<1000x128xf32>
    %add3A = arith.addf %broadcast_in_dim3A_0, %dot_general3A_27 : vector<1000x128xf32>
    %get3A_28 = arith.constant 1 : index
    %get3A_29 = arith.constant 0 : index
    %get3A_30 = arith.constant 0 : index
    %get3A_31 = vector.load %arg2[%get3A_28, %get3A_29, %get3A_30] : memref<4x1000x16xf32, #tpu.memory_space<vmem>>, vector<1x1000x1xf32>
    %get3A_32 = vector.shape_cast %get3A_31 : vector<1x1000x1xf32> to vector<1000x1xf32>
    %max3A_33 = arith.constant 1.000000e+00 : f32
    %max3A_34 = vector.broadcast %max3A_33 : f32 to vector<1000x1xf32>
    %max3A_35 = arith.maximumf %get3A_32, %max3A_34 : vector<1000x1xf32>
    %div3A_36 = arith.constant 1.000000e+00 : f32
    %div3A_37 = vector.broadcast %div3A_36 : f32 to vector<1000x1xf32>
    %div3A_38 = arith.divf %div3A_37, %max3A_35 : vector<1000x1xf32>
    %get3A_39 = arith.constant 0 : index
    %get3A_40 = arith.constant 1 : index
    %get3A_41 = arith.constant 0 : index
    %get3A_42 = arith.constant 0 : index
    %get3A_43 = vector.load %arg1[%get3A_39, %get3A_40, %get3A_41, %get3A_42] : memref<2x4x1000x64xf32, #tpu.memory_space<vmem>>, vector<1x1x1000x64xf32>
    %get3A_44 = vector.shape_cast %get3A_43 : vector<1x1x1000x64xf32> to vector<1000x64xf32>
    %get3A_45 = arith.constant 1 : index
    %get3A_46 = arith.constant 1 : index
    %get3A_47 = arith.constant 0 : index
    %get3A_48 = arith.constant 0 : index
    %get3A_49 = vector.load %arg1[%get3A_45, %get3A_46, %get3A_47, %get3A_48] : memref<2x4x1000x64xf32, #tpu.memory_space<vmem>>, vector<1x1x1000x64xf32>
    %get3A_50 = vector.shape_cast %get3A_49 : vector<1x1x1000x64xf32> to vector<1000x64xf32>
    %concatenate3A_51 = tpu.concatenate %get3A_44, %get3A_50 in 1 : vector<1000x64xf32>, vector<1000x64xf32> -> vector<1000x128xf32>
    %mul3A_52 = vector.broadcast %div3A_38 : vector<1000x1xf32> to vector<1000x128xf32>
    %mul3A_53 = arith.mulf %concatenate3A_51, %mul3A_52 : vector<1000x128xf32>
    %get3A_54 = arith.constant 1 : index
    %get3A_55 = arith.constant 0 : index
    %get3A_56 = arith.constant 0 : index
    %get3A_57 = vector.load %arg3[%get3A_54, %get3A_55, %get3A_56] : memref<4x128x128xf32, #tpu.memory_space<vmem>>, vector<1x128x128xf32>
    %get3A_58 = vector.shape_cast %get3A_57 : vector<1x128x128xf32> to vector<128x128xf32>
    %dot_general3A_59 = arith.constant dense<0.000000e+00> : vector<1000x128xf32>
    %dot_general3A_60 = tpu.matmul %mul3A_53, %get3A_58, %dot_general3A_59 {dimension_numbers = #tpu.dot_dimension_numbers<[1], [0], [0], [1], [0, 0, 1, 1], [], []>, transpose_lhs_hint = false} : vector<1000x128xf32>, vector<128x128xf32>, vector<1000x128xf32> -> vector<1000x128xf32>
    %add3A_61 = arith.addf %add3A, %dot_general3A_60 : vector<1000x128xf32>
    %get3A_62 = arith.constant 2 : index
    %get3A_63 = arith.constant 0 : index
    %get3A_64 = arith.constant 0 : index
    %get3A_65 = vector.load %arg2[%get3A_62, %get3A_63, %get3A_64] : memref<4x1000x16xf32, #tpu.memory_space<vmem>>, vector<1x1000x1xf32>
    %get3A_66 = vector.shape_cast %get3A_65 : vector<1x1000x1xf32> to vector<1000x1xf32>
    %max3A_67 = arith.constant 1.000000e+00 : f32
    %max3A_68 = vector.broadcast %max3A_67 : f32 to vector<1000x1xf32>
    %max3A_69 = arith.maximumf %get3A_66, %max3A_68 : vector<1000x1xf32>
    %div3A_70 = arith.constant 1.000000e+00 : f32
    %div3A_71 = vector.broadcast %div3A_70 : f32 to vector<1000x1xf32>
    %div3A_72 = arith.divf %div3A_71, %max3A_69 : vector<1000x1xf32>
    %get3A_73 = arith.constant 0 : index
    %get3A_74 = arith.constant 2 : index
    %get3A_75 = arith.constant 0 : index
    %get3A_76 = arith.constant 0 : index
    %get3A_77 = vector.load %arg1[%get3A_73, %get3A_74, %get3A_75, %get3A_76] : memref<2x4x1000x64xf32, #tpu.memory_space<vmem>>, vector<1x1x1000x64xf32>
    %get3A_78 = vector.shape_cast %get3A_77 : vector<1x1x1000x64xf32> to vector<1000x64xf32>
    %get3A_79 = arith.constant 1 : index
    %get3A_80 = arith.constant 2 : index
    %get3A_81 = arith.constant 0 : index
    %get3A_82 = arith.constant 0 : index
    %get3A_83 = vector.load %arg1[%get3A_79, %get3A_80, %get3A_81, %get3A_82] : memref<2x4x1000x64xf32, #tpu.memory_space<vmem>>, vector<1x1x1000x64xf32>
    %get3A_84 = vector.shape_cast %get3A_83 : vector<1x1x1000x64xf32> to vector<1000x64xf32>
    %concatenate3A_85 = tpu.concatenate %get3A_78, %get3A_84 in 1 : vector<1000x64xf32>, vector<1000x64xf32> -> vector<1000x128xf32>
    %mul3A_86 = vector.broadcast %div3A_72 : vector<1000x1xf32> to vector<1000x128xf32>
    %mul3A_87 = arith.mulf %concatenate3A_85, %mul3A_86 : vector<1000x128xf32>
    %get3A_88 = arith.constant 2 : index
    %get3A_89 = arith.constant 0 : index
    %get3A_90 = arith.constant 0 : index
    %get3A_91 = vector.load %arg3[%get3A_88, %get3A_89, %get3A_90] : memref<4x128x128xf32, #tpu.memory_space<vmem>>, vector<1x128x128xf32>
    %get3A_92 = vector.shape_cast %get3A_91 : vector<1x128x128xf32> to vector<128x128xf32>
    %dot_general3A_93 = arith.constant dense<0.000000e+00> : vector<1000x128xf32>
    %dot_general3A_94 = tpu.matmul %mul3A_87, %get3A_92, %dot_general3A_93 {dimension_numbers = #tpu.dot_dimension_numbers<[1], [0], [0], [1], [0, 0, 1, 1], [], []>, transpose_lhs_hint = false} : vector<1000x128xf32>, vector<128x128xf32>, vector<1000x128xf32> -> vector<1000x128xf32>
    %add3A_95 = arith.addf %add3A_61, %dot_general3A_94 : vector<1000x128xf32>
    %get3A_96 = arith.constant 3 : index
    %get3A_97 = arith.constant 0 : index
    %get3A_98 = arith.constant 0 : index
    %get3A_99 = vector.load %arg2[%get3A_96, %get3A_97, %get3A_98] : memref<4x1000x16xf32, #tpu.memory_space<vmem>>, vector<1x1000x1xf32>
    %get3A_100 = vector.shape_cast %get3A_99 : vector<1x1000x1xf32> to vector<1000x1xf32>
    %max3A_101 = arith.constant 1.000000e+00 : f32
    %max3A_102 = vector.broadcast %max3A_101 : f32 to vector<1000x1xf32>
    %max3A_103 = arith.maximumf %get3A_100, %max3A_102 : vector<1000x1xf32>
    %div3A_104 = arith.constant 1.000000e+00 : f32
    %div3A_105 = vector.broadcast %div3A_104 : f32 to vector<1000x1xf32>
    %div3A_106 = arith.divf %div3A_105, %max3A_103 : vector<1000x1xf32>
    %get3A_107 = arith.constant 0 : index
    %get3A_108 = arith.constant 3 : index
    %get3A_109 = arith.constant 0 : index
    %get3A_110 = arith.constant 0 : index
    %get3A_111 = vector.load %arg1[%get3A_107, %get3A_108, %get3A_109, %get3A_110] : memref<2x4x1000x64xf32, #tpu.memory_space<vmem>>, vector<1x1x1000x64xf32>
    %get3A_112 = vector.shape_cast %get3A_111 : vector<1x1x1000x64xf32> to vector<1000x64xf32>
    %get3A_113 = arith.constant 1 : index
    %get3A_114 = arith.constant 3 : index
    %get3A_115 = arith.constant 0 : index
    %get3A_116 = arith.constant 0 : index
    %get3A_117 = vector.load %arg1[%get3A_113, %get3A_114, %get3A_115, %get3A_116] : memref<2x4x1000x64xf32, #tpu.memory_space<vmem>>, vector<1x1x1000x64xf32>
    %get3A_118 = vector.shape_cast %get3A_117 : vector<1x1x1000x64xf32> to vector<1000x64xf32>
    %concatenate3A_119 = tpu.concatenate %get3A_112, %get3A_118 in 1 : vector<1000x64xf32>, vector<1000x64xf32> -> vector<1000x128xf32>
    %mul3A_120 = vector.broadcast %div3A_106 : vector<1000x1xf32> to vector<1000x128xf32>
    %mul3A_121 = arith.mulf %concatenate3A_119, %mul3A_120 : vector<1000x128xf32>
    %get3A_122 = arith.constant 3 : index
    %get3A_123 = arith.constant 0 : index
    %get3A_124 = arith.constant 0 : index
    %get3A_125 = vector.load %arg3[%get3A_122, %get3A_123, %get3A_124] : memref<4x128x128xf32, #tpu.memory_space<vmem>>, vector<1x128x128xf32>
    %get3A_126 = vector.shape_cast %get3A_125 : vector<1x128x128xf32> to vector<128x128xf32>
    %dot_general3A_127 = arith.constant dense<0.000000e+00> : vector<1000x128xf32>
    %dot_general3A_128 = tpu.matmul %mul3A_121, %get3A_126, %dot_general3A_127 {dimension_numbers = #tpu.dot_dimension_numbers<[1], [0], [0], [1], [0, 0, 1, 1], [], []>, transpose_lhs_hint = false} : vector<1000x128xf32>, vector<128x128xf32>, vector<1000x128xf32> -> vector<1000x128xf32>
    %add3A_129 = arith.addf %add3A_95, %dot_general3A_128 : vector<1000x128xf32>
    %get3A_130 = arith.constant 0 : index
    %get3A_131 = arith.constant 0 : index
    %get3A_132 = vector.load %arg4[%get3A_130, %get3A_131] : memref<1x128xf32, #tpu.memory_space<vmem>>, vector<1x128xf32>
    %add3A_133 = vector.broadcast %get3A_132 : vector<1x128xf32> to vector<1000x128xf32>
    %add3A_134 = arith.addf %add3A_129, %add3A_133 : vector<1000x128xf32>
    %swap3A = arith.constant 0 : index
    %swap3A_135 = arith.constant 0 : index
    %swap3A_136 = vector.load %arg5[%swap3A, %swap3A_135] : memref<1000x128xf32, #tpu.memory_space<vmem>>, vector<1000x128xf32>
    tpu.vector_store %arg5[%swap3A, %swap3A_135], %add3A_134 {strides = array<i32>} : memref<1000x128xf32, #tpu.memory_space<vmem>>, vector<1000x128xf32>,
    return
  }
  func.func @transform_0(%arg0: i32) -> (i32, i32, i32, i32) {
    %c0_i32 = arith.constant 0 : i32
    %c0_i32_0 = arith.constant 0 : i32
    %c0_i32_1 = arith.constant 0 : i32
    %c0_i32_2 = arith.constant 0 : i32
    return %c0_i32, %c0_i32_0, %arg0, %c0_i32_1 : i32, i32, i32, i32
  }
  func.func @transform_1(%arg0: i32) -> (i32, i32, i32) {
    %c0_i32 = arith.constant 0 : i32
    %c0_i32_0 = arith.constant 0 : i32
    %c0_i32_1 = arith.constant 0 : i32
    return %c0_i32, %arg0, %c0_i32_0 : i32, i32, i32
  }
  func.func @transform_2(%arg0: i32) -> (i32, i32, i32) {
    %c0_i32 = arith.constant 0 : i32
    %c0_i32_0 = arith.constant 0 : i32
    %c0_i32_1 = arith.constant 0 : i32
    %c0_i32_2 = arith.constant 0 : i32
    return %c0_i32, %c0_i32_0, %c0_i32_1 : i32, i32, i32
  }
  func.func @transform_3(%arg0: i32) -> (i32, i32) {
    %c0_i32 = arith.constant 0 : i32
    %c0_i32_0 = arith.constant 0 : i32
    %c0_i32_1 = arith.constant 0 : i32
    return %c0_i32, %c0_i32_0 : i32, i32
  }
  func.func @transform_4(%arg0: i32) -> (i32, i32) {
    %c0_i32 = arith.constant 0 : i32
    %c0_i32_0 = arith.constant 0 : i32
    return %arg0, %c0_i32 : i32, i32
  }
}

</mosaic_0001>

<sc_bundles>
// kernel: kernel.4.cloned.1.call-start
scs
__scs_entry_jumppad:
0x0: {  	(pc) =	sbr.rel $0x88, $3  }
0x1: {  	(tag) =	ssettag $0x0;
	lr =	simm.s32 $0x1  }
0x2: {  	[smem:$0x3F9A] =	sst lr;
	_ =	strace $0xD0000000  }
0x3: {  	_ = 	snop  }
0x4: {  	_ = 	snop  }
0x5: {  	_ = 	snop  }
0x6: {  	_ = 	snop  }
0x7: {  	_ = 	snop  }
__scs_overlays_trampoline_lowered:
0x8: {  	[smem:$0x3FA9] =	sst s0  }
0x9: {  	[smem:$0x3FAA] =	sst s1  }
0xa: {  	[smem:$0x3FAB] =	sst s2  }
0xb: {  	[smem:$0x3FAC] =	sst s3  }
0xc: {  	[smem:$0x3FAD] =	sst s4  }
0xd: {  	[smem:$0x3FAE] =	sst s5  }
0xe: {  	[smem:$0x3FAF] =	sst s6  }
0xf: {  	[smem:$0x3FB0] =	sst s7  }
0x10: {  	[smem:$0x3FB1] =	sst s8  }
0x11: {  	[smem:$0x3FB2] =	sst s9;
	s0 =	simm.s32 @!p0 $0x0  }
0x12: {  	s1 =	sld [smem:$0x3F98];
	s0 =	simm.s32 @p0 $0x1  }
0x13: {  	[smem:$0x3FB3] =	sst s0;
	s0 =	simm.s32 @!p1 $0x0  }
0x14: {  	s2 =	sld [smem:$0x3F97];
	s0 =	simm.s32 @p1 $0x1  }
0x15: {  	[smem:$0x3FB4] =	sst s0;
	s0 =	simm.s32 @!p2 $0x0  }
0x16: {  	s3 =	sld [smem:$0x3FDB];
	s0 =	simm.s32 @p2 $0x1  }
0x17: {  	s4 =	simm.s32 $0x1BF5;
	[smem:$0x3FB6] =	sst s0  }
0x18: {  	s0 =	sld [smem:$0x3F99];
	_ =	swait.ge [sflag:s4], $0x0  }
0x19: {  	s7 =	sld [smem:$0x3F9A]  }
0x1a: {  	s8 =	sadd.s32 $0xFFFFE003, lr  }
0x1b: {  	s9 =	sadd.s32 $0xFFFFFEF7, lr;
	s5 =	simm.s32 $0xFFFFFFFF;
	p2 =	slt.u32 s8, $0xFFFFF086  }
0x1c: {  	p1 =	slt.u32 s9, $0xF7A;
	s5 =	simm.s32 @!p2 $0x0  }
0x1d: {  	s5 =	simm.s32 @p1 $0x1;
	p0 =	seq.s32 s7, s2  }
0x1e: {  	s7 =	smul.u32 @!p0 $0xF7A, s2;
	p2 =	seq.s32 @!p0 s5, $0x0  }
0x1f: {  	s9 =	smul.u32 $0xF7A, s1;
	s8 =	simm.s32 @!p0 $0x1BF5;
	p2 =	por !p2, p0  }
0x20: {  	[sflag:s8] =	ssyncset.s32 @!p0 $0xFFFFF086;
	s6 =	sadd.s32 @!p0 s3, s7;
	s7 =	simm.s32 @!p0 $0x108  }
0x21: {  	s3 =	sadd.s32 s3, s9;
	s6 =	sadd.s32 @!p0 $0x88, s6;
	s7 =	simm.s32 @p2 $0x1082  }
0x22: {  	[simem:s7], [sflag:s8] =	dma.local @!p0 [hbm:s6], $0xF7A  }
0x23: {  	s9 =	sor.u32 $0xD0000000, s2;
	s6 =	simm.s32 $0x108;
	_ =	swait.ge @!p0 [sflag:s8], $0x0  }
0x24: {  	s3 =	sadd.s32 $0x88, s3;
	s6 =	simm.s32 @!p1 $0x1082;
	[sflag:s4] =	ssyncset.s32 $0xFFFFF086  }
0x25: {  	[simem:s6], [sflag:s4] =	dma.local [hbm:s3], $0xF7A  }
0x26: {  	[smem:$0x3F9A] =	sst s1;
	(tag) =	ssettag s2;
	_ =	strace s9  }
0x27: {  	s1 =	sld [smem:$0x3FAA]  }
0x28: {  	s2 =	sld [smem:$0x3FAB]  }
0x29: {  	s4 =	sld [smem:$0x3FAD]  }
0x2a: {  	p0 =	seq.s32 s5, $0x0;
	s5 =	sld [smem:$0x3FAE]  }
0x2b: {  	s6 =	sld [smem:$0x3FAF]  }
0x2c: {  	s7 =	sld [smem:$0x3FB0]  }
0x2d: {  	s3 =	simm.s32 $0x108;
	s8 =	sld [smem:$0x3FB1]  }
0x2e: {  	s3 =	simm.s32 @!p0 $0x1082;
	s9 =	sld [smem:$0x3FB2]  }
0x2f: {  	lr =	sadd.s32 s0, s3;
	s0 =	sld [smem:$0x3FA9]  }
0x30: {  	s3 =	sld [smem:$0x3FAC]  }
0x31: {  	[smem:$0x3FB5] =	sst s10  }
0x32: {  	s10 =	sld [smem:$0x3FB3];
	_ =	sdelay $0x3  }
0x33: {  	p0 =	seq.s32 s10, $0x1;
	s10 =	sld [smem:$0x3FB5];
	_ =	sdelay $0x3  }
0x34: {  	[smem:$0x3FB5] =	sst s10  }
0x35: {  	s10 =	sld [smem:$0x3FB4];
	_ =	sdelay $0x3  }
0x36: {  	p1 =	seq.s32 s10, $0x1;
	s10 =	sld [smem:$0x3FB5];
	_ =	sdelay $0x3  }
0x37: {  	[smem:$0x3FB5] =	sst s10  }
0x38: {  	s10 =	sld [smem:$0x3FB6]  }
0x39: {  	_ = 	snop;
	(pc) =	sbr.ind lr, $3  }
0x3a: {  	_ = 	snop  }
0x3b: {  	_ = 	snop  }
0x3c: {  	p2 =	seq.s32 s10, $0x1;
	s10 =	sld [smem:$0x3FB5]  }
0x3d: {  	_ =	shalt  }
0x3e: {  	_ =	shalt  }
0x3f: {  	_ =	shalt  }
0x40: {  	_ =	shalt  }
0x41: {  	_ =	shalt  }
0x42: {  	_ =	shalt  }
0x43: {  	_ =	shalt  }
0x44: {  	_ =	shalt  }
0x45: {  	_ =	shalt  }
0x46: {  	_ =	shalt  }
0x47: {  	_ =	shalt  }
0x48: {  	_ =	shalt  }
0x49: {  	_ =	shalt  }
0x4a: {  	_ =	shalt  }
0x4b: {  	_ =	shalt  }
0x4c: {  	_ =	shalt  }
0x4d: {  	_ =	shalt  }
0x4e: {  	_ =	shalt  }
0x4f: {  	_ =	shalt  }
0x50: {  	_ =	shalt  }
0x51: {  	_ =	shalt  }
0x52: {  	_ =	shalt  }
0x53: {  	_ =	shalt  }
0x54: {  	_ =	shalt  }
0x55: {  	_ =	shalt  }
0x56: {  	_ =	shalt  }
0x57: {  	_ =	shalt  }
0x58: {  	_ =	shalt  }
0x59: {  	_ =	shalt  }
0x5a: {  	_ =	shalt  }
0x5b: {  	_ =	shalt  }
0x5c: {  	_ =	shalt  }
0x5d: {  	_ =	shalt  }
0x5e: {  	_ =	shalt  }
0x5f: {  	_ =	shalt  }
0x60: {  	_ =	shalt  }
0x61: {  	_ =	shalt  }
0x62: {  	_ =	shalt  }
0x63: {  	_ =	shalt  }
0x64: {  	_ =	shalt  }
0x65: {  	_ =	shalt  }
0x66: {  	_ =	shalt  }
0x67: {  	_ =	shalt  }
0x68: {  	_ =	shalt  }
0x69: {  	_ =	shalt  }
0x6a: {  	_ =	shalt  }
0x6b: {  	_ =	shalt  }
0x6c: {  	_ =	shalt  }
0x6d: {  	_ =	shalt  }
0x6e: {  	_ =	shalt  }
0x6f: {  	_ =	shalt  }
0x70: {  	_ =	shalt  }
0x71: {  	_ =	shalt  }
0x72: {  	_ =	shalt  }
0x73: {  	_ =	shalt  }
0x74: {  	_ =	shalt  }
0x75: {  	_ =	shalt  }
0x76: {  	_ =	shalt  }
0x77: {  	_ =	shalt  }
0x78: {  	_ =	shalt  }
0x79: {  	_ =	shalt  }
0x7a: {  	_ =	shalt  }
0x7b: {  	_ =	shalt  }
0x7c: {  	_ =	shalt  }
0x7d: {  	_ =	shalt  }
0x7e: {  	_ =	shalt  }
0x7f: {  	_ =	shalt  }
0x80: {  	_ =	shalt  }
0x81: {  	_ =	shalt  }
0x82: {  	_ =	shalt  }
0x83: {  	_ =	shalt  }
0x84: {  	_ =	shalt  }
0x85: {  	_ =	shalt  }
0x86: {  	_ =	shalt  }
0x87: {  	_ =	shalt  }
.Lfunc_end0:
.L_simem_size_0:
called_computation_lowered:
.L_overlay_start_0:
0x88: {  	s2 =	sld [smem:$0x3FD9]  }
0x89: {  	s3 =	sld [smem:$0x3FFE];
	_ =	sdelay $0x1  }
0x8a: {  	s1 =	srdreg.scid  }
0x8b: {  	s0 =	sand.u32 $0x1, s1  }
0x8c: {  	s17 =	sshll.u32 s0, $0xA;
	s2 =	sadd.s32 s3, s2  }
0x8d: {  	s2 =	sadd.s32 s2, s17  }
0x8e: {  	[smem:$0x3FC1] =	sst s2  }
0x8f: {  	_ = 	snop  }
0x90: {  	s2 =	sld [smem:$0x3FD0];
	(tm) =	ssettm $0x1  }
0x91: {  	s18 =	sld [smem:$0x3FFB];
	_ =	sdelay $0x3  }
0x92: {  	_ =	strace s18  }
0x93: {  	s3 =	sld [smem:$0x3FFC];
	_ =	sdelay $0x3  }
0x94: {  	_ =	strace s3  }
0x95: {  	s3 =	sld [smem:$0x3FFD];
	_ =	sdelay $0x3  }
0x96: {  	_ =	strace s3  }
0x97: {  	_ =	strace $0x8FFFFFFF  }
0x98: {  	s19 =	sld [smem:$0x3FDB];
	_ =	sdelay $0x1  }
0x99: {  	s4 =	simm.s32 $_scs_section_size  }
0x9a: {  	s5 =	simm.s32 $_size__tile_overlayer_lowered;
	s6 =	simm.s32 $_tile_overlayer_lowered  }
0x9b: {  	s22 =	simm.s32 $0x1BFF;
	s21 =	sshll.u32 s6, $0x1;
	s3 =	sadd.s32 s4, s19  }
0x9c: {  	s7 =	simm.s32 $0x0;
	s20 =	sshll.u32 s5, $0x1;
	s5 =	sadd.s32 s21, s3  }
0x9d: {  	[timem:s7], [sflag:s22] =	dma.local [hbm:s5], s20  }
0x9e: {  	_ =	swait.ge [sflag:s22], s20  }
0x9f: {  	s4 =	ssub.s32 $0x0, s20;
	[sflag:s22] =	ssyncset.done $0x0  }
0xa0: {  	[sflag:s22] =	ssyncadd.s32 s4;
	_ =	sdelay $0x1  }
0xa1: {  	s23 =	simm.s32 $0x1B8B  }
0xa2: {  	_ =	swait.ge [sflag:s23], $0x1  }
0xa3: {  	[sflag:s23] =	ssyncset.done $0x0  }
0xa4: {  	s25 =	simm.s32 $0x1B8E;
	s24 =	sld [smem:$0x3FFE];
	[sflag:s23] =	ssyncadd.s32 $0xFFFFFFFF  }
0xa5: {  	s26 =	simm.s32 $execute0_lowered;
	[smem:$0x3FD2] =	sst s25  }
0xa6: {  	s5 =	sshll.u32 s26, $0x1;
	_ =	strace $0x80000046;
	[dreg:$0x1] =	wrdreg $0xFFFFFFFF  }
0xa7: {  	s28 =	simm.s32 $_size_execute0_lowered;
	s3 =	sadd.s32 s3, s5;
	[dreg:$0x0] =	wrdreg $0x0  }
0xa8: {  	s5 =	sshll.u32 s28, $0x1;
	[dreg:$0x2] =	wrdreg s3  }
0xa9: {  	[dreg:$0x3] =	wrdreg s5  }
0xaa: {  	[dreg:$0x4] =	wrdreg $0xC0  }
0xab: {  	_ =	task [dreg:s7], $0x5FFFF  }
0xac: {  	[dreg:$0x1] =	wrdreg $0xFFFFFFFF  }
0xad: {  	[dreg:$0x0] =	wrdreg $0x60  }
0xae: {  	[dreg:$0x2] =	wrdreg s2  }
0xaf: {  	[dreg:$0x3] =	wrdreg s24  }
0xb0: {  	[dreg:$0x4] =	wrdreg $0xAC000  }
0xb1: {  	[dreg:$0x5] =	wrdreg $0x148600  }
0xb2: {  	[dreg:$0x6] =	wrdreg $0x9  }
0xb3: {  	_ =	task.clear_ibuf [dreg:s7], $0x7FFFF;
	_ =	strace $0x90000046  }
0xb4: {  	s29 =	simm.s32 $0x9;
	_ =	strace $0x80000048  }
0xb5: {  	_ =	swait.ge [sflag:s29], $0x1  }
0xb6: {  	[sflag:s29] =	ssyncadd.s32 $0xFFFFFFFF  }
0xb7: {  	_ =	strace $0x90000048  }
0xb8: {  	_ =	sfence  }
0xb9: {  	s30 =	sld [smem:$0x0];
	_ =	sdelay $0x2  }
0xba: {  	s31 =	sshll.u32 s1, $0xD;
	s1 =	sshrl.u32 s1, $0x2  }
0xbb: {  	s3 =	sand.u32 $0x4000, s31;
	s1 =	sadd.s32 s1, s30  }
0xbc: {  	s0 =	sor.u32 s3, s0;
	s1 =	sshll.u32 s1, $0x11  }
0xbd: {  	s0 =	sor.u32 s1, s0  }
0xbe: {  	s0 =	sadd.s32 $0x8F2B, s0  }
0xbf: {  	[sflag:s0] =	ssyncadd.remote.s32 $0x1  }
0xc0: {  	_ =	sfence.sel $0xFFFF  }
0xc1: {  	[dreg:$0x0] =	wrdreg $0xFFFFFFFF;
	(pc) =	sbr.abs _section_cstart, $3  }
0xc2: {  	[dreg:$0x1] =	wrdreg $0xFFFFFFFF  }
0xc3: {  	_ =	task.clear_ibuf [dreg:s7], $0x2FFFF;
	_ =	strace $0x9FFFFFFF  }
0xc4: {  	(tm) =	ssettm $0x7FFFFFFF  }
0xc5: {  	_ =	shalt  }
tec
execute0_lowered:
.L_overlay_start_1:
0x0: {  	(tag) =	ssettag $0x1  }
0x1: {  	s2 =	rddreg [dreg:$0x0]  }
0x2: {  	s0 =	rddreg [dreg:$0x1]  }
0x3: {  	s3 =	rddreg [dreg:$0x2]  }
0x4: {  	s9 =	stileid.u32;
	s4 =	rddreg [dreg:$0x3];
	s5 =	simm.s32 $0x0  }
0x5: {  	s6 =	srdreg.scid;
	s28 =	simm.s32 $0xA;
	s1 =	smul.u32 $0x258, s9  }
0x6: {  	s30 =	simm.s32 $0x80;
	s31 =	simm.s32 $0x2800;
	s8 =	smul.u32 $0x280, s9  }
0x7: {  	[smem:$0x7FF] =	sst s5;
	p0 =	slt.u32 s9, $0xA;
	s9 =	smul.u32 $0x1400, s9  }
0x8: {  	s6 =	sand.u32 $0x1, s6;
	s10 =	sadd.s32 $0x14000, s0;
	_ =	strace $0x80000047  }
0x9: {  	s12 =	ssub.s32 $0x2, s6;
	s14 =	smul.u32 $0x271000, s6;
	s9 =	sshrl.u32 s9, $0x3  }
0xa: {  	p1 =	seq.s32 s6, $0x0;
	s13 =	sshrl.u32 s12, $0x1;
	s9 =	sadd.s32 s0, s9  }
0xb: {  	s29 =	smul.u32 $0x2710, s6;
	s12 =	ssub.s32 s12, s13;
	s13 =	sadd.s32 $0x2800, s9  }
0xc: {  	s1 =	sadd.s32 $0x190, s1;
	s15 =	sadd.s32 $0x5000, s9;
	[dreg:$0x6] =	wrdreg s13  }
0xd: {  	s1 =	smov.u32 @p0 s8;
	s16 =	sadd.s32 $0x7800, s9;
	[dreg:$0x7] =	wrdreg s15  }
0xe: {  	s7 =	sshll.u32 s1, $0x1;
	s17 =	sadd.s32 $0xA000, s9;
	[dreg:$0x8] =	wrdreg s16  }
0xf: {  	s18 =	sadd.s32 $0xC800, s9;
	s19 =	sadd.s32 $0xF000, s9;
	[dreg:$0x9] =	wrdreg s17  }
0x10: {  	s1 =	sshll.u32 s1, $0x6;
	s20 =	sadd.s32 $0x11800, s9;
	[dreg:$0xa] =	wrdreg s18  }
0x11: {  	s21 =	smax.u32 s12, $0x1;
	s9 =	simm.s32 $0x7;
	[dreg:$0xb] =	wrdreg s19  }
0x12: {  	s12 =	simm.s32 $0x4B00;
	s11 =	sadd.s32 s7, s0;
	[dreg:$0xc] =	wrdreg s20  }
0x13: {  	s7 =	simm.s32 $0x10;
	s0 =	sadd.s32 s0, s8;
	[dreg:$0xd] =	wrdreg s21  }
0x14: {  	s22 =	sshrl.u32 s1, $0x2;
	s18 =	sadd.s32 s1, s3;
	s13 =	simm.s32 $0x2880  }
0x15: {  	s7 =	simm.s32 @!p0 $0xF;
	[dreg:$0x5] =	wrdreg s0;
	s17 =	sadd.s32 s22, s4  }
0x16: {  	s0 =	sadd.s32 s1, s14;
	s23 =	sadd.s32 $0xB0400, s11;
	p0 =	sne.s32 s6, $0x0  }
0x17: {  	[dreg:$0xe] =	wrdreg s23;
	s24 =	sshrl.u32 s0, $0x3;
	s25 =	sadd.s32 $0x9C400, s0  }
0x18: {  	s26 =	sadd.s32 $0x138800, s0;
	s0 =	sadd.s32 $0x1D4C00, s0;
	s1 =	sadd.s32 s24, s10  }
0x19: {  	s8 =	sshrl.u32 s25, $0x3;
	s0 =	sshrl.u32 s0, $0x3;
	s24 =	sadd.s32 $0xB5220, s11  }
0x1a: {  	s25 =	sadd.s32 $0xBA040, s11;
	[dreg:$0xf] =	wrdreg s1;
	s1 =	sshrl.u32 s26, $0x3  }
0x1b: {  	s8 =	sadd.s32 s8, s10;
	s0 =	sadd.s32 s0, s10;
	s26 =	sadd.s32 $0xBEE60, s11  }
0x1c: {  	s11 =	simm.s32 $0x2A00;
	[dreg:$0x10] =	wrdreg s8;
	s1 =	sadd.s32 s1, s10  }
0x1d: {  	[dreg:$0x12] =	wrdreg s0;
	s0 =	simm.s32 $0x1;
	s8 =	simm.s32 $0x2980  }
0x1e: {  	v1 =	vimm.f32 $1.000000000e+00;
	v2 =	vimm.f32 $0.0e+00;
	v0 =	vmov s29;
	s10 =	simm.s32 $0x2;
	[dreg:$0x11] =	wrdreg s1;
	s1 =	simm.s32 $0x2B00  }
.LBB2_1:
0x1f: {  	s14 =	simm.s32 $0x0  }
.LBB2_2:
0x20: {  	p2 =	sne.s32 s14, $0x1FC0  }
.Ltmp0:
0x21: {  	_ = 	snop;
	(pc) =	sbr.rel @p2 .LBB2_2-.Ltmp0, $3  }
0x22: {  	_ =	sdelay $0x1  }
0x23: {  	s15 =	sshra.s32 s14, $0x2  }
0x24: {  	s14 =	sadd.s32 $0x40, s14;
	[tilespmem:s15+$0x8B00] =	vst v1  }
0x25: {  	s15 =	simm.s32 $0x100;
	s14 =	simm.s32 $0x0  }
.LBB2_4:
0x26: {  	p2 =	sne.s32 s15, $0x2700;
	[tilespmem:s14+$0x9330] =	vst v2;
	s16 =	smov.u32 s15;
	s15 =	sadd.s32 $0x100, s15  }
.Ltmp1:
0x27: {  	[tilespmem:s14+$0x9320] =	vst v2;
	(pc) =	sbr.rel @p2 .LBB2_4-.Ltmp1, $3  }
0x28: {  	[tilespmem:s14+$0x9300] =	vst v2  }
0x29: {  	[tilespmem:s14+$0x9310] =	vst v2;
	_ =	sdelay $0x1  }
0x2a: {  	s14 =	sshra.s32 s16, $0x2  }
0x2b: {  	[tilespmem:s14+$0x9330] =	vst v2  }
0x2c: {  	[tilespmem:s14+$0x9320] =	vst v2  }
0x2d: {  	[tilespmem:s14+$0x9300] =	vst v2  }
0x2e: {  	[tilespmem:s14+$0x9310] =	vst v2  }
0x2f: {  	[tilespmem:$0x9D00] =	vst v2  }
0x30: {  	[tilespmem:$0x9D10] =	vst v2  }
0x31: {  	[tilespmem:$0x9D20] =	vst v2  }
0x32: {  	[tilespmem:$0x9D30] =	vst v2  }
0x33: {  	[tilespmem:$0x9D40] =	vst v2  }
0x34: {  	[tilespmem:$0x9D50] =	vst v2  }
0x35: {  	[tilespmem:$0x9D60] =	vst v2  }
0x36: {  	[tilespmem:$0x9D70] =	vst v2  }
0x37: {  	[tilespmem:$0x9D80] =	vst v2  }
0x38: {  	[tilespmem:$0x9D90] =	vst v2  }
0x39: {  	[tilespmem:$0x9DA0] =	vst v2  }
0x3a: {  	[tilespmem:$0x9DB0] =	vst v2  }
0x3b: {  	[tilespmem:$0x9DC0] =	vst v2  }
0x3c: {  	[tilespmem:$0x9DD0] =	vst v2  }
0x3d: {  	[tilespmem:$0x9DE0] =	vst v2  }
0x3e: {  	[tilespmem:$0x9DF0] =	vst v2  }
0x3f: {  	[tilespmem:$0x9E00] =	vst v2  }
0x40: {  	[tilespmem:$0x9E10] =	vst v2  }
0x41: {  	[tilespmem:$0x9E20] =	vst v2  }
0x42: {  	[tilespmem:$0x9E30] =	vst v2  }
0x43: {  	[tilespmem:$0x9E40] =	vst v2  }
0x44: {  	[tilespmem:$0x9E50] =	vst v2  }
0x45: {  	[tilespmem:$0x9E60] =	vst v2  }
0x46: {  	[tilespmem:$0x9E70] =	vst v2  }
0x47: {  	[tilespmem:$0x9E80] =	vst v2  }
0x48: {  	[tilespmem:$0x9E90] =	vst v2  }
0x49: {  	[tilespmem:$0x9EA0] =	vst v2  }
0x4a: {  	[tilespmem:$0x9EB0] =	vst v2  }
0x4b: {  	[tilespmem:$0x9EC0] =	vst v2  }
0x4c: {  	[tilespmem:$0x9ED0] =	vst v2  }
0x4d: {  	[tilespmem:$0x9EE0] =	vst v2  }
0x4e: {  	[tilespmem:$0x9EF0] =	vst v2  }
0x4f: {  	[tilespmem:$0x9F00] =	vst v2  }
0x50: {  	[tilespmem:$0x9F10] =	vst v2  }
0x51: {  	[tilespmem:$0x9F20] =	vst v2  }
0x52: {  	[tilespmem:$0x9F30] =	vst v2  }
0x53: {  	[tilespmem:$0x9F40] =	vst v2  }
0x54: {  	[tilespmem:$0x9F50] =	vst v2  }
0x55: {  	p3 =	sle.u32 s7, $0x0;
	[tilespmem:$0x9F60] =	vst v2  }
0x56: {  	[tilespmem:$0x9F70] =	vst v2;
	s14 =	simm.s32 @!p3 $0x9300;
	s15 =	simm.s32 @!p3 $0xB  }
0x57: {  	[spmem:s18] =	stream.linear.scatter @!p3 [tilespmem:s14], [sflag:$0xB], $0xA00, $0x38;
	[tilespmem:$0x16F78] =	vst v63  }
0x58: {  	p2 =	sne.s32 @!p3 s6, $0x0;
	_ =	swait.ge @!p3 [sflag:s15], $0xA00  }
0x59: {  	p2 =	por p2, p3;
	[sflag:s15] =	ssyncset.done @!p3 $0x0  }
0x5a: {  	s14 =	simm.s32 @!p2 $0x9D00;
	s19 =	simm.s32 @!p2 $0xA;
	[sflag:s15] =	ssyncadd.s32 @!p3 $0xFFFFF600  }
0x5b: {  	[spmem:s17] =	stream.linear.scatter @!p2 [tilespmem:s14], [sflag:$0xA], $0x280, $0x38;
	[tilespmem:$0x16F78] =	vst v63  }
0x5c: {  	s16 =	simm.s32 $0x2;
	s15 =	sadd.s32 $0xA00, s18;
	_ =	swait.ge @!p2 [sflag:s19], $0x280  }
0x5d: {  	p3 =	sle.u32 s7, $0x1;
	s14 =	sadd.s32 $0x280, s17;
	[sflag:s19] =	ssyncset.done @!p2 $0x0  }
.LBB2_6:
0x5e: {  	s20 =	simm.s32 @!p3 $0x9300;
	s29 =	simm.s32 @!p3 $0xB  }
0x5f: {  	[sflag:s19] =	ssyncadd.s32 @!p2 $0xFFFFFD80;
	s21 =	smov.u32 s16;
	s16 =	sadd.s32 $0x1, s16  }
0x60: {  	[spmem:s15] =	stream.linear.scatter @!p3 [tilespmem:s20], [sflag:$0xB], $0xA00, $0x38;
	[tilespmem:$0x16F78] =	vst v63  }
0x61: {  	p2 =	sne.s32 @!p3 s6, $0x0;
	p4 =	sne.s32 s16, $0x10;
	_ =	swait.ge @!p3 [sflag:s29], $0xA00  }
.Ltmp2:
0x62: {  	p2 =	por p2, p3;
	[sflag:s29] =	ssyncset.done @!p3 $0x0;
	(pc) =	sbr.rel @p4 .LBB2_6-.Ltmp2, $4  }
0x63: {  	s20 =	simm.s32 @!p2 $0x9D00;
	s19 =	simm.s32 @!p2 $0xA;
	[sflag:s29] =	ssyncadd.s32 @!p3 $0xFFFFF600  }
0x64: {  	[spmem:s14] =	stream.linear.scatter @!p2 [tilespmem:s20], [sflag:$0xA], $0x280, $0x38;
	[tilespmem:$0x16F78] =	vst v63  }
0x65: {  	s15 =	sadd.s32 $0xA00, s15;
	_ =	swait.ge @!p2 [sflag:s19], $0x280  }
0x66: {  	p3 =	sge.u32 s21, s7;
	s14 =	sadd.s32 $0x280, s14;
	[sflag:s19] =	ssyncset.done @!p2 $0x0  }
0x67: {  	s16 =	simm.s32 @!p3 $0x9300;
	s20 =	simm.s32 @!p3 $0xB;
	[sflag:s19] =	ssyncadd.s32 @!p2 $0xFFFFFD80  }
0x68: {  	[spmem:s15] =	stream.linear.scatter @!p3 [tilespmem:s16], [sflag:$0xB], $0xA00, $0x38;
	[tilespmem:$0x16F78] =	vst v63  }
0x69: {  	p2 =	sne.s32 @!p3 s6, $0x0;
	_ =	swait.ge @!p3 [sflag:s20], $0xA00  }
0x6a: {  	p2 =	por p2, p3;
	[sflag:s20] =	ssyncset.done @!p3 $0x0  }
0x6b: {  	s15 =	simm.s32 @!p2 $0x9D00;
	s16 =	simm.s32 @!p2 $0xA;
	[sflag:s20] =	ssyncadd.s32 @!p3 $0xFFFFF600  }
0x6c: {  	[spmem:s14] =	stream.linear.scatter @!p2 [tilespmem:s15], [sflag:$0xA], $0x280, $0x38;
	[tilespmem:$0x16F78] =	vst v63  }
0x6d: {  	_ =	swait.ge @!p2 [sflag:s16], $0x280  }
0x6e: {  	[sflag:s16] =	ssyncset.done @!p2 $0x0  }
0x6f: {  	s14 =	simm.s32 $0x0;
	s22 =	rddreg [dreg:$0x5];
	[sflag:s16] =	ssyncadd.s32 @!p2 $0xFFFFFD80  }
0x70: {  	[tilespmem:s14], [sflag:$0xA] =	stream.linear.gather [hbm4b:s22+s14], $0x1400, $0x38;
	[tilespmem:$0x16F78] =	vst v63  }
0x71: {  	_ =	swait.ge [sflag:s28], $0x1400  }
0x72: {  	[sflag:s28] =	ssyncset.done $0x0  }
0x73: {  	s29 =	simm.s32 $0x1400;
	s23 =	rddreg [dreg:$0x6];
	[sflag:s28] =	ssyncadd.s32 $0xFFFFEC00  }
0x74: {  	[tilespmem:s29], [sflag:$0xA] =	stream.linear.gather [hbm4b:s23+s14], $0x1400, $0x38;
	[tilespmem:$0x16F78] =	vst v63  }
.Ltmp3:
0x75: {  	_ =	swait.ge [sflag:s28], $0x1400;
	(pc) =	sbr.rel .LBB2_8-.Ltmp3, $4  }
0x76: {  	[sflag:s28] =	ssyncset.done $0x0  }
0x77: {  	[sflag:s28] =	ssyncadd.s32 $0xFFFFEC00  }
0x78: {  	[bflag:$0x0] =	sbarrier.arrive $0xFFFF  }
0x79: {  	s15 =	simm.s32 $0x1440;
	s16 =	simm.s32 $0x40  }
.LBB2_15:
0x7a: {  	_ =	swait.ge [sflag:s0], $0x2000  }
0x7b: {  	[sflag:s0] =	ssyncset.done $0x0  }
0x7c: {  	[sflag:s0] =	ssyncadd.s32 $0xFFFFE000  }
0x7d: {  	[spmem:s3] =	stream.indirect.scatter.add.f32 [tilespmem:s1], [sflag:$0x7], $0x40, s8, s30, $0xb8;
	[tilespmem:$0x16F78] =	vst v63  }
0x7e: {  	s19 =	simm.s32 @!p0 $0x80;
	s20 =	simm.s32 @!p0 $0x2980;
	s21 =	simm.s32 @!p0 $0x8B00  }
0x7f: {  	[spmem:s4] =	stream.indirect.scatter.add.f32 @!p0 [tilespmem:s21], [sflag:$0x4], $0x10, s20, s19, $0xb8;
	[tilespmem:$0x16F78] =	vst v63  }
.LBB2_19:
0x80: {  	s14 =	sadd.s32 $0x1, s14  }
0x81: {  	p2 =	sne.s32 s14, $0x2A  }
.Ltmp4:
0x82: {  	_ = 	snop;
	(pc) =	sbr.rel @!p2 .LBB2_20-.Ltmp4, $2  }
0x83: {  	_ =	sdelay $0x2  }
0x84: {  	s15 =	sadd.s32 $0x80, s15;
	s16 =	sadd.s32 $0x80, s16  }
.LBB2_8:
0x85: {  	s19 =	smul.u32 $0xAB, s14;
	_ =	sdelay $0x1  }
0x86: {  	s19 =	sshrl.u32 s19, $0x9  }
0x87: {  	s19 =	sand.u32 $0x7F, s19  }
0x88: {  	s19 =	smul.u32 $0x3, s19;
	_ =	sdelay $0x1  }
0x89: {  	p2 =	sgt.u32 s14, $0x27;
	s19 =	ssub.s32 s14, s19  }
0x8a: {  	s20 =	sand.u32 @!p2 $0xFF, s19  }
0x8b: {  	p3 =	sne.s32 @!p2 s20, $0x0  }
0x8c: {  	p3 =	por p2, p3  }
.Ltmp5:
0x8d: {  	_ = 	snop;
	(pc) =	sbr.rel @p3 .LBB2_10-.Ltmp5, $1  }
0x8e: {  	_ =	sdelay $0x3  }
0x8f: {  	p2 =	slt.u32 s14, $0x3  }
0x90: {  	s19 =	simm.s32 @!p2 $0x7  }
0x91: {  	p3 =	sne.s32 @!p2 s6, $0x0;
	_ =	swait.ge @!p2 [sflag:s19], $0x2000  }
0x92: {  	p3 =	por p3, p2;
	[sflag:s19] =	ssyncset.done @!p2 $0x0  }
0x93: {  	[sflag:s19] =	ssyncadd.s32 @!p2 $0xFFFFE000;
	s19 =	simm.s32 @!p3 $0x4  }
0x94: {  	_ =	swait.ge @!p3 [sflag:s19], $0x800  }
0x95: {  	[sflag:s19] =	ssyncset.done @!p3 $0x0  }
0x96: {  	[sflag:s19] =	ssyncadd.s32 @!p3 $0xFFFFF800  }
0x97: {  	v3 =	vld [tilespmem:s16+$0xFFFFFFC0];
	_ =	sdelay $0x4  }
0x98: {  	v3 =	vadd.s32 v0, v3  }
0x99: {  	[tilespmem:$0x2800] =	vst v3  }
0x9a: {  	v3 =	vld [tilespmem:s15+$0xFFFFFFC0];
	_ =	sdelay $0x4  }
0x9b: {  	[tilespmem:$0x2980] =	vst v3  }
0x9c: {  	v3 =	vld [tilespmem:s16+$0xFFFFFFD0];
	_ =	sdelay $0x4  }
0x9d: {  	v3 =	vadd.s32 v0, v3  }
0x9e: {  	[tilespmem:$0x2810] =	vst v3  }
0x9f: {  	v3 =	vld [tilespmem:s15+$0xFFFFFFD0];
	_ =	sdelay $0x4  }
0xa0: {  	[tilespmem:$0x2990] =	vst v3  }
0xa1: {  	v3 =	vld [tilespmem:s16+$0xFFFFFFE0];
	_ =	sdelay $0x4  }
0xa2: {  	v3 =	vadd.s32 v0, v3  }
0xa3: {  	[tilespmem:$0x2820] =	vst v3  }
0xa4: {  	v3 =	vld [tilespmem:s15+$0xFFFFFFE0];
	_ =	sdelay $0x4  }
0xa5: {  	[tilespmem:$0x29A0] =	vst v3  }
0xa6: {  	v3 =	vld [tilespmem:s16+$0xFFFFFFF0];
	_ =	sdelay $0x4  }
0xa7: {  	v3 =	vadd.s32 v0, v3  }
0xa8: {  	[tilespmem:$0x2830] =	vst v3  }
0xa9: {  	v3 =	vld [tilespmem:s15+$0xFFFFFFF0];
	_ =	sdelay $0x4  }
0xaa: {  	[tilespmem:$0x29B0] =	vst v3  }
0xab: {  	v3 =	vld [tilespmem:s16+$0x0];
	_ =	sdelay $0x4  }
0xac: {  	v3 =	vadd.s32 v0, v3  }
0xad: {  	[tilespmem:$0x2840] =	vst v3  }
0xae: {  	v3 =	vld [tilespmem:s15+$0x0];
	_ =	sdelay $0x4  }
0xaf: {  	[tilespmem:$0x29C0] =	vst v3  }
0xb0: {  	v3 =	vld [tilespmem:s16+$0x10];
	_ =	sdelay $0x4  }
0xb1: {  	v3 =	vadd.s32 v0, v3  }
0xb2: {  	[tilespmem:$0x2850] =	vst v3  }
0xb3: {  	v3 =	vld [tilespmem:s15+$0x10];
	_ =	sdelay $0x4  }
0xb4: {  	[tilespmem:$0x29D0] =	vst v3  }
0xb5: {  	v3 =	vld [tilespmem:s16+$0x20];
	_ =	sdelay $0x4  }
0xb6: {  	v3 =	vadd.s32 v0, v3  }
0xb7: {  	[tilespmem:$0x2860] =	vst v3  }
0xb8: {  	v3 =	vld [tilespmem:s15+$0x20];
	_ =	sdelay $0x4  }
0xb9: {  	[tilespmem:$0x29E0] =	vst v3  }
0xba: {  	v3 =	vld [tilespmem:s16+$0x30];
	_ =	sdelay $0x4  }
0xbb: {  	v3 =	vadd.s32 v0, v3  }
0xbc: {  	[tilespmem:$0x2870] =	vst v3  }
0xbd: {  	v3 =	vld [tilespmem:s15+$0x30];
	_ =	sdelay $0x1  }
.Ltmp6:
0xbe: {  	_ = 	snop;
	(pc) =	sbr.rel .LBB2_14-.Ltmp6, $3  }
0xbf: {  	_ =	sdelay $0x1  }
0xc0: {  	[tilespmem:$0x29F0] =	vst v3  }
0xc1: {  	[tilespmem:s1], [sflag:$0x1] =	stream.indirect.gather [hbm4b:s2+s30], $0x40, s31, s30, $0xb8;
	[tilespmem:$0x16F78] =	vst v63  }
.LBB2_10:
0xc2: {  	p3 =	sne.s32 @!p2 s20, $0x1  }
0xc3: {  	p3 =	por p2, p3  }
.Ltmp7:
0xc4: {  	_ = 	snop;
	(pc) =	sbr.rel @p3 .LBB2_12-.Ltmp7, $1  }
0xc5: {  	_ =	sdelay $0x3  }
0xc6: {  	p2 =	slt.u32 s14, $0x3  }
0xc7: {  	s19 =	simm.s32 @!p2 $0x8  }
0xc8: {  	p3 =	sne.s32 @!p2 s6, $0x0;
	_ =	swait.ge @!p2 [sflag:s19], $0x2000  }
0xc9: {  	p3 =	por p3, p2;
	[sflag:s19] =	ssyncset.done @!p2 $0x0  }
0xca: {  	[sflag:s19] =	ssyncadd.s32 @!p2 $0xFFFFE000;
	s19 =	simm.s32 @!p3 $0x5  }
0xcb: {  	_ =	swait.ge @!p3 [sflag:s19], $0x800  }
0xcc: {  	[sflag:s19] =	ssyncset.done @!p3 $0x0  }
0xcd: {  	[sflag:s19] =	ssyncadd.s32 @!p3 $0xFFFFF800  }
0xce: {  	v3 =	vld [tilespmem:s16+$0xFFFFFFC0];
	_ =	sdelay $0x4  }
0xcf: {  	v3 =	vadd.s32 v0, v3  }
0xd0: {  	[tilespmem:$0x2880] =	vst v3  }
0xd1: {  	v3 =	vld [tilespmem:s15+$0xFFFFFFC0];
	_ =	sdelay $0x4  }
0xd2: {  	[tilespmem:$0x2A00] =	vst v3  }
0xd3: {  	v3 =	vld [tilespmem:s16+$0xFFFFFFD0];
	_ =	sdelay $0x4  }
0xd4: {  	v3 =	vadd.s32 v0, v3  }
0xd5: {  	[tilespmem:$0x2890] =	vst v3  }
0xd6: {  	v3 =	vld [tilespmem:s15+$0xFFFFFFD0];
	_ =	sdelay $0x4  }
0xd7: {  	[tilespmem:$0x2A10] =	vst v3  }
0xd8: {  	v3 =	vld [tilespmem:s16+$0xFFFFFFE0];
	_ =	sdelay $0x4  }
0xd9: {  	v3 =	vadd.s32 v0, v3  }
0xda: {  	[tilespmem:$0x28A0] =	vst v3  }
0xdb: {  	v3 =	vld [tilespmem:s15+$0xFFFFFFE0];
	_ =	sdelay $0x4  }
0xdc: {  	[tilespmem:$0x2A20] =	vst v3  }
0xdd: {  	v3 =	vld [tilespmem:s16+$0xFFFFFFF0];
	_ =	sdelay $0x4  }
0xde: {  	v3 =	vadd.s32 v0, v3  }
0xdf: {  	[tilespmem:$0x28B0] =	vst v3  }
0xe0: {  	v3 =	vld [tilespmem:s15+$0xFFFFFFF0];
	_ =	sdelay $0x4  }
0xe1: {  	[tilespmem:$0x2A30] =	vst v3  }
0xe2: {  	v3 =	vld [tilespmem:s16+$0x0];
	_ =	sdelay $0x4  }
0xe3: {  	v3 =	vadd.s32 v0, v3  }
0xe4: {  	[tilespmem:$0x28C0] =	vst v3  }
0xe5: {  	v3 =	vld [tilespmem:s15+$0x0];
	_ =	sdelay $0x4  }
0xe6: {  	[tilespmem:$0x2A40] =	vst v3  }
0xe7: {  	v3 =	vld [tilespmem:s16+$0x10];
	_ =	sdelay $0x4  }
0xe8: {  	v3 =	vadd.s32 v0, v3  }
0xe9: {  	[tilespmem:$0x28D0] =	vst v3  }
0xea: {  	v3 =	vld [tilespmem:s15+$0x10];
	_ =	sdelay $0x4  }
0xeb: {  	[tilespmem:$0x2A50] =	vst v3  }
0xec: {  	v3 =	vld [tilespmem:s16+$0x20];
	_ =	sdelay $0x4  }
0xed: {  	v3 =	vadd.s32 v0, v3  }
0xee: {  	[tilespmem:$0x28E0] =	vst v3  }
0xef: {  	v3 =	vld [tilespmem:s15+$0x20];
	_ =	sdelay $0x4  }
0xf0: {  	[tilespmem:$0x2A60] =	vst v3  }
0xf1: {  	v3 =	vld [tilespmem:s16+$0x30];
	_ =	sdelay $0x4  }
0xf2: {  	v3 =	vadd.s32 v0, v3  }
0xf3: {  	[tilespmem:$0x28F0] =	vst v3  }
0xf4: {  	v3 =	vld [tilespmem:s15+$0x30];
	_ =	sdelay $0x1  }
.Ltmp8:
0xf5: {  	_ = 	snop;
	(pc) =	sbr.rel .LBB2_14-.Ltmp8, $3  }
0xf6: {  	_ =	sdelay $0x1  }
0xf7: {  	[tilespmem:$0x2A70] =	vst v3  }
0xf8: {  	[tilespmem:s12], [sflag:$0x2] =	stream.indirect.gather [hbm4b:s2+s30], $0x40, s13, s30, $0xb8;
	[tilespmem:$0x16F78] =	vst v63  }
.LBB2_12:
.Ltmp9:
0xf9: {  	(pc) =	sbr.rel @p2 .LBB2_14-.Ltmp9, $1  }
0xfa: {  	_ =	sdelay $0x3  }
0xfb: {  	s19 =	sand.u32 $0xFF, s19  }
0xfc: {  	p2 =	sne.s32 s19, $0x2  }
0xfd: {  	p3 =	slt.u32 @!p2 s14, $0x3  }
0xfe: {  	p4 =	por p3, p2  }
0xff: {  	p5 =	sne.s32 @!p4 s6, $0x0;
	s19 =	simm.s32 @!p4 $0x9  }
0x100: {  	_ =	swait.ge @!p4 [sflag:s19], $0x2000;
	p3 =	por @!p2 p5, p3  }
0x101: {  	[sflag:s19] =	ssyncset.done @!p4 $0x0;
	p3 =	por p3, p2  }
0x102: {  	[sflag:s19] =	ssyncadd.s32 @!p4 $0xFFFFE000;
	s19 =	simm.s32 @!p3 $0x6  }
0x103: {  	_ =	swait.ge @!p3 [sflag:s19], $0x800  }
0x104: {  	[sflag:s19] =	ssyncset.done @!p3 $0x0  }
0x105: {  	[sflag:s19] =	ssyncadd.s32 @!p3 $0xFFFFF800  }
0x106: {  	v3 =	vld @!p2 [tilespmem:s16+$0xFFFFFFC0];
	_ =	sdelay $0x4  }
0x107: {  	v3 =	vadd.s32 @!p2 v0, v3  }
0x108: {  	[tilespmem:$0x2900] =	vst @!p2 v3  }
0x109: {  	v3 =	vld @!p2 [tilespmem:s15+$0xFFFFFFC0];
	_ =	sdelay $0x4  }
0x10a: {  	[tilespmem:$0x2A80] =	vst @!p2 v3  }
0x10b: {  	v3 =	vld @!p2 [tilespmem:s16+$0xFFFFFFD0];
	_ =	sdelay $0x4  }
0x10c: {  	v3 =	vadd.s32 @!p2 v0, v3  }
0x10d: {  	[tilespmem:$0x2910] =	vst @!p2 v3  }
0x10e: {  	v3 =	vld @!p2 [tilespmem:s15+$0xFFFFFFD0];
	_ =	sdelay $0x4  }
0x10f: {  	[tilespmem:$0x2A90] =	vst @!p2 v3  }
0x110: {  	v3 =	vld @!p2 [tilespmem:s16+$0xFFFFFFE0];
	_ =	sdelay $0x4  }
0x111: {  	v3 =	vadd.s32 @!p2 v0, v3  }
0x112: {  	[tilespmem:$0x2920] =	vst @!p2 v3  }
0x113: {  	v3 =	vld @!p2 [tilespmem:s15+$0xFFFFFFE0];
	_ =	sdelay $0x4  }
0x114: {  	[tilespmem:$0x2AA0] =	vst @!p2 v3  }
0x115: {  	v3 =	vld @!p2 [tilespmem:s16+$0xFFFFFFF0];
	_ =	sdelay $0x4  }
0x116: {  	v3 =	vadd.s32 @!p2 v0, v3  }
0x117: {  	[tilespmem:$0x2930] =	vst @!p2 v3  }
0x118: {  	v3 =	vld @!p2 [tilespmem:s15+$0xFFFFFFF0];
	_ =	sdelay $0x4  }
0x119: {  	[tilespmem:$0x2AB0] =	vst @!p2 v3  }
0x11a: {  	v3 =	vld @!p2 [tilespmem:s16+$0x0];
	_ =	sdelay $0x4  }
0x11b: {  	v3 =	vadd.s32 @!p2 v0, v3  }
0x11c: {  	[tilespmem:$0x2940] =	vst @!p2 v3  }
0x11d: {  	v3 =	vld @!p2 [tilespmem:s15+$0x0];
	_ =	sdelay $0x4  }
0x11e: {  	[tilespmem:$0x2AC0] =	vst @!p2 v3  }
0x11f: {  	v3 =	vld @!p2 [tilespmem:s16+$0x10];
	_ =	sdelay $0x4  }
0x120: {  	v3 =	vadd.s32 @!p2 v0, v3  }
0x121: {  	[tilespmem:$0x2950] =	vst @!p2 v3  }
0x122: {  	v3 =	vld @!p2 [tilespmem:s15+$0x10];
	_ =	sdelay $0x4  }
0x123: {  	[tilespmem:$0x2AD0] =	vst @!p2 v3  }
0x124: {  	v3 =	vld @!p2 [tilespmem:s16+$0x20];
	_ =	sdelay $0x4  }
0x125: {  	v3 =	vadd.s32 @!p2 v0, v3  }
0x126: {  	[tilespmem:$0x2960] =	vst @!p2 v3  }
0x127: {  	v3 =	vld @!p2 [tilespmem:s15+$0x20];
	_ =	sdelay $0x4  }
0x128: {  	[tilespmem:$0x2AE0] =	vst @!p2 v3  }
0x129: {  	v3 =	vld @!p2 [tilespmem:s16+$0x30];
	_ =	sdelay $0x4  }
0x12a: {  	v3 =	vadd.s32 @!p2 v0, v3  }
0x12b: {  	[tilespmem:$0x2970] =	vst @!p2 v3  }
0x12c: {  	v3 =	vld @!p2 [tilespmem:s15+$0x30];
	_ =	sdelay $0x4  }
0x12d: {  	s20 =	simm.s32 @!p2 $0x2900;
	s21 =	simm.s32 @!p2 $0x6B00;
	s19 =	simm.s32 @!p2 $0x80;
	[tilespmem:$0x2AF0] =	vst @!p2 v3  }
0x12e: {  	[tilespmem:s21], [sflag:$0x3] =	stream.indirect.gather @!p2 [hbm4b:s2+s19], $0x40, s20, s19, $0xb8;
	[tilespmem:$0x16F78] =	vst v63  }
.LBB2_14:
0x12f: {  	s19 =	sadd.s32 $0xFFFFFFFE, s14  }
0x130: {  	s20 =	sshll.u32 s19, $0x18  }
0x131: {  	s20 =	sshra.s32 s20, $0x18  }
0x132: {  	s20 =	smul.u32 $0x56, s20;
	_ =	sdelay $0x1  }
0x133: {  	s21 =	sshrl.u32 s20, $0x1F;
	s20 =	sshrl.u32 s20, $0x8  }
0x134: {  	s20 =	sadd.s32 s21, s20  }
0x135: {  	s20 =	smul.u32 $0x3, s20;
	_ =	sdelay $0x1  }
0x136: {  	s19 =	ssub.s32 s19, s20  }
0x137: {  	s19 =	sshll.u32 s19, $0x18  }
0x138: {  	s19 =	sshra.s32 s19, $0x18  }
0x139: {  	p3 =	slt.s32 s19, $0x0;
	s20 =	sadd.s32 $0x3, s19  }
0x13a: {  	p2 =	slt.u32 s14, $0x2;
	s19 =	smov.u32 @p3 s20  }
0x13b: {  	p3 =	sne.s32 @!p2 s19, $0x0  }
0x13c: {  	p3 =	por p2, p3  }
.Ltmp10:
0x13d: {  	_ = 	snop;
	(pc) =	sbr.rel @!p3 .LBB2_15-.Ltmp10, $1  }
0x13e: {  	_ =	sdelay $0x3  }
0x13f: {  	p3 =	sne.s32 @!p2 s19, $0x1  }
0x140: {  	p3 =	por p2, p3  }
.Ltmp11:
0x141: {  	_ = 	snop;
	(pc) =	sbr.rel @p3 .LBB2_18-.Ltmp11, $1  }
0x142: {  	_ =	sdelay $0x3  }
0x143: {  	_ =	swait.ge [sflag:s10], $0x2000  }
.Ltmp12:
0x144: {  	[sflag:s10] =	ssyncset.done $0x0;
	(pc) =	sbr.rel .LBB2_19-.Ltmp12, $4  }
0x145: {  	[sflag:s10] =	ssyncadd.s32 $0xFFFFE000  }
0x146: {  	[spmem:s3] =	stream.indirect.scatter.add.f32 [tilespmem:s12], [sflag:$0x8], $0x40, s11, s30, $0xb8;
	[tilespmem:$0x16F78] =	vst v63  }
0x147: {  	s19 =	simm.s32 @!p0 $0x80;
	s20 =	simm.s32 @!p0 $0x2A00;
	s21 =	simm.s32 @!p0 $0x8B00  }
0x148: {  	[spmem:s4] =	stream.indirect.scatter.add.f32 @!p0 [tilespmem:s21], [sflag:$0x5], $0x10, s20, s19, $0xb8;
	[tilespmem:$0x16F78] =	vst v63  }
.LBB2_18:
0x149: {  	p3 =	sne.s32 @!p2 s19, $0x2  }
0x14a: {  	p4 =	por p3, p2  }
0x14b: {  	s19 =	simm.s32 @!p4 $0x3;
	p5 =	sne.s32 @!p4 s6, $0x0  }
0x14c: {  	s20 =	simm.s32 @!p4 $0x2A80;
	s21 =	simm.s32 @!p4 $0x6B00;
	_ =	swait.ge @!p4 [sflag:s19], $0x2000  }
.Ltmp13:
0x14d: {  	p3 =	por @!p2 p5, p3;
	[sflag:s19] =	ssyncset.done @!p4 $0x0;
	(pc) =	sbr.rel .LBB2_19-.Ltmp13, $4  }
0x14e: {  	p2 =	por p3, p2;
	[sflag:s19] =	ssyncadd.s32 @!p4 $0xFFFFE000;
	s19 =	simm.s32 @!p4 $0x80  }
0x14f: {  	[spmem:s3] =	stream.indirect.scatter.add.f32 @!p4 [tilespmem:s21], [sflag:$0x9], $0x40, s20, s19, $0xb8;
	[tilespmem:$0x16F78] =	vst v63  }
0x150: {  	s19 =	simm.s32 @!p2 $0x80;
	s20 =	simm.s32 @!p2 $0x2A80;
	s21 =	simm.s32 @!p2 $0x8B00  }
0x151: {  	[spmem:s4] =	stream.indirect.scatter.add.f32 @!p2 [tilespmem:s21], [sflag:$0x6], $0x10, s20, s19, $0xb8;
	[tilespmem:$0x16F78] =	vst v63  }
.LBB2_20:
0x152: {  	_ =	swait.ge [sflag:s9], $0x2000  }
0x153: {  	[sflag:s9] =	ssyncset.done $0x0  }
0x154: {  	s14 =	simm.s32 @p1 $0x4;
	[sflag:s9] =	ssyncadd.s32 $0xFFFFE000  }
0x155: {  	_ =	swait.ge @p1 [sflag:s14], $0x800  }
0x156: {  	[sflag:s14] =	ssyncset.done @p1 $0x0  }
0x157: {  	[sflag:s14] =	ssyncadd.s32 @p1 $0xFFFFF800;
	s14 =	simm.s32 @p1 $0x8  }
0x158: {  	_ =	swait.ge @p1 [sflag:s14], $0x2000  }
0x159: {  	[sflag:s14] =	ssyncset.done @p1 $0x0  }
0x15a: {  	[sflag:s14] =	ssyncadd.s32 @p1 $0xFFFFE000;
	s14 =	simm.s32 @p1 $0x5  }
0x15b: {  	_ =	swait.ge @p1 [sflag:s14], $0x800  }
0x15c: {  	[sflag:s14] =	ssyncset.done @p1 $0x0  }
0x15d: {  	[sflag:s14] =	ssyncadd.s32 @p1 $0xFFFFF800;
	s14 =	simm.s32 @p1 $0x9  }
0x15e: {  	_ =	swait.ge @p1 [sflag:s14], $0x2000  }
0x15f: {  	[sflag:s14] =	ssyncset.done @p1 $0x0  }
0x160: {  	[sflag:s14] =	ssyncadd.s32 @p1 $0xFFFFE000;
	s14 =	simm.s32 @p1 $0x6  }
0x161: {  	_ =	swait.ge @p1 [sflag:s14], $0x800  }
0x162: {  	[sflag:s14] =	ssyncset.done @p1 $0x0  }
0x163: {  	[sflag:s14] =	ssyncadd.s32 @p1 $0xFFFFF800;
	s14 =	simm.s32 @!p1 $0x8  }
0x164: {  	_ =	swait.ge @!p1 [sflag:s14], $0x2000  }
0x165: {  	[sflag:s14] =	ssyncset.done @!p1 $0x0  }
0x166: {  	[sflag:s14] =	ssyncadd.s32 @!p1 $0xFFFFE000;
	s14 =	simm.s32 @!p1 $0x9  }
0x167: {  	_ =	swait.ge @!p1 [sflag:s14], $0x2000  }
0x168: {  	[sflag:s14] =	ssyncset.done @!p1 $0x0  }
0x169: {  	p3 =	sle.u32 s7, $0x0;
	[sflag:s14] =	ssyncadd.s32 @!p1 $0xFFFFE000  }
0x16a: {  	s15 =	simm.s32 @!p3 $0xB;
	s14 =	simm.s32 @!p3 $0x9F80;
	[bflag:$0x0] =	sbarrier.arrive $0xFFFF  }
0x16b: {  	[tilespmem:s14], [sflag:$0xB] =	stream.linear.gather @!p3 [spmem:s18], $0xA00, $0x38;
	[tilespmem:$0x16F78] =	vst v63  }
0x16c: {  	_ =	swait.ge @!p3 [sflag:s15], $0xA00  }
0x16d: {  	[sflag:s15] =	ssyncset.done @!p3 $0x0  }
0x16e: {  	s16 =	simm.s32 @!p3 $0x0;
	s20 =	rddreg [dreg:$0xf];
	[sflag:s15] =	ssyncadd.s32 @!p3 $0xFFFFF600  }
0x16f: {  	[hbm4b:s20+s16] =	stream.linear.scatter @!p3 [tilespmem:s14], [sflag:$0xB], $0xA00, $0x38;
	[tilespmem:$0x16F78] =	vst v63  }
0x170: {  	p2 =	sne.s32 @!p3 s6, $0x0;
	_ =	swait.ge @!p3 [sflag:s15], $0xA00  }
0x171: {  	p2 =	por p2, p3;
	[sflag:s15] =	ssyncset.done @!p3 $0x0  }
0x172: {  	s14 =	simm.s32 @!p2 $0xA980;
	[sflag:s15] =	ssyncadd.s32 @!p3 $0xFFFFF600;
	s15 =	simm.s32 @!p2 $0xB  }
0x173: {  	[tilespmem:s14], [sflag:$0xB] =	stream.linear.gather @!p2 [spmem:s17], $0x280, $0x38;
	[tilespmem:$0x16F78] =	vst v63  }
0x174: {  	s19 =	simm.s32 $0x2;
	_ =	swait.ge @!p2 [sflag:s15], $0x280  }
0x175: {  	s29 =	simm.s32 @!p2 $0xA;
	s16 =	sadd.s32 $0x140, s20;
	[sflag:s15] =	ssyncset.done @!p2 $0x0  }
0x176: {  	s21 =	rddreg [dreg:$0xe];
	[sflag:s15] =	ssyncadd.s32 @!p2 $0xFFFFFD80;
	s15 =	simm.s32 @!p2 $0x0  }
0x177: {  	[hbm4b:s21+s15] =	stream.linear.scatter @!p2 [tilespmem:s14], [sflag:$0xA], $0x280, $0x38;
	[tilespmem:$0x16F78] =	vst v63  }
0x178: {  	s20 =	sadd.s32 $0xA00, s18;
	p3 =	sle.u32 s7, $0x1;
	_ =	swait.ge @!p2 [sflag:s29], $0x280  }
0x179: {  	s15 =	sadd.s32 $0x280, s17;
	s14 =	sadd.s32 $0x50, s21;
	[sflag:s29] =	ssyncset.done @!p2 $0x0  }
.LBB2_21:
0x17a: {  	s21 =	simm.s32 @!p3 $0x9F80;
	s22 =	simm.s32 @!p3 $0xB;
	[sflag:s29] =	ssyncadd.s32 @!p2 $0xFFFFFD80  }
0x17b: {  	[tilespmem:s21], [sflag:$0xB] =	stream.linear.gather @!p3 [spmem:s20], $0xA00, $0x38;
	[tilespmem:$0x16F78] =	vst v63  }
0x17c: {  	s23 =	smov.u32 s19;
	s19 =	sadd.s32 $0x1, s19;
	_ =	swait.ge @!p3 [sflag:s22], $0xA00  }
0x17d: {  	p4 =	sne.s32 s19, $0x10;
	[sflag:s22] =	ssyncset.done @!p3 $0x0  }
0x17e: {  	s29 =	simm.s32 @!p3 $0x0;
	[sflag:s22] =	ssyncadd.s32 @!p3 $0xFFFFF600  }
0x17f: {  	[hbm4b:s16+s29] =	stream.linear.scatter @!p3 [tilespmem:s21], [sflag:$0xB], $0xA00, $0x38;
	[tilespmem:$0x16F78] =	vst v63  }
0x180: {  	p2 =	sne.s32 @!p3 s6, $0x0;
	_ =	swait.ge @!p3 [sflag:s22], $0xA00  }
0x181: {  	p2 =	por p2, p3;
	[sflag:s22] =	ssyncset.done @!p3 $0x0  }
0x182: {  	s21 =	simm.s32 @!p2 $0xA980;
	[sflag:s22] =	ssyncadd.s32 @!p3 $0xFFFFF600;
	s22 =	simm.s32 @!p2 $0xB  }
0x183: {  	[tilespmem:s21], [sflag:$0xB] =	stream.linear.gather @!p2 [spmem:s15], $0x280, $0x38;
	[tilespmem:$0x16F78] =	vst v63  }
0x184: {  	_ =	swait.ge @!p2 [sflag:s22], $0x280  }
.Ltmp14:
0x185: {  	s16 =	sadd.s32 $0x140, s16;
	[sflag:s22] =	ssyncset.done @!p2 $0x0;
	(pc) =	sbr.rel @p4 .LBB2_21-.Ltmp14, $4  }
0x186: {  	s29 =	simm.s32 @!p2 $0xA;
	[sflag:s22] =	ssyncadd.s32 @!p2 $0xFFFFFD80;
	s22 =	simm.s32 @!p2 $0x0  }
0x187: {  	[hbm4b:s14+s22] =	stream.linear.scatter @!p2 [tilespmem:s21], [sflag:$0xA], $0x280, $0x38;
	[tilespmem:$0x16F78] =	vst v63  }
0x188: {  	s20 =	sadd.s32 $0xA00, s20;
	s15 =	sadd.s32 $0x280, s15;
	_ =	swait.ge @!p2 [sflag:s29], $0x280  }
0x189: {  	p3 =	sge.u32 s23, s7;
	s14 =	sadd.s32 $0x50, s14;
	[sflag:s29] =	ssyncset.done @!p2 $0x0  }
0x18a: {  	s19 =	simm.s32 @!p3 $0x9F80;
	s21 =	simm.s32 @!p3 $0xB;
	[sflag:s29] =	ssyncadd.s32 @!p2 $0xFFFFFD80  }
0x18b: {  	[tilespmem:s19], [sflag:$0xB] =	stream.linear.gather @!p3 [spmem:s20], $0xA00, $0x38;
	[tilespmem:$0x16F78] =	vst v63  }
0x18c: {  	_ =	swait.ge @!p3 [sflag:s21], $0xA00  }
0x18d: {  	[sflag:s21] =	ssyncset.done @!p3 $0x0  }
0x18e: {  	s20 =	simm.s32 @!p3 $0x0;
	[sflag:s21] =	ssyncadd.s32 @!p3 $0xFFFFF600  }
0x18f: {  	[hbm4b:s16+s20] =	stream.linear.scatter @!p3 [tilespmem:s19], [sflag:$0xB], $0xA00, $0x38;
	[tilespmem:$0x16F78] =	vst v63  }
0x190: {  	p2 =	sne.s32 @!p3 s6, $0x0;
	_ =	swait.ge @!p3 [sflag:s21], $0xA00  }
0x191: {  	p2 =	por p2, p3;
	[sflag:s21] =	ssyncset.done @!p3 $0x0  }
0x192: {  	s16 =	simm.s32 @!p2 $0xA980;
	s19 =	simm.s32 @!p2 $0xB;
	[sflag:s21] =	ssyncadd.s32 @!p3 $0xFFFFF600  }
0x193: {  	[tilespmem:s16], [sflag:$0xB] =	stream.linear.gather @!p2 [spmem:s15], $0x280, $0x38;
	[tilespmem:$0x16F78] =	vst v63  }
0x194: {  	_ =	swait.ge @!p2 [sflag:s19], $0x280  }
0x195: {  	[sflag:s19] =	ssyncset.done @!p2 $0x0  }
0x196: {  	s15 =	simm.s32 @!p2 $0x0;
	[sflag:s19] =	ssyncadd.s32 @!p2 $0xFFFFFD80;
	s19 =	simm.s32 @!p2 $0xA  }
0x197: {  	[hbm4b:s14+s15] =	stream.linear.scatter @!p2 [tilespmem:s16], [sflag:$0xA], $0x280, $0x38;
	[tilespmem:$0x16F78] =	vst v63  }
0x198: {  	_ =	swait.ge @!p2 [sflag:s19], $0x280  }
0x199: {  	[sflag:s19] =	ssyncset.done @!p2 $0x0  }
0x19a: {  	p3 =	sle.u32 s7, $0x0;
	[sflag:s19] =	ssyncadd.s32 @!p2 $0xFFFFFD80  }
0x19b: {  	s14 =	simm.s32 @!p3 $0x9300;
	s15 =	simm.s32 @!p3 $0xB;
	[bflag:$0x0] =	sbarrier.arrive $0xFFFF  }
0x19c: {  	[spmem:s18] =	stream.linear.scatter @!p3 [tilespmem:s14], [sflag:$0xB], $0xA00, $0x38;
	[tilespmem:$0x16F78] =	vst v63  }
0x19d: {  	p2 =	sne.s32 @!p3 s6, $0x0;
	_ =	swait.ge @!p3 [sflag:s15], $0xA00  }
0x19e: {  	p2 =	por p2, p3;
	[sflag:s15] =	ssyncset.done @!p3 $0x0  }
0x19f: {  	s14 =	simm.s32 @!p2 $0x9D00;
	s19 =	simm.s32 @!p2 $0xA;
	[sflag:s15] =	ssyncadd.s32 @!p3 $0xFFFFF600  }
0x1a0: {  	[spmem:s17] =	stream.linear.scatter @!p2 [tilespmem:s14], [sflag:$0xA], $0x280, $0x38;
	[tilespmem:$0x16F78] =	vst v63  }
0x1a1: {  	s16 =	simm.s32 $0x2;
	s15 =	sadd.s32 $0xA00, s18;
	_ =	swait.ge @!p2 [sflag:s19], $0x280  }
0x1a2: {  	p3 =	sle.u32 s7, $0x1;
	s14 =	sadd.s32 $0x280, s17;
	[sflag:s19] =	ssyncset.done @!p2 $0x0  }
.LBB2_23:
0x1a3: {  	s20 =	simm.s32 @!p3 $0x9300;
	s21 =	simm.s32 @!p3 $0xB  }
0x1a4: {  	[sflag:s19] =	ssyncadd.s32 @!p2 $0xFFFFFD80;
	s22 =	smov.u32 s16;
	s16 =	sadd.s32 $0x1, s16  }
0x1a5: {  	[spmem:s15] =	stream.linear.scatter @!p3 [tilespmem:s20], [sflag:$0xB], $0xA00, $0x38;
	[tilespmem:$0x16F78] =	vst v63  }
0x1a6: {  	p2 =	sne.s32 @!p3 s6, $0x0;
	p4 =	sne.s32 s16, $0x10;
	_ =	swait.ge @!p3 [sflag:s21], $0xA00  }
.Ltmp15:
0x1a7: {  	p2 =	por p2, p3;
	[sflag:s21] =	ssyncset.done @!p3 $0x0;
	(pc) =	sbr.rel @p4 .LBB2_23-.Ltmp15, $4  }
0x1a8: {  	s20 =	simm.s32 @!p2 $0x9D00;
	s19 =	simm.s32 @!p2 $0xA;
	[sflag:s21] =	ssyncadd.s32 @!p3 $0xFFFFF600  }
0x1a9: {  	[spmem:s14] =	stream.linear.scatter @!p2 [tilespmem:s20], [sflag:$0xA], $0x280, $0x38;
	[tilespmem:$0x16F78] =	vst v63  }
0x1aa: {  	s15 =	sadd.s32 $0xA00, s15;
	_ =	swait.ge @!p2 [sflag:s19], $0x280  }
0x1ab: {  	p3 =	sge.u32 s22, s7;
	s14 =	sadd.s32 $0x280, s14;
	[sflag:s19] =	ssyncset.done @!p2 $0x0  }
0x1ac: {  	s16 =	simm.s32 @!p3 $0x9300;
	s20 =	simm.s32 @!p3 $0xB;
	[sflag:s19] =	ssyncadd.s32 @!p2 $0xFFFFFD80  }
0x1ad: {  	[spmem:s15] =	stream.linear.scatter @!p3 [tilespmem:s16], [sflag:$0xB], $0xA00, $0x38;
	[tilespmem:$0x16F78] =	vst v63  }
0x1ae: {  	p2 =	sne.s32 @!p3 s6, $0x0;
	_ =	swait.ge @!p3 [sflag:s20], $0xA00  }
0x1af: {  	p2 =	por p2, p3;
	[sflag:s20] =	ssyncset.done @!p3 $0x0  }
0x1b0: {  	s15 =	simm.s32 @!p2 $0x9D00;
	s16 =	simm.s32 @!p2 $0xA;
	[sflag:s20] =	ssyncadd.s32 @!p3 $0xFFFFF600  }
0x1b1: {  	[spmem:s14] =	stream.linear.scatter @!p2 [tilespmem:s15], [sflag:$0xA], $0x280, $0x38;
	[tilespmem:$0x16F78] =	vst v63  }
0x1b2: {  	_ =	swait.ge @!p2 [sflag:s16], $0x280  }
0x1b3: {  	[sflag:s16] =	ssyncset.done @!p2 $0x0  }
0x1b4: {  	s14 =	simm.s32 $0x0;
	s22 =	rddreg [dreg:$0x7];
	[sflag:s16] =	ssyncadd.s32 @!p2 $0xFFFFFD80  }
0x1b5: {  	[tilespmem:s14], [sflag:$0xA] =	stream.linear.gather [hbm4b:s22+s14], $0x1400, $0x38;
	[tilespmem:$0x16F78] =	vst v63  }
0x1b6: {  	_ =	swait.ge [sflag:s28], $0x1400  }
0x1b7: {  	[sflag:s28] =	ssyncset.done $0x0  }
0x1b8: {  	s29 =	simm.s32 $0x1400;
	s23 =	rddreg [dreg:$0x8];
	[sflag:s28] =	ssyncadd.s32 $0xFFFFEC00  }
0x1b9: {  	[tilespmem:s29], [sflag:$0xA] =	stream.linear.gather [hbm4b:s23+s14], $0x1400, $0x38;
	[tilespmem:$0x16F78] =	vst v63  }
.Ltmp16:
0x1ba: {  	_ =	swait.ge [sflag:s28], $0x1400;
	(pc) =	sbr.rel .LBB2_25-.Ltmp16, $4  }
0x1bb: {  	[sflag:s28] =	ssyncset.done $0x0  }
0x1bc: {  	[sflag:s28] =	ssyncadd.s32 $0xFFFFEC00  }
0x1bd: {  	[bflag:$0x0] =	sbarrier.arrive $0xFFFF  }
0x1be: {  	s15 =	simm.s32 $0x1440;
	s16 =	simm.s32 $0x40  }
.LBB2_32:
0x1bf: {  	_ =	swait.ge [sflag:s0], $0x2000  }
0x1c0: {  	[sflag:s0] =	ssyncset.done $0x0  }
0x1c1: {  	[sflag:s0] =	ssyncadd.s32 $0xFFFFE000  }
0x1c2: {  	[spmem:s3] =	stream.indirect.scatter.add.f32 [tilespmem:s1], [sflag:$0x7], $0x40, s8, s30, $0xb8;
	[tilespmem:$0x16F78] =	vst v63  }
0x1c3: {  	s19 =	simm.s32 @!p0 $0x80;
	s20 =	simm.s32 @!p0 $0x2980;
	s21 =	simm.s32 @!p0 $0x8B00  }
0x1c4: {  	[spmem:s4] =	stream.indirect.scatter.add.f32 @!p0 [tilespmem:s21], [sflag:$0x4], $0x10, s20, s19, $0xb8;
	[tilespmem:$0x16F78] =	vst v63  }
.LBB2_36:
0x1c5: {  	s14 =	sadd.s32 $0x1, s14  }
0x1c6: {  	p2 =	sne.s32 s14, $0x2A  }
.Ltmp17:
0x1c7: {  	_ = 	snop;
	(pc) =	sbr.rel @!p2 .LBB2_37-.Ltmp17, $2  }
0x1c8: {  	_ =	sdelay $0x2  }
0x1c9: {  	s15 =	sadd.s32 $0x80, s15;
	s16 =	sadd.s32 $0x80, s16  }
.LBB2_25:
0x1ca: {  	s19 =	smul.u32 $0xAB, s14;
	_ =	sdelay $0x1  }
0x1cb: {  	s19 =	sshrl.u32 s19, $0x9  }
0x1cc: {  	s19 =	sand.u32 $0x7F, s19  }
0x1cd: {  	s19 =	smul.u32 $0x3, s19;
	_ =	sdelay $0x1  }
0x1ce: {  	p2 =	sgt.u32 s14, $0x27;
	s19 =	ssub.s32 s14, s19  }
0x1cf: {  	s20 =	sand.u32 @!p2 $0xFF, s19  }
0x1d0: {  	p3 =	sne.s32 @!p2 s20, $0x0  }
0x1d1: {  	p3 =	por p2, p3  }
.Ltmp18:
0x1d2: {  	_ = 	snop;
	(pc) =	sbr.rel @p3 .LBB2_27-.Ltmp18, $1  }
0x1d3: {  	_ =	sdelay $0x3  }
0x1d4: {  	p2 =	slt.u32 s14, $0x3  }
0x1d5: {  	s19 =	simm.s32 @!p2 $0x7  }
0x1d6: {  	p3 =	sne.s32 @!p2 s6, $0x0;
	_ =	swait.ge @!p2 [sflag:s19], $0x2000  }
0x1d7: {  	p3 =	por p3, p2;
	[sflag:s19] =	ssyncset.done @!p2 $0x0  }
0x1d8: {  	[sflag:s19] =	ssyncadd.s32 @!p2 $0xFFFFE000;
	s19 =	simm.s32 @!p3 $0x4  }
0x1d9: {  	_ =	swait.ge @!p3 [sflag:s19], $0x800  }
0x1da: {  	[sflag:s19] =	ssyncset.done @!p3 $0x0  }
0x1db: {  	[sflag:s19] =	ssyncadd.s32 @!p3 $0xFFFFF800  }
0x1dc: {  	v3 =	vld [tilespmem:s16+$0xFFFFFFC0];
	_ =	sdelay $0x4  }
0x1dd: {  	v3 =	vadd.s32 v0, v3  }
0x1de: {  	[tilespmem:$0x2800] =	vst v3  }
0x1df: {  	v3 =	vld [tilespmem:s15+$0xFFFFFFC0];
	_ =	sdelay $0x4  }
0x1e0: {  	[tilespmem:$0x2980] =	vst v3  }
0x1e1: {  	v3 =	vld [tilespmem:s16+$0xFFFFFFD0];
	_ =	sdelay $0x4  }
0x1e2: {  	v3 =	vadd.s32 v0, v3  }
0x1e3: {  	[tilespmem:$0x2810] =	vst v3  }
0x1e4: {  	v3 =	vld [tilespmem:s15+$0xFFFFFFD0];
	_ =	sdelay $0x4  }
0x1e5: {  	[tilespmem:$0x2990] =	vst v3  }
0x1e6: {  	v3 =	vld [tilespmem:s16+$0xFFFFFFE0];
	_ =	sdelay $0x4  }
0x1e7: {  	v3 =	vadd.s32 v0, v3  }
0x1e8: {  	[tilespmem:$0x2820] =	vst v3  }
0x1e9: {  	v3 =	vld [tilespmem:s15+$0xFFFFFFE0];
	_ =	sdelay $0x4  }
0x1ea: {  	[tilespmem:$0x29A0] =	vst v3  }
0x1eb: {  	v3 =	vld [tilespmem:s16+$0xFFFFFFF0];
	_ =	sdelay $0x4  }
0x1ec: {  	v3 =	vadd.s32 v0, v3  }
0x1ed: {  	[tilespmem:$0x2830] =	vst v3  }
0x1ee: {  	v3 =	vld [tilespmem:s15+$0xFFFFFFF0];
	_ =	sdelay $0x4  }
0x1ef: {  	[tilespmem:$0x29B0] =	vst v3  }
0x1f0: {  	v3 =	vld [tilespmem:s16+$0x0];
	_ =	sdelay $0x4  }
0x1f1: {  	v3 =	vadd.s32 v0, v3  }
0x1f2: {  	[tilespmem:$0x2840] =	vst v3  }
0x1f3: {  	v3 =	vld [tilespmem:s15+$0x0];
	_ =	sdelay $0x4  }
0x1f4: {  	[tilespmem:$0x29C0] =	vst v3  }
0x1f5: {  	v3 =	vld [tilespmem:s16+$0x10];
	_ =	sdelay $0x4  }
0x1f6: {  	v3 =	vadd.s32 v0, v3  }
0x1f7: {  	[tilespmem:$0x2850] =	vst v3  }
0x1f8: {  	v3 =	vld [tilespmem:s15+$0x10];
	_ =	sdelay $0x4  }
0x1f9: {  	[tilespmem:$0x29D0] =	vst v3  }
0x1fa: {  	v3 =	vld [tilespmem:s16+$0x20];
	_ =	sdelay $0x4  }
0x1fb: {  	v3 =	vadd.s32 v0, v3  }
0x1fc: {  	[tilespmem:$0x2860] =	vst v3  }
0x1fd: {  	v3 =	vld [tilespmem:s15+$0x20];
	_ =	sdelay $0x4  }
0x1fe: {  	[tilespmem:$0x29E0] =	vst v3  }
0x1ff: {  	v3 =	vld [tilespmem:s16+$0x30];
	_ =	sdelay $0x4  }
0x200: {  	v3 =	vadd.s32 v0, v3  }
0x201: {  	[tilespmem:$0x2870] =	vst v3  }
0x202: {  	v3 =	vld [tilespmem:s15+$0x30];
	_ =	sdelay $0x1  }
.Ltmp19:
0x203: {  	_ = 	snop;
	(pc) =	sbr.rel .LBB2_31-.Ltmp19, $3  }
0x204: {  	_ =	sdelay $0x1  }
0x205: {  	[tilespmem:$0x29F0] =	vst v3  }
0x206: {  	[tilespmem:s1], [sflag:$0x1] =	stream.indirect.gather [hbm4b:s2+s30], $0x40, s31, s30, $0xb8;
	[tilespmem:$0x16F78] =	vst v63  }
.LBB2_27:
0x207: {  	p3 =	sne.s32 @!p2 s20, $0x1  }
0x208: {  	p3 =	por p2, p3  }
.Ltmp20:
0x209: {  	_ = 	snop;
	(pc) =	sbr.rel @p3 .LBB2_29-.Ltmp20, $1  }
0x20a: {  	_ =	sdelay $0x3  }
0x20b: {  	p2 =	slt.u32 s14, $0x3  }
0x20c: {  	s19 =	simm.s32 @!p2 $0x8  }
0x20d: {  	p3 =	sne.s32 @!p2 s6, $0x0;
	_ =	swait.ge @!p2 [sflag:s19], $0x2000  }
0x20e: {  	p3 =	por p3, p2;
	[sflag:s19] =	ssyncset.done @!p2 $0x0  }
0x20f: {  	[sflag:s19] =	ssyncadd.s32 @!p2 $0xFFFFE000;
	s19 =	simm.s32 @!p3 $0x5  }
0x210: {  	_ =	swait.ge @!p3 [sflag:s19], $0x800  }
0x211: {  	[sflag:s19] =	ssyncset.done @!p3 $0x0  }
0x212: {  	[sflag:s19] =	ssyncadd.s32 @!p3 $0xFFFFF800  }
0x213: {  	v3 =	vld [tilespmem:s16+$0xFFFFFFC0];
	_ =	sdelay $0x4  }
0x214: {  	v3 =	vadd.s32 v0, v3  }
0x215: {  	[tilespmem:$0x2880] =	vst v3  }
0x216: {  	v3 =	vld [tilespmem:s15+$0xFFFFFFC0];
	_ =	sdelay $0x4  }
0x217: {  	[tilespmem:$0x2A00] =	vst v3  }
0x218: {  	v3 =	vld [tilespmem:s16+$0xFFFFFFD0];
	_ =	sdelay $0x4  }
0x219: {  	v3 =	vadd.s32 v0, v3  }
0x21a: {  	[tilespmem:$0x2890] =	vst v3  }
0x21b: {  	v3 =	vld [tilespmem:s15+$0xFFFFFFD0];
	_ =	sdelay $0x4  }
0x21c: {  	[tilespmem:$0x2A10] =	vst v3  }
0x21d: {  	v3 =	vld [tilespmem:s16+$0xFFFFFFE0];
	_ =	sdelay $0x4  }
0x21e: {  	v3 =	vadd.s32 v0, v3  }
0x21f: {  	[tilespmem:$0x28A0] =	vst v3  }
0x220: {  	v3 =	vld [tilespmem:s15+$0xFFFFFFE0];
	_ =	sdelay $0x4  }
0x221: {  	[tilespmem:$0x2A20] =	vst v3  }
0x222: {  	v3 =	vld [tilespmem:s16+$0xFFFFFFF0];
	_ =	sdelay $0x4  }
0x223: {  	v3 =	vadd.s32 v0, v3  }
0x224: {  	[tilespmem:$0x28B0] =	vst v3  }
0x225: {  	v3 =	vld [tilespmem:s15+$0xFFFFFFF0];
	_ =	sdelay $0x4  }
0x226: {  	[tilespmem:$0x2A30] =	vst v3  }
0x227: {  	v3 =	vld [tilespmem:s16+$0x0];
	_ =	sdelay $0x4  }
0x228: {  	v3 =	vadd.s32 v0, v3  }
0x229: {  	[tilespmem:$0x28C0] =	vst v3  }
0x22a: {  	v3 =	vld [tilespmem:s15+$0x0];
	_ =	sdelay $0x4  }
0x22b: {  	[tilespmem:$0x2A40] =	vst v3  }
0x22c: {  	v3 =	vld [tilespmem:s16+$0x10];
	_ =	sdelay $0x4  }
0x22d: {  	v3 =	vadd.s32 v0, v3  }
0x22e: {  	[tilespmem:$0x28D0] =	vst v3  }
0x22f: {  	v3 =	vld [tilespmem:s15+$0x10];
	_ =	sdelay $0x4  }
0x230: {  	[tilespmem:$0x2A50] =	vst v3  }
0x231: {  	v3 =	vld [tilespmem:s16+$0x20];
	_ =	sdelay $0x4  }
0x232: {  	v3 =	vadd.s32 v0, v3  }
0x233: {  	[tilespmem:$0x28E0] =	vst v3  }
0x234: {  	v3 =	vld [tilespmem:s15+$0x20];
	_ =	sdelay $0x4  }
0x235: {  	[tilespmem:$0x2A60] =	vst v3  }
0x236: {  	v3 =	vld [tilespmem:s16+$0x30];
	_ =	sdelay $0x4  }
0x237: {  	v3 =	vadd.s32 v0, v3  }
0x238: {  	[tilespmem:$0x28F0] =	vst v3  }
0x239: {  	v3 =	vld [tilespmem:s15+$0x30];
	_ =	sdelay $0x1  }
.Ltmp21:
0x23a: {  	_ = 	snop;
	(pc) =	sbr.rel .LBB2_31-.Ltmp21, $3  }
0x23b: {  	_ =	sdelay $0x1  }
0x23c: {  	[tilespmem:$0x2A70] =	vst v3  }
0x23d: {  	[tilespmem:s12], [sflag:$0x2] =	stream.indirect.gather [hbm4b:s2+s30], $0x40, s13, s30, $0xb8;
	[tilespmem:$0x16F78] =	vst v63  }
.LBB2_29:
.Ltmp22:
0x23e: {  	(pc) =	sbr.rel @p2 .LBB2_31-.Ltmp22, $1  }
0x23f: {  	_ =	sdelay $0x3  }
0x240: {  	s19 =	sand.u32 $0xFF, s19  }
0x241: {  	p2 =	sne.s32 s19, $0x2  }
0x242: {  	p3 =	slt.u32 @!p2 s14, $0x3  }
0x243: {  	p4 =	por p3, p2  }
0x244: {  	p5 =	sne.s32 @!p4 s6, $0x0;
	s19 =	simm.s32 @!p4 $0x9  }
0x245: {  	_ =	swait.ge @!p4 [sflag:s19], $0x2000;
	p3 =	por @!p2 p5, p3  }
0x246: {  	[sflag:s19] =	ssyncset.done @!p4 $0x0;
	p3 =	por p3, p2  }
0x247: {  	[sflag:s19] =	ssyncadd.s32 @!p4 $0xFFFFE000;
	s19 =	simm.s32 @!p3 $0x6  }
0x248: {  	_ =	swait.ge @!p3 [sflag:s19], $0x800  }
0x249: {  	[sflag:s19] =	ssyncset.done @!p3 $0x0  }
0x24a: {  	[sflag:s19] =	ssyncadd.s32 @!p3 $0xFFFFF800  }
0x24b: {  	v3 =	vld @!p2 [tilespmem:s16+$0xFFFFFFC0];
	_ =	sdelay $0x4  }
0x24c: {  	v3 =	vadd.s32 @!p2 v0, v3  }
0x24d: {  	[tilespmem:$0x2900] =	vst @!p2 v3  }
0x24e: {  	v3 =	vld @!p2 [tilespmem:s15+$0xFFFFFFC0];
	_ =	sdelay $0x4  }
0x24f: {  	[tilespmem:$0x2A80] =	vst @!p2 v3  }
0x250: {  	v3 =	vld @!p2 [tilespmem:s16+$0xFFFFFFD0];
	_ =	sdelay $0x4  }
0x251: {  	v3 =	vadd.s32 @!p2 v0, v3  }
0x252: {  	[tilespmem:$0x2910] =	vst @!p2 v3  }
0x253: {  	v3 =	vld @!p2 [tilespmem:s15+$0xFFFFFFD0];
	_ =	sdelay $0x4  }
0x254: {  	[tilespmem:$0x2A90] =	vst @!p2 v3  }
0x255: {  	v3 =	vld @!p2 [tilespmem:s16+$0xFFFFFFE0];
	_ =	sdelay $0x4  }
0x256: {  	v3 =	vadd.s32 @!p2 v0, v3  }
0x257: {  	[tilespmem:$0x2920] =	vst @!p2 v3  }
0x258: {  	v3 =	vld @!p2 [tilespmem:s15+$0xFFFFFFE0];
	_ =	sdelay $0x4  }
0x259: {  	[tilespmem:$0x2AA0] =	vst @!p2 v3  }
0x25a: {  	v3 =	vld @!p2 [tilespmem:s16+$0xFFFFFFF0];
	_ =	sdelay $0x4  }
0x25b: {  	v3 =	vadd.s32 @!p2 v0, v3  }
0x25c: {  	[tilespmem:$0x2930] =	vst @!p2 v3  }
0x25d: {  	v3 =	vld @!p2 [tilespmem:s15+$0xFFFFFFF0];
	_ =	sdelay $0x4  }
0x25e: {  	[tilespmem:$0x2AB0] =	vst @!p2 v3  }
0x25f: {  	v3 =	vld @!p2 [tilespmem:s16+$0x0];
	_ =	sdelay $0x4  }
0x260: {  	v3 =	vadd.s32 @!p2 v0, v3  }
0x261: {  	[tilespmem:$0x2940] =	vst @!p2 v3  }
0x262: {  	v3 =	vld @!p2 [tilespmem:s15+$0x0];
	_ =	sdelay $0x4  }
0x263: {  	[tilespmem:$0x2AC0] =	vst @!p2 v3  }
0x264: {  	v3 =	vld @!p2 [tilespmem:s16+$0x10];
	_ =	sdelay $0x4  }
0x265: {  	v3 =	vadd.s32 @!p2 v0, v3  }
0x266: {  	[tilespmem:$0x2950] =	vst @!p2 v3  }
0x267: {  	v3 =	vld @!p2 [tilespmem:s15+$0x10];
	_ =	sdelay $0x4  }
0x268: {  	[tilespmem:$0x2AD0] =	vst @!p2 v3  }
0x269: {  	v3 =	vld @!p2 [tilespmem:s16+$0x20];
	_ =	sdelay $0x4  }
0x26a: {  	v3 =	vadd.s32 @!p2 v0, v3  }
0x26b: {  	[tilespmem:$0x2960] =	vst @!p2 v3  }
0x26c: {  	v3 =	vld @!p2 [tilespmem:s15+$0x20];
	_ =	sdelay $0x4  }
0x26d: {  	[tilespmem:$0x2AE0] =	vst @!p2 v3  }
0x26e: {  	v3 =	vld @!p2 [tilespmem:s16+$0x30];
	_ =	sdelay $0x4  }
0x26f: {  	v3 =	vadd.s32 @!p2 v0, v3  }
0x270: {  	[tilespmem:$0x2970] =	vst @!p2 v3  }
0x271: {  	v3 =	vld @!p2 [tilespmem:s15+$0x30];
	_ =	sdelay $0x4  }
0x272: {  	s20 =	simm.s32 @!p2 $0x2900;
	s21 =	simm.s32 @!p2 $0x6B00;
	s19 =	simm.s32 @!p2 $0x80;
	[tilespmem:$0x2AF0] =	vst @!p2 v3  }
0x273: {  	[tilespmem:s21], [sflag:$0x3] =	stream.indirect.gather @!p2 [hbm4b:s2+s19], $0x40, s20, s19, $0xb8;
	[tilespmem:$0x16F78] =	vst v63  }
.LBB2_31:
0x274: {  	s19 =	sadd.s32 $0xFFFFFFFE, s14  }
0x275: {  	s20 =	sshll.u32 s19, $0x18  }
0x276: {  	s20 =	sshra.s32 s20, $0x18  }
0x277: {  	s20 =	smul.u32 $0x56, s20;
	_ =	sdelay $0x1  }
0x278: {  	s21 =	sshrl.u32 s20, $0x1F;
	s20 =	sshrl.u32 s20, $0x8  }
0x279: {  	s20 =	sadd.s32 s21, s20  }
0x27a: {  	s20 =	smul.u32 $0x3, s20;
	_ =	sdelay $0x1  }
0x27b: {  	s19 =	ssub.s32 s19, s20  }
0x27c: {  	s19 =	sshll.u32 s19, $0x18  }
0x27d: {  	s19 =	sshra.s32 s19, $0x18  }
0x27e: {  	p3 =	slt.s32 s19, $0x0;
	s20 =	sadd.s32 $0x3, s19  }
0x27f: {  	p2 =	slt.u32 s14, $0x2;
	s19 =	smov.u32 @p3 s20  }
0x280: {  	p3 =	sne.s32 @!p2 s19, $0x0  }
0x281: {  	p3 =	por p2, p3  }
.Ltmp23:
0x282: {  	_ = 	snop;
	(pc) =	sbr.rel @!p3 .LBB2_32-.Ltmp23, $1  }
0x283: {  	_ =	sdelay $0x3  }
0x284: {  	p3 =	sne.s32 @!p2 s19, $0x1  }
0x285: {  	p3 =	por p2, p3  }
.Ltmp24:
0x286: {  	_ = 	snop;
	(pc) =	sbr.rel @p3 .LBB2_35-.Ltmp24, $1  }
0x287: {  	_ =	sdelay $0x3  }
0x288: {  	_ =	swait.ge [sflag:s10], $0x2000  }
.Ltmp25:
0x289: {  	[sflag:s10] =	ssyncset.done $0x0;
	(pc) =	sbr.rel .LBB2_36-.Ltmp25, $4  }
0x28a: {  	[sflag:s10] =	ssyncadd.s32 $0xFFFFE000  }
0x28b: {  	[spmem:s3] =	stream.indirect.scatter.add.f32 [tilespmem:s12], [sflag:$0x8], $0x40, s11, s30, $0xb8;
	[tilespmem:$0x16F78] =	vst v63  }
0x28c: {  	s19 =	simm.s32 @!p0 $0x80;
	s20 =	simm.s32 @!p0 $0x2A00;
	s21 =	simm.s32 @!p0 $0x8B00  }
0x28d: {  	[spmem:s4] =	stream.indirect.scatter.add.f32 @!p0 [tilespmem:s21], [sflag:$0x5], $0x10, s20, s19, $0xb8;
	[tilespmem:$0x16F78] =	vst v63  }
.LBB2_35:
0x28e: {  	p3 =	sne.s32 @!p2 s19, $0x2  }
0x28f: {  	p4 =	por p3, p2  }
0x290: {  	s19 =	simm.s32 @!p4 $0x3;
	p5 =	sne.s32 @!p4 s6, $0x0  }
0x291: {  	s20 =	simm.s32 @!p4 $0x2A80;
	s21 =	simm.s32 @!p4 $0x6B00;
	_ =	swait.ge @!p4 [sflag:s19], $0x2000  }
.Ltmp26:
0x292: {  	p3 =	por @!p2 p5, p3;
	[sflag:s19] =	ssyncset.done @!p4 $0x0;
	(pc) =	sbr.rel .LBB2_36-.Ltmp26, $4  }
0x293: {  	p2 =	por p3, p2;
	[sflag:s19] =	ssyncadd.s32 @!p4 $0xFFFFE000;
	s19 =	simm.s32 @!p4 $0x80  }
0x294: {  	[spmem:s3] =	stream.indirect.scatter.add.f32 @!p4 [tilespmem:s21], [sflag:$0x9], $0x40, s20, s19, $0xb8;
	[tilespmem:$0x16F78] =	vst v63  }
0x295: {  	s19 =	simm.s32 @!p2 $0x80;
	s20 =	simm.s32 @!p2 $0x2A80;
	s21 =	simm.s32 @!p2 $0x8B00  }
0x296: {  	[spmem:s4] =	stream.indirect.scatter.add.f32 @!p2 [tilespmem:s21], [sflag:$0x6], $0x10, s20, s19, $0xb8;
	[tilespmem:$0x16F78] =	vst v63  }
.LBB2_37:
0x297: {  	_ =	swait.ge [sflag:s9], $0x2000  }
0x298: {  	[sflag:s9] =	ssyncset.done $0x0  }
0x299: {  	s14 =	simm.s32 @p1 $0x4;
	[sflag:s9] =	ssyncadd.s32 $0xFFFFE000  }
0x29a: {  	_ =	swait.ge @p1 [sflag:s14], $0x800  }
0x29b: {  	[sflag:s14] =	ssyncset.done @p1 $0x0  }
0x29c: {  	[sflag:s14] =	ssyncadd.s32 @p1 $0xFFFFF800;
	s14 =	simm.s32 @p1 $0x8  }
0x29d: {  	_ =	swait.ge @p1 [sflag:s14], $0x2000  }
0x29e: {  	[sflag:s14] =	ssyncset.done @p1 $0x0  }
0x29f: {  	[sflag:s14] =	ssyncadd.s32 @p1 $0xFFFFE000;
	s14 =	simm.s32 @p1 $0x5  }
0x2a0: {  	_ =	swait.ge @p1 [sflag:s14], $0x800  }
0x2a1: {  	[sflag:s14] =	ssyncset.done @p1 $0x0  }
0x2a2: {  	[sflag:s14] =	ssyncadd.s32 @p1 $0xFFFFF800;
	s14 =	simm.s32 @p1 $0x9  }
0x2a3: {  	_ =	swait.ge @p1 [sflag:s14], $0x2000  }
0x2a4: {  	[sflag:s14] =	ssyncset.done @p1 $0x0  }
0x2a5: {  	[sflag:s14] =	ssyncadd.s32 @p1 $0xFFFFE000;
	s14 =	simm.s32 @p1 $0x6  }
0x2a6: {  	_ =	swait.ge @p1 [sflag:s14], $0x800  }
0x2a7: {  	[sflag:s14] =	ssyncset.done @p1 $0x0  }
0x2a8: {  	[sflag:s14] =	ssyncadd.s32 @p1 $0xFFFFF800;
	s14 =	simm.s32 @!p1 $0x8  }
0x2a9: {  	_ =	swait.ge @!p1 [sflag:s14], $0x2000  }
0x2aa: {  	[sflag:s14] =	ssyncset.done @!p1 $0x0  }
0x2ab: {  	[sflag:s14] =	ssyncadd.s32 @!p1 $0xFFFFE000;
	s14 =	simm.s32 @!p1 $0x9  }
0x2ac: {  	_ =	swait.ge @!p1 [sflag:s14], $0x2000  }
0x2ad: {  	[sflag:s14] =	ssyncset.done @!p1 $0x0  }
0x2ae: {  	p3 =	sle.u32 s7, $0x0;
	[sflag:s14] =	ssyncadd.s32 @!p1 $0xFFFFE000  }
0x2af: {  	s15 =	simm.s32 @!p3 $0xB;
	s14 =	simm.s32 @!p3 $0x9F80;
	[bflag:$0x0] =	sbarrier.arrive $0xFFFF  }
0x2b0: {  	[tilespmem:s14], [sflag:$0xB] =	stream.linear.gather @!p3 [spmem:s18], $0xA00, $0x38;
	[tilespmem:$0x16F78] =	vst v63  }
0x2b1: {  	_ =	swait.ge @!p3 [sflag:s15], $0xA00  }
0x2b2: {  	[sflag:s15] =	ssyncset.done @!p3 $0x0  }
0x2b3: {  	s16 =	simm.s32 @!p3 $0x0;
	s19 =	rddreg [dreg:$0x10];
	[sflag:s15] =	ssyncadd.s32 @!p3 $0xFFFFF600  }
0x2b4: {  	[hbm4b:s19+s16] =	stream.linear.scatter @!p3 [tilespmem:s14], [sflag:$0xB], $0xA00, $0x38;
	[tilespmem:$0x16F78] =	vst v63  }
0x2b5: {  	p2 =	sne.s32 @!p3 s6, $0x0;
	_ =	swait.ge @!p3 [sflag:s15], $0xA00  }
0x2b6: {  	p2 =	por p2, p3;
	[sflag:s15] =	ssyncset.done @!p3 $0x0  }
0x2b7: {  	s14 =	simm.s32 @!p2 $0xA980;
	[sflag:s15] =	ssyncadd.s32 @!p3 $0xFFFFF600;
	s15 =	simm.s32 @!p2 $0xB  }
0x2b8: {  	[tilespmem:s14], [sflag:$0xB] =	stream.linear.gather @!p2 [spmem:s17], $0x280, $0x38;
	[tilespmem:$0x16F78] =	vst v63  }
0x2b9: {  	_ =	swait.ge @!p2 [sflag:s15], $0x280  }
0x2ba: {  	s20 =	simm.s32 $0x2;
	s29 =	simm.s32 @!p2 $0xA;
	[sflag:s15] =	ssyncset.done @!p2 $0x0  }
0x2bb: {  	s16 =	sadd.s32 $0xA00, s18;
	[sflag:s15] =	ssyncadd.s32 @!p2 $0xFFFFFD80;
	s15 =	simm.s32 @!p2 $0x0  }
0x2bc: {  	[hbm4b:s24+s15] =	stream.linear.scatter @!p2 [tilespmem:s14], [sflag:$0xA], $0x280, $0x38;
	[tilespmem:$0x16F78] =	vst v63  }
0x2bd: {  	s19 =	sadd.s32 $0x140, s19;
	p3 =	sle.u32 s7, $0x1;
	_ =	swait.ge @!p2 [sflag:s29], $0x280  }
0x2be: {  	s14 =	sadd.s32 $0x50, s24;
	s15 =	sadd.s32 $0x280, s17;
	[sflag:s29] =	ssyncset.done @!p2 $0x0  }
.LBB2_38:
0x2bf: {  	s21 =	simm.s32 @!p3 $0x9F80;
	s22 =	simm.s32 @!p3 $0xB;
	[sflag:s29] =	ssyncadd.s32 @!p2 $0xFFFFFD80  }
0x2c0: {  	[tilespmem:s21], [sflag:$0xB] =	stream.linear.gather @!p3 [spmem:s16], $0xA00, $0x38;
	[tilespmem:$0x16F78] =	vst v63  }
0x2c1: {  	s23 =	smov.u32 s20;
	s20 =	sadd.s32 $0x1, s20;
	_ =	swait.ge @!p3 [sflag:s22], $0xA00  }
0x2c2: {  	p4 =	sne.s32 s20, $0x10;
	[sflag:s22] =	ssyncset.done @!p3 $0x0  }
0x2c3: {  	s29 =	simm.s32 @!p3 $0x0;
	[sflag:s22] =	ssyncadd.s32 @!p3 $0xFFFFF600  }
0x2c4: {  	[hbm4b:s19+s29] =	stream.linear.scatter @!p3 [tilespmem:s21], [sflag:$0xB], $0xA00, $0x38;
	[tilespmem:$0x16F78] =	vst v63  }
0x2c5: {  	p2 =	sne.s32 @!p3 s6, $0x0;
	_ =	swait.ge @!p3 [sflag:s22], $0xA00  }
0x2c6: {  	p2 =	por p2, p3;
	[sflag:s22] =	ssyncset.done @!p3 $0x0  }
0x2c7: {  	s21 =	simm.s32 @!p2 $0xA980;
	[sflag:s22] =	ssyncadd.s32 @!p3 $0xFFFFF600;
	s22 =	simm.s32 @!p2 $0xB  }
0x2c8: {  	[tilespmem:s21], [sflag:$0xB] =	stream.linear.gather @!p2 [spmem:s15], $0x280, $0x38;
	[tilespmem:$0x16F78] =	vst v63  }
0x2c9: {  	_ =	swait.ge @!p2 [sflag:s22], $0x280  }
.Ltmp27:
0x2ca: {  	s16 =	sadd.s32 $0xA00, s16;
	[sflag:s22] =	ssyncset.done @!p2 $0x0;
	(pc) =	sbr.rel @p4 .LBB2_38-.Ltmp27, $4  }
0x2cb: {  	s29 =	simm.s32 @!p2 $0xA;
	[sflag:s22] =	ssyncadd.s32 @!p2 $0xFFFFFD80;
	s22 =	simm.s32 @!p2 $0x0  }
0x2cc: {  	[hbm4b:s14+s22] =	stream.linear.scatter @!p2 [tilespmem:s21], [sflag:$0xA], $0x280, $0x38;
	[tilespmem:$0x16F78] =	vst v63  }
0x2cd: {  	s19 =	sadd.s32 $0x140, s19;
	s14 =	sadd.s32 $0x50, s14;
	_ =	swait.ge @!p2 [sflag:s29], $0x280  }
0x2ce: {  	p3 =	sge.u32 s23, s7;
	s15 =	sadd.s32 $0x280, s15;
	[sflag:s29] =	ssyncset.done @!p2 $0x0  }
0x2cf: {  	s20 =	simm.s32 @!p3 $0x9F80;
	s21 =	simm.s32 @!p3 $0xB;
	[sflag:s29] =	ssyncadd.s32 @!p2 $0xFFFFFD80  }
0x2d0: {  	[tilespmem:s20], [sflag:$0xB] =	stream.linear.gather @!p3 [spmem:s16], $0xA00, $0x38;
	[tilespmem:$0x16F78] =	vst v63  }
0x2d1: {  	_ =	swait.ge @!p3 [sflag:s21], $0xA00  }
0x2d2: {  	[sflag:s21] =	ssyncset.done @!p3 $0x0  }
0x2d3: {  	s16 =	simm.s32 @!p3 $0x0;
	[sflag:s21] =	ssyncadd.s32 @!p3 $0xFFFFF600  }
0x2d4: {  	[hbm4b:s19+s16] =	stream.linear.scatter @!p3 [tilespmem:s20], [sflag:$0xB], $0xA00, $0x38;
	[tilespmem:$0x16F78] =	vst v63  }
0x2d5: {  	p2 =	sne.s32 @!p3 s6, $0x0;
	_ =	swait.ge @!p3 [sflag:s21], $0xA00  }
0x2d6: {  	p2 =	por p2, p3;
	[sflag:s21] =	ssyncset.done @!p3 $0x0  }
0x2d7: {  	s16 =	simm.s32 @!p2 $0xA980;
	s19 =	simm.s32 @!p2 $0xB;
	[sflag:s21] =	ssyncadd.s32 @!p3 $0xFFFFF600  }
0x2d8: {  	[tilespmem:s16], [sflag:$0xB] =	stream.linear.gather @!p2 [spmem:s15], $0x280, $0x38;
	[tilespmem:$0x16F78] =	vst v63  }
0x2d9: {  	_ =	swait.ge @!p2 [sflag:s19], $0x280  }
0x2da: {  	[sflag:s19] =	ssyncset.done @!p2 $0x0  }
0x2db: {  	s15 =	simm.s32 @!p2 $0x0;
	[sflag:s19] =	ssyncadd.s32 @!p2 $0xFFFFFD80;
	s19 =	simm.s32 @!p2 $0xA  }
0x2dc: {  	[hbm4b:s14+s15] =	stream.linear.scatter @!p2 [tilespmem:s16], [sflag:$0xA], $0x280, $0x38;
	[tilespmem:$0x16F78] =	vst v63  }
0x2dd: {  	_ =	swait.ge @!p2 [sflag:s19], $0x280  }
0x2de: {  	[sflag:s19] =	ssyncset.done @!p2 $0x0  }
0x2df: {  	p3 =	sle.u32 s7, $0x0;
	[sflag:s19] =	ssyncadd.s32 @!p2 $0xFFFFFD80  }
0x2e0: {  	s14 =	simm.s32 @!p3 $0x9300;
	s15 =	simm.s32 @!p3 $0xB;
	[bflag:$0x0] =	sbarrier.arrive $0xFFFF  }
0x2e1: {  	[spmem:s18] =	stream.linear.scatter @!p3 [tilespmem:s14], [sflag:$0xB], $0xA00, $0x38;
	[tilespmem:$0x16F78] =	vst v63  }
0x2e2: {  	p2 =	sne.s32 @!p3 s6, $0x0;
	_ =	swait.ge @!p3 [sflag:s15], $0xA00  }
0x2e3: {  	p2 =	por p2, p3;
	[sflag:s15] =	ssyncset.done @!p3 $0x0  }
0x2e4: {  	s14 =	simm.s32 @!p2 $0x9D00;
	s19 =	simm.s32 @!p2 $0xA;
	[sflag:s15] =	ssyncadd.s32 @!p3 $0xFFFFF600  }
0x2e5: {  	[spmem:s17] =	stream.linear.scatter @!p2 [tilespmem:s14], [sflag:$0xA], $0x280, $0x38;
	[tilespmem:$0x16F78] =	vst v63  }
0x2e6: {  	s16 =	simm.s32 $0x2;
	s15 =	sadd.s32 $0xA00, s18;
	_ =	swait.ge @!p2 [sflag:s19], $0x280  }
0x2e7: {  	p3 =	sle.u32 s7, $0x1;
	s14 =	sadd.s32 $0x280, s17;
	[sflag:s19] =	ssyncset.done @!p2 $0x0  }
.LBB2_40:
0x2e8: {  	s20 =	simm.s32 @!p3 $0x9300;
	s21 =	simm.s32 @!p3 $0xB  }
0x2e9: {  	[sflag:s19] =	ssyncadd.s32 @!p2 $0xFFFFFD80;
	s22 =	smov.u32 s16;
	s16 =	sadd.s32 $0x1, s16  }
0x2ea: {  	[spmem:s15] =	stream.linear.scatter @!p3 [tilespmem:s20], [sflag:$0xB], $0xA00, $0x38;
	[tilespmem:$0x16F78] =	vst v63  }
0x2eb: {  	p2 =	sne.s32 @!p3 s6, $0x0;
	p4 =	sne.s32 s16, $0x10;
	_ =	swait.ge @!p3 [sflag:s21], $0xA00  }
.Ltmp28:
0x2ec: {  	p2 =	por p2, p3;
	[sflag:s21] =	ssyncset.done @!p3 $0x0;
	(pc) =	sbr.rel @p4 .LBB2_40-.Ltmp28, $4  }
0x2ed: {  	s20 =	simm.s32 @!p2 $0x9D00;
	s19 =	simm.s32 @!p2 $0xA;
	[sflag:s21] =	ssyncadd.s32 @!p3 $0xFFFFF600  }
0x2ee: {  	[spmem:s14] =	stream.linear.scatter @!p2 [tilespmem:s20], [sflag:$0xA], $0x280, $0x38;
	[tilespmem:$0x16F78] =	vst v63  }
0x2ef: {  	s15 =	sadd.s32 $0xA00, s15;
	_ =	swait.ge @!p2 [sflag:s19], $0x280  }
0x2f0: {  	p3 =	sge.u32 s22, s7;
	s14 =	sadd.s32 $0x280, s14;
	[sflag:s19] =	ssyncset.done @!p2 $0x0  }
0x2f1: {  	s16 =	simm.s32 @!p3 $0x9300;
	s20 =	simm.s32 @!p3 $0xB;
	[sflag:s19] =	ssyncadd.s32 @!p2 $0xFFFFFD80  }
0x2f2: {  	[spmem:s15] =	stream.linear.scatter @!p3 [tilespmem:s16], [sflag:$0xB], $0xA00, $0x38;
	[tilespmem:$0x16F78] =	vst v63  }
0x2f3: {  	p2 =	sne.s32 @!p3 s6, $0x0;
	_ =	swait.ge @!p3 [sflag:s20], $0xA00  }
0x2f4: {  	p2 =	por p2, p3;
	[sflag:s20] =	ssyncset.done @!p3 $0x0  }
0x2f5: {  	s15 =	simm.s32 @!p2 $0x9D00;
	s16 =	simm.s32 @!p2 $0xA;
	[sflag:s20] =	ssyncadd.s32 @!p3 $0xFFFFF600  }
0x2f6: {  	[spmem:s14] =	stream.linear.scatter @!p2 [tilespmem:s15], [sflag:$0xA], $0x280, $0x38;
	[tilespmem:$0x16F78] =	vst v63  }
0x2f7: {  	_ =	swait.ge @!p2 [sflag:s16], $0x280  }
0x2f8: {  	[sflag:s16] =	ssyncset.done @!p2 $0x0  }
0x2f9: {  	s14 =	simm.s32 $0x0;
	s22 =	rddreg [dreg:$0x9];
	[sflag:s16] =	ssyncadd.s32 @!p2 $0xFFFFFD80  }
0x2fa: {  	[tilespmem:s14], [sflag:$0xA] =	stream.linear.gather [hbm4b:s22+s14], $0x1400, $0x38;
	[tilespmem:$0x16F78] =	vst v63  }
0x2fb: {  	_ =	swait.ge [sflag:s28], $0x1400  }
0x2fc: {  	[sflag:s28] =	ssyncset.done $0x0  }
0x2fd: {  	s29 =	simm.s32 $0x1400;
	s23 =	rddreg [dreg:$0xa];
	[sflag:s28] =	ssyncadd.s32 $0xFFFFEC00  }
0x2fe: {  	[tilespmem:s29], [sflag:$0xA] =	stream.linear.gather [hbm4b:s23+s14], $0x1400, $0x38;
	[tilespmem:$0x16F78] =	vst v63  }
.Ltmp29:
0x2ff: {  	_ =	swait.ge [sflag:s28], $0x1400;
	(pc) =	sbr.rel .LBB2_42-.Ltmp29, $4  }
0x300: {  	[sflag:s28] =	ssyncset.done $0x0  }
0x301: {  	[sflag:s28] =	ssyncadd.s32 $0xFFFFEC00  }
0x302: {  	[bflag:$0x0] =	sbarrier.arrive $0xFFFF  }
0x303: {  	s15 =	simm.s32 $0x1440;
	s16 =	simm.s32 $0x40  }
.LBB2_49:
0x304: {  	_ =	swait.ge [sflag:s0], $0x2000  }
0x305: {  	[sflag:s0] =	ssyncset.done $0x0  }
0x306: {  	[sflag:s0] =	ssyncadd.s32 $0xFFFFE000  }
0x307: {  	[spmem:s3] =	stream.indirect.scatter.add.f32 [tilespmem:s1], [sflag:$0x7], $0x40, s8, s30, $0xb8;
	[tilespmem:$0x16F78] =	vst v63  }
0x308: {  	s19 =	simm.s32 @!p0 $0x80;
	s20 =	simm.s32 @!p0 $0x2980;
	s21 =	simm.s32 @!p0 $0x8B00  }
0x309: {  	[spmem:s4] =	stream.indirect.scatter.add.f32 @!p0 [tilespmem:s21], [sflag:$0x4], $0x10, s20, s19, $0xb8;
	[tilespmem:$0x16F78] =	vst v63  }
.LBB2_53:
0x30a: {  	s14 =	sadd.s32 $0x1, s14  }
0x30b: {  	p2 =	sne.s32 s14, $0x2A  }
.Ltmp30:
0x30c: {  	_ = 	snop;
	(pc) =	sbr.rel @!p2 .LBB2_54-.Ltmp30, $2  }
0x30d: {  	_ =	sdelay $0x2  }
0x30e: {  	s15 =	sadd.s32 $0x80, s15;
	s16 =	sadd.s32 $0x80, s16  }
.LBB2_42:
0x30f: {  	s19 =	smul.u32 $0xAB, s14;
	_ =	sdelay $0x1  }
0x310: {  	s19 =	sshrl.u32 s19, $0x9  }
0x311: {  	s19 =	sand.u32 $0x7F, s19  }
0x312: {  	s19 =	smul.u32 $0x3, s19;
	_ =	sdelay $0x1  }
0x313: {  	p2 =	sgt.u32 s14, $0x27;
	s19 =	ssub.s32 s14, s19  }
0x314: {  	s20 =	sand.u32 @!p2 $0xFF, s19  }
0x315: {  	p3 =	sne.s32 @!p2 s20, $0x0  }
0x316: {  	p3 =	por p2, p3  }
.Ltmp31:
0x317: {  	_ = 	snop;
	(pc) =	sbr.rel @p3 .LBB2_44-.Ltmp31, $1  }
0x318: {  	_ =	sdelay $0x3  }
0x319: {  	p2 =	slt.u32 s14, $0x3  }
0x31a: {  	s19 =	simm.s32 @!p2 $0x7  }
0x31b: {  	p3 =	sne.s32 @!p2 s6, $0x0;
	_ =	swait.ge @!p2 [sflag:s19], $0x2000  }
0x31c: {  	p3 =	por p3, p2;
	[sflag:s19] =	ssyncset.done @!p2 $0x0  }
0x31d: {  	[sflag:s19] =	ssyncadd.s32 @!p2 $0xFFFFE000;
	s19 =	simm.s32 @!p3 $0x4  }
0x31e: {  	_ =	swait.ge @!p3 [sflag:s19], $0x800  }
0x31f: {  	[sflag:s19] =	ssyncset.done @!p3 $0x0  }
0x320: {  	[sflag:s19] =	ssyncadd.s32 @!p3 $0xFFFFF800  }
0x321: {  	v3 =	vld [tilespmem:s16+$0xFFFFFFC0];
	_ =	sdelay $0x4  }
0x322: {  	v3 =	vadd.s32 v0, v3  }
0x323: {  	[tilespmem:$0x2800] =	vst v3  }
0x324: {  	v3 =	vld [tilespmem:s15+$0xFFFFFFC0];
	_ =	sdelay $0x4  }
0x325: {  	[tilespmem:$0x2980] =	vst v3  }
0x326: {  	v3 =	vld [tilespmem:s16+$0xFFFFFFD0];
	_ =	sdelay $0x4  }
0x327: {  	v3 =	vadd.s32 v0, v3  }
0x328: {  	[tilespmem:$0x2810] =	vst v3  }
0x329: {  	v3 =	vld [tilespmem:s15+$0xFFFFFFD0];
	_ =	sdelay $0x4  }
0x32a: {  	[tilespmem:$0x2990] =	vst v3  }
0x32b: {  	v3 =	vld [tilespmem:s16+$0xFFFFFFE0];
	_ =	sdelay $0x4  }
0x32c: {  	v3 =	vadd.s32 v0, v3  }
0x32d: {  	[tilespmem:$0x2820] =	vst v3  }
0x32e: {  	v3 =	vld [tilespmem:s15+$0xFFFFFFE0];
	_ =	sdelay $0x4  }
0x32f: {  	[tilespmem:$0x29A0] =	vst v3  }
0x330: {  	v3 =	vld [tilespmem:s16+$0xFFFFFFF0];
	_ =	sdelay $0x4  }
0x331: {  	v3 =	vadd.s32 v0, v3  }
0x332: {  	[tilespmem:$0x2830] =	vst v3  }
0x333: {  	v3 =	vld [tilespmem:s15+$0xFFFFFFF0];
	_ =	sdelay $0x4  }
0x334: {  	[tilespmem:$0x29B0] =	vst v3  }
0x335: {  	v3 =	vld [tilespmem:s16+$0x0];
	_ =	sdelay $0x4  }
0x336: {  	v3 =	vadd.s32 v0, v3  }
0x337: {  	[tilespmem:$0x2840] =	vst v3  }
0x338: {  	v3 =	vld [tilespmem:s15+$0x0];
	_ =	sdelay $0x4  }
0x339: {  	[tilespmem:$0x29C0] =	vst v3  }
0x33a: {  	v3 =	vld [tilespmem:s16+$0x10];
	_ =	sdelay $0x4  }
0x33b: {  	v3 =	vadd.s32 v0, v3  }
0x33c: {  	[tilespmem:$0x2850] =	vst v3  }
0x33d: {  	v3 =	vld [tilespmem:s15+$0x10];
	_ =	sdelay $0x4  }
0x33e: {  	[tilespmem:$0x29D0] =	vst v3  }
0x33f: {  	v3 =	vld [tilespmem:s16+$0x20];
	_ =	sdelay $0x4  }
0x340: {  	v3 =	vadd.s32 v0, v3  }
0x341: {  	[tilespmem:$0x2860] =	vst v3  }
0x342: {  	v3 =	vld [tilespmem:s15+$0x20];
	_ =	sdelay $0x4  }
0x343: {  	[tilespmem:$0x29E0] =	vst v3  }
0x344: {  	v3 =	vld [tilespmem:s16+$0x30];
	_ =	sdelay $0x4  }
0x345: {  	v3 =	vadd.s32 v0, v3  }
0x346: {  	[tilespmem:$0x2870] =	vst v3  }
0x347: {  	v3 =	vld [tilespmem:s15+$0x30];
	_ =	sdelay $0x1  }
.Ltmp32:
0x348: {  	_ = 	snop;
	(pc) =	sbr.rel .LBB2_48-.Ltmp32, $3  }
0x349: {  	_ =	sdelay $0x1  }
0x34a: {  	[tilespmem:$0x29F0] =	vst v3  }
0x34b: {  	[tilespmem:s1], [sflag:$0x1] =	stream.indirect.gather [hbm4b:s2+s30], $0x40, s31, s30, $0xb8;
	[tilespmem:$0x16F78] =	vst v63  }
.LBB2_44:
0x34c: {  	p3 =	sne.s32 @!p2 s20, $0x1  }
0x34d: {  	p3 =	por p2, p3  }
.Ltmp33:
0x34e: {  	_ = 	snop;
	(pc) =	sbr.rel @p3 .LBB2_46-.Ltmp33, $1  }
0x34f: {  	_ =	sdelay $0x3  }
0x350: {  	p2 =	slt.u32 s14, $0x3  }
0x351: {  	s19 =	simm.s32 @!p2 $0x8  }
0x352: {  	p3 =	sne.s32 @!p2 s6, $0x0;
	_ =	swait.ge @!p2 [sflag:s19], $0x2000  }
0x353: {  	p3 =	por p3, p2;
	[sflag:s19] =	ssyncset.done @!p2 $0x0  }
0x354: {  	[sflag:s19] =	ssyncadd.s32 @!p2 $0xFFFFE000;
	s19 =	simm.s32 @!p3 $0x5  }
0x355: {  	_ =	swait.ge @!p3 [sflag:s19], $0x800  }
0x356: {  	[sflag:s19] =	ssyncset.done @!p3 $0x0  }
0x357: {  	[sflag:s19] =	ssyncadd.s32 @!p3 $0xFFFFF800  }
0x358: {  	v3 =	vld [tilespmem:s16+$0xFFFFFFC0];
	_ =	sdelay $0x4  }
0x359: {  	v3 =	vadd.s32 v0, v3  }
0x35a: {  	[tilespmem:$0x2880] =	vst v3  }
0x35b: {  	v3 =	vld [tilespmem:s15+$0xFFFFFFC0];
	_ =	sdelay $0x4  }
0x35c: {  	[tilespmem:$0x2A00] =	vst v3  }
0x35d: {  	v3 =	vld [tilespmem:s16+$0xFFFFFFD0];
	_ =	sdelay $0x4  }
0x35e: {  	v3 =	vadd.s32 v0, v3  }
0x35f: {  	[tilespmem:$0x2890] =	vst v3  }
0x360: {  	v3 =	vld [tilespmem:s15+$0xFFFFFFD0];
	_ =	sdelay $0x4  }
0x361: {  	[tilespmem:$0x2A10] =	vst v3  }
0x362: {  	v3 =	vld [tilespmem:s16+$0xFFFFFFE0];
	_ =	sdelay $0x4  }
0x363: {  	v3 =	vadd.s32 v0, v3  }
0x364: {  	[tilespmem:$0x28A0] =	vst v3  }
0x365: {  	v3 =	vld [tilespmem:s15+$0xFFFFFFE0];
	_ =	sdelay $0x4  }
0x366: {  	[tilespmem:$0x2A20] =	vst v3  }
0x367: {  	v3 =	vld [tilespmem:s16+$0xFFFFFFF0];
	_ =	sdelay $0x4  }
0x368: {  	v3 =	vadd.s32 v0, v3  }
0x369: {  	[tilespmem:$0x28B0] =	vst v3  }
0x36a: {  	v3 =	vld [tilespmem:s15+$0xFFFFFFF0];
	_ =	sdelay $0x4  }
0x36b: {  	[tilespmem:$0x2A30] =	vst v3  }
0x36c: {  	v3 =	vld [tilespmem:s16+$0x0];
	_ =	sdelay $0x4  }
0x36d: {  	v3 =	vadd.s32 v0, v3  }
0x36e: {  	[tilespmem:$0x28C0] =	vst v3  }
0x36f: {  	v3 =	vld [tilespmem:s15+$0x0];
	_ =	sdelay $0x4  }
0x370: {  	[tilespmem:$0x2A40] =	vst v3  }
0x371: {  	v3 =	vld [tilespmem:s16+$0x10];
	_ =	sdelay $0x4  }
0x372: {  	v3 =	vadd.s32 v0, v3  }
0x373: {  	[tilespmem:$0x28D0] =	vst v3  }
0x374: {  	v3 =	vld [tilespmem:s15+$0x10];
	_ =	sdelay $0x4  }
0x375: {  	[tilespmem:$0x2A50] =	vst v3  }
0x376: {  	v3 =	vld [tilespmem:s16+$0x20];
	_ =	sdelay $0x4  }
0x377: {  	v3 =	vadd.s32 v0, v3  }
0x378: {  	[tilespmem:$0x28E0] =	vst v3  }
0x379: {  	v3 =	vld [tilespmem:s15+$0x20];
	_ =	sdelay $0x4  }
0x37a: {  	[tilespmem:$0x2A60] =	vst v3  }
0x37b: {  	v3 =	vld [tilespmem:s16+$0x30];
	_ =	sdelay $0x4  }
0x37c: {  	v3 =	vadd.s32 v0, v3  }
0x37d: {  	[tilespmem:$0x28F0] =	vst v3  }
0x37e: {  	v3 =	vld [tilespmem:s15+$0x30];
	_ =	sdelay $0x1  }
.Ltmp34:
0x37f: {  	_ = 	snop;
	(pc) =	sbr.rel .LBB2_48-.Ltmp34, $3  }
0x380: {  	_ =	sdelay $0x1  }
0x381: {  	[tilespmem:$0x2A70] =	vst v3  }
0x382: {  	[tilespmem:s12], [sflag:$0x2] =	stream.indirect.gather [hbm4b:s2+s30], $0x40, s13, s30, $0xb8;
	[tilespmem:$0x16F78] =	vst v63  }
.LBB2_46:
.Ltmp35:
0x383: {  	(pc) =	sbr.rel @p2 .LBB2_48-.Ltmp35, $1  }
0x384: {  	_ =	sdelay $0x3  }
0x385: {  	s19 =	sand.u32 $0xFF, s19  }
0x386: {  	p2 =	sne.s32 s19, $0x2  }
0x387: {  	p3 =	slt.u32 @!p2 s14, $0x3  }
0x388: {  	p4 =	por p3, p2  }
0x389: {  	p5 =	sne.s32 @!p4 s6, $0x0;
	s19 =	simm.s32 @!p4 $0x9  }
0x38a: {  	_ =	swait.ge @!p4 [sflag:s19], $0x2000;
	p3 =	por @!p2 p5, p3  }
0x38b: {  	[sflag:s19] =	ssyncset.done @!p4 $0x0;
	p3 =	por p3, p2  }
0x38c: {  	[sflag:s19] =	ssyncadd.s32 @!p4 $0xFFFFE000;
	s19 =	simm.s32 @!p3 $0x6  }
0x38d: {  	_ =	swait.ge @!p3 [sflag:s19], $0x800  }
0x38e: {  	[sflag:s19] =	ssyncset.done @!p3 $0x0  }
0x38f: {  	[sflag:s19] =	ssyncadd.s32 @!p3 $0xFFFFF800  }
0x390: {  	v3 =	vld @!p2 [tilespmem:s16+$0xFFFFFFC0];
	_ =	sdelay $0x4  }
0x391: {  	v3 =	vadd.s32 @!p2 v0, v3  }
0x392: {  	[tilespmem:$0x2900] =	vst @!p2 v3  }
0x393: {  	v3 =	vld @!p2 [tilespmem:s15+$0xFFFFFFC0];
	_ =	sdelay $0x4  }
0x394: {  	[tilespmem:$0x2A80] =	vst @!p2 v3  }
0x395: {  	v3 =	vld @!p2 [tilespmem:s16+$0xFFFFFFD0];
	_ =	sdelay $0x4  }
0x396: {  	v3 =	vadd.s32 @!p2 v0, v3  }
0x397: {  	[tilespmem:$0x2910] =	vst @!p2 v3  }
0x398: {  	v3 =	vld @!p2 [tilespmem:s15+$0xFFFFFFD0];
	_ =	sdelay $0x4  }
0x399: {  	[tilespmem:$0x2A90] =	vst @!p2 v3  }
0x39a: {  	v3 =	vld @!p2 [tilespmem:s16+$0xFFFFFFE0];
	_ =	sdelay $0x4  }
0x39b: {  	v3 =	vadd.s32 @!p2 v0, v3  }
0x39c: {  	[tilespmem:$0x2920] =	vst @!p2 v3  }
0x39d: {  	v3 =	vld @!p2 [tilespmem:s15+$0xFFFFFFE0];
	_ =	sdelay $0x4  }
0x39e: {  	[tilespmem:$0x2AA0] =	vst @!p2 v3  }
0x39f: {  	v3 =	vld @!p2 [tilespmem:s16+$0xFFFFFFF0];
	_ =	sdelay $0x4  }
0x3a0: {  	v3 =	vadd.s32 @!p2 v0, v3  }
0x3a1: {  	[tilespmem:$0x2930] =	vst @!p2 v3  }
0x3a2: {  	v3 =	vld @!p2 [tilespmem:s15+$0xFFFFFFF0];
	_ =	sdelay $0x4  }
0x3a3: {  	[tilespmem:$0x2AB0] =	vst @!p2 v3  }
0x3a4: {  	v3 =	vld @!p2 [tilespmem:s16+$0x0];
	_ =	sdelay $0x4  }
0x3a5: {  	v3 =	vadd.s32 @!p2 v0, v3  }
0x3a6: {  	[tilespmem:$0x2940] =	vst @!p2 v3  }
0x3a7: {  	v3 =	vld @!p2 [tilespmem:s15+$0x0];
	_ =	sdelay $0x4  }
0x3a8: {  	[tilespmem:$0x2AC0] =	vst @!p2 v3  }
0x3a9: {  	v3 =	vld @!p2 [tilespmem:s16+$0x10];
	_ =	sdelay $0x4  }
0x3aa: {  	v3 =	vadd.s32 @!p2 v0, v3  }
0x3ab: {  	[tilespmem:$0x2950] =	vst @!p2 v3  }
0x3ac: {  	v3 =	vld @!p2 [tilespmem:s15+$0x10];
	_ =	sdelay $0x4  }
0x3ad: {  	[tilespmem:$0x2AD0] =	vst @!p2 v3  }
0x3ae: {  	v3 =	vld @!p2 [tilespmem:s16+$0x20];
	_ =	sdelay $0x4  }
0x3af: {  	v3 =	vadd.s32 @!p2 v0, v3  }
0x3b0: {  	[tilespmem:$0x2960] =	vst @!p2 v3  }
0x3b1: {  	v3 =	vld @!p2 [tilespmem:s15+$0x20];
	_ =	sdelay $0x4  }
0x3b2: {  	[tilespmem:$0x2AE0] =	vst @!p2 v3  }
0x3b3: {  	v3 =	vld @!p2 [tilespmem:s16+$0x30];
	_ =	sdelay $0x4  }
0x3b4: {  	v3 =	vadd.s32 @!p2 v0, v3  }
0x3b5: {  	[tilespmem:$0x2970] =	vst @!p2 v3  }
0x3b6: {  	v3 =	vld @!p2 [tilespmem:s15+$0x30];
	_ =	sdelay $0x4  }
0x3b7: {  	s20 =	simm.s32 @!p2 $0x2900;
	s21 =	simm.s32 @!p2 $0x6B00;
	s19 =	simm.s32 @!p2 $0x80;
	[tilespmem:$0x2AF0] =	vst @!p2 v3  }
0x3b8: {  	[tilespmem:s21], [sflag:$0x3] =	stream.indirect.gather @!p2 [hbm4b:s2+s19], $0x40, s20, s19, $0xb8;
	[tilespmem:$0x16F78] =	vst v63  }
.LBB2_48:
0x3b9: {  	s19 =	sadd.s32 $0xFFFFFFFE, s14  }
0x3ba: {  	s20 =	sshll.u32 s19, $0x18  }
0x3bb: {  	s20 =	sshra.s32 s20, $0x18  }
0x3bc: {  	s20 =	smul.u32 $0x56, s20;
	_ =	sdelay $0x1  }
0x3bd: {  	s21 =	sshrl.u32 s20, $0x1F;
	s20 =	sshrl.u32 s20, $0x8  }
0x3be: {  	s20 =	sadd.s32 s21, s20  }
0x3bf: {  	s20 =	smul.u32 $0x3, s20;
	_ =	sdelay $0x1  }
0x3c0: {  	s19 =	ssub.s32 s19, s20  }
0x3c1: {  	s19 =	sshll.u32 s19, $0x18  }
0x3c2: {  	s19 =	sshra.s32 s19, $0x18  }
0x3c3: {  	p3 =	slt.s32 s19, $0x0;
	s20 =	sadd.s32 $0x3, s19  }
0x3c4: {  	p2 =	slt.u32 s14, $0x2;
	s19 =	smov.u32 @p3 s20  }
0x3c5: {  	p3 =	sne.s32 @!p2 s19, $0x0  }
0x3c6: {  	p3 =	por p2, p3  }
.Ltmp36:
0x3c7: {  	_ = 	snop;
	(pc) =	sbr.rel @!p3 .LBB2_49-.Ltmp36, $1  }
0x3c8: {  	_ =	sdelay $0x3  }
0x3c9: {  	p3 =	sne.s32 @!p2 s19, $0x1  }
0x3ca: {  	p3 =	por p2, p3  }
.Ltmp37:
0x3cb: {  	_ = 	snop;
	(pc) =	sbr.rel @p3 .LBB2_52-.Ltmp37, $1  }
0x3cc: {  	_ =	sdelay $0x3  }
0x3cd: {  	_ =	swait.ge [sflag:s10], $0x2000  }
.Ltmp38:
0x3ce: {  	[sflag:s10] =	ssyncset.done $0x0;
	(pc) =	sbr.rel .LBB2_53-.Ltmp38, $4  }
0x3cf: {  	[sflag:s10] =	ssyncadd.s32 $0xFFFFE000  }
0x3d0: {  	[spmem:s3] =	stream.indirect.scatter.add.f32 [tilespmem:s12], [sflag:$0x8], $0x40, s11, s30, $0xb8;
	[tilespmem:$0x16F78] =	vst v63  }
0x3d1: {  	s19 =	simm.s32 @!p0 $0x80;
	s20 =	simm.s32 @!p0 $0x2A00;
	s21 =	simm.s32 @!p0 $0x8B00  }
0x3d2: {  	[spmem:s4] =	stream.indirect.scatter.add.f32 @!p0 [tilespmem:s21], [sflag:$0x5], $0x10, s20, s19, $0xb8;
	[tilespmem:$0x16F78] =	vst v63  }
.LBB2_52:
0x3d3: {  	p3 =	sne.s32 @!p2 s19, $0x2  }
0x3d4: {  	p4 =	por p3, p2  }
0x3d5: {  	s19 =	simm.s32 @!p4 $0x3;
	p5 =	sne.s32 @!p4 s6, $0x0  }
0x3d6: {  	s20 =	simm.s32 @!p4 $0x2A80;
	s21 =	simm.s32 @!p4 $0x6B00;
	_ =	swait.ge @!p4 [sflag:s19], $0x2000  }
.Ltmp39:
0x3d7: {  	p3 =	por @!p2 p5, p3;
	[sflag:s19] =	ssyncset.done @!p4 $0x0;
	(pc) =	sbr.rel .LBB2_53-.Ltmp39, $4  }
0x3d8: {  	p2 =	por p3, p2;
	[sflag:s19] =	ssyncadd.s32 @!p4 $0xFFFFE000;
	s19 =	simm.s32 @!p4 $0x80  }
0x3d9: {  	[spmem:s3] =	stream.indirect.scatter.add.f32 @!p4 [tilespmem:s21], [sflag:$0x9], $0x40, s20, s19, $0xb8;
	[tilespmem:$0x16F78] =	vst v63  }
0x3da: {  	s19 =	simm.s32 @!p2 $0x80;
	s20 =	simm.s32 @!p2 $0x2A80;
	s21 =	simm.s32 @!p2 $0x8B00  }
0x3db: {  	[spmem:s4] =	stream.indirect.scatter.add.f32 @!p2 [tilespmem:s21], [sflag:$0x6], $0x10, s20, s19, $0xb8;
	[tilespmem:$0x16F78] =	vst v63  }
.LBB2_54:
0x3dc: {  	_ =	swait.ge [sflag:s9], $0x2000  }
0x3dd: {  	[sflag:s9] =	ssyncset.done $0x0  }
0x3de: {  	s14 =	simm.s32 @p1 $0x4;
	[sflag:s9] =	ssyncadd.s32 $0xFFFFE000  }
0x3df: {  	_ =	swait.ge @p1 [sflag:s14], $0x800  }
0x3e0: {  	[sflag:s14] =	ssyncset.done @p1 $0x0  }
0x3e1: {  	[sflag:s14] =	ssyncadd.s32 @p1 $0xFFFFF800;
	s14 =	simm.s32 @p1 $0x8  }
0x3e2: {  	_ =	swait.ge @p1 [sflag:s14], $0x2000  }
0x3e3: {  	[sflag:s14] =	ssyncset.done @p1 $0x0  }
0x3e4: {  	[sflag:s14] =	ssyncadd.s32 @p1 $0xFFFFE000;
	s14 =	simm.s32 @p1 $0x5  }
0x3e5: {  	_ =	swait.ge @p1 [sflag:s14], $0x800  }
0x3e6: {  	[sflag:s14] =	ssyncset.done @p1 $0x0  }
0x3e7: {  	[sflag:s14] =	ssyncadd.s32 @p1 $0xFFFFF800;
	s14 =	simm.s32 @p1 $0x9  }
0x3e8: {  	_ =	swait.ge @p1 [sflag:s14], $0x2000  }
0x3e9: {  	[sflag:s14] =	ssyncset.done @p1 $0x0  }
0x3ea: {  	[sflag:s14] =	ssyncadd.s32 @p1 $0xFFFFE000;
	s14 =	simm.s32 @p1 $0x6  }
0x3eb: {  	_ =	swait.ge @p1 [sflag:s14], $0x800  }
0x3ec: {  	[sflag:s14] =	ssyncset.done @p1 $0x0  }
0x3ed: {  	[sflag:s14] =	ssyncadd.s32 @p1 $0xFFFFF800;
	s14 =	simm.s32 @!p1 $0x8  }
0x3ee: {  	_ =	swait.ge @!p1 [sflag:s14], $0x2000  }
0x3ef: {  	[sflag:s14] =	ssyncset.done @!p1 $0x0  }
0x3f0: {  	[sflag:s14] =	ssyncadd.s32 @!p1 $0xFFFFE000;
	s14 =	simm.s32 @!p1 $0x9  }
0x3f1: {  	_ =	swait.ge @!p1 [sflag:s14], $0x2000  }
0x3f2: {  	[sflag:s14] =	ssyncset.done @!p1 $0x0  }
0x3f3: {  	p3 =	sle.u32 s7, $0x0;
	[sflag:s14] =	ssyncadd.s32 @!p1 $0xFFFFE000  }
0x3f4: {  	s15 =	simm.s32 @!p3 $0xB;
	s14 =	simm.s32 @!p3 $0x9F80;
	[bflag:$0x0] =	sbarrier.arrive $0xFFFF  }
0x3f5: {  	[tilespmem:s14], [sflag:$0xB] =	stream.linear.gather @!p3 [spmem:s18], $0xA00, $0x38;
	[tilespmem:$0x16F78] =	vst v63  }
0x3f6: {  	_ =	swait.ge @!p3 [sflag:s15], $0xA00  }
0x3f7: {  	[sflag:s15] =	ssyncset.done @!p3 $0x0  }
0x3f8: {  	s16 =	simm.s32 @!p3 $0x0;
	s19 =	rddreg [dreg:$0x11];
	[sflag:s15] =	ssyncadd.s32 @!p3 $0xFFFFF600  }
0x3f9: {  	[hbm4b:s19+s16] =	stream.linear.scatter @!p3 [tilespmem:s14], [sflag:$0xB], $0xA00, $0x38;
	[tilespmem:$0x16F78] =	vst v63  }
0x3fa: {  	p2 =	sne.s32 @!p3 s6, $0x0;
	_ =	swait.ge @!p3 [sflag:s15], $0xA00  }
0x3fb: {  	p2 =	por p2, p3;
	[sflag:s15] =	ssyncset.done @!p3 $0x0  }
0x3fc: {  	s14 =	simm.s32 @!p2 $0xA980;
	[sflag:s15] =	ssyncadd.s32 @!p3 $0xFFFFF600;
	s15 =	simm.s32 @!p2 $0xB  }
0x3fd: {  	[tilespmem:s14], [sflag:$0xB] =	stream.linear.gather @!p2 [spmem:s17], $0x280, $0x38;
	[tilespmem:$0x16F78] =	vst v63  }
0x3fe: {  	_ =	swait.ge @!p2 [sflag:s15], $0x280  }
0x3ff: {  	s20 =	simm.s32 $0x2;
	s29 =	simm.s32 @!p2 $0xA;
	[sflag:s15] =	ssyncset.done @!p2 $0x0  }
0x400: {  	s16 =	sadd.s32 $0xA00, s18;
	[sflag:s15] =	ssyncadd.s32 @!p2 $0xFFFFFD80;
	s15 =	simm.s32 @!p2 $0x0  }
0x401: {  	[hbm4b:s25+s15] =	stream.linear.scatter @!p2 [tilespmem:s14], [sflag:$0xA], $0x280, $0x38;
	[tilespmem:$0x16F78] =	vst v63  }
0x402: {  	s19 =	sadd.s32 $0x140, s19;
	p3 =	sle.u32 s7, $0x1;
	_ =	swait.ge @!p2 [sflag:s29], $0x280  }
0x403: {  	s14 =	sadd.s32 $0x50, s25;
	s15 =	sadd.s32 $0x280, s17;
	[sflag:s29] =	ssyncset.done @!p2 $0x0  }
.LBB2_55:
0x404: {  	s21 =	simm.s32 @!p3 $0x9F80;
	s22 =	simm.s32 @!p3 $0xB;
	[sflag:s29] =	ssyncadd.s32 @!p2 $0xFFFFFD80  }
0x405: {  	[tilespmem:s21], [sflag:$0xB] =	stream.linear.gather @!p3 [spmem:s16], $0xA00, $0x38;
	[tilespmem:$0x16F78] =	vst v63  }
0x406: {  	s23 =	smov.u32 s20;
	s20 =	sadd.s32 $0x1, s20;
	_ =	swait.ge @!p3 [sflag:s22], $0xA00  }
0x407: {  	p4 =	sne.s32 s20, $0x10;
	[sflag:s22] =	ssyncset.done @!p3 $0x0  }
0x408: {  	s29 =	simm.s32 @!p3 $0x0;
	[sflag:s22] =	ssyncadd.s32 @!p3 $0xFFFFF600  }
0x409: {  	[hbm4b:s19+s29] =	stream.linear.scatter @!p3 [tilespmem:s21], [sflag:$0xB], $0xA00, $0x38;
	[tilespmem:$0x16F78] =	vst v63  }
0x40a: {  	p2 =	sne.s32 @!p3 s6, $0x0;
	_ =	swait.ge @!p3 [sflag:s22], $0xA00  }
0x40b: {  	p2 =	por p2, p3;
	[sflag:s22] =	ssyncset.done @!p3 $0x0  }
0x40c: {  	s21 =	simm.s32 @!p2 $0xA980;
	[sflag:s22] =	ssyncadd.s32 @!p3 $0xFFFFF600;
	s22 =	simm.s32 @!p2 $0xB  }
0x40d: {  	[tilespmem:s21], [sflag:$0xB] =	stream.linear.gather @!p2 [spmem:s15], $0x280, $0x38;
	[tilespmem:$0x16F78] =	vst v63  }
0x40e: {  	_ =	swait.ge @!p2 [sflag:s22], $0x280  }
.Ltmp40:
0x40f: {  	s16 =	sadd.s32 $0xA00, s16;
	[sflag:s22] =	ssyncset.done @!p2 $0x0;
	(pc) =	sbr.rel @p4 .LBB2_55-.Ltmp40, $4  }
0x410: {  	s29 =	simm.s32 @!p2 $0xA;
	[sflag:s22] =	ssyncadd.s32 @!p2 $0xFFFFFD80;
	s22 =	simm.s32 @!p2 $0x0  }
0x411: {  	[hbm4b:s14+s22] =	stream.linear.scatter @!p2 [tilespmem:s21], [sflag:$0xA], $0x280, $0x38;
	[tilespmem:$0x16F78] =	vst v63  }
0x412: {  	s19 =	sadd.s32 $0x140, s19;
	s14 =	sadd.s32 $0x50, s14;
	_ =	swait.ge @!p2 [sflag:s29], $0x280  }
0x413: {  	p3 =	sge.u32 s23, s7;
	s15 =	sadd.s32 $0x280, s15;
	[sflag:s29] =	ssyncset.done @!p2 $0x0  }
0x414: {  	s20 =	simm.s32 @!p3 $0x9F80;
	s21 =	simm.s32 @!p3 $0xB;
	[sflag:s29] =	ssyncadd.s32 @!p2 $0xFFFFFD80  }
0x415: {  	[tilespmem:s20], [sflag:$0xB] =	stream.linear.gather @!p3 [spmem:s16], $0xA00, $0x38;
	[tilespmem:$0x16F78] =	vst v63  }
0x416: {  	_ =	swait.ge @!p3 [sflag:s21], $0xA00  }
0x417: {  	[sflag:s21] =	ssyncset.done @!p3 $0x0  }
0x418: {  	s16 =	simm.s32 @!p3 $0x0;
	[sflag:s21] =	ssyncadd.s32 @!p3 $0xFFFFF600  }
0x419: {  	[hbm4b:s19+s16] =	stream.linear.scatter @!p3 [tilespmem:s20], [sflag:$0xB], $0xA00, $0x38;
	[tilespmem:$0x16F78] =	vst v63  }
0x41a: {  	p2 =	sne.s32 @!p3 s6, $0x0;
	_ =	swait.ge @!p3 [sflag:s21], $0xA00  }
0x41b: {  	p2 =	por p2, p3;
	[sflag:s21] =	ssyncset.done @!p3 $0x0  }
0x41c: {  	s16 =	simm.s32 @!p2 $0xA980;
	s19 =	simm.s32 @!p2 $0xB;
	[sflag:s21] =	ssyncadd.s32 @!p3 $0xFFFFF600  }
0x41d: {  	[tilespmem:s16], [sflag:$0xB] =	stream.linear.gather @!p2 [spmem:s15], $0x280, $0x38;
	[tilespmem:$0x16F78] =	vst v63  }
0x41e: {  	_ =	swait.ge @!p2 [sflag:s19], $0x280  }
0x41f: {  	[sflag:s19] =	ssyncset.done @!p2 $0x0  }
0x420: {  	s15 =	simm.s32 @!p2 $0x0;
	[sflag:s19] =	ssyncadd.s32 @!p2 $0xFFFFFD80;
	s19 =	simm.s32 @!p2 $0xA  }
0x421: {  	[hbm4b:s14+s15] =	stream.linear.scatter @!p2 [tilespmem:s16], [sflag:$0xA], $0x280, $0x38;
	[tilespmem:$0x16F78] =	vst v63  }
0x422: {  	_ =	swait.ge @!p2 [sflag:s19], $0x280  }
0x423: {  	[sflag:s19] =	ssyncset.done @!p2 $0x0  }
0x424: {  	p3 =	sle.u32 s7, $0x0;
	[sflag:s19] =	ssyncadd.s32 @!p2 $0xFFFFFD80  }
0x425: {  	s14 =	simm.s32 @!p3 $0x9300;
	s15 =	simm.s32 @!p3 $0xB;
	[bflag:$0x0] =	sbarrier.arrive $0xFFFF  }
0x426: {  	[spmem:s18] =	stream.linear.scatter @!p3 [tilespmem:s14], [sflag:$0xB], $0xA00, $0x38;
	[tilespmem:$0x16F78] =	vst v63  }
0x427: {  	p2 =	sne.s32 @!p3 s6, $0x0;
	_ =	swait.ge @!p3 [sflag:s15], $0xA00  }
0x428: {  	p2 =	por p2, p3;
	[sflag:s15] =	ssyncset.done @!p3 $0x0  }
0x429: {  	s14 =	simm.s32 @!p2 $0x9D00;
	s19 =	simm.s32 @!p2 $0xA;
	[sflag:s15] =	ssyncadd.s32 @!p3 $0xFFFFF600  }
0x42a: {  	[spmem:s17] =	stream.linear.scatter @!p2 [tilespmem:s14], [sflag:$0xA], $0x280, $0x38;
	[tilespmem:$0x16F78] =	vst v63  }
0x42b: {  	s16 =	simm.s32 $0x2;
	s15 =	sadd.s32 $0xA00, s18;
	_ =	swait.ge @!p2 [sflag:s19], $0x280  }
0x42c: {  	p3 =	sle.u32 s7, $0x1;
	s14 =	sadd.s32 $0x280, s17;
	[sflag:s19] =	ssyncset.done @!p2 $0x0  }
.LBB2_57:
0x42d: {  	s20 =	simm.s32 @!p3 $0x9300;
	s21 =	simm.s32 @!p3 $0xB  }
0x42e: {  	[sflag:s19] =	ssyncadd.s32 @!p2 $0xFFFFFD80;
	s22 =	smov.u32 s16;
	s16 =	sadd.s32 $0x1, s16  }
0x42f: {  	[spmem:s15] =	stream.linear.scatter @!p3 [tilespmem:s20], [sflag:$0xB], $0xA00, $0x38;
	[tilespmem:$0x16F78] =	vst v63  }
0x430: {  	p2 =	sne.s32 @!p3 s6, $0x0;
	p4 =	sne.s32 s16, $0x10;
	_ =	swait.ge @!p3 [sflag:s21], $0xA00  }
.Ltmp41:
0x431: {  	p2 =	por p2, p3;
	[sflag:s21] =	ssyncset.done @!p3 $0x0;
	(pc) =	sbr.rel @p4 .LBB2_57-.Ltmp41, $4  }
0x432: {  	s20 =	simm.s32 @!p2 $0x9D00;
	s19 =	simm.s32 @!p2 $0xA;
	[sflag:s21] =	ssyncadd.s32 @!p3 $0xFFFFF600  }
0x433: {  	[spmem:s14] =	stream.linear.scatter @!p2 [tilespmem:s20], [sflag:$0xA], $0x280, $0x38;
	[tilespmem:$0x16F78] =	vst v63  }
0x434: {  	s15 =	sadd.s32 $0xA00, s15;
	_ =	swait.ge @!p2 [sflag:s19], $0x280  }
0x435: {  	p3 =	sge.u32 s22, s7;
	s14 =	sadd.s32 $0x280, s14;
	[sflag:s19] =	ssyncset.done @!p2 $0x0  }
0x436: {  	s16 =	simm.s32 @!p3 $0x9300;
	s20 =	simm.s32 @!p3 $0xB;
	[sflag:s19] =	ssyncadd.s32 @!p2 $0xFFFFFD80  }
0x437: {  	[spmem:s15] =	stream.linear.scatter @!p3 [tilespmem:s16], [sflag:$0xB], $0xA00, $0x38;
	[tilespmem:$0x16F78] =	vst v63  }
0x438: {  	p2 =	sne.s32 @!p3 s6, $0x0;
	_ =	swait.ge @!p3 [sflag:s20], $0xA00  }
0x439: {  	p2 =	por p2, p3;
	[sflag:s20] =	ssyncset.done @!p3 $0x0  }
0x43a: {  	s15 =	simm.s32 @!p2 $0x9D00;
	s16 =	simm.s32 @!p2 $0xA;
	[sflag:s20] =	ssyncadd.s32 @!p3 $0xFFFFF600  }
0x43b: {  	[spmem:s14] =	stream.linear.scatter @!p2 [tilespmem:s15], [sflag:$0xA], $0x280, $0x38;
	[tilespmem:$0x16F78] =	vst v63  }
0x43c: {  	_ =	swait.ge @!p2 [sflag:s16], $0x280  }
0x43d: {  	[sflag:s16] =	ssyncset.done @!p2 $0x0  }
0x43e: {  	s14 =	simm.s32 $0x0;
	s22 =	rddreg [dreg:$0xb];
	[sflag:s16] =	ssyncadd.s32 @!p2 $0xFFFFFD80  }
0x43f: {  	[tilespmem:s14], [sflag:$0xA] =	stream.linear.gather [hbm4b:s22+s14], $0x1400, $0x38;
	[tilespmem:$0x16F78] =	vst v63  }
0x440: {  	_ =	swait.ge [sflag:s28], $0x1400  }
0x441: {  	[sflag:s28] =	ssyncset.done $0x0  }
0x442: {  	s29 =	simm.s32 $0x1400;
	s23 =	rddreg [dreg:$0xc];
	[sflag:s28] =	ssyncadd.s32 $0xFFFFEC00  }
0x443: {  	[tilespmem:s29], [sflag:$0xA] =	stream.linear.gather [hbm4b:s23+s14], $0x1400, $0x38;
	[tilespmem:$0x16F78] =	vst v63  }
.Ltmp42:
0x444: {  	_ =	swait.ge [sflag:s28], $0x1400;
	(pc) =	sbr.rel .LBB2_59-.Ltmp42, $4  }
0x445: {  	[sflag:s28] =	ssyncset.done $0x0  }
0x446: {  	[sflag:s28] =	ssyncadd.s32 $0xFFFFEC00  }
0x447: {  	[bflag:$0x0] =	sbarrier.arrive $0xFFFF  }
0x448: {  	s15 =	simm.s32 $0x1440;
	s16 =	simm.s32 $0x40  }
.LBB2_66:
0x449: {  	_ =	swait.ge [sflag:s0], $0x2000  }
0x44a: {  	[sflag:s0] =	ssyncset.done $0x0  }
0x44b: {  	[sflag:s0] =	ssyncadd.s32 $0xFFFFE000  }
0x44c: {  	[spmem:s3] =	stream.indirect.scatter.add.f32 [tilespmem:s1], [sflag:$0x7], $0x40, s8, s30, $0xb8;
	[tilespmem:$0x16F78] =	vst v63  }
0x44d: {  	s19 =	simm.s32 @!p0 $0x80;
	s20 =	simm.s32 @!p0 $0x2980;
	s21 =	simm.s32 @!p0 $0x8B00  }
0x44e: {  	[spmem:s4] =	stream.indirect.scatter.add.f32 @!p0 [tilespmem:s21], [sflag:$0x4], $0x10, s20, s19, $0xb8;
	[tilespmem:$0x16F78] =	vst v63  }
.LBB2_70:
0x44f: {  	s14 =	sadd.s32 $0x1, s14  }
0x450: {  	p2 =	sne.s32 s14, $0x2A  }
.Ltmp43:
0x451: {  	_ = 	snop;
	(pc) =	sbr.rel @!p2 .LBB2_71-.Ltmp43, $2  }
0x452: {  	_ =	sdelay $0x2  }
0x453: {  	s15 =	sadd.s32 $0x80, s15;
	s16 =	sadd.s32 $0x80, s16  }
.LBB2_59:
0x454: {  	s19 =	smul.u32 $0xAB, s14;
	_ =	sdelay $0x1  }
0x455: {  	s19 =	sshrl.u32 s19, $0x9  }
0x456: {  	s19 =	sand.u32 $0x7F, s19  }
0x457: {  	s19 =	smul.u32 $0x3, s19;
	_ =	sdelay $0x1  }
0x458: {  	p2 =	sgt.u32 s14, $0x27;
	s19 =	ssub.s32 s14, s19  }
0x459: {  	s20 =	sand.u32 @!p2 $0xFF, s19  }
0x45a: {  	p3 =	sne.s32 @!p2 s20, $0x0  }
0x45b: {  	p3 =	por p2, p3  }
.Ltmp44:
0x45c: {  	_ = 	snop;
	(pc) =	sbr.rel @p3 .LBB2_61-.Ltmp44, $1  }
0x45d: {  	_ =	sdelay $0x3  }
0x45e: {  	p2 =	slt.u32 s14, $0x3  }
0x45f: {  	s19 =	simm.s32 @!p2 $0x7  }
0x460: {  	p3 =	sne.s32 @!p2 s6, $0x0;
	_ =	swait.ge @!p2 [sflag:s19], $0x2000  }
0x461: {  	p3 =	por p3, p2;
	[sflag:s19] =	ssyncset.done @!p2 $0x0  }
0x462: {  	[sflag:s19] =	ssyncadd.s32 @!p2 $0xFFFFE000;
	s19 =	simm.s32 @!p3 $0x4  }
0x463: {  	_ =	swait.ge @!p3 [sflag:s19], $0x800  }
0x464: {  	[sflag:s19] =	ssyncset.done @!p3 $0x0  }
0x465: {  	[sflag:s19] =	ssyncadd.s32 @!p3 $0xFFFFF800  }
0x466: {  	v3 =	vld [tilespmem:s16+$0xFFFFFFC0];
	_ =	sdelay $0x4  }
0x467: {  	v3 =	vadd.s32 v0, v3  }
0x468: {  	[tilespmem:$0x2800] =	vst v3  }
0x469: {  	v3 =	vld [tilespmem:s15+$0xFFFFFFC0];
	_ =	sdelay $0x4  }
0x46a: {  	[tilespmem:$0x2980] =	vst v3  }
0x46b: {  	v3 =	vld [tilespmem:s16+$0xFFFFFFD0];
	_ =	sdelay $0x4  }
0x46c: {  	v3 =	vadd.s32 v0, v3  }
0x46d: {  	[tilespmem:$0x2810] =	vst v3  }
0x46e: {  	v3 =	vld [tilespmem:s15+$0xFFFFFFD0];
	_ =	sdelay $0x4  }
0x46f: {  	[tilespmem:$0x2990] =	vst v3  }
0x470: {  	v3 =	vld [tilespmem:s16+$0xFFFFFFE0];
	_ =	sdelay $0x4  }
0x471: {  	v3 =	vadd.s32 v0, v3  }
0x472: {  	[tilespmem:$0x2820] =	vst v3  }
0x473: {  	v3 =	vld [tilespmem:s15+$0xFFFFFFE0];
	_ =	sdelay $0x4  }
0x474: {  	[tilespmem:$0x29A0] =	vst v3  }
0x475: {  	v3 =	vld [tilespmem:s16+$0xFFFFFFF0];
	_ =	sdelay $0x4  }
0x476: {  	v3 =	vadd.s32 v0, v3  }
0x477: {  	[tilespmem:$0x2830] =	vst v3  }
0x478: {  	v3 =	vld [tilespmem:s15+$0xFFFFFFF0];
	_ =	sdelay $0x4  }
0x479: {  	[tilespmem:$0x29B0] =	vst v3  }
0x47a: {  	v3 =	vld [tilespmem:s16+$0x0];
	_ =	sdelay $0x4  }
0x47b: {  	v3 =	vadd.s32 v0, v3  }
0x47c: {  	[tilespmem:$0x2840] =	vst v3  }
0x47d: {  	v3 =	vld [tilespmem:s15+$0x0];
	_ =	sdelay $0x4  }
0x47e: {  	[tilespmem:$0x29C0] =	vst v3  }
0x47f: {  	v3 =	vld [tilespmem:s16+$0x10];
	_ =	sdelay $0x4  }
0x480: {  	v3 =	vadd.s32 v0, v3  }
0x481: {  	[tilespmem:$0x2850] =	vst v3  }
0x482: {  	v3 =	vld [tilespmem:s15+$0x10];
	_ =	sdelay $0x4  }
0x483: {  	[tilespmem:$0x29D0] =	vst v3  }
0x484: {  	v3 =	vld [tilespmem:s16+$0x20];
	_ =	sdelay $0x4  }
0x485: {  	v3 =	vadd.s32 v0, v3  }
0x486: {  	[tilespmem:$0x2860] =	vst v3  }
0x487: {  	v3 =	vld [tilespmem:s15+$0x20];
	_ =	sdelay $0x4  }
0x488: {  	[tilespmem:$0x29E0] =	vst v3  }
0x489: {  	v3 =	vld [tilespmem:s16+$0x30];
	_ =	sdelay $0x4  }
0x48a: {  	v3 =	vadd.s32 v0, v3  }
0x48b: {  	[tilespmem:$0x2870] =	vst v3  }
0x48c: {  	v3 =	vld [tilespmem:s15+$0x30];
	_ =	sdelay $0x1  }
.Ltmp45:
0x48d: {  	_ = 	snop;
	(pc) =	sbr.rel .LBB2_65-.Ltmp45, $3  }
0x48e: {  	_ =	sdelay $0x1  }
0x48f: {  	[tilespmem:$0x29F0] =	vst v3  }
0x490: {  	[tilespmem:s1], [sflag:$0x1] =	stream.indirect.gather [hbm4b:s2+s30], $0x40, s31, s30, $0xb8;
	[tilespmem:$0x16F78] =	vst v63  }
.LBB2_61:
0x491: {  	p3 =	sne.s32 @!p2 s20, $0x1  }
0x492: {  	p3 =	por p2, p3  }
.Ltmp46:
0x493: {  	_ = 	snop;
	(pc) =	sbr.rel @p3 .LBB2_63-.Ltmp46, $1  }
0x494: {  	_ =	sdelay $0x3  }
0x495: {  	p2 =	slt.u32 s14, $0x3  }
0x496: {  	s19 =	simm.s32 @!p2 $0x8  }
0x497: {  	p3 =	sne.s32 @!p2 s6, $0x0;
	_ =	swait.ge @!p2 [sflag:s19], $0x2000  }
0x498: {  	p3 =	por p3, p2;
	[sflag:s19] =	ssyncset.done @!p2 $0x0  }
0x499: {  	[sflag:s19] =	ssyncadd.s32 @!p2 $0xFFFFE000;
	s19 =	simm.s32 @!p3 $0x5  }
0x49a: {  	_ =	swait.ge @!p3 [sflag:s19], $0x800  }
0x49b: {  	[sflag:s19] =	ssyncset.done @!p3 $0x0  }
0x49c: {  	[sflag:s19] =	ssyncadd.s32 @!p3 $0xFFFFF800  }
0x49d: {  	v3 =	vld [tilespmem:s16+$0xFFFFFFC0];
	_ =	sdelay $0x4  }
0x49e: {  	v3 =	vadd.s32 v0, v3  }
0x49f: {  	[tilespmem:$0x2880] =	vst v3  }
0x4a0: {  	v3 =	vld [tilespmem:s15+$0xFFFFFFC0];
	_ =	sdelay $0x4  }
0x4a1: {  	[tilespmem:$0x2A00] =	vst v3  }
0x4a2: {  	v3 =	vld [tilespmem:s16+$0xFFFFFFD0];
	_ =	sdelay $0x4  }
0x4a3: {  	v3 =	vadd.s32 v0, v3  }
0x4a4: {  	[tilespmem:$0x2890] =	vst v3  }
0x4a5: {  	v3 =	vld [tilespmem:s15+$0xFFFFFFD0];
	_ =	sdelay $0x4  }
0x4a6: {  	[tilespmem:$0x2A10] =	vst v3  }
0x4a7: {  	v3 =	vld [tilespmem:s16+$0xFFFFFFE0];
	_ =	sdelay $0x4  }
0x4a8: {  	v3 =	vadd.s32 v0, v3  }
0x4a9: {  	[tilespmem:$0x28A0] =	vst v3  }
0x4aa: {  	v3 =	vld [tilespmem:s15+$0xFFFFFFE0];
	_ =	sdelay $0x4  }
0x4ab: {  	[tilespmem:$0x2A20] =	vst v3  }
0x4ac: {  	v3 =	vld [tilespmem:s16+$0xFFFFFFF0];
	_ =	sdelay $0x4  }
0x4ad: {  	v3 =	vadd.s32 v0, v3  }
0x4ae: {  	[tilespmem:$0x28B0] =	vst v3  }
0x4af: {  	v3 =	vld [tilespmem:s15+$0xFFFFFFF0];
	_ =	sdelay $0x4  }
0x4b0: {  	[tilespmem:$0x2A30] =	vst v3  }
0x4b1: {  	v3 =	vld [tilespmem:s16+$0x0];
	_ =	sdelay $0x4  }
0x4b2: {  	v3 =	vadd.s32 v0, v3  }
0x4b3: {  	[tilespmem:$0x28C0] =	vst v3  }
0x4b4: {  	v3 =	vld [tilespmem:s15+$0x0];
	_ =	sdelay $0x4  }
0x4b5: {  	[tilespmem:$0x2A40] =	vst v3  }
0x4b6: {  	v3 =	vld [tilespmem:s16+$0x10];
	_ =	sdelay $0x4  }
0x4b7: {  	v3 =	vadd.s32 v0, v3  }
0x4b8: {  	[tilespmem:$0x28D0] =	vst v3  }
0x4b9: {  	v3 =	vld [tilespmem:s15+$0x10];
	_ =	sdelay $0x4  }
0x4ba: {  	[tilespmem:$0x2A50] =	vst v3  }
0x4bb: {  	v3 =	vld [tilespmem:s16+$0x20];
	_ =	sdelay $0x4  }
0x4bc: {  	v3 =	vadd.s32 v0, v3  }
0x4bd: {  	[tilespmem:$0x28E0] =	vst v3  }
0x4be: {  	v3 =	vld [tilespmem:s15+$0x20];
	_ =	sdelay $0x4  }
0x4bf: {  	[tilespmem:$0x2A60] =	vst v3  }
0x4c0: {  	v3 =	vld [tilespmem:s16+$0x30];
	_ =	sdelay $0x4  }
0x4c1: {  	v3 =	vadd.s32 v0, v3  }
0x4c2: {  	[tilespmem:$0x28F0] =	vst v3  }
0x4c3: {  	v3 =	vld [tilespmem:s15+$0x30];
	_ =	sdelay $0x1  }
.Ltmp47:
0x4c4: {  	_ = 	snop;
	(pc) =	sbr.rel .LBB2_65-.Ltmp47, $3  }
0x4c5: {  	_ =	sdelay $0x1  }
0x4c6: {  	[tilespmem:$0x2A70] =	vst v3  }
0x4c7: {  	[tilespmem:s12], [sflag:$0x2] =	stream.indirect.gather [hbm4b:s2+s30], $0x40, s13, s30, $0xb8;
	[tilespmem:$0x16F78] =	vst v63  }
.LBB2_63:
.Ltmp48:
0x4c8: {  	(pc) =	sbr.rel @p2 .LBB2_65-.Ltmp48, $1  }
0x4c9: {  	_ =	sdelay $0x3  }
0x4ca: {  	s19 =	sand.u32 $0xFF, s19  }
0x4cb: {  	p2 =	sne.s32 s19, $0x2  }
0x4cc: {  	p3 =	slt.u32 @!p2 s14, $0x3  }
0x4cd: {  	p4 =	por p3, p2  }
0x4ce: {  	p5 =	sne.s32 @!p4 s6, $0x0;
	s19 =	simm.s32 @!p4 $0x9  }
0x4cf: {  	_ =	swait.ge @!p4 [sflag:s19], $0x2000;
	p3 =	por @!p2 p5, p3  }
0x4d0: {  	[sflag:s19] =	ssyncset.done @!p4 $0x0;
	p3 =	por p3, p2  }
0x4d1: {  	[sflag:s19] =	ssyncadd.s32 @!p4 $0xFFFFE000;
	s19 =	simm.s32 @!p3 $0x6  }
0x4d2: {  	_ =	swait.ge @!p3 [sflag:s19], $0x800  }
0x4d3: {  	[sflag:s19] =	ssyncset.done @!p3 $0x0  }
0x4d4: {  	[sflag:s19] =	ssyncadd.s32 @!p3 $0xFFFFF800  }
0x4d5: {  	v3 =	vld @!p2 [tilespmem:s16+$0xFFFFFFC0];
	_ =	sdelay $0x4  }
0x4d6: {  	v3 =	vadd.s32 @!p2 v0, v3  }
0x4d7: {  	[tilespmem:$0x2900] =	vst @!p2 v3  }
0x4d8: {  	v3 =	vld @!p2 [tilespmem:s15+$0xFFFFFFC0];
	_ =	sdelay $0x4  }
0x4d9: {  	[tilespmem:$0x2A80] =	vst @!p2 v3  }
0x4da: {  	v3 =	vld @!p2 [tilespmem:s16+$0xFFFFFFD0];
	_ =	sdelay $0x4  }
0x4db: {  	v3 =	vadd.s32 @!p2 v0, v3  }
0x4dc: {  	[tilespmem:$0x2910] =	vst @!p2 v3  }
0x4dd: {  	v3 =	vld @!p2 [tilespmem:s15+$0xFFFFFFD0];
	_ =	sdelay $0x4  }
0x4de: {  	[tilespmem:$0x2A90] =	vst @!p2 v3  }
0x4df: {  	v3 =	vld @!p2 [tilespmem:s16+$0xFFFFFFE0];
	_ =	sdelay $0x4  }
0x4e0: {  	v3 =	vadd.s32 @!p2 v0, v3  }
0x4e1: {  	[tilespmem:$0x2920] =	vst @!p2 v3  }
0x4e2: {  	v3 =	vld @!p2 [tilespmem:s15+$0xFFFFFFE0];
	_ =	sdelay $0x4  }
0x4e3: {  	[tilespmem:$0x2AA0] =	vst @!p2 v3  }
0x4e4: {  	v3 =	vld @!p2 [tilespmem:s16+$0xFFFFFFF0];
	_ =	sdelay $0x4  }
0x4e5: {  	v3 =	vadd.s32 @!p2 v0, v3  }
0x4e6: {  	[tilespmem:$0x2930] =	vst @!p2 v3  }
0x4e7: {  	v3 =	vld @!p2 [tilespmem:s15+$0xFFFFFFF0];
	_ =	sdelay $0x4  }
0x4e8: {  	[tilespmem:$0x2AB0] =	vst @!p2 v3  }
0x4e9: {  	v3 =	vld @!p2 [tilespmem:s16+$0x0];
	_ =	sdelay $0x4  }
0x4ea: {  	v3 =	vadd.s32 @!p2 v0, v3  }
0x4eb: {  	[tilespmem:$0x2940] =	vst @!p2 v3  }
0x4ec: {  	v3 =	vld @!p2 [tilespmem:s15+$0x0];
	_ =	sdelay $0x4  }
0x4ed: {  	[tilespmem:$0x2AC0] =	vst @!p2 v3  }
0x4ee: {  	v3 =	vld @!p2 [tilespmem:s16+$0x10];
	_ =	sdelay $0x4  }
0x4ef: {  	v3 =	vadd.s32 @!p2 v0, v3  }
0x4f0: {  	[tilespmem:$0x2950] =	vst @!p2 v3  }
0x4f1: {  	v3 =	vld @!p2 [tilespmem:s15+$0x10];
	_ =	sdelay $0x4  }
0x4f2: {  	[tilespmem:$0x2AD0] =	vst @!p2 v3  }
0x4f3: {  	v3 =	vld @!p2 [tilespmem:s16+$0x20];
	_ =	sdelay $0x4  }
0x4f4: {  	v3 =	vadd.s32 @!p2 v0, v3  }
0x4f5: {  	[tilespmem:$0x2960] =	vst @!p2 v3  }
0x4f6: {  	v3 =	vld @!p2 [tilespmem:s15+$0x20];
	_ =	sdelay $0x4  }
0x4f7: {  	[tilespmem:$0x2AE0] =	vst @!p2 v3  }
0x4f8: {  	v3 =	vld @!p2 [tilespmem:s16+$0x30];
	_ =	sdelay $0x4  }
0x4f9: {  	v3 =	vadd.s32 @!p2 v0, v3  }
0x4fa: {  	[tilespmem:$0x2970] =	vst @!p2 v3  }
0x4fb: {  	v3 =	vld @!p2 [tilespmem:s15+$0x30];
	_ =	sdelay $0x4  }
0x4fc: {  	s20 =	simm.s32 @!p2 $0x2900;
	s21 =	simm.s32 @!p2 $0x6B00;
	s19 =	simm.s32 @!p2 $0x80;
	[tilespmem:$0x2AF0] =	vst @!p2 v3  }
0x4fd: {  	[tilespmem:s21], [sflag:$0x3] =	stream.indirect.gather @!p2 [hbm4b:s2+s19], $0x40, s20, s19, $0xb8;
	[tilespmem:$0x16F78] =	vst v63  }
.LBB2_65:
0x4fe: {  	s19 =	sadd.s32 $0xFFFFFFFE, s14  }
0x4ff: {  	s20 =	sshll.u32 s19, $0x18  }
0x500: {  	s20 =	sshra.s32 s20, $0x18  }
0x501: {  	s20 =	smul.u32 $0x56, s20;
	_ =	sdelay $0x1  }
0x502: {  	s21 =	sshrl.u32 s20, $0x1F;
	s20 =	sshrl.u32 s20, $0x8  }
0x503: {  	s20 =	sadd.s32 s21, s20  }
0x504: {  	s20 =	smul.u32 $0x3, s20;
	_ =	sdelay $0x1  }
0x505: {  	s19 =	ssub.s32 s19, s20  }
0x506: {  	s19 =	sshll.u32 s19, $0x18  }
0x507: {  	s19 =	sshra.s32 s19, $0x18  }
0x508: {  	p3 =	slt.s32 s19, $0x0;
	s20 =	sadd.s32 $0x3, s19  }
0x509: {  	p2 =	slt.u32 s14, $0x2;
	s19 =	smov.u32 @p3 s20  }
0x50a: {  	p3 =	sne.s32 @!p2 s19, $0x0  }
0x50b: {  	p3 =	por p2, p3  }
.Ltmp49:
0x50c: {  	_ = 	snop;
	(pc) =	sbr.rel @!p3 .LBB2_66-.Ltmp49, $1  }
0x50d: {  	_ =	sdelay $0x3  }
0x50e: {  	p3 =	sne.s32 @!p2 s19, $0x1  }
0x50f: {  	p3 =	por p2, p3  }
.Ltmp50:
0x510: {  	_ = 	snop;
	(pc) =	sbr.rel @p3 .LBB2_69-.Ltmp50, $1  }
0x511: {  	_ =	sdelay $0x3  }
0x512: {  	_ =	swait.ge [sflag:s10], $0x2000  }
.Ltmp51:
0x513: {  	[sflag:s10] =	ssyncset.done $0x0;
	(pc) =	sbr.rel .LBB2_70-.Ltmp51, $4  }
0x514: {  	[sflag:s10] =	ssyncadd.s32 $0xFFFFE000  }
0x515: {  	[spmem:s3] =	stream.indirect.scatter.add.f32 [tilespmem:s12], [sflag:$0x8], $0x40, s11, s30, $0xb8;
	[tilespmem:$0x16F78] =	vst v63  }
0x516: {  	s19 =	simm.s32 @!p0 $0x80;
	s20 =	simm.s32 @!p0 $0x2A00;
	s21 =	simm.s32 @!p0 $0x8B00  }
0x517: {  	[spmem:s4] =	stream.indirect.scatter.add.f32 @!p0 [tilespmem:s21], [sflag:$0x5], $0x10, s20, s19, $0xb8;
	[tilespmem:$0x16F78] =	vst v63  }
.LBB2_69:
0x518: {  	p3 =	sne.s32 @!p2 s19, $0x2  }
0x519: {  	p4 =	por p3, p2  }
0x51a: {  	s19 =	simm.s32 @!p4 $0x3;
	p5 =	sne.s32 @!p4 s6, $0x0  }
0x51b: {  	s20 =	simm.s32 @!p4 $0x2A80;
	s21 =	simm.s32 @!p4 $0x6B00;
	_ =	swait.ge @!p4 [sflag:s19], $0x2000  }
.Ltmp52:
0x51c: {  	p3 =	por @!p2 p5, p3;
	[sflag:s19] =	ssyncset.done @!p4 $0x0;
	(pc) =	sbr.rel .LBB2_70-.Ltmp52, $4  }
0x51d: {  	p2 =	por p3, p2;
	[sflag:s19] =	ssyncadd.s32 @!p4 $0xFFFFE000;
	s19 =	simm.s32 @!p4 $0x80  }
0x51e: {  	[spmem:s3] =	stream.indirect.scatter.add.f32 @!p4 [tilespmem:s21], [sflag:$0x9], $0x40, s20, s19, $0xb8;
	[tilespmem:$0x16F78] =	vst v63  }
0x51f: {  	s19 =	simm.s32 @!p2 $0x80;
	s20 =	simm.s32 @!p2 $0x2A80;
	s21 =	simm.s32 @!p2 $0x8B00  }
0x520: {  	[spmem:s4] =	stream.indirect.scatter.add.f32 @!p2 [tilespmem:s21], [sflag:$0x6], $0x10, s20, s19, $0xb8;
	[tilespmem:$0x16F78] =	vst v63  }
.LBB2_71:
0x521: {  	_ =	swait.ge [sflag:s9], $0x2000  }
0x522: {  	[sflag:s9] =	ssyncset.done $0x0  }
0x523: {  	s14 =	simm.s32 @p1 $0x4;
	[sflag:s9] =	ssyncadd.s32 $0xFFFFE000  }
0x524: {  	_ =	swait.ge @p1 [sflag:s14], $0x800  }
0x525: {  	[sflag:s14] =	ssyncset.done @p1 $0x0  }
0x526: {  	[sflag:s14] =	ssyncadd.s32 @p1 $0xFFFFF800;
	s14 =	simm.s32 @p1 $0x8  }
0x527: {  	_ =	swait.ge @p1 [sflag:s14], $0x2000  }
0x528: {  	[sflag:s14] =	ssyncset.done @p1 $0x0  }
0x529: {  	[sflag:s14] =	ssyncadd.s32 @p1 $0xFFFFE000;
	s14 =	simm.s32 @p1 $0x5  }
0x52a: {  	_ =	swait.ge @p1 [sflag:s14], $0x800  }
0x52b: {  	[sflag:s14] =	ssyncset.done @p1 $0x0  }
0x52c: {  	[sflag:s14] =	ssyncadd.s32 @p1 $0xFFFFF800;
	s14 =	simm.s32 @p1 $0x9  }
0x52d: {  	_ =	swait.ge @p1 [sflag:s14], $0x2000  }
0x52e: {  	[sflag:s14] =	ssyncset.done @p1 $0x0  }
0x52f: {  	[sflag:s14] =	ssyncadd.s32 @p1 $0xFFFFE000;
	s14 =	simm.s32 @p1 $0x6  }
0x530: {  	_ =	swait.ge @p1 [sflag:s14], $0x800  }
0x531: {  	[sflag:s14] =	ssyncset.done @p1 $0x0  }
0x532: {  	[sflag:s14] =	ssyncadd.s32 @p1 $0xFFFFF800;
	s14 =	simm.s32 @!p1 $0x8  }
0x533: {  	_ =	swait.ge @!p1 [sflag:s14], $0x2000  }
0x534: {  	[sflag:s14] =	ssyncset.done @!p1 $0x0  }
0x535: {  	[sflag:s14] =	ssyncadd.s32 @!p1 $0xFFFFE000;
	s14 =	simm.s32 @!p1 $0x9  }
0x536: {  	_ =	swait.ge @!p1 [sflag:s14], $0x2000  }
0x537: {  	[sflag:s14] =	ssyncset.done @!p1 $0x0  }
0x538: {  	p3 =	sle.u32 s7, $0x0;
	[sflag:s14] =	ssyncadd.s32 @!p1 $0xFFFFE000  }
0x539: {  	s15 =	simm.s32 @!p3 $0xB;
	s14 =	simm.s32 @!p3 $0x9F80;
	[bflag:$0x0] =	sbarrier.arrive $0xFFFF  }
0x53a: {  	[tilespmem:s14], [sflag:$0xB] =	stream.linear.gather @!p3 [spmem:s18], $0xA00, $0x38;
	[tilespmem:$0x16F78] =	vst v63  }
0x53b: {  	_ =	swait.ge @!p3 [sflag:s15], $0xA00  }
0x53c: {  	[sflag:s15] =	ssyncset.done @!p3 $0x0  }
0x53d: {  	s16 =	simm.s32 @!p3 $0x0;
	s19 =	rddreg [dreg:$0x12];
	[sflag:s15] =	ssyncadd.s32 @!p3 $0xFFFFF600  }
0x53e: {  	[hbm4b:s19+s16] =	stream.linear.scatter @!p3 [tilespmem:s14], [sflag:$0xB], $0xA00, $0x38;
	[tilespmem:$0x16F78] =	vst v63  }
0x53f: {  	p2 =	sne.s32 @!p3 s6, $0x0;
	_ =	swait.ge @!p3 [sflag:s15], $0xA00  }
0x540: {  	p2 =	por p2, p3;
	[sflag:s15] =	ssyncset.done @!p3 $0x0  }
0x541: {  	s14 =	simm.s32 @!p2 $0xA980;
	[sflag:s15] =	ssyncadd.s32 @!p3 $0xFFFFF600;
	s15 =	simm.s32 @!p2 $0xB  }
0x542: {  	[tilespmem:s14], [sflag:$0xB] =	stream.linear.gather @!p2 [spmem:s17], $0x280, $0x38;
	[tilespmem:$0x16F78] =	vst v63  }
0x543: {  	_ =	swait.ge @!p2 [sflag:s15], $0x280  }
0x544: {  	s20 =	simm.s32 $0x2;
	s29 =	simm.s32 @!p2 $0xA;
	[sflag:s15] =	ssyncset.done @!p2 $0x0  }
0x545: {  	s16 =	sadd.s32 $0xA00, s18;
	[sflag:s15] =	ssyncadd.s32 @!p2 $0xFFFFFD80;
	s15 =	simm.s32 @!p2 $0x0  }
0x546: {  	[hbm4b:s26+s15] =	stream.linear.scatter @!p2 [tilespmem:s14], [sflag:$0xA], $0x280, $0x38;
	[tilespmem:$0x16F78] =	vst v63  }
0x547: {  	s19 =	sadd.s32 $0x140, s19;
	p3 =	sle.u32 s7, $0x1;
	_ =	swait.ge @!p2 [sflag:s29], $0x280  }
0x548: {  	s14 =	sadd.s32 $0x50, s26;
	s15 =	sadd.s32 $0x280, s17;
	[sflag:s29] =	ssyncset.done @!p2 $0x0  }
.LBB2_72:
0x549: {  	s21 =	simm.s32 @!p3 $0x9F80;
	s22 =	simm.s32 @!p3 $0xB;
	[sflag:s29] =	ssyncadd.s32 @!p2 $0xFFFFFD80  }
0x54a: {  	[tilespmem:s21], [sflag:$0xB] =	stream.linear.gather @!p3 [spmem:s16], $0xA00, $0x38;
	[tilespmem:$0x16F78] =	vst v63  }
0x54b: {  	s23 =	smov.u32 s20;
	s20 =	sadd.s32 $0x1, s20;
	_ =	swait.ge @!p3 [sflag:s22], $0xA00  }
0x54c: {  	p4 =	sne.s32 s20, $0x10;
	[sflag:s22] =	ssyncset.done @!p3 $0x0  }
0x54d: {  	s29 =	simm.s32 @!p3 $0x0;
	[sflag:s22] =	ssyncadd.s32 @!p3 $0xFFFFF600  }
0x54e: {  	[hbm4b:s19+s29] =	stream.linear.scatter @!p3 [tilespmem:s21], [sflag:$0xB], $0xA00, $0x38;
	[tilespmem:$0x16F78] =	vst v63  }
0x54f: {  	p2 =	sne.s32 @!p3 s6, $0x0;
	_ =	swait.ge @!p3 [sflag:s22], $0xA00  }
0x550: {  	p2 =	por p2, p3;
	[sflag:s22] =	ssyncset.done @!p3 $0x0  }
0x551: {  	s21 =	simm.s32 @!p2 $0xA980;
	[sflag:s22] =	ssyncadd.s32 @!p3 $0xFFFFF600;
	s22 =	simm.s32 @!p2 $0xB  }
0x552: {  	[tilespmem:s21], [sflag:$0xB] =	stream.linear.gather @!p2 [spmem:s15], $0x280, $0x38;
	[tilespmem:$0x16F78] =	vst v63  }
0x553: {  	_ =	swait.ge @!p2 [sflag:s22], $0x280  }
.Ltmp53:
0x554: {  	s16 =	sadd.s32 $0xA00, s16;
	[sflag:s22] =	ssyncset.done @!p2 $0x0;
	(pc) =	sbr.rel @p4 .LBB2_72-.Ltmp53, $4  }
0x555: {  	s29 =	simm.s32 @!p2 $0xA;
	[sflag:s22] =	ssyncadd.s32 @!p2 $0xFFFFFD80;
	s22 =	simm.s32 @!p2 $0x0  }
0x556: {  	[hbm4b:s14+s22] =	stream.linear.scatter @!p2 [tilespmem:s21], [sflag:$0xA], $0x280, $0x38;
	[tilespmem:$0x16F78] =	vst v63  }
0x557: {  	s19 =	sadd.s32 $0x140, s19;
	s14 =	sadd.s32 $0x50, s14;
	_ =	swait.ge @!p2 [sflag:s29], $0x280  }
0x558: {  	p3 =	sge.u32 s23, s7;
	s15 =	sadd.s32 $0x280, s15;
	[sflag:s29] =	ssyncset.done @!p2 $0x0  }
0x559: {  	s20 =	simm.s32 @!p3 $0x9F80;
	s21 =	simm.s32 @!p3 $0xB;
	[sflag:s29] =	ssyncadd.s32 @!p2 $0xFFFFFD80  }
0x55a: {  	[tilespmem:s20], [sflag:$0xB] =	stream.linear.gather @!p3 [spmem:s16], $0xA00, $0x38;
	[tilespmem:$0x16F78] =	vst v63  }
0x55b: {  	_ =	swait.ge @!p3 [sflag:s21], $0xA00  }
0x55c: {  	[sflag:s21] =	ssyncset.done @!p3 $0x0  }
0x55d: {  	s16 =	simm.s32 @!p3 $0x0;
	[sflag:s21] =	ssyncadd.s32 @!p3 $0xFFFFF600  }
0x55e: {  	[hbm4b:s19+s16] =	stream.linear.scatter @!p3 [tilespmem:s20], [sflag:$0xB], $0xA00, $0x38;
	[tilespmem:$0x16F78] =	vst v63  }
0x55f: {  	p2 =	sne.s32 @!p3 s6, $0x0;
	_ =	swait.ge @!p3 [sflag:s21], $0xA00  }
0x560: {  	p2 =	por p2, p3;
	[sflag:s21] =	ssyncset.done @!p3 $0x0  }
0x561: {  	s16 =	simm.s32 @!p2 $0xA980;
	s19 =	simm.s32 @!p2 $0xB;
	[sflag:s21] =	ssyncadd.s32 @!p3 $0xFFFFF600  }
0x562: {  	[tilespmem:s16], [sflag:$0xB] =	stream.linear.gather @!p2 [spmem:s15], $0x280, $0x38;
	[tilespmem:$0x16F78] =	vst v63  }
0x563: {  	_ =	swait.ge @!p2 [sflag:s19], $0x280  }
0x564: {  	[sflag:s19] =	ssyncset.done @!p2 $0x0  }
0x565: {  	s15 =	simm.s32 @!p2 $0x0;
	[sflag:s19] =	ssyncadd.s32 @!p2 $0xFFFFFD80;
	s19 =	simm.s32 @!p2 $0xA  }
0x566: {  	[hbm4b:s14+s15] =	stream.linear.scatter @!p2 [tilespmem:s16], [sflag:$0xA], $0x280, $0x38;
	[tilespmem:$0x16F78] =	vst v63  }
0x567: {  	_ =	swait.ge @!p2 [sflag:s19], $0x280  }
0x568: {  	s5 =	sadd.s32 $0x1, s5;
	[sflag:s19] =	ssyncset.done @!p2 $0x0;
	s29 =	rddreg [dreg:$0xd]  }
0x569: {  	[sflag:s19] =	ssyncadd.s32 @!p2 $0xFFFFFD80;
	p2 =	sne.s32 s5, s29  }
.Ltmp54:
0x56a: {  	_ = 	snop;
	(pc) =	sbr.rel @p2 .LBB2_1-.Ltmp54, $2  }
0x56b: {  	_ =	sdelay $0x1  }
0x56c: {  	[bflag:$0x0] =	sbarrier.arrive $0xFFFF;
	_ =	sdelay $0x1  }
0x56d: {  	_ =	sfence.sel $0x180000  }
0x56e: {  	[bflag:$0x0] =	sbarrier.arrive $0xFFFF  }
0x56f: {  	_ =	strace $0x90000047  }
0x570: {  	s0 =	stileid.u32;
	[bflag:$0x2] =	sbarrier.arrive $0xFFFF  }
0x571: {  	p0 =	sne.s32 s0, $0x0;
	s0 =	rddreg [dreg:$0x4]  }
0x572: {  	s0 =	sadd.s32 @!p0 $0x100000, s0  }
0x573: {  	[sflag:s0] =	ssyncadd.tile.s32 @!p0 $0x1;
	_ =	shalt  }
.Lfunc_end2:
_tile_overlayer_lowered:
.L_overlay_start_2:
0x574: {  	(tag) =	ssettag $0x2  }
0x575: {  	s0 =	rddreg [dreg:$0x0];
	s2 =	stileid.u32  }
0x576: {  	s1 =	rddreg [dreg:$0x1];
	p0 =	sne.s32 s2, $0x0  }
0x577: {  	s3 =	rddreg [dreg:$0x2];
	[bflag:$0x3] =	sbarrier.arrive $0xFFFF;
	s2 =	simm.s32 @!p0 $0x1C0A  }
0x578: {  	[timem:s3], [sflag:s2] =	dma.local @!p0 [hbm:s0], s1  }
0x579: {  	s0 =	simm.s32 @!p0 $0xA  }
0x57a: {  	_ =	swait.ge @!p0 [sflag:s0], s1  }
0x57b: {  	s1 =	ssub.s32 @!p0 $0x0, s1;
	[sflag:s0] =	ssyncset.done @!p0 $0x0  }
0x57c: {  	[sflag:s0] =	ssyncadd.s32 @!p0 s1  }
0x57d: {  	[bflag:$0x3] =	sbarrier.arrive $0xFFFF  }
0x57e: {  	_ =	shalt  }

</sc_bundles>
